<compile_context>
chip_gen: v7x
topology: tpu7x:2x2x1
jax: 0.10.2.dev20260603
libtpu: 0.0.44.dev20260713+nightly
codegen_flags: <defaults>
</compile_context>

<pallas_src>
import functools

import jax
import jax.numpy as jnp
from jax import lax
from jax.experimental import pallas as pl
from jax.experimental.pallas import tpu as pltpu
from jax.experimental.pallas import tpu_sc as plsc

N = 10000
E = 320000
IN_C = 128
OUT_C = 16
HEADS = 8
HC = HEADS * OUT_C
NEG_SLOPE = 0.2

NC = 2
NS = 16
LANES = 16
EPW = E // (NC * NS)
CHUNK = 80
NCHUNKS = EPW // CHUNK
NPAD = 10240
RPT = NPAD // NS
PIECE = 80


def _lrelu(v):
    return jnp.maximum(v, 0.0) + NEG_SLOPE * jnp.minimum(v, 0.0)


def _s2():
    row = lax.broadcasted_iota(jnp.int32, (HC, 2 * HEADS), 0) // OUT_C
    col = lax.broadcasted_iota(jnp.int32, (HC, 2 * HEADS), 1) % HEADS
    return (row == col).astype(jnp.float32)


def _project_body(x_ref, w_ref, asrc_ref, adst_ref, h_ref, as_ref, ad_ref):
    h = jnp.dot(x_ref[...], w_ref[...], preferred_element_type=jnp.float32)
    s2 = _s2()
    h_ref[...] = h
    as_ref[...] = jnp.dot(h * asrc_ref[...], s2,
                          preferred_element_type=jnp.float32)
    ad_ref[...] = jnp.dot(h * adst_ref[...], s2,
                          preferred_element_type=jnp.float32)


def _project(x, w, asrc_flat, adst_flat):
    blk = 2000
    return pl.pallas_call(
        _project_body,
        grid=(N // blk,),
        in_specs=[
            pl.BlockSpec((blk, IN_C), lambda i: (i, 0)),
            pl.BlockSpec((IN_C, HC), lambda i: (0, 0)),
            pl.BlockSpec((1, HC), lambda i: (0, 0)),
            pl.BlockSpec((1, HC), lambda i: (0, 0)),
        ],
        out_specs=[
            pl.BlockSpec((blk, HC), lambda i: (i, 0)),
            pl.BlockSpec((blk, 2 * HEADS), lambda i: (i, 0)),
            pl.BlockSpec((blk, 2 * HEADS), lambda i: (i, 0)),
        ],
        out_shape=[
            jax.ShapeDtypeStruct((N, HC), jnp.float32),
            jax.ShapeDtypeStruct((N, 2 * HEADS), jnp.float32),
            jax.ShapeDtypeStruct((N, 2 * HEADS), jnp.float32),
        ],
    )(x, w, asrc_flat, adst_flat)


def _splat(v, b):
    idx = jnp.full((LANES, 1), b, dtype=jnp.int32)
    dn = lax.GatherDimensionNumbers(
        offset_dims=(), collapsed_slice_dims=(0,), start_index_map=(0,))
    return lax.gather(v, idx, dn, slice_sizes=(1,),
                      mode=lax.GatherScatterMode.PROMISE_IN_BOUNDS)


def _edge_body(src_hbm, dst_hbm, h_hbm, as_hbm, ad_hbm, msg_hbm, den_hbm,
               sidx0, sidx1, sidx2, didx0, didx1, didx2,
               hb0, hb1, hb2, asb0, asb1, asb2, adb0, adb1, adb2,
               msg_sh, den_sh,
               si0, si1, si2, sh0, sh1, sh2, sb0, sb1, sb2, sa0, sa1, sa2):
    cid = lax.axis_index("c")
    sid = lax.axis_index("s")
    sidx = (sidx0, sidx1, sidx2)
    didx = (didx0, didx1, didx2)
    hb = (hb0, hb1, hb2)
    asb = (asb0, asb1, asb2)
    adb = (adb0, adb1, adb2)
    sem_i = (si0, si1, si2)
    sem_h = (sh0, sh1, sh2)
    sem_b = (sb0, sb1, sb2)
    sem_a = (sa0, sa1, sa2)

    def _zrow(r, carry):
        for j in range(HC // LANES):
            hb0[r, pl.ds(j * LANES, LANES)] = jnp.zeros((LANES,), jnp.float32)
        asb0[r, :] = jnp.zeros((LANES,), jnp.float32)
        return carry
    lax.fori_loop(0, PIECE, _zrow, 0)
    for piece in range(RPT // PIECE):
        r0 = sid * RPT + piece * PIECE
        pltpu.sync_copy(hb0, msg_sh.at[pl.ds(r0, PIECE)])
        pltpu.sync_copy(asb0, den_sh.at[pl.ds(r0, PIECE)])
    plsc.subcore_barrier()

    base = cid * (E // NC) + sid * EPW

    def _fire_i(k, s):
        off = base + k * CHUNK
        pltpu.async_copy(src_hbm.at[pl.ds(off, CHUNK)], sidx[s], sem_i[s])
        pltpu.async_copy(dst_hbm.at[pl.ds(off, CHUNK)], didx[s], sem_i[s])

    def _wait_i(s):
        pltpu.make_async_copy(src_hbm.at[pl.ds(0, CHUNK)], sidx[s], sem_i[s]).wait()
        pltpu.make_async_copy(dst_hbm.at[pl.ds(0, CHUNK)], didx[s], sem_i[s]).wait()

    def _fire_g(s):
        pltpu.async_copy(h_hbm.at[sidx[s]], hb[s], sem_h[s])
        pltpu.async_copy(as_hbm.at[sidx[s]], asb[s], sem_b[s])
        pltpu.async_copy(ad_hbm.at[didx[s]], adb[s], sem_a[s])

    def _wait_g(s):
        pltpu.make_async_copy(h_hbm.at[sidx[s]], hb[s], sem_h[s]).wait()
        pltpu.make_async_copy(as_hbm.at[sidx[s]], asb[s], sem_b[s]).wait()
        pltpu.make_async_copy(ad_hbm.at[didx[s]], adb[s], sem_a[s]).wait()

    def _fire_sc(s):
        pltpu.sync_copy(hb[s], msg_sh.at[didx[s]], add=True)
        pltpu.sync_copy(asb[s], den_sh.at[didx[s]], add=True)

    def _compute(s):
        h_b, s_b, a_b = hb[s], asb[s], adb[s]

        @plsc.parallel_loop(0, CHUNK, 1, unroll=2)
        def _edge_scale(e):
            ee = _lrelu(s_b[e, :] + a_b[e, :])
            p16 = jnp.exp(ee)
            s_b[e, :] = p16
            for b in range(HEADS):
                pb = _splat(p16, b)
                hv = h_b[e, pl.ds(b * OUT_C, OUT_C)]
                h_b[e, pl.ds(b * OUT_C, OUT_C)] = hv * pb

    _fire_i(0, 0)
    _fire_i(1, 1)
    _wait_i(0)
    _fire_g(0)
    _fire_i(2, 2)
    _wait_i(1)
    _fire_g(1)
    _wait_g(0)
    _compute(0)
    _fire_sc(0)

    def _steady(k, s):
        _fire_i(k + 2, (s + 2) % 3)
        _wait_i((s + 1) % 3)
        _fire_g((s + 1) % 3)
        _wait_g(s)
        _compute(s)
        _fire_sc(s)

    def _triple(j, carry):
        k = 3 * j + 1
        _steady(k, 1)
        _steady(k + 1, 2)
        _steady(k + 2, 0)
        return carry

    lax.fori_loop(0, 40, _triple, 0)

    _fire_i(123, 0); _wait_i(2); _fire_g(2)
    _wait_g(1); _compute(1); _fire_sc(1)
    _fire_i(124, 1); _wait_i(0); _fire_g(0)
    _wait_g(2); _compute(2); _fire_sc(2)
    _wait_i(1); _fire_g(1)
    _wait_g(0); _compute(0); _fire_sc(0)
    _wait_g(1); _compute(1); _fire_sc(1)
    plsc.subcore_barrier()

    r0 = sid * RPT
    pltpu.sync_copy(msg_sh.at[pl.ds(r0, RPT)], msg_hbm.at[cid, pl.ds(r0, RPT)])
    pltpu.sync_copy(den_sh.at[pl.ds(r0, RPT)], den_hbm.at[cid, pl.ds(r0, RPT)])


def _edge_pass(src, dst, h, as2, ad2):
    mesh = plsc.VectorSubcoreMesh(core_axis_name="c", subcore_axis_name="s")
    kern = functools.partial(
        pl.kernel,
        mesh=mesh,
        compiler_params=pltpu.CompilerParams(use_tc_tiling_on_sc=False),
        out_type=[
            jax.ShapeDtypeStruct((NC, NPAD, HC), jnp.float32),
            jax.ShapeDtypeStruct((NC, NPAD, LANES), jnp.float32),
        ],
        scratch_types=[
            pltpu.VMEM((CHUNK,), jnp.int32),
            pltpu.VMEM((CHUNK,), jnp.int32),
            pltpu.VMEM((CHUNK,), jnp.int32),
            pltpu.VMEM((CHUNK,), jnp.int32),
            pltpu.VMEM((CHUNK,), jnp.int32),
            pltpu.VMEM((CHUNK,), jnp.int32),
            pltpu.VMEM((CHUNK, HC), jnp.float32),
            pltpu.VMEM((CHUNK, HC), jnp.float32),
            pltpu.VMEM((CHUNK, HC), jnp.float32),
            pltpu.VMEM((CHUNK, LANES), jnp.float32),
            pltpu.VMEM((CHUNK, LANES), jnp.float32),
            pltpu.VMEM((CHUNK, LANES), jnp.float32),
            pltpu.VMEM((CHUNK, LANES), jnp.float32),
            pltpu.VMEM((CHUNK, LANES), jnp.float32),
            pltpu.VMEM((CHUNK, LANES), jnp.float32),
            pltpu.VMEM_SHARED((NPAD, HC), jnp.float32),
            pltpu.VMEM_SHARED((NPAD, LANES), jnp.float32),
            pltpu.SemaphoreType.DMA,
            pltpu.SemaphoreType.DMA,
            pltpu.SemaphoreType.DMA,
            pltpu.SemaphoreType.DMA,
            pltpu.SemaphoreType.DMA,
            pltpu.SemaphoreType.DMA,
            pltpu.SemaphoreType.DMA,
            pltpu.SemaphoreType.DMA,
            pltpu.SemaphoreType.DMA,
            pltpu.SemaphoreType.DMA,
            pltpu.SemaphoreType.DMA,
            pltpu.SemaphoreType.DMA,
        ],
    )(_edge_body)
    return kern(src, dst, h, as2, ad2)


def _finalize_body(msg_ref, den_ref, h_ref, as_ref, ad_ref, bias_ref, out_ref):
    a = msg_ref[0] + msg_ref[1]
    d16 = den_ref[0] + den_ref[1]
    p16 = jnp.exp(_lrelu(as_ref[...] + ad_ref[...]))
    p8 = p16[:, :HEADS]
    row = lax.broadcasted_iota(jnp.int32, (HEADS, HC), 0)
    col = lax.broadcasted_iota(jnp.int32, (HEADS, HC), 1) // OUT_C
    t = (row == col).astype(jnp.float32)
    prep = jnp.dot(p8, t, preferred_element_type=jnp.float32)
    num = a + h_ref[...] * prep
    den = d16[:, :HEADS] + p8
    drep = jnp.dot(den, t, preferred_element_type=jnp.float32) + 1e-16
    out_ref[...] = num / drep + bias_ref[...]


def _finalize(msg, den, h, as2, ad2, bias2d):
    blk = 2000
    return pl.pallas_call(
        _finalize_body,
        grid=(N // blk,),
        in_specs=[
            pl.BlockSpec((NC, blk, HC), lambda i: (0, i, 0)),
            pl.BlockSpec((NC, blk, LANES), lambda i: (0, i, 0)),
            pl.BlockSpec((blk, HC), lambda i: (i, 0)),
            pl.BlockSpec((blk, 2 * HEADS), lambda i: (i, 0)),
            pl.BlockSpec((blk, 2 * HEADS), lambda i: (i, 0)),
            pl.BlockSpec((1, HC), lambda i: (0, 0)),
        ],
        out_specs=pl.BlockSpec((blk, HC), lambda i: (i, 0)),
        out_shape=jax.ShapeDtypeStruct((N, HC), jnp.float32),
    )(msg, den, h, as2, ad2, bias2d)


def kernel(x, edge_index, W, att_src, att_dst, bias):
    src = edge_index[0]
    dst = edge_index[1]
    h, as2, ad2 = _project(x, W, att_src.reshape(1, HC), att_dst.reshape(1, HC))
    msg, den = _edge_pass(src, dst, h, as2, ad2)
    out = _finalize(msg, den, h, as2, ad2, bias.reshape(1, HC))
    return out

# --- scband reference (transcript-rebuilt; emitter-appended) ---
"""Pipeline reference for scband-gat1-84954453115006 (READ-ONLY COPY).

The authoritative reference and input builder live on the scoring server;
editing this copy changes nothing except your own understanding.
"""

import jax, jax.numpy as jnp
import numpy as np

N = 10000
E = 320000
IN_C = 128
OUT_C = 16
HEADS = 8
NEG_SLOPE = 0.2


def setup_inputs(seed: int = 0) -> dict:
    key = jax.random.key(seed)
    k1, k2, k3, k4, k5, k6 = jax.random.split(key, 6)
    x = jax.random.normal(k1, (N, IN_C), dtype=jnp.float32)
    edge_index = jax.random.randint(k2, (2, E), 0, N, dtype=jnp.int32)
    glorot_w = float(np.sqrt(6.0 / (IN_C + HEADS * OUT_C)))
    W = jax.random.uniform(k3, (IN_C, HEADS * OUT_C), dtype=jnp.float32, minval=-glorot_w, maxval=glorot_w)
    glorot_a = float(np.sqrt(6.0 / (1 + HEADS * OUT_C)))
    att_src = jax.random.uniform(k4, (1, HEADS, OUT_C), dtype=jnp.float32, minval=-glorot_a, maxval=glorot_a)
    att_dst = jax.random.uniform(k5, (1, HEADS, OUT_C), dtype=jnp.float32, minval=-glorot_a, maxval=glorot_a)
    bias = jnp.zeros((HEADS * OUT_C,), dtype=jnp.float32)
    return {"x": x, "edge_index": edge_index, "W": W, "att_src": att_src, "att_dst": att_dst, "bias": bias}


def reference(x, edge_index, W, att_src, att_dst, bias):
    n = x.shape[0]
    # PyG GATConv default: add self-loops
    loop = jnp.arange(n, dtype=edge_index.dtype)
    ei = jnp.concatenate([edge_index, jnp.stack([loop, loop], axis=0)], axis=1)
    src, dst = ei[0], ei[1]
    # linear projection per head
    h = (x @ W).reshape(n, HEADS, OUT_C)
    # attention logits
    a_src = (h * att_src).sum(axis=-1)  # [N, H]
    a_dst = (h * att_dst).sum(axis=-1)  # [N, H]
    e = a_src[src] + a_dst[dst]         # [E', H]
    e = jax.nn.leaky_relu(e, NEG_SLOPE)
    # segment softmax over destination nodes
    e_max = jax.ops.segment_max(e, dst, num_segments=n)
    e_exp = jnp.exp(e - e_max[dst])
    denom = jax.ops.segment_sum(e_exp, dst, num_segments=n)
    alpha = e_exp / (denom[dst] + 1e-16)
    # weighted message aggregation
    msg = h[src] * alpha[:, :, None]    # [E', H, C]
    out = jax.ops.segment_sum(msg, dst, num_segments=n)  # [N, H, C]
    out = out.reshape(n, HEADS * OUT_C) + bias
    return out

if __name__ == "__main__":
    import jax
    _d = setup_inputs()
    print(jax.jit(kernel)(*tuple(_d.values())))

</pallas_src>

<mosaic_0001>
#map = affine_map<(d0, d1) -> (0)>
#map1 = affine_map<(d0, d1) -> (0, 0)>
#map2 = affine_map<(d0, d1) -> (0, 0, 0)>
module attributes {stable_mosaic.version = 14 : i64} {
  func.func @_edge_body(%arg0: i32, %arg1: i32, %arg2: memref<320000xi32, #tpu.memory_space<hbm>>, %arg3: memref<320000xi32, #tpu.memory_space<hbm>>, %arg4: memref<10000x128xf32, #tpu.memory_space<hbm>>, %arg5: memref<10000x16xf32, #tpu.memory_space<hbm>>, %arg6: memref<10000x16xf32, #tpu.memory_space<hbm>>, %arg7: memref<2x10240x128xf32, #tpu.memory_space<hbm>>, %arg8: memref<2x10240x16xf32, #tpu.memory_space<hbm>>, %arg9: memref<80xi32, #tpu.memory_space<vmem>>, %arg10: memref<80xi32, #tpu.memory_space<vmem>>, %arg11: memref<80xi32, #tpu.memory_space<vmem>>, %arg12: memref<80xi32, #tpu.memory_space<vmem>>, %arg13: memref<80xi32, #tpu.memory_space<vmem>>, %arg14: memref<80xi32, #tpu.memory_space<vmem>>, %arg15: memref<80x128xf32, #tpu.memory_space<vmem>>, %arg16: memref<80x128xf32, #tpu.memory_space<vmem>>, %arg17: memref<80x128xf32, #tpu.memory_space<vmem>>, %arg18: memref<80x16xf32, #tpu.memory_space<vmem>>, %arg19: memref<80x16xf32, #tpu.memory_space<vmem>>, %arg20: memref<80x16xf32, #tpu.memory_space<vmem>>, %arg21: memref<80x16xf32, #tpu.memory_space<vmem>>, %arg22: memref<80x16xf32, #tpu.memory_space<vmem>>, %arg23: memref<80x16xf32, #tpu.memory_space<vmem>>, %arg24: memref<10240x128xf32, #tpu.memory_space<vmem_shared>>, %arg25: memref<10240x16xf32, #tpu.memory_space<vmem_shared>>, %arg26: memref<!tpu.dma_semaphore, #tpu.memory_space<semaphore_mem>>, %arg27: memref<!tpu.dma_semaphore, #tpu.memory_space<semaphore_mem>>, %arg28: memref<!tpu.dma_semaphore, #tpu.memory_space<semaphore_mem>>, %arg29: memref<!tpu.dma_semaphore, #tpu.memory_space<semaphore_mem>>, %arg30: memref<!tpu.dma_semaphore, #tpu.memory_space<semaphore_mem>>, %arg31: memref<!tpu.dma_semaphore, #tpu.memory_space<semaphore_mem>>, %arg32: memref<!tpu.dma_semaphore, #tpu.memory_space<semaphore_mem>>, %arg33: memref<!tpu.dma_semaphore, #tpu.memory_space<semaphore_mem>>, %arg34: memref<!tpu.dma_semaphore, #tpu.memory_space<semaphore_mem>>, %arg35: memref<!tpu.dma_semaphore, #tpu.memory_space<semaphore_mem>>, %arg36: memref<!tpu.dma_semaphore, #tpu.memory_space<semaphore_mem>>, %arg37: memref<!tpu.dma_semaphore, #tpu.memory_space<semaphore_mem>>) attributes {dimension_semantics = [#tpu.dimension_semantics<core_parallel>, #tpu.dimension_semantics<subcore_parallel>], iteration_bounds = array<i64: 2, 16>, scalar_prefetch = 0 : i64, scratch_operands = 29 : i64, tpu.core_type = #tpu.core_type<sc_vector_subcore>, window_params = [{transform_indices = #map}, {transform_indices = #map}, {transform_indices = #map1}, {transform_indices = #map1}, {transform_indices = #map1}, {transform_indices = #map2}, {transform_indices = #map2}]} {
    %scan3A = arith.constant 0 : i32
    %scan3A_0 = arith.constant 0 : i32
    %scan3A_1 = arith.constant 80 : i32
    %scan3A_2 = arith.addi %scan3A_0, %scan3A_1 : i32
    %scan3A_3 = arith.constant 1 : i32
    scf.for %scan3A_221 = %scan3A_0 to %scan3A_2 step %scan3A_3  : i32 {
      %broadcast_in_dim3A = arith.constant 0.000000e+00 : f32
      %broadcast_in_dim3A_222 = vector.broadcast %broadcast_in_dim3A : f32 to vector<16xf32>
      %swap3A = arith.index_cast %scan3A_221 : i32 to index
      %swap3A_223 = arith.constant 0 : index
      %swap3A_224 = tpu.vector_load %arg15[%swap3A, %swap3A_223] {strides = array<i32>} : memref<80x128xf32, #tpu.memory_space<vmem>>, vector<1x16xf32>,
      %swap3A_225 = vector.shape_cast %swap3A_224 : vector<1x16xf32> to vector<16xf32>
      %swap3A_226 = vector.shape_cast %broadcast_in_dim3A_222 : vector<16xf32> to vector<1x16xf32>
      tpu.vector_store %arg15[%swap3A, %swap3A_223], %swap3A_226 {strides = array<i32>} : memref<80x128xf32, #tpu.memory_space<vmem>>, vector<1x16xf32>,
      %broadcast_in_dim3A_227 = arith.constant 0.000000e+00 : f32
      %broadcast_in_dim3A_228 = vector.broadcast %broadcast_in_dim3A_227 : f32 to vector<16xf32>
      %swap3A_229 = arith.index_cast %scan3A_221 : i32 to index
      %swap3A_230 = arith.constant 16 : index
      %swap3A_231 = tpu.vector_load %arg15[%swap3A_229, %swap3A_230] {strides = array<i32>} : memref<80x128xf32, #tpu.memory_space<vmem>>, vector<1x16xf32>,
      %swap3A_232 = vector.shape_cast %swap3A_231 : vector<1x16xf32> to vector<16xf32>
      %swap3A_233 = vector.shape_cast %broadcast_in_dim3A_228 : vector<16xf32> to vector<1x16xf32>
      tpu.vector_store %arg15[%swap3A_229, %swap3A_230], %swap3A_233 {strides = array<i32>} : memref<80x128xf32, #tpu.memory_space<vmem>>, vector<1x16xf32>,
      %broadcast_in_dim3A_234 = arith.constant 0.000000e+00 : f32
      %broadcast_in_dim3A_235 = vector.broadcast %broadcast_in_dim3A_234 : f32 to vector<16xf32>
      %swap3A_236 = arith.index_cast %scan3A_221 : i32 to index
      %swap3A_237 = arith.constant 32 : index
      %swap3A_238 = tpu.vector_load %arg15[%swap3A_236, %swap3A_237] {strides = array<i32>} : memref<80x128xf32, #tpu.memory_space<vmem>>, vector<1x16xf32>,
      %swap3A_239 = vector.shape_cast %swap3A_238 : vector<1x16xf32> to vector<16xf32>
      %swap3A_240 = vector.shape_cast %broadcast_in_dim3A_235 : vector<16xf32> to vector<1x16xf32>
      tpu.vector_store %arg15[%swap3A_236, %swap3A_237], %swap3A_240 {strides = array<i32>} : memref<80x128xf32, #tpu.memory_space<vmem>>, vector<1x16xf32>,
      %broadcast_in_dim3A_241 = arith.constant 0.000000e+00 : f32
      %broadcast_in_dim3A_242 = vector.broadcast %broadcast_in_dim3A_241 : f32 to vector<16xf32>
      %swap3A_243 = arith.index_cast %scan3A_221 : i32 to index
      %swap3A_244 = arith.constant 48 : index
      %swap3A_245 = tpu.vector_load %arg15[%swap3A_243, %swap3A_244] {strides = array<i32>} : memref<80x128xf32, #tpu.memory_space<vmem>>, vector<1x16xf32>,
      %swap3A_246 = vector.shape_cast %swap3A_245 : vector<1x16xf32> to vector<16xf32>
      %swap3A_247 = vector.shape_cast %broadcast_in_dim3A_242 : vector<16xf32> to vector<1x16xf32>
      tpu.vector_store %arg15[%swap3A_243, %swap3A_244], %swap3A_247 {strides = array<i32>} : memref<80x128xf32, #tpu.memory_space<vmem>>, vector<1x16xf32>,
      %broadcast_in_dim3A_248 = arith.constant 0.000000e+00 : f32
      %broadcast_in_dim3A_249 = vector.broadcast %broadcast_in_dim3A_248 : f32 to vector<16xf32>
      %swap3A_250 = arith.index_cast %scan3A_221 : i32 to index
      %swap3A_251 = arith.constant 64 : index
      %swap3A_252 = tpu.vector_load %arg15[%swap3A_250, %swap3A_251] {strides = array<i32>} : memref<80x128xf32, #tpu.memory_space<vmem>>, vector<1x16xf32>,
      %swap3A_253 = vector.shape_cast %swap3A_252 : vector<1x16xf32> to vector<16xf32>
      %swap3A_254 = vector.shape_cast %broadcast_in_dim3A_249 : vector<16xf32> to vector<1x16xf32>
      tpu.vector_store %arg15[%swap3A_250, %swap3A_251], %swap3A_254 {strides = array<i32>} : memref<80x128xf32, #tpu.memory_space<vmem>>, vector<1x16xf32>,
      %broadcast_in_dim3A_255 = arith.constant 0.000000e+00 : f32
      %broadcast_in_dim3A_256 = vector.broadcast %broadcast_in_dim3A_255 : f32 to vector<16xf32>
      %swap3A_257 = arith.index_cast %scan3A_221 : i32 to index
      %swap3A_258 = arith.constant 80 : index
      %swap3A_259 = tpu.vector_load %arg15[%swap3A_257, %swap3A_258] {strides = array<i32>} : memref<80x128xf32, #tpu.memory_space<vmem>>, vector<1x16xf32>,
      %swap3A_260 = vector.shape_cast %swap3A_259 : vector<1x16xf32> to vector<16xf32>
      %swap3A_261 = vector.shape_cast %broadcast_in_dim3A_256 : vector<16xf32> to vector<1x16xf32>
      tpu.vector_store %arg15[%swap3A_257, %swap3A_258], %swap3A_261 {strides = array<i32>} : memref<80x128xf32, #tpu.memory_space<vmem>>, vector<1x16xf32>,
      %broadcast_in_dim3A_262 = arith.constant 0.000000e+00 : f32
      %broadcast_in_dim3A_263 = vector.broadcast %broadcast_in_dim3A_262 : f32 to vector<16xf32>
      %swap3A_264 = arith.index_cast %scan3A_221 : i32 to index
      %swap3A_265 = arith.constant 96 : index
      %swap3A_266 = tpu.vector_load %arg15[%swap3A_264, %swap3A_265] {strides = array<i32>} : memref<80x128xf32, #tpu.memory_space<vmem>>, vector<1x16xf32>,
      %swap3A_267 = vector.shape_cast %swap3A_266 : vector<1x16xf32> to vector<16xf32>
      %swap3A_268 = vector.shape_cast %broadcast_in_dim3A_263 : vector<16xf32> to vector<1x16xf32>
      tpu.vector_store %arg15[%swap3A_264, %swap3A_265], %swap3A_268 {strides = array<i32>} : memref<80x128xf32, #tpu.memory_space<vmem>>, vector<1x16xf32>,
      %broadcast_in_dim3A_269 = arith.constant 0.000000e+00 : f32
      %broadcast_in_dim3A_270 = vector.broadcast %broadcast_in_dim3A_269 : f32 to vector<16xf32>
      %swap3A_271 = arith.index_cast %scan3A_221 : i32 to index
      %swap3A_272 = arith.constant 112 : index
      %swap3A_273 = tpu.vector_load %arg15[%swap3A_271, %swap3A_272] {strides = array<i32>} : memref<80x128xf32, #tpu.memory_space<vmem>>, vector<1x16xf32>,
      %swap3A_274 = vector.shape_cast %swap3A_273 : vector<1x16xf32> to vector<16xf32>
      %swap3A_275 = vector.shape_cast %broadcast_in_dim3A_270 : vector<16xf32> to vector<1x16xf32>
      tpu.vector_store %arg15[%swap3A_271, %swap3A_272], %swap3A_275 {strides = array<i32>} : memref<80x128xf32, #tpu.memory_space<vmem>>, vector<1x16xf32>,
      %broadcast_in_dim3A_276 = arith.constant 0.000000e+00 : f32
      %broadcast_in_dim3A_277 = vector.broadcast %broadcast_in_dim3A_276 : f32 to vector<16xf32>
      %swap3A_278 = arith.index_cast %scan3A_221 : i32 to index
      %swap3A_279 = arith.constant 0 : index
      %swap3A_280 = tpu.vector_load %arg18[%swap3A_278, %swap3A_279] {strides = array<i32>} : memref<80x16xf32, #tpu.memory_space<vmem>>, vector<1x16xf32>,
      %swap3A_281 = vector.shape_cast %swap3A_280 : vector<1x16xf32> to vector<16xf32>
      %swap3A_282 = vector.shape_cast %broadcast_in_dim3A_277 : vector<16xf32> to vector<1x16xf32>
      tpu.vector_store %arg18[%swap3A_278, %swap3A_279], %swap3A_282 {strides = array<i32>} : memref<80x16xf32, #tpu.memory_space<vmem>>, vector<1x16xf32>,
    }
    %scan3A_4 = arith.constant 80 : i32
    %mul3A = arith.constant 640 : i32
    %mul3A_5 = arith.muli %arg1, %mul3A : i32
    %add3A = arith.constant 0 : i32
    %add3A_6 = arith.addi %mul3A_5, %add3A : i32
    "tpu.region"() ({
      %run_scoped3A = tpu.sem_alloc : memref<!tpu.dma_semaphore, #tpu.memory_space<semaphore_mem>>
      %dma_start3A_221 = arith.constant 0 : i32
      %dma_start3A_222 = tpu.memref_slice %arg24[%add3A_6, %dma_start3A_221] : memref<10240x128xf32, #tpu.memory_space<vmem_shared>> -> memref<80x128xf32, #tpu.memory_space<vmem_shared>>
      %dma_start3A_223 = arith.constant 0 : i32
      %dma_start3A_224 = tpu.memref_slice %arg24[%add3A_6, %dma_start3A_223] : memref<10240x128xf32, #tpu.memory_space<vmem_shared>> -> memref<80x128xf32, #tpu.memory_space<vmem_shared>>
      tpu.enqueue_dma source(%arg15 : memref<80x128xf32, #tpu.memory_space<vmem>>) target(%dma_start3A_224 : memref<80x128xf32, #tpu.memory_space<vmem_shared>>) target_semaphore(%run_scoped3A : memref<!tpu.dma_semaphore, #tpu.memory_space<semaphore_mem>>)
      %dma_wait3A_225 = arith.constant 0 : i32
      %dma_wait3A_226 = tpu.memref_slice %arg24[%add3A_6, %dma_wait3A_225] : memref<10240x128xf32, #tpu.memory_space<vmem_shared>> -> memref<80x128xf32, #tpu.memory_space<vmem_shared>>
      %dma_wait3A_227 = arith.constant 0 : i32
      %dma_wait3A_228 = tpu.memref_slice %arg24[%add3A_6, %dma_wait3A_227] : memref<10240x128xf32, #tpu.memory_space<vmem_shared>> -> memref<80x128xf32, #tpu.memory_space<vmem_shared>>
      tpu.wait_dma2 semaphore(%run_scoped3A : memref<!tpu.dma_semaphore, #tpu.memory_space<semaphore_mem>>) src(%arg15 : memref<80x128xf32, #tpu.memory_space<vmem>>) dst(%dma_wait3A_228 : memref<80x128xf32, #tpu.memory_space<vmem_shared>>)
      tpu.yield
    }) : () -> ()
    "tpu.region"() ({
      %run_scoped3A = tpu.sem_alloc : memref<!tpu.dma_semaphore, #tpu.memory_space<semaphore_mem>>
      %dma_start3A_221 = arith.constant 0 : i32
      %dma_start3A_222 = tpu.memref_slice %arg25[%add3A_6, %dma_start3A_221] : memref<10240x16xf32, #tpu.memory_space<vmem_shared>> -> memref<80x16xf32, #tpu.memory_space<vmem_shared>>
      %dma_start3A_223 = arith.constant 0 : i32
      %dma_start3A_224 = tpu.memref_slice %arg25[%add3A_6, %dma_start3A_223] : memref<10240x16xf32, #tpu.memory_space<vmem_shared>> -> memref<80x16xf32, #tpu.memory_space<vmem_shared>>
      tpu.enqueue_dma source(%arg18 : memref<80x16xf32, #tpu.memory_space<vmem>>) target(%dma_start3A_224 : memref<80x16xf32, #tpu.memory_space<vmem_shared>>) target_semaphore(%run_scoped3A : memref<!tpu.dma_semaphore, #tpu.memory_space<semaphore_mem>>)
      %dma_wait3A_225 = arith.constant 0 : i32
      %dma_wait3A_226 = tpu.memref_slice %arg25[%add3A_6, %dma_wait3A_225] : memref<10240x16xf32, #tpu.memory_space<vmem_shared>> -> memref<80x16xf32, #tpu.memory_space<vmem_shared>>
      %dma_wait3A_227 = arith.constant 0 : i32
      %dma_wait3A_228 = tpu.memref_slice %arg25[%add3A_6, %dma_wait3A_227] : memref<10240x16xf32, #tpu.memory_space<vmem_shared>> -> memref<80x16xf32, #tpu.memory_space<vmem_shared>>
      tpu.wait_dma2 semaphore(%run_scoped3A : memref<!tpu.dma_semaphore, #tpu.memory_space<semaphore_mem>>) src(%arg18 : memref<80x16xf32, #tpu.memory_space<vmem>>) dst(%dma_wait3A_228 : memref<80x16xf32, #tpu.memory_space<vmem_shared>>)
      tpu.yield
    }) : () -> ()
    %mul3A_7 = arith.constant 640 : i32
    %mul3A_8 = arith.muli %arg1, %mul3A_7 : i32
    %add3A_9 = arith.constant 80 : i32
    %add3A_10 = arith.addi %mul3A_8, %add3A_9 : i32
    "tpu.region"() ({
      %run_scoped3A = tpu.sem_alloc : memref<!tpu.dma_semaphore, #tpu.memory_space<semaphore_mem>>
      %dma_start3A_221 = arith.constant 0 : i32
      %dma_start3A_222 = tpu.memref_slice %arg24[%add3A_10, %dma_start3A_221] : memref<10240x128xf32, #tpu.memory_space<vmem_shared>> -> memref<80x128xf32, #tpu.memory_space<vmem_shared>>
      %dma_start3A_223 = arith.constant 0 : i32
      %dma_start3A_224 = tpu.memref_slice %arg24[%add3A_10, %dma_start3A_223] : memref<10240x128xf32, #tpu.memory_space<vmem_shared>> -> memref<80x128xf32, #tpu.memory_space<vmem_shared>>
      tpu.enqueue_dma source(%arg15 : memref<80x128xf32, #tpu.memory_space<vmem>>) target(%dma_start3A_224 : memref<80x128xf32, #tpu.memory_space<vmem_shared>>) target_semaphore(%run_scoped3A : memref<!tpu.dma_semaphore, #tpu.memory_space<semaphore_mem>>)
      %dma_wait3A_225 = arith.constant 0 : i32
      %dma_wait3A_226 = tpu.memref_slice %arg24[%add3A_10, %dma_wait3A_225] : memref<10240x128xf32, #tpu.memory_space<vmem_shared>> -> memref<80x128xf32, #tpu.memory_space<vmem_shared>>
      %dma_wait3A_227 = arith.constant 0 : i32
      %dma_wait3A_228 = tpu.memref_slice %arg24[%add3A_10, %dma_wait3A_227] : memref<10240x128xf32, #tpu.memory_space<vmem_shared>> -> memref<80x128xf32, #tpu.memory_space<vmem_shared>>
      tpu.wait_dma2 semaphore(%run_scoped3A : memref<!tpu.dma_semaphore, #tpu.memory_space<semaphore_mem>>) src(%arg15 : memref<80x128xf32, #tpu.memory_space<vmem>>) dst(%dma_wait3A_228 : memref<80x128xf32, #tpu.memory_space<vmem_shared>>)
      tpu.yield
    }) : () -> ()
    "tpu.region"() ({
      %run_scoped3A = tpu.sem_alloc : memref<!tpu.dma_semaphore, #tpu.memory_space<semaphore_mem>>
      %dma_start3A_221 = arith.constant 0 : i32
      %dma_start3A_222 = tpu.memref_slice %arg25[%add3A_10, %dma_start3A_221] : memref<10240x16xf32, #tpu.memory_space<vmem_shared>> -> memref<80x16xf32, #tpu.memory_space<vmem_shared>>
      %dma_start3A_223 = arith.constant 0 : i32
      %dma_start3A_224 = tpu.memref_slice %arg25[%add3A_10, %dma_start3A_223] : memref<10240x16xf32, #tpu.memory_space<vmem_shared>> -> memref<80x16xf32, #tpu.memory_space<vmem_shared>>
      tpu.enqueue_dma source(%arg18 : memref<80x16xf32, #tpu.memory_space<vmem>>) target(%dma_start3A_224 : memref<80x16xf32, #tpu.memory_space<vmem_shared>>) target_semaphore(%run_scoped3A : memref<!tpu.dma_semaphore, #tpu.memory_space<semaphore_mem>>)
      %dma_wait3A_225 = arith.constant 0 : i32
      %dma_wait3A_226 = tpu.memref_slice %arg25[%add3A_10, %dma_wait3A_225] : memref<10240x16xf32, #tpu.memory_space<vmem_shared>> -> memref<80x16xf32, #tpu.memory_space<vmem_shared>>
      %dma_wait3A_227 = arith.constant 0 : i32
      %dma_wait3A_228 = tpu.memref_slice %arg25[%add3A_10, %dma_wait3A_227] : memref<10240x16xf32, #tpu.memory_space<vmem_shared>> -> memref<80x16xf32, #tpu.memory_space<vmem_shared>>
      tpu.wait_dma2 semaphore(%run_scoped3A : memref<!tpu.dma_semaphore, #tpu.memory_space<semaphore_mem>>) src(%arg18 : memref<80x16xf32, #tpu.memory_space<vmem>>) dst(%dma_wait3A_228 : memref<80x16xf32, #tpu.memory_space<vmem_shared>>)
      tpu.yield
    }) : () -> ()
    %mul3A_11 = arith.constant 640 : i32
    %mul3A_12 = arith.muli %arg1, %mul3A_11 : i32
    %add3A_13 = arith.constant 160 : i32
    %add3A_14 = arith.addi %mul3A_12, %add3A_13 : i32
    "tpu.region"() ({
      %run_scoped3A = tpu.sem_alloc : memref<!tpu.dma_semaphore, #tpu.memory_space<semaphore_mem>>
      %dma_start3A_221 = arith.constant 0 : i32
      %dma_start3A_222 = tpu.memref_slice %arg24[%add3A_14, %dma_start3A_221] : memref<10240x128xf32, #tpu.memory_space<vmem_shared>> -> memref<80x128xf32, #tpu.memory_space<vmem_shared>>
      %dma_start3A_223 = arith.constant 0 : i32
      %dma_start3A_224 = tpu.memref_slice %arg24[%add3A_14, %dma_start3A_223] : memref<10240x128xf32, #tpu.memory_space<vmem_shared>> -> memref<80x128xf32, #tpu.memory_space<vmem_shared>>
      tpu.enqueue_dma source(%arg15 : memref<80x128xf32, #tpu.memory_space<vmem>>) target(%dma_start3A_224 : memref<80x128xf32, #tpu.memory_space<vmem_shared>>) target_semaphore(%run_scoped3A : memref<!tpu.dma_semaphore, #tpu.memory_space<semaphore_mem>>)
      %dma_wait3A_225 = arith.constant 0 : i32
      %dma_wait3A_226 = tpu.memref_slice %arg24[%add3A_14, %dma_wait3A_225] : memref<10240x128xf32, #tpu.memory_space<vmem_shared>> -> memref<80x128xf32, #tpu.memory_space<vmem_shared>>
      %dma_wait3A_227 = arith.constant 0 : i32
      %dma_wait3A_228 = tpu.memref_slice %arg24[%add3A_14, %dma_wait3A_227] : memref<10240x128xf32, #tpu.memory_space<vmem_shared>> -> memref<80x128xf32, #tpu.memory_space<vmem_shared>>
      tpu.wait_dma2 semaphore(%run_scoped3A : memref<!tpu.dma_semaphore, #tpu.memory_space<semaphore_mem>>) src(%arg15 : memref<80x128xf32, #tpu.memory_space<vmem>>) dst(%dma_wait3A_228 : memref<80x128xf32, #tpu.memory_space<vmem_shared>>)
      tpu.yield
    }) : () -> ()
    "tpu.region"() ({
      %run_scoped3A = tpu.sem_alloc : memref<!tpu.dma_semaphore, #tpu.memory_space<semaphore_mem>>
      %dma_start3A_221 = arith.constant 0 : i32
      %dma_start3A_222 = tpu.memref_slice %arg25[%add3A_14, %dma_start3A_221] : memref<10240x16xf32, #tpu.memory_space<vmem_shared>> -> memref<80x16xf32, #tpu.memory_space<vmem_shared>>
      %dma_start3A_223 = arith.constant 0 : i32
      %dma_start3A_224 = tpu.memref_slice %arg25[%add3A_14, %dma_start3A_223] : memref<10240x16xf32, #tpu.memory_space<vmem_shared>> -> memref<80x16xf32, #tpu.memory_space<vmem_shared>>
      tpu.enqueue_dma source(%arg18 : memref<80x16xf32, #tpu.memory_space<vmem>>) target(%dma_start3A_224 : memref<80x16xf32, #tpu.memory_space<vmem_shared>>) target_semaphore(%run_scoped3A : memref<!tpu.dma_semaphore, #tpu.memory_space<semaphore_mem>>)
      %dma_wait3A_225 = arith.constant 0 : i32
      %dma_wait3A_226 = tpu.memref_slice %arg25[%add3A_14, %dma_wait3A_225] : memref<10240x16xf32, #tpu.memory_space<vmem_shared>> -> memref<80x16xf32, #tpu.memory_space<vmem_shared>>
      %dma_wait3A_227 = arith.constant 0 : i32
      %dma_wait3A_228 = tpu.memref_slice %arg25[%add3A_14, %dma_wait3A_227] : memref<10240x16xf32, #tpu.memory_space<vmem_shared>> -> memref<80x16xf32, #tpu.memory_space<vmem_shared>>
      tpu.wait_dma2 semaphore(%run_scoped3A : memref<!tpu.dma_semaphore, #tpu.memory_space<semaphore_mem>>) src(%arg18 : memref<80x16xf32, #tpu.memory_space<vmem>>) dst(%dma_wait3A_228 : memref<80x16xf32, #tpu.memory_space<vmem_shared>>)
      tpu.yield
    }) : () -> ()
    %mul3A_15 = arith.constant 640 : i32
    %mul3A_16 = arith.muli %arg1, %mul3A_15 : i32
    %add3A_17 = arith.constant 240 : i32
    %add3A_18 = arith.addi %mul3A_16, %add3A_17 : i32
    "tpu.region"() ({
      %run_scoped3A = tpu.sem_alloc : memref<!tpu.dma_semaphore, #tpu.memory_space<semaphore_mem>>
      %dma_start3A_221 = arith.constant 0 : i32
      %dma_start3A_222 = tpu.memref_slice %arg24[%add3A_18, %dma_start3A_221] : memref<10240x128xf32, #tpu.memory_space<vmem_shared>> -> memref<80x128xf32, #tpu.memory_space<vmem_shared>>
      %dma_start3A_223 = arith.constant 0 : i32
      %dma_start3A_224 = tpu.memref_slice %arg24[%add3A_18, %dma_start3A_223] : memref<10240x128xf32, #tpu.memory_space<vmem_shared>> -> memref<80x128xf32, #tpu.memory_space<vmem_shared>>
      tpu.enqueue_dma source(%arg15 : memref<80x128xf32, #tpu.memory_space<vmem>>) target(%dma_start3A_224 : memref<80x128xf32, #tpu.memory_space<vmem_shared>>) target_semaphore(%run_scoped3A : memref<!tpu.dma_semaphore, #tpu.memory_space<semaphore_mem>>)
      %dma_wait3A_225 = arith.constant 0 : i32
      %dma_wait3A_226 = tpu.memref_slice %arg24[%add3A_18, %dma_wait3A_225] : memref<10240x128xf32, #tpu.memory_space<vmem_shared>> -> memref<80x128xf32, #tpu.memory_space<vmem_shared>>
      %dma_wait3A_227 = arith.constant 0 : i32
      %dma_wait3A_228 = tpu.memref_slice %arg24[%add3A_18, %dma_wait3A_227] : memref<10240x128xf32, #tpu.memory_space<vmem_shared>> -> memref<80x128xf32, #tpu.memory_space<vmem_shared>>
      tpu.wait_dma2 semaphore(%run_scoped3A : memref<!tpu.dma_semaphore, #tpu.memory_space<semaphore_mem>>) src(%arg15 : memref<80x128xf32, #tpu.memory_space<vmem>>) dst(%dma_wait3A_228 : memref<80x128xf32, #tpu.memory_space<vmem_shared>>)
      tpu.yield
    }) : () -> ()
    "tpu.region"() ({
      %run_scoped3A = tpu.sem_alloc : memref<!tpu.dma_semaphore, #tpu.memory_space<semaphore_mem>>
      %dma_start3A_221 = arith.constant 0 : i32
      %dma_start3A_222 = tpu.memref_slice %arg25[%add3A_18, %dma_start3A_221] : memref<10240x16xf32, #tpu.memory_space<vmem_shared>> -> memref<80x16xf32, #tpu.memory_space<vmem_shared>>
      %dma_start3A_223 = arith.constant 0 : i32
      %dma_start3A_224 = tpu.memref_slice %arg25[%add3A_18, %dma_start3A_223] : memref<10240x16xf32, #tpu.memory_space<vmem_shared>> -> memref<80x16xf32, #tpu.memory_space<vmem_shared>>
      tpu.enqueue_dma source(%arg18 : memref<80x16xf32, #tpu.memory_space<vmem>>) target(%dma_start3A_224 : memref<80x16xf32, #tpu.memory_space<vmem_shared>>) target_semaphore(%run_scoped3A : memref<!tpu.dma_semaphore, #tpu.memory_space<semaphore_mem>>)
      %dma_wait3A_225 = arith.constant 0 : i32
      %dma_wait3A_226 = tpu.memref_slice %arg25[%add3A_18, %dma_wait3A_225] : memref<10240x16xf32, #tpu.memory_space<vmem_shared>> -> memref<80x16xf32, #tpu.memory_space<vmem_shared>>
      %dma_wait3A_227 = arith.constant 0 : i32
      %dma_wait3A_228 = tpu.memref_slice %arg25[%add3A_18, %dma_wait3A_227] : memref<10240x16xf32, #tpu.memory_space<vmem_shared>> -> memref<80x16xf32, #tpu.memory_space<vmem_shared>>
      tpu.wait_dma2 semaphore(%run_scoped3A : memref<!tpu.dma_semaphore, #tpu.memory_space<semaphore_mem>>) src(%arg18 : memref<80x16xf32, #tpu.memory_space<vmem>>) dst(%dma_wait3A_228 : memref<80x16xf32, #tpu.memory_space<vmem_shared>>)
      tpu.yield
    }) : () -> ()
    %mul3A_19 = arith.constant 640 : i32
    %mul3A_20 = arith.muli %arg1, %mul3A_19 : i32
    %add3A_21 = arith.constant 320 : i32
    %add3A_22 = arith.addi %mul3A_20, %add3A_21 : i32
    "tpu.region"() ({
      %run_scoped3A = tpu.sem_alloc : memref<!tpu.dma_semaphore, #tpu.memory_space<semaphore_mem>>
      %dma_start3A_221 = arith.constant 0 : i32
      %dma_start3A_222 = tpu.memref_slice %arg24[%add3A_22, %dma_start3A_221] : memref<10240x128xf32, #tpu.memory_space<vmem_shared>> -> memref<80x128xf32, #tpu.memory_space<vmem_shared>>
      %dma_start3A_223 = arith.constant 0 : i32
      %dma_start3A_224 = tpu.memref_slice %arg24[%add3A_22, %dma_start3A_223] : memref<10240x128xf32, #tpu.memory_space<vmem_shared>> -> memref<80x128xf32, #tpu.memory_space<vmem_shared>>
      tpu.enqueue_dma source(%arg15 : memref<80x128xf32, #tpu.memory_space<vmem>>) target(%dma_start3A_224 : memref<80x128xf32, #tpu.memory_space<vmem_shared>>) target_semaphore(%run_scoped3A : memref<!tpu.dma_semaphore, #tpu.memory_space<semaphore_mem>>)
      %dma_wait3A_225 = arith.constant 0 : i32
      %dma_wait3A_226 = tpu.memref_slice %arg24[%add3A_22, %dma_wait3A_225] : memref<10240x128xf32, #tpu.memory_space<vmem_shared>> -> memref<80x128xf32, #tpu.memory_space<vmem_shared>>
      %dma_wait3A_227 = arith.constant 0 : i32
      %dma_wait3A_228 = tpu.memref_slice %arg24[%add3A_22, %dma_wait3A_227] : memref<10240x128xf32, #tpu.memory_space<vmem_shared>> -> memref<80x128xf32, #tpu.memory_space<vmem_shared>>
      tpu.wait_dma2 semaphore(%run_scoped3A : memref<!tpu.dma_semaphore, #tpu.memory_space<semaphore_mem>>) src(%arg15 : memref<80x128xf32, #tpu.memory_space<vmem>>) dst(%dma_wait3A_228 : memref<80x128xf32, #tpu.memory_space<vmem_shared>>)
      tpu.yield
    }) : () -> ()
    "tpu.region"() ({
      %run_scoped3A = tpu.sem_alloc : memref<!tpu.dma_semaphore, #tpu.memory_space<semaphore_mem>>
      %dma_start3A_221 = arith.constant 0 : i32
      %dma_start3A_222 = tpu.memref_slice %arg25[%add3A_22, %dma_start3A_221] : memref<10240x16xf32, #tpu.memory_space<vmem_shared>> -> memref<80x16xf32, #tpu.memory_space<vmem_shared>>
      %dma_start3A_223 = arith.constant 0 : i32
      %dma_start3A_224 = tpu.memref_slice %arg25[%add3A_22, %dma_start3A_223] : memref<10240x16xf32, #tpu.memory_space<vmem_shared>> -> memref<80x16xf32, #tpu.memory_space<vmem_shared>>
      tpu.enqueue_dma source(%arg18 : memref<80x16xf32, #tpu.memory_space<vmem>>) target(%dma_start3A_224 : memref<80x16xf32, #tpu.memory_space<vmem_shared>>) target_semaphore(%run_scoped3A : memref<!tpu.dma_semaphore, #tpu.memory_space<semaphore_mem>>)
      %dma_wait3A_225 = arith.constant 0 : i32
      %dma_wait3A_226 = tpu.memref_slice %arg25[%add3A_22, %dma_wait3A_225] : memref<10240x16xf32, #tpu.memory_space<vmem_shared>> -> memref<80x16xf32, #tpu.memory_space<vmem_shared>>
      %dma_wait3A_227 = arith.constant 0 : i32
      %dma_wait3A_228 = tpu.memref_slice %arg25[%add3A_22, %dma_wait3A_227] : memref<10240x16xf32, #tpu.memory_space<vmem_shared>> -> memref<80x16xf32, #tpu.memory_space<vmem_shared>>
      tpu.wait_dma2 semaphore(%run_scoped3A : memref<!tpu.dma_semaphore, #tpu.memory_space<semaphore_mem>>) src(%arg18 : memref<80x16xf32, #tpu.memory_space<vmem>>) dst(%dma_wait3A_228 : memref<80x16xf32, #tpu.memory_space<vmem_shared>>)
      tpu.yield
    }) : () -> ()
    %mul3A_23 = arith.constant 640 : i32
    %mul3A_24 = arith.muli %arg1, %mul3A_23 : i32
    %add3A_25 = arith.constant 400 : i32
    %add3A_26 = arith.addi %mul3A_24, %add3A_25 : i32
    "tpu.region"() ({
      %run_scoped3A = tpu.sem_alloc : memref<!tpu.dma_semaphore, #tpu.memory_space<semaphore_mem>>
      %dma_start3A_221 = arith.constant 0 : i32
      %dma_start3A_222 = tpu.memref_slice %arg24[%add3A_26, %dma_start3A_221] : memref<10240x128xf32, #tpu.memory_space<vmem_shared>> -> memref<80x128xf32, #tpu.memory_space<vmem_shared>>
      %dma_start3A_223 = arith.constant 0 : i32
      %dma_start3A_224 = tpu.memref_slice %arg24[%add3A_26, %dma_start3A_223] : memref<10240x128xf32, #tpu.memory_space<vmem_shared>> -> memref<80x128xf32, #tpu.memory_space<vmem_shared>>
      tpu.enqueue_dma source(%arg15 : memref<80x128xf32, #tpu.memory_space<vmem>>) target(%dma_start3A_224 : memref<80x128xf32, #tpu.memory_space<vmem_shared>>) target_semaphore(%run_scoped3A : memref<!tpu.dma_semaphore, #tpu.memory_space<semaphore_mem>>)
      %dma_wait3A_225 = arith.constant 0 : i32
      %dma_wait3A_226 = tpu.memref_slice %arg24[%add3A_26, %dma_wait3A_225] : memref<10240x128xf32, #tpu.memory_space<vmem_shared>> -> memref<80x128xf32, #tpu.memory_space<vmem_shared>>
      %dma_wait3A_227 = arith.constant 0 : i32
      %dma_wait3A_228 = tpu.memref_slice %arg24[%add3A_26, %dma_wait3A_227] : memref<10240x128xf32, #tpu.memory_space<vmem_shared>> -> memref<80x128xf32, #tpu.memory_space<vmem_shared>>
      tpu.wait_dma2 semaphore(%run_scoped3A : memref<!tpu.dma_semaphore, #tpu.memory_space<semaphore_mem>>) src(%arg15 : memref<80x128xf32, #tpu.memory_space<vmem>>) dst(%dma_wait3A_228 : memref<80x128xf32, #tpu.memory_space<vmem_shared>>)
      tpu.yield
    }) : () -> ()
    "tpu.region"() ({
      %run_scoped3A = tpu.sem_alloc : memref<!tpu.dma_semaphore, #tpu.memory_space<semaphore_mem>>
      %dma_start3A_221 = arith.constant 0 : i32
      %dma_start3A_222 = tpu.memref_slice %arg25[%add3A_26, %dma_start3A_221] : memref<10240x16xf32, #tpu.memory_space<vmem_shared>> -> memref<80x16xf32, #tpu.memory_space<vmem_shared>>
      %dma_start3A_223 = arith.constant 0 : i32
      %dma_start3A_224 = tpu.memref_slice %arg25[%add3A_26, %dma_start3A_223] : memref<10240x16xf32, #tpu.memory_space<vmem_shared>> -> memref<80x16xf32, #tpu.memory_space<vmem_shared>>
      tpu.enqueue_dma source(%arg18 : memref<80x16xf32, #tpu.memory_space<vmem>>) target(%dma_start3A_224 : memref<80x16xf32, #tpu.memory_space<vmem_shared>>) target_semaphore(%run_scoped3A : memref<!tpu.dma_semaphore, #tpu.memory_space<semaphore_mem>>)
      %dma_wait3A_225 = arith.constant 0 : i32
      %dma_wait3A_226 = tpu.memref_slice %arg25[%add3A_26, %dma_wait3A_225] : memref<10240x16xf32, #tpu.memory_space<vmem_shared>> -> memref<80x16xf32, #tpu.memory_space<vmem_shared>>
      %dma_wait3A_227 = arith.constant 0 : i32
      %dma_wait3A_228 = tpu.memref_slice %arg25[%add3A_26, %dma_wait3A_227] : memref<10240x16xf32, #tpu.memory_space<vmem_shared>> -> memref<80x16xf32, #tpu.memory_space<vmem_shared>>
      tpu.wait_dma2 semaphore(%run_scoped3A : memref<!tpu.dma_semaphore, #tpu.memory_space<semaphore_mem>>) src(%arg18 : memref<80x16xf32, #tpu.memory_space<vmem>>) dst(%dma_wait3A_228 : memref<80x16xf32, #tpu.memory_space<vmem_shared>>)
      tpu.yield
    }) : () -> ()
    %mul3A_27 = arith.constant 640 : i32
    %mul3A_28 = arith.muli %arg1, %mul3A_27 : i32
    %add3A_29 = arith.constant 480 : i32
    %add3A_30 = arith.addi %mul3A_28, %add3A_29 : i32
    "tpu.region"() ({
      %run_scoped3A = tpu.sem_alloc : memref<!tpu.dma_semaphore, #tpu.memory_space<semaphore_mem>>
      %dma_start3A_221 = arith.constant 0 : i32
      %dma_start3A_222 = tpu.memref_slice %arg24[%add3A_30, %dma_start3A_221] : memref<10240x128xf32, #tpu.memory_space<vmem_shared>> -> memref<80x128xf32, #tpu.memory_space<vmem_shared>>
      %dma_start3A_223 = arith.constant 0 : i32
      %dma_start3A_224 = tpu.memref_slice %arg24[%add3A_30, %dma_start3A_223] : memref<10240x128xf32, #tpu.memory_space<vmem_shared>> -> memref<80x128xf32, #tpu.memory_space<vmem_shared>>
      tpu.enqueue_dma source(%arg15 : memref<80x128xf32, #tpu.memory_space<vmem>>) target(%dma_start3A_224 : memref<80x128xf32, #tpu.memory_space<vmem_shared>>) target_semaphore(%run_scoped3A : memref<!tpu.dma_semaphore, #tpu.memory_space<semaphore_mem>>)
      %dma_wait3A_225 = arith.constant 0 : i32
      %dma_wait3A_226 = tpu.memref_slice %arg24[%add3A_30, %dma_wait3A_225] : memref<10240x128xf32, #tpu.memory_space<vmem_shared>> -> memref<80x128xf32, #tpu.memory_space<vmem_shared>>
      %dma_wait3A_227 = arith.constant 0 : i32
      %dma_wait3A_228 = tpu.memref_slice %arg24[%add3A_30, %dma_wait3A_227] : memref<10240x128xf32, #tpu.memory_space<vmem_shared>> -> memref<80x128xf32, #tpu.memory_space<vmem_shared>>
      tpu.wait_dma2 semaphore(%run_scoped3A : memref<!tpu.dma_semaphore, #tpu.memory_space<semaphore_mem>>) src(%arg15 : memref<80x128xf32, #tpu.memory_space<vmem>>) dst(%dma_wait3A_228 : memref<80x128xf32, #tpu.memory_space<vmem_shared>>)
      tpu.yield
    }) : () -> ()
    "tpu.region"() ({
      %run_scoped3A = tpu.sem_alloc : memref<!tpu.dma_semaphore, #tpu.memory_space<semaphore_mem>>
      %dma_start3A_221 = arith.constant 0 : i32
      %dma_start3A_222 = tpu.memref_slice %arg25[%add3A_30, %dma_start3A_221] : memref<10240x16xf32, #tpu.memory_space<vmem_shared>> -> memref<80x16xf32, #tpu.memory_space<vmem_shared>>
      %dma_start3A_223 = arith.constant 0 : i32
      %dma_start3A_224 = tpu.memref_slice %arg25[%add3A_30, %dma_start3A_223] : memref<10240x16xf32, #tpu.memory_space<vmem_shared>> -> memref<80x16xf32, #tpu.memory_space<vmem_shared>>
      tpu.enqueue_dma source(%arg18 : memref<80x16xf32, #tpu.memory_space<vmem>>) target(%dma_start3A_224 : memref<80x16xf32, #tpu.memory_space<vmem_shared>>) target_semaphore(%run_scoped3A : memref<!tpu.dma_semaphore, #tpu.memory_space<semaphore_mem>>)
      %dma_wait3A_225 = arith.constant 0 : i32
      %dma_wait3A_226 = tpu.memref_slice %arg25[%add3A_30, %dma_wait3A_225] : memref<10240x16xf32, #tpu.memory_space<vmem_shared>> -> memref<80x16xf32, #tpu.memory_space<vmem_shared>>
      %dma_wait3A_227 = arith.constant 0 : i32
      %dma_wait3A_228 = tpu.memref_slice %arg25[%add3A_30, %dma_wait3A_227] : memref<10240x16xf32, #tpu.memory_space<vmem_shared>> -> memref<80x16xf32, #tpu.memory_space<vmem_shared>>
      tpu.wait_dma2 semaphore(%run_scoped3A : memref<!tpu.dma_semaphore, #tpu.memory_space<semaphore_mem>>) src(%arg18 : memref<80x16xf32, #tpu.memory_space<vmem>>) dst(%dma_wait3A_228 : memref<80x16xf32, #tpu.memory_space<vmem_shared>>)
      tpu.yield
    }) : () -> ()
    %mul3A_31 = arith.constant 640 : i32
    %mul3A_32 = arith.muli %arg1, %mul3A_31 : i32
    %add3A_33 = arith.constant 560 : i32
    %add3A_34 = arith.addi %mul3A_32, %add3A_33 : i32
    "tpu.region"() ({
      %run_scoped3A = tpu.sem_alloc : memref<!tpu.dma_semaphore, #tpu.memory_space<semaphore_mem>>
      %dma_start3A_221 = arith.constant 0 : i32
      %dma_start3A_222 = tpu.memref_slice %arg24[%add3A_34, %dma_start3A_221] : memref<10240x128xf32, #tpu.memory_space<vmem_shared>> -> memref<80x128xf32, #tpu.memory_space<vmem_shared>>
      %dma_start3A_223 = arith.constant 0 : i32
      %dma_start3A_224 = tpu.memref_slice %arg24[%add3A_34, %dma_start3A_223] : memref<10240x128xf32, #tpu.memory_space<vmem_shared>> -> memref<80x128xf32, #tpu.memory_space<vmem_shared>>
      tpu.enqueue_dma source(%arg15 : memref<80x128xf32, #tpu.memory_space<vmem>>) target(%dma_start3A_224 : memref<80x128xf32, #tpu.memory_space<vmem_shared>>) target_semaphore(%run_scoped3A : memref<!tpu.dma_semaphore, #tpu.memory_space<semaphore_mem>>)
      %dma_wait3A_225 = arith.constant 0 : i32
      %dma_wait3A_226 = tpu.memref_slice %arg24[%add3A_34, %dma_wait3A_225] : memref<10240x128xf32, #tpu.memory_space<vmem_shared>> -> memref<80x128xf32, #tpu.memory_space<vmem_shared>>
      %dma_wait3A_227 = arith.constant 0 : i32
      %dma_wait3A_228 = tpu.memref_slice %arg24[%add3A_34, %dma_wait3A_227] : memref<10240x128xf32, #tpu.memory_space<vmem_shared>> -> memref<80x128xf32, #tpu.memory_space<vmem_shared>>
      tpu.wait_dma2 semaphore(%run_scoped3A : memref<!tpu.dma_semaphore, #tpu.memory_space<semaphore_mem>>) src(%arg15 : memref<80x128xf32, #tpu.memory_space<vmem>>) dst(%dma_wait3A_228 : memref<80x128xf32, #tpu.memory_space<vmem_shared>>)
      tpu.yield
    }) : () -> ()
    "tpu.region"() ({
      %run_scoped3A = tpu.sem_alloc : memref<!tpu.dma_semaphore, #tpu.memory_space<semaphore_mem>>
      %dma_start3A_221 = arith.constant 0 : i32
      %dma_start3A_222 = tpu.memref_slice %arg25[%add3A_34, %dma_start3A_221] : memref<10240x16xf32, #tpu.memory_space<vmem_shared>> -> memref<80x16xf32, #tpu.memory_space<vmem_shared>>
      %dma_start3A_223 = arith.constant 0 : i32
      %dma_start3A_224 = tpu.memref_slice %arg25[%add3A_34, %dma_start3A_223] : memref<10240x16xf32, #tpu.memory_space<vmem_shared>> -> memref<80x16xf32, #tpu.memory_space<vmem_shared>>
      tpu.enqueue_dma source(%arg18 : memref<80x16xf32, #tpu.memory_space<vmem>>) target(%dma_start3A_224 : memref<80x16xf32, #tpu.memory_space<vmem_shared>>) target_semaphore(%run_scoped3A : memref<!tpu.dma_semaphore, #tpu.memory_space<semaphore_mem>>)
      %dma_wait3A_225 = arith.constant 0 : i32
      %dma_wait3A_226 = tpu.memref_slice %arg25[%add3A_34, %dma_wait3A_225] : memref<10240x16xf32, #tpu.memory_space<vmem_shared>> -> memref<80x16xf32, #tpu.memory_space<vmem_shared>>
      %dma_wait3A_227 = arith.constant 0 : i32
      %dma_wait3A_228 = tpu.memref_slice %arg25[%add3A_34, %dma_wait3A_227] : memref<10240x16xf32, #tpu.memory_space<vmem_shared>> -> memref<80x16xf32, #tpu.memory_space<vmem_shared>>
      tpu.wait_dma2 semaphore(%run_scoped3A : memref<!tpu.dma_semaphore, #tpu.memory_space<semaphore_mem>>) src(%arg18 : memref<80x16xf32, #tpu.memory_space<vmem>>) dst(%dma_wait3A_228 : memref<80x16xf32, #tpu.memory_space<vmem_shared>>)
      tpu.yield
    }) : () -> ()
    %barrier3A = arith.constant 0 : index
    tpu.barrier barrier_id(%barrier3A)
    %mul3A_35 = arith.constant 160000 : i32
    %mul3A_36 = arith.muli %arg0, %mul3A_35 : i32
    %mul3A_37 = arith.constant 10000 : i32
    %mul3A_38 = arith.muli %arg1, %mul3A_37 : i32
    %add3A_39 = arith.addi %mul3A_36, %mul3A_38 : i32
    %add3A_40 = arith.constant 0 : i32
    %add3A_41 = arith.addi %add3A_39, %add3A_40 : i32
    %dma_start3A = tpu.memref_slice %arg2[%add3A_41] : memref<320000xi32, #tpu.memory_space<hbm>> -> memref<80xi32, #tpu.memory_space<hbm>>
    %dma_start3A_42 = tpu.memref_slice %arg2[%add3A_41] : memref<320000xi32, #tpu.memory_space<hbm>> -> memref<80xi32, #tpu.memory_space<hbm>>
    tpu.enqueue_dma source(%dma_start3A_42 : memref<80xi32, #tpu.memory_space<hbm>>) target(%arg9 : memref<80xi32, #tpu.memory_space<vmem>>) target_semaphore(%arg26 : memref<!tpu.dma_semaphore, #tpu.memory_space<semaphore_mem>>)
    %dma_start3A_43 = tpu.memref_slice %arg3[%add3A_41] : memref<320000xi32, #tpu.memory_space<hbm>> -> memref<80xi32, #tpu.memory_space<hbm>>
    %dma_start3A_44 = tpu.memref_slice %arg3[%add3A_41] : memref<320000xi32, #tpu.memory_space<hbm>> -> memref<80xi32, #tpu.memory_space<hbm>>
    tpu.enqueue_dma source(%dma_start3A_44 : memref<80xi32, #tpu.memory_space<hbm>>) target(%arg12 : memref<80xi32, #tpu.memory_space<vmem>>) target_semaphore(%arg26 : memref<!tpu.dma_semaphore, #tpu.memory_space<semaphore_mem>>)
    %add3A_45 = arith.constant 80 : i32
    %add3A_46 = arith.addi %add3A_39, %add3A_45 : i32
    %dma_start3A_47 = tpu.memref_slice %arg2[%add3A_46] : memref<320000xi32, #tpu.memory_space<hbm>> -> memref<80xi32, #tpu.memory_space<hbm>>
    %dma_start3A_48 = tpu.memref_slice %arg2[%add3A_46] : memref<320000xi32, #tpu.memory_space<hbm>> -> memref<80xi32, #tpu.memory_space<hbm>>
    tpu.enqueue_dma source(%dma_start3A_48 : memref<80xi32, #tpu.memory_space<hbm>>) target(%arg10 : memref<80xi32, #tpu.memory_space<vmem>>) target_semaphore(%arg27 : memref<!tpu.dma_semaphore, #tpu.memory_space<semaphore_mem>>)
    %dma_start3A_49 = tpu.memref_slice %arg3[%add3A_46] : memref<320000xi32, #tpu.memory_space<hbm>> -> memref<80xi32, #tpu.memory_space<hbm>>
    %dma_start3A_50 = tpu.memref_slice %arg3[%add3A_46] : memref<320000xi32, #tpu.memory_space<hbm>> -> memref<80xi32, #tpu.memory_space<hbm>>
    tpu.enqueue_dma source(%dma_start3A_50 : memref<80xi32, #tpu.memory_space<hbm>>) target(%arg13 : memref<80xi32, #tpu.memory_space<vmem>>) target_semaphore(%arg27 : memref<!tpu.dma_semaphore, #tpu.memory_space<semaphore_mem>>)
    %dma_wait3A = arith.constant 0 : i32
    %dma_wait3A_51 = tpu.memref_slice %arg2[%dma_wait3A] : memref<320000xi32, #tpu.memory_space<hbm>> -> memref<80xi32, #tpu.memory_space<hbm>>
    %dma_wait3A_52 = arith.constant 0 : i32
    %dma_wait3A_53 = tpu.memref_slice %arg2[%dma_wait3A_52] : memref<320000xi32, #tpu.memory_space<hbm>> -> memref<80xi32, #tpu.memory_space<hbm>>
    tpu.wait_dma2 semaphore(%arg26 : memref<!tpu.dma_semaphore, #tpu.memory_space<semaphore_mem>>) src(%dma_wait3A_53 : memref<80xi32, #tpu.memory_space<hbm>>) dst(%arg9 : memref<80xi32, #tpu.memory_space<vmem>>)
    %dma_wait3A_54 = arith.constant 0 : i32
    %dma_wait3A_55 = tpu.memref_slice %arg3[%dma_wait3A_54] : memref<320000xi32, #tpu.memory_space<hbm>> -> memref<80xi32, #tpu.memory_space<hbm>>
    %dma_wait3A_56 = arith.constant 0 : i32
    %dma_wait3A_57 = tpu.memref_slice %arg3[%dma_wait3A_56] : memref<320000xi32, #tpu.memory_space<hbm>> -> memref<80xi32, #tpu.memory_space<hbm>>
    tpu.wait_dma2 semaphore(%arg26 : memref<!tpu.dma_semaphore, #tpu.memory_space<semaphore_mem>>) src(%dma_wait3A_57 : memref<80xi32, #tpu.memory_space<hbm>>) dst(%arg12 : memref<80xi32, #tpu.memory_space<vmem>>)
    %dma_start3A_58 = arith.constant 0 : i32
    %dma_start3A_59 = arith.constant 0 : i32
    %dma_start3A_60 = tpu.memref_slice %arg4[%dma_start3A_58, %dma_start3A_59] : memref<10000x128xf32, #tpu.memory_space<hbm>> -> memref<10000x128xf32, #tpu.memory_space<hbm>>
    tpu.enqueue_indirect_dma source(%dma_start3A_60 : memref<10000x128xf32, #tpu.memory_space<hbm>>) target(%arg15 : memref<80x128xf32, #tpu.memory_space<vmem>>) offsets(%arg9 : memref<80xi32, #tpu.memory_space<vmem>>) semaphore(%arg29 : memref<!tpu.dma_semaphore, #tpu.memory_space<semaphore_mem>>)
    %dma_start3A_61 = arith.constant 0 : i32
    %dma_start3A_62 = arith.constant 0 : i32
    %dma_start3A_63 = tpu.memref_slice %arg5[%dma_start3A_61, %dma_start3A_62] : memref<10000x16xf32, #tpu.memory_space<hbm>> -> memref<10000x16xf32, #tpu.memory_space<hbm>>
    tpu.enqueue_indirect_dma source(%dma_start3A_63 : memref<10000x16xf32, #tpu.memory_space<hbm>>) target(%arg18 : memref<80x16xf32, #tpu.memory_space<vmem>>) offsets(%arg9 : memref<80xi32, #tpu.memory_space<vmem>>) semaphore(%arg32 : memref<!tpu.dma_semaphore, #tpu.memory_space<semaphore_mem>>)
    %dma_start3A_64 = arith.constant 0 : i32
    %dma_start3A_65 = arith.constant 0 : i32
    %dma_start3A_66 = tpu.memref_slice %arg6[%dma_start3A_64, %dma_start3A_65] : memref<10000x16xf32, #tpu.memory_space<hbm>> -> memref<10000x16xf32, #tpu.memory_space<hbm>>
    tpu.enqueue_indirect_dma source(%dma_start3A_66 : memref<10000x16xf32, #tpu.memory_space<hbm>>) target(%arg21 : memref<80x16xf32, #tpu.memory_space<vmem>>) offsets(%arg12 : memref<80xi32, #tpu.memory_space<vmem>>) semaphore(%arg35 : memref<!tpu.dma_semaphore, #tpu.memory_space<semaphore_mem>>)
    %add3A_67 = arith.constant 160 : i32
    %add3A_68 = arith.addi %add3A_39, %add3A_67 : i32
    %dma_start3A_69 = tpu.memref_slice %arg2[%add3A_68] : memref<320000xi32, #tpu.memory_space<hbm>> -> memref<80xi32, #tpu.memory_space<hbm>>
    %dma_start3A_70 = tpu.memref_slice %arg2[%add3A_68] : memref<320000xi32, #tpu.memory_space<hbm>> -> memref<80xi32, #tpu.memory_space<hbm>>
    tpu.enqueue_dma source(%dma_start3A_70 : memref<80xi32, #tpu.memory_space<hbm>>) target(%arg11 : memref<80xi32, #tpu.memory_space<vmem>>) target_semaphore(%arg28 : memref<!tpu.dma_semaphore, #tpu.memory_space<semaphore_mem>>)
    %dma_start3A_71 = tpu.memref_slice %arg3[%add3A_68] : memref<320000xi32, #tpu.memory_space<hbm>> -> memref<80xi32, #tpu.memory_space<hbm>>
    %dma_start3A_72 = tpu.memref_slice %arg3[%add3A_68] : memref<320000xi32, #tpu.memory_space<hbm>> -> memref<80xi32, #tpu.memory_space<hbm>>
    tpu.enqueue_dma source(%dma_start3A_72 : memref<80xi32, #tpu.memory_space<hbm>>) target(%arg14 : memref<80xi32, #tpu.memory_space<vmem>>) target_semaphore(%arg28 : memref<!tpu.dma_semaphore, #tpu.memory_space<semaphore_mem>>)
    %dma_wait3A_73 = arith.constant 0 : i32
    %dma_wait3A_74 = tpu.memref_slice %arg2[%dma_wait3A_73] : memref<320000xi32, #tpu.memory_space<hbm>> -> memref<80xi32, #tpu.memory_space<hbm>>
    %dma_wait3A_75 = arith.constant 0 : i32
    %dma_wait3A_76 = tpu.memref_slice %arg2[%dma_wait3A_75] : memref<320000xi32, #tpu.memory_space<hbm>> -> memref<80xi32, #tpu.memory_space<hbm>>
    tpu.wait_dma2 semaphore(%arg27 : memref<!tpu.dma_semaphore, #tpu.memory_space<semaphore_mem>>) src(%dma_wait3A_76 : memref<80xi32, #tpu.memory_space<hbm>>) dst(%arg10 : memref<80xi32, #tpu.memory_space<vmem>>)
    %dma_wait3A_77 = arith.constant 0 : i32
    %dma_wait3A_78 = tpu.memref_slice %arg3[%dma_wait3A_77] : memref<320000xi32, #tpu.memory_space<hbm>> -> memref<80xi32, #tpu.memory_space<hbm>>
    %dma_wait3A_79 = arith.constant 0 : i32
    %dma_wait3A_80 = tpu.memref_slice %arg3[%dma_wait3A_79] : memref<320000xi32, #tpu.memory_space<hbm>> -> memref<80xi32, #tpu.memory_space<hbm>>
    tpu.wait_dma2 semaphore(%arg27 : memref<!tpu.dma_semaphore, #tpu.memory_space<semaphore_mem>>) src(%dma_wait3A_80 : memref<80xi32, #tpu.memory_space<hbm>>) dst(%arg13 : memref<80xi32, #tpu.memory_space<vmem>>)
    %dma_start3A_81 = arith.constant 0 : i32
    %dma_start3A_82 = arith.constant 0 : i32
    %dma_start3A_83 = tpu.memref_slice %arg4[%dma_start3A_81, %dma_start3A_82] : memref<10000x128xf32, #tpu.memory_space<hbm>> -> memref<10000x128xf32, #tpu.memory_space<hbm>>
    tpu.enqueue_indirect_dma source(%dma_start3A_83 : memref<10000x128xf32, #tpu.memory_space<hbm>>) target(%arg16 : memref<80x128xf32, #tpu.memory_space<vmem>>) offsets(%arg10 : memref<80xi32, #tpu.memory_space<vmem>>) semaphore(%arg30 : memref<!tpu.dma_semaphore, #tpu.memory_space<semaphore_mem>>)
    %dma_start3A_84 = arith.constant 0 : i32
    %dma_start3A_85 = arith.constant 0 : i32
    %dma_start3A_86 = tpu.memref_slice %arg5[%dma_start3A_84, %dma_start3A_85] : memref<10000x16xf32, #tpu.memory_space<hbm>> -> memref<10000x16xf32, #tpu.memory_space<hbm>>
    tpu.enqueue_indirect_dma source(%dma_start3A_86 : memref<10000x16xf32, #tpu.memory_space<hbm>>) target(%arg19 : memref<80x16xf32, #tpu.memory_space<vmem>>) offsets(%arg10 : memref<80xi32, #tpu.memory_space<vmem>>) semaphore(%arg33 : memref<!tpu.dma_semaphore, #tpu.memory_space<semaphore_mem>>)
    %dma_start3A_87 = arith.constant 0 : i32
    %dma_start3A_88 = arith.constant 0 : i32
    %dma_start3A_89 = tpu.memref_slice %arg6[%dma_start3A_87, %dma_start3A_88] : memref<10000x16xf32, #tpu.memory_space<hbm>> -> memref<10000x16xf32, #tpu.memory_space<hbm>>
    tpu.enqueue_indirect_dma source(%dma_start3A_89 : memref<10000x16xf32, #tpu.memory_space<hbm>>) target(%arg22 : memref<80x16xf32, #tpu.memory_space<vmem>>) offsets(%arg13 : memref<80xi32, #tpu.memory_space<vmem>>) semaphore(%arg36 : memref<!tpu.dma_semaphore, #tpu.memory_space<semaphore_mem>>)
    %dma_wait3A_90 = arith.constant 0 : i32
    %dma_wait3A_91 = arith.constant 0 : i32
    %dma_wait3A_92 = tpu.memref_slice %arg4[%dma_wait3A_90, %dma_wait3A_91] : memref<10000x128xf32, #tpu.memory_space<hbm>> -> memref<10000x128xf32, #tpu.memory_space<hbm>>
    tpu.wait_indirect_dma semaphore(%arg29 : memref<!tpu.dma_semaphore, #tpu.memory_space<semaphore_mem>>) src(%dma_wait3A_92 : memref<10000x128xf32, #tpu.memory_space<hbm>>) dst(%arg15 : memref<80x128xf32, #tpu.memory_space<vmem>>)
    %dma_wait3A_93 = arith.constant 0 : i32
    %dma_wait3A_94 = arith.constant 0 : i32
    %dma_wait3A_95 = tpu.memref_slice %arg5[%dma_wait3A_93, %dma_wait3A_94] : memref<10000x16xf32, #tpu.memory_space<hbm>> -> memref<10000x16xf32, #tpu.memory_space<hbm>>
    tpu.wait_indirect_dma semaphore(%arg32 : memref<!tpu.dma_semaphore, #tpu.memory_space<semaphore_mem>>) src(%dma_wait3A_95 : memref<10000x16xf32, #tpu.memory_space<hbm>>) dst(%arg18 : memref<80x16xf32, #tpu.memory_space<vmem>>)
    %dma_wait3A_96 = arith.constant 0 : i32
    %dma_wait3A_97 = arith.constant 0 : i32
    %dma_wait3A_98 = tpu.memref_slice %arg6[%dma_wait3A_96, %dma_wait3A_97] : memref<10000x16xf32, #tpu.memory_space<hbm>> -> memref<10000x16xf32, #tpu.memory_space<hbm>>
    tpu.wait_indirect_dma semaphore(%arg35 : memref<!tpu.dma_semaphore, #tpu.memory_space<semaphore_mem>>) src(%dma_wait3A_98 : memref<10000x16xf32, #tpu.memory_space<hbm>>) dst(%arg21 : memref<80x16xf32, #tpu.memory_space<vmem>>)
    %parallel_loop3A = arith.constant 0 : i32
    %parallel_loop3A_99 = arith.constant 80 : i32
    %parallel_loop3A_100 = arith.constant 1 : i32
    scf.for %parallel_loop3A_221 = %parallel_loop3A to %parallel_loop3A_99 step %parallel_loop3A_100  : i32 {
      %parallel_loop3A_222 = arith.index_cast %parallel_loop3A_221 : i32 to index
      %parallel_loop3A_223 = arith.constant 0 : index
      %parallel_loop3A_224 = tpu.vector_load %arg18[%parallel_loop3A_222, %parallel_loop3A_223] {strides = array<i32>} : memref<80x16xf32, #tpu.memory_space<vmem>>, vector<1x16xf32>,
      %parallel_loop3A_225 = vector.shape_cast %parallel_loop3A_224 : vector<1x16xf32> to vector<16xf32>
      %parallel_loop3A_226 = arith.index_cast %parallel_loop3A_221 : i32 to index
      %parallel_loop3A_227 = arith.constant 0 : index
      %parallel_loop3A_228 = tpu.vector_load %arg21[%parallel_loop3A_226, %parallel_loop3A_227] {strides = array<i32>} : memref<80x16xf32, #tpu.memory_space<vmem>>, vector<1x16xf32>,
      %parallel_loop3A_229 = vector.shape_cast %parallel_loop3A_228 : vector<1x16xf32> to vector<16xf32>
      %parallel_loop3A_230 = arith.addf %parallel_loop3A_225, %parallel_loop3A_229 : vector<16xf32>
      %parallel_loop3A_231 = arith.constant 0.000000e+00 : f32
      %parallel_loop3A_232 = vector.broadcast %parallel_loop3A_231 : f32 to vector<16xf32>
      %parallel_loop3A_233 = arith.maximumf %parallel_loop3A_230, %parallel_loop3A_232 : vector<16xf32>
      %parallel_loop3A_234 = arith.constant 0.000000e+00 : f32
      %parallel_loop3A_235 = vector.broadcast %parallel_loop3A_234 : f32 to vector<16xf32>
      %parallel_loop3A_236 = arith.minimumf %parallel_loop3A_230, %parallel_loop3A_235 : vector<16xf32>
      %parallel_loop3A_237 = arith.constant 2.000000e-01 : f32
      %parallel_loop3A_238 = vector.broadcast %parallel_loop3A_237 : f32 to vector<16xf32>
      %parallel_loop3A_239 = arith.mulf %parallel_loop3A_238, %parallel_loop3A_236 : vector<16xf32>
      %parallel_loop3A_240 = arith.addf %parallel_loop3A_233, %parallel_loop3A_239 : vector<16xf32>
      %parallel_loop3A_241 = math.exp %parallel_loop3A_240 : vector<16xf32>
      %parallel_loop3A_242 = arith.index_cast %parallel_loop3A_221 : i32 to index
      %parallel_loop3A_243 = arith.constant 0 : index
      %parallel_loop3A_244 = tpu.vector_load %arg18[%parallel_loop3A_242, %parallel_loop3A_243] {strides = array<i32>} : memref<80x16xf32, #tpu.memory_space<vmem>>, vector<1x16xf32>,
      %parallel_loop3A_245 = vector.shape_cast %parallel_loop3A_244 : vector<1x16xf32> to vector<16xf32>
      %parallel_loop3A_246 = vector.shape_cast %parallel_loop3A_241 : vector<16xf32> to vector<1x16xf32>
      tpu.vector_store %arg18[%parallel_loop3A_242, %parallel_loop3A_243], %parallel_loop3A_246 {strides = array<i32>} : memref<80x16xf32, #tpu.memory_space<vmem>>, vector<1x16xf32>,
      %parallel_loop3A_247 = arith.constant 0 : i32
      %parallel_loop3A_248 = vector.broadcast %parallel_loop3A_247 : i32 to vector<16x1xi32>
      %parallel_loop3A_249 = vector.shape_cast %parallel_loop3A_248 : vector<16x1xi32> to vector<16xi32>
      %parallel_loop3A_250 = tpu.dynamic_gather %parallel_loop3A_241[%parallel_loop3A_249] in [0] : vector<16xf32>, vector<16xi32> -> vector<16xf32>
      %parallel_loop3A_251 = arith.index_cast %parallel_loop3A_221 : i32 to index
      %parallel_loop3A_252 = arith.constant 0 : index
      %parallel_loop3A_253 = tpu.vector_load %arg15[%parallel_loop3A_251, %parallel_loop3A_252] {strides = array<i32>} : memref<80x128xf32, #tpu.memory_space<vmem>>, vector<1x16xf32>,
      %parallel_loop3A_254 = vector.shape_cast %parallel_loop3A_253 : vector<1x16xf32> to vector<16xf32>
      %parallel_loop3A_255 = arith.mulf %parallel_loop3A_254, %parallel_loop3A_250 : vector<16xf32>
      %parallel_loop3A_256 = arith.index_cast %parallel_loop3A_221 : i32 to index
      %parallel_loop3A_257 = arith.constant 0 : index
      %parallel_loop3A_258 = tpu.vector_load %arg15[%parallel_loop3A_256, %parallel_loop3A_257] {strides = array<i32>} : memref<80x128xf32, #tpu.memory_space<vmem>>, vector<1x16xf32>,
      %parallel_loop3A_259 = vector.shape_cast %parallel_loop3A_258 : vector<1x16xf32> to vector<16xf32>
      %parallel_loop3A_260 = vector.shape_cast %parallel_loop3A_255 : vector<16xf32> to vector<1x16xf32>
      tpu.vector_store %arg15[%parallel_loop3A_256, %parallel_loop3A_257], %parallel_loop3A_260 {strides = array<i32>} : memref<80x128xf32, #tpu.memory_space<vmem>>, vector<1x16xf32>,
      %parallel_loop3A_261 = arith.constant 1 : i32
      %parallel_loop3A_262 = vector.broadcast %parallel_loop3A_261 : i32 to vector<16x1xi32>
      %parallel_loop3A_263 = vector.shape_cast %parallel_loop3A_262 : vector<16x1xi32> to vector<16xi32>
      %parallel_loop3A_264 = tpu.dynamic_gather %parallel_loop3A_241[%parallel_loop3A_263] in [0] : vector<16xf32>, vector<16xi32> -> vector<16xf32>
      %parallel_loop3A_265 = arith.index_cast %parallel_loop3A_221 : i32 to index
      %parallel_loop3A_266 = arith.constant 16 : index
      %parallel_loop3A_267 = tpu.vector_load %arg15[%parallel_loop3A_265, %parallel_loop3A_266] {strides = array<i32>} : memref<80x128xf32, #tpu.memory_space<vmem>>, vector<1x16xf32>,
      %parallel_loop3A_268 = vector.shape_cast %parallel_loop3A_267 : vector<1x16xf32> to vector<16xf32>
      %parallel_loop3A_269 = arith.mulf %parallel_loop3A_268, %parallel_loop3A_264 : vector<16xf32>
      %parallel_loop3A_270 = arith.index_cast %parallel_loop3A_221 : i32 to index
      %parallel_loop3A_271 = arith.constant 16 : index
      %parallel_loop3A_272 = tpu.vector_load %arg15[%parallel_loop3A_270, %parallel_loop3A_271] {strides = array<i32>} : memref<80x128xf32, #tpu.memory_space<vmem>>, vector<1x16xf32>,
      %parallel_loop3A_273 = vector.shape_cast %parallel_loop3A_272 : vector<1x16xf32> to vector<16xf32>
      %parallel_loop3A_274 = vector.shape_cast %parallel_loop3A_269 : vector<16xf32> to vector<1x16xf32>
      tpu.vector_store %arg15[%parallel_loop3A_270, %parallel_loop3A_271], %parallel_loop3A_274 {strides = array<i32>} : memref<80x128xf32, #tpu.memory_space<vmem>>, vector<1x16xf32>,
      %parallel_loop3A_275 = arith.constant 2 : i32
      %parallel_loop3A_276 = vector.broadcast %parallel_loop3A_275 : i32 to vector<16x1xi32>
      %parallel_loop3A_277 = vector.shape_cast %parallel_loop3A_276 : vector<16x1xi32> to vector<16xi32>
      %parallel_loop3A_278 = tpu.dynamic_gather %parallel_loop3A_241[%parallel_loop3A_277] in [0] : vector<16xf32>, vector<16xi32> -> vector<16xf32>
      %parallel_loop3A_279 = arith.index_cast %parallel_loop3A_221 : i32 to index
      %parallel_loop3A_280 = arith.constant 32 : index
      %parallel_loop3A_281 = tpu.vector_load %arg15[%parallel_loop3A_279, %parallel_loop3A_280] {strides = array<i32>} : memref<80x128xf32, #tpu.memory_space<vmem>>, vector<1x16xf32>,
      %parallel_loop3A_282 = vector.shape_cast %parallel_loop3A_281 : vector<1x16xf32> to vector<16xf32>
      %parallel_loop3A_283 = arith.mulf %parallel_loop3A_282, %parallel_loop3A_278 : vector<16xf32>
      %parallel_loop3A_284 = arith.index_cast %parallel_loop3A_221 : i32 to index
      %parallel_loop3A_285 = arith.constant 32 : index
      %parallel_loop3A_286 = tpu.vector_load %arg15[%parallel_loop3A_284, %parallel_loop3A_285] {strides = array<i32>} : memref<80x128xf32, #tpu.memory_space<vmem>>, vector<1x16xf32>,
      %parallel_loop3A_287 = vector.shape_cast %parallel_loop3A_286 : vector<1x16xf32> to vector<16xf32>
      %parallel_loop3A_288 = vector.shape_cast %parallel_loop3A_283 : vector<16xf32> to vector<1x16xf32>
      tpu.vector_store %arg15[%parallel_loop3A_284, %parallel_loop3A_285], %parallel_loop3A_288 {strides = array<i32>} : memref<80x128xf32, #tpu.memory_space<vmem>>, vector<1x16xf32>,
      %parallel_loop3A_289 = arith.constant 3 : i32
      %parallel_loop3A_290 = vector.broadcast %parallel_loop3A_289 : i32 to vector<16x1xi32>
      %parallel_loop3A_291 = vector.shape_cast %parallel_loop3A_290 : vector<16x1xi32> to vector<16xi32>
      %parallel_loop3A_292 = tpu.dynamic_gather %parallel_loop3A_241[%parallel_loop3A_291] in [0] : vector<16xf32>, vector<16xi32> -> vector<16xf32>
      %parallel_loop3A_293 = arith.index_cast %parallel_loop3A_221 : i32 to index
      %parallel_loop3A_294 = arith.constant 48 : index
      %parallel_loop3A_295 = tpu.vector_load %arg15[%parallel_loop3A_293, %parallel_loop3A_294] {strides = array<i32>} : memref<80x128xf32, #tpu.memory_space<vmem>>, vector<1x16xf32>,
      %parallel_loop3A_296 = vector.shape_cast %parallel_loop3A_295 : vector<1x16xf32> to vector<16xf32>
      %parallel_loop3A_297 = arith.mulf %parallel_loop3A_296, %parallel_loop3A_292 : vector<16xf32>
      %parallel_loop3A_298 = arith.index_cast %parallel_loop3A_221 : i32 to index
      %parallel_loop3A_299 = arith.constant 48 : index
      %parallel_loop3A_300 = tpu.vector_load %arg15[%parallel_loop3A_298, %parallel_loop3A_299] {strides = array<i32>} : memref<80x128xf32, #tpu.memory_space<vmem>>, vector<1x16xf32>,
      %parallel_loop3A_301 = vector.shape_cast %parallel_loop3A_300 : vector<1x16xf32> to vector<16xf32>
      %parallel_loop3A_302 = vector.shape_cast %parallel_loop3A_297 : vector<16xf32> to vector<1x16xf32>
      tpu.vector_store %arg15[%parallel_loop3A_298, %parallel_loop3A_299], %parallel_loop3A_302 {strides = array<i32>} : memref<80x128xf32, #tpu.memory_space<vmem>>, vector<1x16xf32>,
      %parallel_loop3A_303 = arith.constant 4 : i32
      %parallel_loop3A_304 = vector.broadcast %parallel_loop3A_303 : i32 to vector<16x1xi32>
      %parallel_loop3A_305 = vector.shape_cast %parallel_loop3A_304 : vector<16x1xi32> to vector<16xi32>
      %parallel_loop3A_306 = tpu.dynamic_gather %parallel_loop3A_241[%parallel_loop3A_305] in [0] : vector<16xf32>, vector<16xi32> -> vector<16xf32>
      %parallel_loop3A_307 = arith.index_cast %parallel_loop3A_221 : i32 to index
      %parallel_loop3A_308 = arith.constant 64 : index
      %parallel_loop3A_309 = tpu.vector_load %arg15[%parallel_loop3A_307, %parallel_loop3A_308] {strides = array<i32>} : memref<80x128xf32, #tpu.memory_space<vmem>>, vector<1x16xf32>,
      %parallel_loop3A_310 = vector.shape_cast %parallel_loop3A_309 : vector<1x16xf32> to vector<16xf32>
      %parallel_loop3A_311 = arith.mulf %parallel_loop3A_310, %parallel_loop3A_306 : vector<16xf32>
      %parallel_loop3A_312 = arith.index_cast %parallel_loop3A_221 : i32 to index
      %parallel_loop3A_313 = arith.constant 64 : index
      %parallel_loop3A_314 = tpu.vector_load %arg15[%parallel_loop3A_312, %parallel_loop3A_313] {strides = array<i32>} : memref<80x128xf32, #tpu.memory_space<vmem>>, vector<1x16xf32>,
      %parallel_loop3A_315 = vector.shape_cast %parallel_loop3A_314 : vector<1x16xf32> to vector<16xf32>
      %parallel_loop3A_316 = vector.shape_cast %parallel_loop3A_311 : vector<16xf32> to vector<1x16xf32>
      tpu.vector_store %arg15[%parallel_loop3A_312, %parallel_loop3A_313], %parallel_loop3A_316 {strides = array<i32>} : memref<80x128xf32, #tpu.memory_space<vmem>>, vector<1x16xf32>,
      %parallel_loop3A_317 = arith.constant 5 : i32
      %parallel_loop3A_318 = vector.broadcast %parallel_loop3A_317 : i32 to vector<16x1xi32>
      %parallel_loop3A_319 = vector.shape_cast %parallel_loop3A_318 : vector<16x1xi32> to vector<16xi32>
      %parallel_loop3A_320 = tpu.dynamic_gather %parallel_loop3A_241[%parallel_loop3A_319] in [0] : vector<16xf32>, vector<16xi32> -> vector<16xf32>
      %parallel_loop3A_321 = arith.index_cast %parallel_loop3A_221 : i32 to index
      %parallel_loop3A_322 = arith.constant 80 : index
      %parallel_loop3A_323 = tpu.vector_load %arg15[%parallel_loop3A_321, %parallel_loop3A_322] {strides = array<i32>} : memref<80x128xf32, #tpu.memory_space<vmem>>, vector<1x16xf32>,
      %parallel_loop3A_324 = vector.shape_cast %parallel_loop3A_323 : vector<1x16xf32> to vector<16xf32>
      %parallel_loop3A_325 = arith.mulf %parallel_loop3A_324, %parallel_loop3A_320 : vector<16xf32>
      %parallel_loop3A_326 = arith.index_cast %parallel_loop3A_221 : i32 to index
      %parallel_loop3A_327 = arith.constant 80 : index
      %parallel_loop3A_328 = tpu.vector_load %arg15[%parallel_loop3A_326, %parallel_loop3A_327] {strides = array<i32>} : memref<80x128xf32, #tpu.memory_space<vmem>>, vector<1x16xf32>,
      %parallel_loop3A_329 = vector.shape_cast %parallel_loop3A_328 : vector<1x16xf32> to vector<16xf32>
      %parallel_loop3A_330 = vector.shape_cast %parallel_loop3A_325 : vector<16xf32> to vector<1x16xf32>
      tpu.vector_store %arg15[%parallel_loop3A_326, %parallel_loop3A_327], %parallel_loop3A_330 {strides = array<i32>} : memref<80x128xf32, #tpu.memory_space<vmem>>, vector<1x16xf32>,
      %parallel_loop3A_331 = arith.constant 6 : i32
      %parallel_loop3A_332 = vector.broadcast %parallel_loop3A_331 : i32 to vector<16x1xi32>
      %parallel_loop3A_333 = vector.shape_cast %parallel_loop3A_332 : vector<16x1xi32> to vector<16xi32>
      %parallel_loop3A_334 = tpu.dynamic_gather %parallel_loop3A_241[%parallel_loop3A_333] in [0] : vector<16xf32>, vector<16xi32> -> vector<16xf32>
      %parallel_loop3A_335 = arith.index_cast %parallel_loop3A_221 : i32 to index
      %parallel_loop3A_336 = arith.constant 96 : index
      %parallel_loop3A_337 = tpu.vector_load %arg15[%parallel_loop3A_335, %parallel_loop3A_336] {strides = array<i32>} : memref<80x128xf32, #tpu.memory_space<vmem>>, vector<1x16xf32>,
      %parallel_loop3A_338 = vector.shape_cast %parallel_loop3A_337 : vector<1x16xf32> to vector<16xf32>
      %parallel_loop3A_339 = arith.mulf %parallel_loop3A_338, %parallel_loop3A_334 : vector<16xf32>
      %parallel_loop3A_340 = arith.index_cast %parallel_loop3A_221 : i32 to index
      %parallel_loop3A_341 = arith.constant 96 : index
      %parallel_loop3A_342 = tpu.vector_load %arg15[%parallel_loop3A_340, %parallel_loop3A_341] {strides = array<i32>} : memref<80x128xf32, #tpu.memory_space<vmem>>, vector<1x16xf32>,
      %parallel_loop3A_343 = vector.shape_cast %parallel_loop3A_342 : vector<1x16xf32> to vector<16xf32>
      %parallel_loop3A_344 = vector.shape_cast %parallel_loop3A_339 : vector<16xf32> to vector<1x16xf32>
      tpu.vector_store %arg15[%parallel_loop3A_340, %parallel_loop3A_341], %parallel_loop3A_344 {strides = array<i32>} : memref<80x128xf32, #tpu.memory_space<vmem>>, vector<1x16xf32>,
      %parallel_loop3A_345 = arith.constant 7 : i32
      %parallel_loop3A_346 = vector.broadcast %parallel_loop3A_345 : i32 to vector<16x1xi32>
      %parallel_loop3A_347 = vector.shape_cast %parallel_loop3A_346 : vector<16x1xi32> to vector<16xi32>
      %parallel_loop3A_348 = tpu.dynamic_gather %parallel_loop3A_241[%parallel_loop3A_347] in [0] : vector<16xf32>, vector<16xi32> -> vector<16xf32>
      %parallel_loop3A_349 = arith.index_cast %parallel_loop3A_221 : i32 to index
      %parallel_loop3A_350 = arith.constant 112 : index
      %parallel_loop3A_351 = tpu.vector_load %arg15[%parallel_loop3A_349, %parallel_loop3A_350] {strides = array<i32>} : memref<80x128xf32, #tpu.memory_space<vmem>>, vector<1x16xf32>,
      %parallel_loop3A_352 = vector.shape_cast %parallel_loop3A_351 : vector<1x16xf32> to vector<16xf32>
      %parallel_loop3A_353 = arith.mulf %parallel_loop3A_352, %parallel_loop3A_348 : vector<16xf32>
      %parallel_loop3A_354 = arith.index_cast %parallel_loop3A_221 : i32 to index
      %parallel_loop3A_355 = arith.constant 112 : index
      %parallel_loop3A_356 = tpu.vector_load %arg15[%parallel_loop3A_354, %parallel_loop3A_355] {strides = array<i32>} : memref<80x128xf32, #tpu.memory_space<vmem>>, vector<1x16xf32>,
      %parallel_loop3A_357 = vector.shape_cast %parallel_loop3A_356 : vector<1x16xf32> to vector<16xf32>
      %parallel_loop3A_358 = vector.shape_cast %parallel_loop3A_353 : vector<16xf32> to vector<1x16xf32>
      tpu.vector_store %arg15[%parallel_loop3A_354, %parallel_loop3A_355], %parallel_loop3A_358 {strides = array<i32>} : memref<80x128xf32, #tpu.memory_space<vmem>>, vector<1x16xf32>,
    } {sc.loop_unroll_factor = 2 : i64, sc.parallel_access}
    "tpu.region"() ({
      %run_scoped3A = tpu.sem_alloc : memref<!tpu.dma_semaphore, #tpu.memory_space<semaphore_mem>>
      %dma_start3A_221 = arith.constant 0 : i32
      %dma_start3A_222 = arith.constant 0 : i32
      %dma_start3A_223 = tpu.memref_slice %arg24[%dma_start3A_221, %dma_start3A_222] : memref<10240x128xf32, #tpu.memory_space<vmem_shared>> -> memref<10240x128xf32, #tpu.memory_space<vmem_shared>>
      tpu.enqueue_indirect_dma source(%arg15 : memref<80x128xf32, #tpu.memory_space<vmem>>) target(%dma_start3A_223 : memref<10240x128xf32, #tpu.memory_space<vmem_shared>>) offsets(%arg12 : memref<80xi32, #tpu.memory_space<vmem>>) semaphore(%run_scoped3A : memref<!tpu.dma_semaphore, #tpu.memory_space<semaphore_mem>>) {add = true}
      %dma_wait3A_224 = arith.constant 0 : i32
      %dma_wait3A_225 = arith.constant 0 : i32
      %dma_wait3A_226 = tpu.memref_slice %arg24[%dma_wait3A_224, %dma_wait3A_225] : memref<10240x128xf32, #tpu.memory_space<vmem_shared>> -> memref<10240x128xf32, #tpu.memory_space<vmem_shared>>
      tpu.wait_indirect_dma semaphore(%run_scoped3A : memref<!tpu.dma_semaphore, #tpu.memory_space<semaphore_mem>>) src(%arg15 : memref<80x128xf32, #tpu.memory_space<vmem>>) dst(%dma_wait3A_226 : memref<10240x128xf32, #tpu.memory_space<vmem_shared>>)
      tpu.yield
    }) : () -> ()
    "tpu.region"() ({
      %run_scoped3A = tpu.sem_alloc : memref<!tpu.dma_semaphore, #tpu.memory_space<semaphore_mem>>
      %dma_start3A_221 = arith.constant 0 : i32
      %dma_start3A_222 = arith.constant 0 : i32
      %dma_start3A_223 = tpu.memref_slice %arg25[%dma_start3A_221, %dma_start3A_222] : memref<10240x16xf32, #tpu.memory_space<vmem_shared>> -> memref<10240x16xf32, #tpu.memory_space<vmem_shared>>
      tpu.enqueue_indirect_dma source(%arg18 : memref<80x16xf32, #tpu.memory_space<vmem>>) target(%dma_start3A_223 : memref<10240x16xf32, #tpu.memory_space<vmem_shared>>) offsets(%arg12 : memref<80xi32, #tpu.memory_space<vmem>>) semaphore(%run_scoped3A : memref<!tpu.dma_semaphore, #tpu.memory_space<semaphore_mem>>) {add = true}
      %dma_wait3A_224 = arith.constant 0 : i32
      %dma_wait3A_225 = arith.constant 0 : i32
      %dma_wait3A_226 = tpu.memref_slice %arg25[%dma_wait3A_224, %dma_wait3A_225] : memref<10240x16xf32, #tpu.memory_space<vmem_shared>> -> memref<10240x16xf32, #tpu.memory_space<vmem_shared>>
      tpu.wait_indirect_dma semaphore(%run_scoped3A : memref<!tpu.dma_semaphore, #tpu.memory_space<semaphore_mem>>) src(%arg18 : memref<80x16xf32, #tpu.memory_space<vmem>>) dst(%dma_wait3A_226 : memref<10240x16xf32, #tpu.memory_space<vmem_shared>>)
      tpu.yield
    }) : () -> ()
    %scan3A_101 = arith.constant 0 : i32
    %scan3A_102 = arith.constant 0 : i32
    %scan3A_103 = arith.constant 40 : i32
    %scan3A_104 = arith.addi %scan3A_102, %scan3A_103 : i32
    %scan3A_105 = arith.constant 1 : i32
    scf.for %scan3A_221 = %scan3A_102 to %scan3A_104 step %scan3A_105  : i32 {
      %mul3A_222 = arith.constant 3 : i32
      %mul3A_223 = arith.muli %mul3A_222, %scan3A_221 : i32
      %add3A_224 = arith.constant 1 : i32
      %add3A_225 = arith.addi %mul3A_223, %add3A_224 : i32
      %add3A_226 = arith.constant 2 : i32
      %add3A_227 = arith.addi %add3A_225, %add3A_226 : i32
      %mul3A_228 = arith.constant 80 : i32
      %mul3A_229 = arith.muli %add3A_227, %mul3A_228 : i32
      %add3A_230 = arith.addi %add3A_39, %mul3A_229 : i32
      %dma_start3A_231 = tpu.memref_slice %arg2[%add3A_230] : memref<320000xi32, #tpu.memory_space<hbm>> -> memref<80xi32, #tpu.memory_space<hbm>>
      %dma_start3A_232 = tpu.memref_slice %arg2[%add3A_230] : memref<320000xi32, #tpu.memory_space<hbm>> -> memref<80xi32, #tpu.memory_space<hbm>>
      tpu.enqueue_dma source(%dma_start3A_232 : memref<80xi32, #tpu.memory_space<hbm>>) target(%arg9 : memref<80xi32, #tpu.memory_space<vmem>>) target_semaphore(%arg26 : memref<!tpu.dma_semaphore, #tpu.memory_space<semaphore_mem>>)
      %dma_start3A_233 = tpu.memref_slice %arg3[%add3A_230] : memref<320000xi32, #tpu.memory_space<hbm>> -> memref<80xi32, #tpu.memory_space<hbm>>
      %dma_start3A_234 = tpu.memref_slice %arg3[%add3A_230] : memref<320000xi32, #tpu.memory_space<hbm>> -> memref<80xi32, #tpu.memory_space<hbm>>
      tpu.enqueue_dma source(%dma_start3A_234 : memref<80xi32, #tpu.memory_space<hbm>>) target(%arg12 : memref<80xi32, #tpu.memory_space<vmem>>) target_semaphore(%arg26 : memref<!tpu.dma_semaphore, #tpu.memory_space<semaphore_mem>>)
      %dma_wait3A_235 = arith.constant 0 : i32
      %dma_wait3A_236 = tpu.memref_slice %arg2[%dma_wait3A_235] : memref<320000xi32, #tpu.memory_space<hbm>> -> memref<80xi32, #tpu.memory_space<hbm>>
      %dma_wait3A_237 = arith.constant 0 : i32
      %dma_wait3A_238 = tpu.memref_slice %arg2[%dma_wait3A_237] : memref<320000xi32, #tpu.memory_space<hbm>> -> memref<80xi32, #tpu.memory_space<hbm>>
      tpu.wait_dma2 semaphore(%arg28 : memref<!tpu.dma_semaphore, #tpu.memory_space<semaphore_mem>>) src(%dma_wait3A_238 : memref<80xi32, #tpu.memory_space<hbm>>) dst(%arg11 : memref<80xi32, #tpu.memory_space<vmem>>)
      %dma_wait3A_239 = arith.constant 0 : i32
      %dma_wait3A_240 = tpu.memref_slice %arg3[%dma_wait3A_239] : memref<320000xi32, #tpu.memory_space<hbm>> -> memref<80xi32, #tpu.memory_space<hbm>>
      %dma_wait3A_241 = arith.constant 0 : i32
      %dma_wait3A_242 = tpu.memref_slice %arg3[%dma_wait3A_241] : memref<320000xi32, #tpu.memory_space<hbm>> -> memref<80xi32, #tpu.memory_space<hbm>>
      tpu.wait_dma2 semaphore(%arg28 : memref<!tpu.dma_semaphore, #tpu.memory_space<semaphore_mem>>) src(%dma_wait3A_242 : memref<80xi32, #tpu.memory_space<hbm>>) dst(%arg14 : memref<80xi32, #tpu.memory_space<vmem>>)
      %dma_start3A_243 = arith.constant 0 : i32
      %dma_start3A_244 = arith.constant 0 : i32
      %dma_start3A_245 = tpu.memref_slice %arg4[%dma_start3A_243, %dma_start3A_244] : memref<10000x128xf32, #tpu.memory_space<hbm>> -> memref<10000x128xf32, #tpu.memory_space<hbm>>
      tpu.enqueue_indirect_dma source(%dma_start3A_245 : memref<10000x128xf32, #tpu.memory_space<hbm>>) target(%arg17 : memref<80x128xf32, #tpu.memory_space<vmem>>) offsets(%arg11 : memref<80xi32, #tpu.memory_space<vmem>>) semaphore(%arg31 : memref<!tpu.dma_semaphore, #tpu.memory_space<semaphore_mem>>)
      %dma_start3A_246 = arith.constant 0 : i32
      %dma_start3A_247 = arith.constant 0 : i32
      %dma_start3A_248 = tpu.memref_slice %arg5[%dma_start3A_246, %dma_start3A_247] : memref<10000x16xf32, #tpu.memory_space<hbm>> -> memref<10000x16xf32, #tpu.memory_space<hbm>>
      tpu.enqueue_indirect_dma source(%dma_start3A_248 : memref<10000x16xf32, #tpu.memory_space<hbm>>) target(%arg20 : memref<80x16xf32, #tpu.memory_space<vmem>>) offsets(%arg11 : memref<80xi32, #tpu.memory_space<vmem>>) semaphore(%arg34 : memref<!tpu.dma_semaphore, #tpu.memory_space<semaphore_mem>>)
      %dma_start3A_249 = arith.constant 0 : i32
      %dma_start3A_250 = arith.constant 0 : i32
      %dma_start3A_251 = tpu.memref_slice %arg6[%dma_start3A_249, %dma_start3A_250] : memref<10000x16xf32, #tpu.memory_space<hbm>> -> memref<10000x16xf32, #tpu.memory_space<hbm>>
      tpu.enqueue_indirect_dma source(%dma_start3A_251 : memref<10000x16xf32, #tpu.memory_space<hbm>>) target(%arg23 : memref<80x16xf32, #tpu.memory_space<vmem>>) offsets(%arg14 : memref<80xi32, #tpu.memory_space<vmem>>) semaphore(%arg37 : memref<!tpu.dma_semaphore, #tpu.memory_space<semaphore_mem>>)
      %dma_wait3A_252 = arith.constant 0 : i32
      %dma_wait3A_253 = arith.constant 0 : i32
      %dma_wait3A_254 = tpu.memref_slice %arg4[%dma_wait3A_252, %dma_wait3A_253] : memref<10000x128xf32, #tpu.memory_space<hbm>> -> memref<10000x128xf32, #tpu.memory_space<hbm>>
      tpu.wait_indirect_dma semaphore(%arg30 : memref<!tpu.dma_semaphore, #tpu.memory_space<semaphore_mem>>) src(%dma_wait3A_254 : memref<10000x128xf32, #tpu.memory_space<hbm>>) dst(%arg16 : memref<80x128xf32, #tpu.memory_space<vmem>>)
      %dma_wait3A_255 = arith.constant 0 : i32
      %dma_wait3A_256 = arith.constant 0 : i32
      %dma_wait3A_257 = tpu.memref_slice %arg5[%dma_wait3A_255, %dma_wait3A_256] : memref<10000x16xf32, #tpu.memory_space<hbm>> -> memref<10000x16xf32, #tpu.memory_space<hbm>>
      tpu.wait_indirect_dma semaphore(%arg33 : memref<!tpu.dma_semaphore, #tpu.memory_space<semaphore_mem>>) src(%dma_wait3A_257 : memref<10000x16xf32, #tpu.memory_space<hbm>>) dst(%arg19 : memref<80x16xf32, #tpu.memory_space<vmem>>)
      %dma_wait3A_258 = arith.constant 0 : i32
      %dma_wait3A_259 = arith.constant 0 : i32
      %dma_wait3A_260 = tpu.memref_slice %arg6[%dma_wait3A_258, %dma_wait3A_259] : memref<10000x16xf32, #tpu.memory_space<hbm>> -> memref<10000x16xf32, #tpu.memory_space<hbm>>
      tpu.wait_indirect_dma semaphore(%arg36 : memref<!tpu.dma_semaphore, #tpu.memory_space<semaphore_mem>>) src(%dma_wait3A_260 : memref<10000x16xf32, #tpu.memory_space<hbm>>) dst(%arg22 : memref<80x16xf32, #tpu.memory_space<vmem>>)
      %parallel_loop3A_261 = arith.constant 0 : i32
      %parallel_loop3A_262 = arith.constant 80 : i32
      %parallel_loop3A_263 = arith.constant 1 : i32
      scf.for %parallel_loop3A_344 = %parallel_loop3A_261 to %parallel_loop3A_262 step %parallel_loop3A_263  : i32 {
        %parallel_loop3A_345 = arith.index_cast %parallel_loop3A_344 : i32 to index
        %parallel_loop3A_346 = arith.constant 0 : index
        %parallel_loop3A_347 = tpu.vector_load %arg19[%parallel_loop3A_345, %parallel_loop3A_346] {strides = array<i32>} : memref<80x16xf32, #tpu.memory_space<vmem>>, vector<1x16xf32>,
        %parallel_loop3A_348 = vector.shape_cast %parallel_loop3A_347 : vector<1x16xf32> to vector<16xf32>
        %parallel_loop3A_349 = arith.index_cast %parallel_loop3A_344 : i32 to index
        %parallel_loop3A_350 = arith.constant 0 : index
        %parallel_loop3A_351 = tpu.vector_load %arg22[%parallel_loop3A_349, %parallel_loop3A_350] {strides = array<i32>} : memref<80x16xf32, #tpu.memory_space<vmem>>, vector<1x16xf32>,
        %parallel_loop3A_352 = vector.shape_cast %parallel_loop3A_351 : vector<1x16xf32> to vector<16xf32>
        %parallel_loop3A_353 = arith.addf %parallel_loop3A_348, %parallel_loop3A_352 : vector<16xf32>
        %parallel_loop3A_354 = arith.constant 0.000000e+00 : f32
        %parallel_loop3A_355 = vector.broadcast %parallel_loop3A_354 : f32 to vector<16xf32>
        %parallel_loop3A_356 = arith.maximumf %parallel_loop3A_353, %parallel_loop3A_355 : vector<16xf32>
        %parallel_loop3A_357 = arith.constant 0.000000e+00 : f32
        %parallel_loop3A_358 = vector.broadcast %parallel_loop3A_357 : f32 to vector<16xf32>
        %parallel_loop3A_359 = arith.minimumf %parallel_loop3A_353, %parallel_loop3A_358 : vector<16xf32>
        %parallel_loop3A_360 = arith.constant 2.000000e-01 : f32
        %parallel_loop3A_361 = vector.broadcast %parallel_loop3A_360 : f32 to vector<16xf32>
        %parallel_loop3A_362 = arith.mulf %parallel_loop3A_361, %parallel_loop3A_359 : vector<16xf32>
        %parallel_loop3A_363 = arith.addf %parallel_loop3A_356, %parallel_loop3A_362 : vector<16xf32>
        %parallel_loop3A_364 = math.exp %parallel_loop3A_363 : vector<16xf32>
        %parallel_loop3A_365 = arith.index_cast %parallel_loop3A_344 : i32 to index
        %parallel_loop3A_366 = arith.constant 0 : index
        %parallel_loop3A_367 = tpu.vector_load %arg19[%parallel_loop3A_365, %parallel_loop3A_366] {strides = array<i32>} : memref<80x16xf32, #tpu.memory_space<vmem>>, vector<1x16xf32>,
        %parallel_loop3A_368 = vector.shape_cast %parallel_loop3A_367 : vector<1x16xf32> to vector<16xf32>
        %parallel_loop3A_369 = vector.shape_cast %parallel_loop3A_364 : vector<16xf32> to vector<1x16xf32>
        tpu.vector_store %arg19[%parallel_loop3A_365, %parallel_loop3A_366], %parallel_loop3A_369 {strides = array<i32>} : memref<80x16xf32, #tpu.memory_space<vmem>>, vector<1x16xf32>,
        %parallel_loop3A_370 = arith.constant 0 : i32
        %parallel_loop3A_371 = vector.broadcast %parallel_loop3A_370 : i32 to vector<16x1xi32>
        %parallel_loop3A_372 = vector.shape_cast %parallel_loop3A_371 : vector<16x1xi32> to vector<16xi32>
        %parallel_loop3A_373 = tpu.dynamic_gather %parallel_loop3A_364[%parallel_loop3A_372] in [0] : vector<16xf32>, vector<16xi32> -> vector<16xf32>
        %parallel_loop3A_374 = arith.index_cast %parallel_loop3A_344 : i32 to index
        %parallel_loop3A_375 = arith.constant 0 : index
        %parallel_loop3A_376 = tpu.vector_load %arg16[%parallel_loop3A_374, %parallel_loop3A_375] {strides = array<i32>} : memref<80x128xf32, #tpu.memory_space<vmem>>, vector<1x16xf32>,
        %parallel_loop3A_377 = vector.shape_cast %parallel_loop3A_376 : vector<1x16xf32> to vector<16xf32>
        %parallel_loop3A_378 = arith.mulf %parallel_loop3A_377, %parallel_loop3A_373 : vector<16xf32>
        %parallel_loop3A_379 = arith.index_cast %parallel_loop3A_344 : i32 to index
        %parallel_loop3A_380 = arith.constant 0 : index
        %parallel_loop3A_381 = tpu.vector_load %arg16[%parallel_loop3A_379, %parallel_loop3A_380] {strides = array<i32>} : memref<80x128xf32, #tpu.memory_space<vmem>>, vector<1x16xf32>,
        %parallel_loop3A_382 = vector.shape_cast %parallel_loop3A_381 : vector<1x16xf32> to vector<16xf32>
        %parallel_loop3A_383 = vector.shape_cast %parallel_loop3A_378 : vector<16xf32> to vector<1x16xf32>
        tpu.vector_store %arg16[%parallel_loop3A_379, %parallel_loop3A_380], %parallel_loop3A_383 {strides = array<i32>} : memref<80x128xf32, #tpu.memory_space<vmem>>, vector<1x16xf32>,
        %parallel_loop3A_384 = arith.constant 1 : i32
        %parallel_loop3A_385 = vector.broadcast %parallel_loop3A_384 : i32 to vector<16x1xi32>
        %parallel_loop3A_386 = vector.shape_cast %parallel_loop3A_385 : vector<16x1xi32> to vector<16xi32>
        %parallel_loop3A_387 = tpu.dynamic_gather %parallel_loop3A_364[%parallel_loop3A_386] in [0] : vector<16xf32>, vector<16xi32> -> vector<16xf32>
        %parallel_loop3A_388 = arith.index_cast %parallel_loop3A_344 : i32 to index
        %parallel_loop3A_389 = arith.constant 16 : index
        %parallel_loop3A_390 = tpu.vector_load %arg16[%parallel_loop3A_388, %parallel_loop3A_389] {strides = array<i32>} : memref<80x128xf32, #tpu.memory_space<vmem>>, vector<1x16xf32>,
        %parallel_loop3A_391 = vector.shape_cast %parallel_loop3A_390 : vector<1x16xf32> to vector<16xf32>
        %parallel_loop3A_392 = arith.mulf %parallel_loop3A_391, %parallel_loop3A_387 : vector<16xf32>
        %parallel_loop3A_393 = arith.index_cast %parallel_loop3A_344 : i32 to index
        %parallel_loop3A_394 = arith.constant 16 : index
        %parallel_loop3A_395 = tpu.vector_load %arg16[%parallel_loop3A_393, %parallel_loop3A_394] {strides = array<i32>} : memref<80x128xf32, #tpu.memory_space<vmem>>, vector<1x16xf32>,
        %parallel_loop3A_396 = vector.shape_cast %parallel_loop3A_395 : vector<1x16xf32> to vector<16xf32>
        %parallel_loop3A_397 = vector.shape_cast %parallel_loop3A_392 : vector<16xf32> to vector<1x16xf32>
        tpu.vector_store %arg16[%parallel_loop3A_393, %parallel_loop3A_394], %parallel_loop3A_397 {strides = array<i32>} : memref<80x128xf32, #tpu.memory_space<vmem>>, vector<1x16xf32>,
        %parallel_loop3A_398 = arith.constant 2 : i32
        %parallel_loop3A_399 = vector.broadcast %parallel_loop3A_398 : i32 to vector<16x1xi32>
        %parallel_loop3A_400 = vector.shape_cast %parallel_loop3A_399 : vector<16x1xi32> to vector<16xi32>
        %parallel_loop3A_401 = tpu.dynamic_gather %parallel_loop3A_364[%parallel_loop3A_400] in [0] : vector<16xf32>, vector<16xi32> -> vector<16xf32>
        %parallel_loop3A_402 = arith.index_cast %parallel_loop3A_344 : i32 to index
        %parallel_loop3A_403 = arith.constant 32 : index
        %parallel_loop3A_404 = tpu.vector_load %arg16[%parallel_loop3A_402, %parallel_loop3A_403] {strides = array<i32>} : memref<80x128xf32, #tpu.memory_space<vmem>>, vector<1x16xf32>,
        %parallel_loop3A_405 = vector.shape_cast %parallel_loop3A_404 : vector<1x16xf32> to vector<16xf32>
        %parallel_loop3A_406 = arith.mulf %parallel_loop3A_405, %parallel_loop3A_401 : vector<16xf32>
        %parallel_loop3A_407 = arith.index_cast %parallel_loop3A_344 : i32 to index
        %parallel_loop3A_408 = arith.constant 32 : index
        %parallel_loop3A_409 = tpu.vector_load %arg16[%parallel_loop3A_407, %parallel_loop3A_408] {strides = array<i32>} : memref<80x128xf32, #tpu.memory_space<vmem>>, vector<1x16xf32>,
        %parallel_loop3A_410 = vector.shape_cast %parallel_loop3A_409 : vector<1x16xf32> to vector<16xf32>
        %parallel_loop3A_411 = vector.shape_cast %parallel_loop3A_406 : vector<16xf32> to vector<1x16xf32>
        tpu.vector_store %arg16[%parallel_loop3A_407, %parallel_loop3A_408], %parallel_loop3A_411 {strides = array<i32>} : memref<80x128xf32, #tpu.memory_space<vmem>>, vector<1x16xf32>,
        %parallel_loop3A_412 = arith.constant 3 : i32
        %parallel_loop3A_413 = vector.broadcast %parallel_loop3A_412 : i32 to vector<16x1xi32>
        %parallel_loop3A_414 = vector.shape_cast %parallel_loop3A_413 : vector<16x1xi32> to vector<16xi32>
        %parallel_loop3A_415 = tpu.dynamic_gather %parallel_loop3A_364[%parallel_loop3A_414] in [0] : vector<16xf32>, vector<16xi32> -> vector<16xf32>
        %parallel_loop3A_416 = arith.index_cast %parallel_loop3A_344 : i32 to index
        %parallel_loop3A_417 = arith.constant 48 : index
        %parallel_loop3A_418 = tpu.vector_load %arg16[%parallel_loop3A_416, %parallel_loop3A_417] {strides = array<i32>} : memref<80x128xf32, #tpu.memory_space<vmem>>, vector<1x16xf32>,
        %parallel_loop3A_419 = vector.shape_cast %parallel_loop3A_418 : vector<1x16xf32> to vector<16xf32>
        %parallel_loop3A_420 = arith.mulf %parallel_loop3A_419, %parallel_loop3A_415 : vector<16xf32>
        %parallel_loop3A_421 = arith.index_cast %parallel_loop3A_344 : i32 to index
        %parallel_loop3A_422 = arith.constant 48 : index
        %parallel_loop3A_423 = tpu.vector_load %arg16[%parallel_loop3A_421, %parallel_loop3A_422] {strides = array<i32>} : memref<80x128xf32, #tpu.memory_space<vmem>>, vector<1x16xf32>,
        %parallel_loop3A_424 = vector.shape_cast %parallel_loop3A_423 : vector<1x16xf32> to vector<16xf32>
        %parallel_loop3A_425 = vector.shape_cast %parallel_loop3A_420 : vector<16xf32> to vector<1x16xf32>
        tpu.vector_store %arg16[%parallel_loop3A_421, %parallel_loop3A_422], %parallel_loop3A_425 {strides = array<i32>} : memref<80x128xf32, #tpu.memory_space<vmem>>, vector<1x16xf32>,
        %parallel_loop3A_426 = arith.constant 4 : i32
        %parallel_loop3A_427 = vector.broadcast %parallel_loop3A_426 : i32 to vector<16x1xi32>
        %parallel_loop3A_428 = vector.shape_cast %parallel_loop3A_427 : vector<16x1xi32> to vector<16xi32>
        %parallel_loop3A_429 = tpu.dynamic_gather %parallel_loop3A_364[%parallel_loop3A_428] in [0] : vector<16xf32>, vector<16xi32> -> vector<16xf32>
        %parallel_loop3A_430 = arith.index_cast %parallel_loop3A_344 : i32 to index
        %parallel_loop3A_431 = arith.constant 64 : index
        %parallel_loop3A_432 = tpu.vector_load %arg16[%parallel_loop3A_430, %parallel_loop3A_431] {strides = array<i32>} : memref<80x128xf32, #tpu.memory_space<vmem>>, vector<1x16xf32>,
        %parallel_loop3A_433 = vector.shape_cast %parallel_loop3A_432 : vector<1x16xf32> to vector<16xf32>
        %parallel_loop3A_434 = arith.mulf %parallel_loop3A_433, %parallel_loop3A_429 : vector<16xf32>
        %parallel_loop3A_435 = arith.index_cast %parallel_loop3A_344 : i32 to index
        %parallel_loop3A_436 = arith.constant 64 : index
        %parallel_loop3A_437 = tpu.vector_load %arg16[%parallel_loop3A_435, %parallel_loop3A_436] {strides = array<i32>} : memref<80x128xf32, #tpu.memory_space<vmem>>, vector<1x16xf32>,
        %parallel_loop3A_438 = vector.shape_cast %parallel_loop3A_437 : vector<1x16xf32> to vector<16xf32>
        %parallel_loop3A_439 = vector.shape_cast %parallel_loop3A_434 : vector<16xf32> to vector<1x16xf32>
        tpu.vector_store %arg16[%parallel_loop3A_435, %parallel_loop3A_436], %parallel_loop3A_439 {strides = array<i32>} : memref<80x128xf32, #tpu.memory_space<vmem>>, vector<1x16xf32>,
        %parallel_loop3A_440 = arith.constant 5 : i32
        %parallel_loop3A_441 = vector.broadcast %parallel_loop3A_440 : i32 to vector<16x1xi32>
        %parallel_loop3A_442 = vector.shape_cast %parallel_loop3A_441 : vector<16x1xi32> to vector<16xi32>
        %parallel_loop3A_443 = tpu.dynamic_gather %parallel_loop3A_364[%parallel_loop3A_442] in [0] : vector<16xf32>, vector<16xi32> -> vector<16xf32>
        %parallel_loop3A_444 = arith.index_cast %parallel_loop3A_344 : i32 to index
        %parallel_loop3A_445 = arith.constant 80 : index
        %parallel_loop3A_446 = tpu.vector_load %arg16[%parallel_loop3A_444, %parallel_loop3A_445] {strides = array<i32>} : memref<80x128xf32, #tpu.memory_space<vmem>>, vector<1x16xf32>,
        %parallel_loop3A_447 = vector.shape_cast %parallel_loop3A_446 : vector<1x16xf32> to vector<16xf32>
        %parallel_loop3A_448 = arith.mulf %parallel_loop3A_447, %parallel_loop3A_443 : vector<16xf32>
        %parallel_loop3A_449 = arith.index_cast %parallel_loop3A_344 : i32 to index
        %parallel_loop3A_450 = arith.constant 80 : index
        %parallel_loop3A_451 = tpu.vector_load %arg16[%parallel_loop3A_449, %parallel_loop3A_450] {strides = array<i32>} : memref<80x128xf32, #tpu.memory_space<vmem>>, vector<1x16xf32>,
        %parallel_loop3A_452 = vector.shape_cast %parallel_loop3A_451 : vector<1x16xf32> to vector<16xf32>
        %parallel_loop3A_453 = vector.shape_cast %parallel_loop3A_448 : vector<16xf32> to vector<1x16xf32>
        tpu.vector_store %arg16[%parallel_loop3A_449, %parallel_loop3A_450], %parallel_loop3A_453 {strides = array<i32>} : memref<80x128xf32, #tpu.memory_space<vmem>>, vector<1x16xf32>,
        %parallel_loop3A_454 = arith.constant 6 : i32
        %parallel_loop3A_455 = vector.broadcast %parallel_loop3A_454 : i32 to vector<16x1xi32>
        %parallel_loop3A_456 = vector.shape_cast %parallel_loop3A_455 : vector<16x1xi32> to vector<16xi32>
        %parallel_loop3A_457 = tpu.dynamic_gather %parallel_loop3A_364[%parallel_loop3A_456] in [0] : vector<16xf32>, vector<16xi32> -> vector<16xf32>
        %parallel_loop3A_458 = arith.index_cast %parallel_loop3A_344 : i32 to index
        %parallel_loop3A_459 = arith.constant 96 : index
        %parallel_loop3A_460 = tpu.vector_load %arg16[%parallel_loop3A_458, %parallel_loop3A_459] {strides = array<i32>} : memref<80x128xf32, #tpu.memory_space<vmem>>, vector<1x16xf32>,
        %parallel_loop3A_461 = vector.shape_cast %parallel_loop3A_460 : vector<1x16xf32> to vector<16xf32>
        %parallel_loop3A_462 = arith.mulf %parallel_loop3A_461, %parallel_loop3A_457 : vector<16xf32>
        %parallel_loop3A_463 = arith.index_cast %parallel_loop3A_344 : i32 to index
        %parallel_loop3A_464 = arith.constant 96 : index
        %parallel_loop3A_465 = tpu.vector_load %arg16[%parallel_loop3A_463, %parallel_loop3A_464] {strides = array<i32>} : memref<80x128xf32, #tpu.memory_space<vmem>>, vector<1x16xf32>,
        %parallel_loop3A_466 = vector.shape_cast %parallel_loop3A_465 : vector<1x16xf32> to vector<16xf32>
        %parallel_loop3A_467 = vector.shape_cast %parallel_loop3A_462 : vector<16xf32> to vector<1x16xf32>
        tpu.vector_store %arg16[%parallel_loop3A_463, %parallel_loop3A_464], %parallel_loop3A_467 {strides = array<i32>} : memref<80x128xf32, #tpu.memory_space<vmem>>, vector<1x16xf32>,
        %parallel_loop3A_468 = arith.constant 7 : i32
        %parallel_loop3A_469 = vector.broadcast %parallel_loop3A_468 : i32 to vector<16x1xi32>
        %parallel_loop3A_470 = vector.shape_cast %parallel_loop3A_469 : vector<16x1xi32> to vector<16xi32>
        %parallel_loop3A_471 = tpu.dynamic_gather %parallel_loop3A_364[%parallel_loop3A_470] in [0] : vector<16xf32>, vector<16xi32> -> vector<16xf32>
        %parallel_loop3A_472 = arith.index_cast %parallel_loop3A_344 : i32 to index
        %parallel_loop3A_473 = arith.constant 112 : index
        %parallel_loop3A_474 = tpu.vector_load %arg16[%parallel_loop3A_472, %parallel_loop3A_473] {strides = array<i32>} : memref<80x128xf32, #tpu.memory_space<vmem>>, vector<1x16xf32>,
        %parallel_loop3A_475 = vector.shape_cast %parallel_loop3A_474 : vector<1x16xf32> to vector<16xf32>
        %parallel_loop3A_476 = arith.mulf %parallel_loop3A_475, %parallel_loop3A_471 : vector<16xf32>
        %parallel_loop3A_477 = arith.index_cast %parallel_loop3A_344 : i32 to index
        %parallel_loop3A_478 = arith.constant 112 : index
        %parallel_loop3A_479 = tpu.vector_load %arg16[%parallel_loop3A_477, %parallel_loop3A_478] {strides = array<i32>} : memref<80x128xf32, #tpu.memory_space<vmem>>, vector<1x16xf32>,
        %parallel_loop3A_480 = vector.shape_cast %parallel_loop3A_479 : vector<1x16xf32> to vector<16xf32>
        %parallel_loop3A_481 = vector.shape_cast %parallel_loop3A_476 : vector<16xf32> to vector<1x16xf32>
        tpu.vector_store %arg16[%parallel_loop3A_477, %parallel_loop3A_478], %parallel_loop3A_481 {strides = array<i32>} : memref<80x128xf32, #tpu.memory_space<vmem>>, vector<1x16xf32>,
      } {sc.loop_unroll_factor = 2 : i64, sc.parallel_access}
      "tpu.region"() ({
        %run_scoped3A = tpu.sem_alloc : memref<!tpu.dma_semaphore, #tpu.memory_space<semaphore_mem>>
        %dma_start3A_344 = arith.constant 0 : i32
        %dma_start3A_345 = arith.constant 0 : i32
        %dma_start3A_346 = tpu.memref_slice %arg24[%dma_start3A_344, %dma_start3A_345] : memref<10240x128xf32, #tpu.memory_space<vmem_shared>> -> memref<10240x128xf32, #tpu.memory_space<vmem_shared>>
        tpu.enqueue_indirect_dma source(%arg16 : memref<80x128xf32, #tpu.memory_space<vmem>>) target(%dma_start3A_346 : memref<10240x128xf32, #tpu.memory_space<vmem_shared>>) offsets(%arg13 : memref<80xi32, #tpu.memory_space<vmem>>) semaphore(%run_scoped3A : memref<!tpu.dma_semaphore, #tpu.memory_space<semaphore_mem>>) {add = true}
        %dma_wait3A_347 = arith.constant 0 : i32
        %dma_wait3A_348 = arith.constant 0 : i32
        %dma_wait3A_349 = tpu.memref_slice %arg24[%dma_wait3A_347, %dma_wait3A_348] : memref<10240x128xf32, #tpu.memory_space<vmem_shared>> -> memref<10240x128xf32, #tpu.memory_space<vmem_shared>>
        tpu.wait_indirect_dma semaphore(%run_scoped3A : memref<!tpu.dma_semaphore, #tpu.memory_space<semaphore_mem>>) src(%arg16 : memref<80x128xf32, #tpu.memory_space<vmem>>) dst(%dma_wait3A_349 : memref<10240x128xf32, #tpu.memory_space<vmem_shared>>)
        tpu.yield
      }) : () -> ()
      "tpu.region"() ({
        %run_scoped3A = tpu.sem_alloc : memref<!tpu.dma_semaphore, #tpu.memory_space<semaphore_mem>>
        %dma_start3A_344 = arith.constant 0 : i32
        %dma_start3A_345 = arith.constant 0 : i32
        %dma_start3A_346 = tpu.memref_slice %arg25[%dma_start3A_344, %dma_start3A_345] : memref<10240x16xf32, #tpu.memory_space<vmem_shared>> -> memref<10240x16xf32, #tpu.memory_space<vmem_shared>>
        tpu.enqueue_indirect_dma source(%arg19 : memref<80x16xf32, #tpu.memory_space<vmem>>) target(%dma_start3A_346 : memref<10240x16xf32, #tpu.memory_space<vmem_shared>>) offsets(%arg13 : memref<80xi32, #tpu.memory_space<vmem>>) semaphore(%run_scoped3A : memref<!tpu.dma_semaphore, #tpu.memory_space<semaphore_mem>>) {add = true}
        %dma_wait3A_347 = arith.constant 0 : i32
        %dma_wait3A_348 = arith.constant 0 : i32
        %dma_wait3A_349 = tpu.memref_slice %arg25[%dma_wait3A_347, %dma_wait3A_348] : memref<10240x16xf32, #tpu.memory_space<vmem_shared>> -> memref<10240x16xf32, #tpu.memory_space<vmem_shared>>
        tpu.wait_indirect_dma semaphore(%run_scoped3A : memref<!tpu.dma_semaphore, #tpu.memory_space<semaphore_mem>>) src(%arg19 : memref<80x16xf32, #tpu.memory_space<vmem>>) dst(%dma_wait3A_349 : memref<10240x16xf32, #tpu.memory_space<vmem_shared>>)
        tpu.yield
      }) : () -> ()
      %add3A_264 = arith.constant 1 : i32
      %add3A_265 = arith.addi %add3A_225, %add3A_264 : i32
      %add3A_266 = arith.constant 2 : i32
      %add3A_267 = arith.addi %add3A_265, %add3A_266 : i32
      %mul3A_268 = arith.constant 80 : i32
      %mul3A_269 = arith.muli %add3A_267, %mul3A_268 : i32
      %add3A_270 = arith.addi %add3A_39, %mul3A_269 : i32
      %dma_start3A_271 = tpu.memref_slice %arg2[%add3A_270] : memref<320000xi32, #tpu.memory_space<hbm>> -> memref<80xi32, #tpu.memory_space<hbm>>
      %dma_start3A_272 = tpu.memref_slice %arg2[%add3A_270] : memref<320000xi32, #tpu.memory_space<hbm>> -> memref<80xi32, #tpu.memory_space<hbm>>
      tpu.enqueue_dma source(%dma_start3A_272 : memref<80xi32, #tpu.memory_space<hbm>>) target(%arg10 : memref<80xi32, #tpu.memory_space<vmem>>) target_semaphore(%arg27 : memref<!tpu.dma_semaphore, #tpu.memory_space<semaphore_mem>>)
      %dma_start3A_273 = tpu.memref_slice %arg3[%add3A_270] : memref<320000xi32, #tpu.memory_space<hbm>> -> memref<80xi32, #tpu.memory_space<hbm>>
      %dma_start3A_274 = tpu.memref_slice %arg3[%add3A_270] : memref<320000xi32, #tpu.memory_space<hbm>> -> memref<80xi32, #tpu.memory_space<hbm>>
      tpu.enqueue_dma source(%dma_start3A_274 : memref<80xi32, #tpu.memory_space<hbm>>) target(%arg13 : memref<80xi32, #tpu.memory_space<vmem>>) target_semaphore(%arg27 : memref<!tpu.dma_semaphore, #tpu.memory_space<semaphore_mem>>)
      %dma_wait3A_275 = arith.constant 0 : i32
      %dma_wait3A_276 = tpu.memref_slice %arg2[%dma_wait3A_275] : memref<320000xi32, #tpu.memory_space<hbm>> -> memref<80xi32, #tpu.memory_space<hbm>>
      %dma_wait3A_277 = arith.constant 0 : i32
      %dma_wait3A_278 = tpu.memref_slice %arg2[%dma_wait3A_277] : memref<320000xi32, #tpu.memory_space<hbm>> -> memref<80xi32, #tpu.memory_space<hbm>>
      tpu.wait_dma2 semaphore(%arg26 : memref<!tpu.dma_semaphore, #tpu.memory_space<semaphore_mem>>) src(%dma_wait3A_278 : memref<80xi32, #tpu.memory_space<hbm>>) dst(%arg9 : memref<80xi32, #tpu.memory_space<vmem>>)
      %dma_wait3A_279 = arith.constant 0 : i32
      %dma_wait3A_280 = tpu.memref_slice %arg3[%dma_wait3A_279] : memref<320000xi32, #tpu.memory_space<hbm>> -> memref<80xi32, #tpu.memory_space<hbm>>
      %dma_wait3A_281 = arith.constant 0 : i32
      %dma_wait3A_282 = tpu.memref_slice %arg3[%dma_wait3A_281] : memref<320000xi32, #tpu.memory_space<hbm>> -> memref<80xi32, #tpu.memory_space<hbm>>
      tpu.wait_dma2 semaphore(%arg26 : memref<!tpu.dma_semaphore, #tpu.memory_space<semaphore_mem>>) src(%dma_wait3A_282 : memref<80xi32, #tpu.memory_space<hbm>>) dst(%arg12 : memref<80xi32, #tpu.memory_space<vmem>>)
      %dma_start3A_283 = arith.constant 0 : i32
      %dma_start3A_284 = arith.constant 0 : i32
      %dma_start3A_285 = tpu.memref_slice %arg4[%dma_start3A_283, %dma_start3A_284] : memref<10000x128xf32, #tpu.memory_space<hbm>> -> memref<10000x128xf32, #tpu.memory_space<hbm>>
      tpu.enqueue_indirect_dma source(%dma_start3A_285 : memref<10000x128xf32, #tpu.memory_space<hbm>>) target(%arg15 : memref<80x128xf32, #tpu.memory_space<vmem>>) offsets(%arg9 : memref<80xi32, #tpu.memory_space<vmem>>) semaphore(%arg29 : memref<!tpu.dma_semaphore, #tpu.memory_space<semaphore_mem>>)
      %dma_start3A_286 = arith.constant 0 : i32
      %dma_start3A_287 = arith.constant 0 : i32
      %dma_start3A_288 = tpu.memref_slice %arg5[%dma_start3A_286, %dma_start3A_287] : memref<10000x16xf32, #tpu.memory_space<hbm>> -> memref<10000x16xf32, #tpu.memory_space<hbm>>
      tpu.enqueue_indirect_dma source(%dma_start3A_288 : memref<10000x16xf32, #tpu.memory_space<hbm>>) target(%arg18 : memref<80x16xf32, #tpu.memory_space<vmem>>) offsets(%arg9 : memref<80xi32, #tpu.memory_space<vmem>>) semaphore(%arg32 : memref<!tpu.dma_semaphore, #tpu.memory_space<semaphore_mem>>)
      %dma_start3A_289 = arith.constant 0 : i32
      %dma_start3A_290 = arith.constant 0 : i32
      %dma_start3A_291 = tpu.memref_slice %arg6[%dma_start3A_289, %dma_start3A_290] : memref<10000x16xf32, #tpu.memory_space<hbm>> -> memref<10000x16xf32, #tpu.memory_space<hbm>>
      tpu.enqueue_indirect_dma source(%dma_start3A_291 : memref<10000x16xf32, #tpu.memory_space<hbm>>) target(%arg21 : memref<80x16xf32, #tpu.memory_space<vmem>>) offsets(%arg12 : memref<80xi32, #tpu.memory_space<vmem>>) semaphore(%arg35 : memref<!tpu.dma_semaphore, #tpu.memory_space<semaphore_mem>>)
      %dma_wait3A_292 = arith.constant 0 : i32
      %dma_wait3A_293 = arith.constant 0 : i32
      %dma_wait3A_294 = tpu.memref_slice %arg4[%dma_wait3A_292, %dma_wait3A_293] : memref<10000x128xf32, #tpu.memory_space<hbm>> -> memref<10000x128xf32, #tpu.memory_space<hbm>>
      tpu.wait_indirect_dma semaphore(%arg31 : memref<!tpu.dma_semaphore, #tpu.memory_space<semaphore_mem>>) src(%dma_wait3A_294 : memref<10000x128xf32, #tpu.memory_space<hbm>>) dst(%arg17 : memref<80x128xf32, #tpu.memory_space<vmem>>)
      %dma_wait3A_295 = arith.constant 0 : i32
      %dma_wait3A_296 = arith.constant 0 : i32
      %dma_wait3A_297 = tpu.memref_slice %arg5[%dma_wait3A_295, %dma_wait3A_296] : memref<10000x16xf32, #tpu.memory_space<hbm>> -> memref<10000x16xf32, #tpu.memory_space<hbm>>
      tpu.wait_indirect_dma semaphore(%arg34 : memref<!tpu.dma_semaphore, #tpu.memory_space<semaphore_mem>>) src(%dma_wait3A_297 : memref<10000x16xf32, #tpu.memory_space<hbm>>) dst(%arg20 : memref<80x16xf32, #tpu.memory_space<vmem>>)
      %dma_wait3A_298 = arith.constant 0 : i32
      %dma_wait3A_299 = arith.constant 0 : i32
      %dma_wait3A_300 = tpu.memref_slice %arg6[%dma_wait3A_298, %dma_wait3A_299] : memref<10000x16xf32, #tpu.memory_space<hbm>> -> memref<10000x16xf32, #tpu.memory_space<hbm>>
      tpu.wait_indirect_dma semaphore(%arg37 : memref<!tpu.dma_semaphore, #tpu.memory_space<semaphore_mem>>) src(%dma_wait3A_300 : memref<10000x16xf32, #tpu.memory_space<hbm>>) dst(%arg23 : memref<80x16xf32, #tpu.memory_space<vmem>>)
      %parallel_loop3A_301 = arith.constant 0 : i32
      %parallel_loop3A_302 = arith.constant 80 : i32
      %parallel_loop3A_303 = arith.constant 1 : i32
      scf.for %parallel_loop3A_344 = %parallel_loop3A_301 to %parallel_loop3A_302 step %parallel_loop3A_303  : i32 {
        %parallel_loop3A_345 = arith.index_cast %parallel_loop3A_344 : i32 to index
        %parallel_loop3A_346 = arith.constant 0 : index
        %parallel_loop3A_347 = tpu.vector_load %arg20[%parallel_loop3A_345, %parallel_loop3A_346] {strides = array<i32>} : memref<80x16xf32, #tpu.memory_space<vmem>>, vector<1x16xf32>,
        %parallel_loop3A_348 = vector.shape_cast %parallel_loop3A_347 : vector<1x16xf32> to vector<16xf32>
        %parallel_loop3A_349 = arith.index_cast %parallel_loop3A_344 : i32 to index
        %parallel_loop3A_350 = arith.constant 0 : index
        %parallel_loop3A_351 = tpu.vector_load %arg23[%parallel_loop3A_349, %parallel_loop3A_350] {strides = array<i32>} : memref<80x16xf32, #tpu.memory_space<vmem>>, vector<1x16xf32>,
        %parallel_loop3A_352 = vector.shape_cast %parallel_loop3A_351 : vector<1x16xf32> to vector<16xf32>
        %parallel_loop3A_353 = arith.addf %parallel_loop3A_348, %parallel_loop3A_352 : vector<16xf32>
        %parallel_loop3A_354 = arith.constant 0.000000e+00 : f32
        %parallel_loop3A_355 = vector.broadcast %parallel_loop3A_354 : f32 to vector<16xf32>
        %parallel_loop3A_356 = arith.maximumf %parallel_loop3A_353, %parallel_loop3A_355 : vector<16xf32>
        %parallel_loop3A_357 = arith.constant 0.000000e+00 : f32
        %parallel_loop3A_358 = vector.broadcast %parallel_loop3A_357 : f32 to vector<16xf32>
        %parallel_loop3A_359 = arith.minimumf %parallel_loop3A_353, %parallel_loop3A_358 : vector<16xf32>
        %parallel_loop3A_360 = arith.constant 2.000000e-01 : f32
        %parallel_loop3A_361 = vector.broadcast %parallel_loop3A_360 : f32 to vector<16xf32>
        %parallel_loop3A_362 = arith.mulf %parallel_loop3A_361, %parallel_loop3A_359 : vector<16xf32>
        %parallel_loop3A_363 = arith.addf %parallel_loop3A_356, %parallel_loop3A_362 : vector<16xf32>
        %parallel_loop3A_364 = math.exp %parallel_loop3A_363 : vector<16xf32>
        %parallel_loop3A_365 = arith.index_cast %parallel_loop3A_344 : i32 to index
        %parallel_loop3A_366 = arith.constant 0 : index
        %parallel_loop3A_367 = tpu.vector_load %arg20[%parallel_loop3A_365, %parallel_loop3A_366] {strides = array<i32>} : memref<80x16xf32, #tpu.memory_space<vmem>>, vector<1x16xf32>,
        %parallel_loop3A_368 = vector.shape_cast %parallel_loop3A_367 : vector<1x16xf32> to vector<16xf32>
        %parallel_loop3A_369 = vector.shape_cast %parallel_loop3A_364 : vector<16xf32> to vector<1x16xf32>
        tpu.vector_store %arg20[%parallel_loop3A_365, %parallel_loop3A_366], %parallel_loop3A_369 {strides = array<i32>} : memref<80x16xf32, #tpu.memory_space<vmem>>, vector<1x16xf32>,
        %parallel_loop3A_370 = arith.constant 0 : i32
        %parallel_loop3A_371 = vector.broadcast %parallel_loop3A_370 : i32 to vector<16x1xi32>
        %parallel_loop3A_372 = vector.shape_cast %parallel_loop3A_371 : vector<16x1xi32> to vector<16xi32>
        %parallel_loop3A_373 = tpu.dynamic_gather %parallel_loop3A_364[%parallel_loop3A_372] in [0] : vector<16xf32>, vector<16xi32> -> vector<16xf32>
        %parallel_loop3A_374 = arith.index_cast %parallel_loop3A_344 : i32 to index
        %parallel_loop3A_375 = arith.constant 0 : index
        %parallel_loop3A_376 = tpu.vector_load %arg17[%parallel_loop3A_374, %parallel_loop3A_375] {strides = array<i32>} : memref<80x128xf32, #tpu.memory_space<vmem>>, vector<1x16xf32>,
        %parallel_loop3A_377 = vector.shape_cast %parallel_loop3A_376 : vector<1x16xf32> to vector<16xf32>
        %parallel_loop3A_378 = arith.mulf %parallel_loop3A_377, %parallel_loop3A_373 : vector<16xf32>
        %parallel_loop3A_379 = arith.index_cast %parallel_loop3A_344 : i32 to index
        %parallel_loop3A_380 = arith.constant 0 : index
        %parallel_loop3A_381 = tpu.vector_load %arg17[%parallel_loop3A_379, %parallel_loop3A_380] {strides = array<i32>} : memref<80x128xf32, #tpu.memory_space<vmem>>, vector<1x16xf32>,
        %parallel_loop3A_382 = vector.shape_cast %parallel_loop3A_381 : vector<1x16xf32> to vector<16xf32>
        %parallel_loop3A_383 = vector.shape_cast %parallel_loop3A_378 : vector<16xf32> to vector<1x16xf32>
        tpu.vector_store %arg17[%parallel_loop3A_379, %parallel_loop3A_380], %parallel_loop3A_383 {strides = array<i32>} : memref<80x128xf32, #tpu.memory_space<vmem>>, vector<1x16xf32>,
        %parallel_loop3A_384 = arith.constant 1 : i32
        %parallel_loop3A_385 = vector.broadcast %parallel_loop3A_384 : i32 to vector<16x1xi32>
        %parallel_loop3A_386 = vector.shape_cast %parallel_loop3A_385 : vector<16x1xi32> to vector<16xi32>
        %parallel_loop3A_387 = tpu.dynamic_gather %parallel_loop3A_364[%parallel_loop3A_386] in [0] : vector<16xf32>, vector<16xi32> -> vector<16xf32>
        %parallel_loop3A_388 = arith.index_cast %parallel_loop3A_344 : i32 to index
        %parallel_loop3A_389 = arith.constant 16 : index
        %parallel_loop3A_390 = tpu.vector_load %arg17[%parallel_loop3A_388, %parallel_loop3A_389] {strides = array<i32>} : memref<80x128xf32, #tpu.memory_space<vmem>>, vector<1x16xf32>,
        %parallel_loop3A_391 = vector.shape_cast %parallel_loop3A_390 : vector<1x16xf32> to vector<16xf32>
        %parallel_loop3A_392 = arith.mulf %parallel_loop3A_391, %parallel_loop3A_387 : vector<16xf32>
        %parallel_loop3A_393 = arith.index_cast %parallel_loop3A_344 : i32 to index
        %parallel_loop3A_394 = arith.constant 16 : index
        %parallel_loop3A_395 = tpu.vector_load %arg17[%parallel_loop3A_393, %parallel_loop3A_394] {strides = array<i32>} : memref<80x128xf32, #tpu.memory_space<vmem>>, vector<1x16xf32>,
        %parallel_loop3A_396 = vector.shape_cast %parallel_loop3A_395 : vector<1x16xf32> to vector<16xf32>
        %parallel_loop3A_397 = vector.shape_cast %parallel_loop3A_392 : vector<16xf32> to vector<1x16xf32>
        tpu.vector_store %arg17[%parallel_loop3A_393, %parallel_loop3A_394], %parallel_loop3A_397 {strides = array<i32>} : memref<80x128xf32, #tpu.memory_space<vmem>>, vector<1x16xf32>,
        %parallel_loop3A_398 = arith.constant 2 : i32
        %parallel_loop3A_399 = vector.broadcast %parallel_loop3A_398 : i32 to vector<16x1xi32>
        %parallel_loop3A_400 = vector.shape_cast %parallel_loop3A_399 : vector<16x1xi32> to vector<16xi32>
        %parallel_loop3A_401 = tpu.dynamic_gather %parallel_loop3A_364[%parallel_loop3A_400] in [0] : vector<16xf32>, vector<16xi32> -> vector<16xf32>
        %parallel_loop3A_402 = arith.index_cast %parallel_loop3A_344 : i32 to index
        %parallel_loop3A_403 = arith.constant 32 : index
        %parallel_loop3A_404 = tpu.vector_load %arg17[%parallel_loop3A_402, %parallel_loop3A_403] {strides = array<i32>} : memref<80x128xf32, #tpu.memory_space<vmem>>, vector<1x16xf32>,
        %parallel_loop3A_405 = vector.shape_cast %parallel_loop3A_404 : vector<1x16xf32> to vector<16xf32>
        %parallel_loop3A_406 = arith.mulf %parallel_loop3A_405, %parallel_loop3A_401 : vector<16xf32>
        %parallel_loop3A_407 = arith.index_cast %parallel_loop3A_344 : i32 to index
        %parallel_loop3A_408 = arith.constant 32 : index
        %parallel_loop3A_409 = tpu.vector_load %arg17[%parallel_loop3A_407, %parallel_loop3A_408] {strides = array<i32>} : memref<80x128xf32, #tpu.memory_space<vmem>>, vector<1x16xf32>,
        %parallel_loop3A_410 = vector.shape_cast %parallel_loop3A_409 : vector<1x16xf32> to vector<16xf32>
        %parallel_loop3A_411 = vector.shape_cast %parallel_loop3A_406 : vector<16xf32> to vector<1x16xf32>
        tpu.vector_store %arg17[%parallel_loop3A_407, %parallel_loop3A_408], %parallel_loop3A_411 {strides = array<i32>} : memref<80x128xf32, #tpu.memory_space<vmem>>, vector<1x16xf32>,
        %parallel_loop3A_412 = arith.constant 3 : i32
        %parallel_loop3A_413 = vector.broadcast %parallel_loop3A_412 : i32 to vector<16x1xi32>
        %parallel_loop3A_414 = vector.shape_cast %parallel_loop3A_413 : vector<16x1xi32> to vector<16xi32>
        %parallel_loop3A_415 = tpu.dynamic_gather %parallel_loop3A_364[%parallel_loop3A_414] in [0] : vector<16xf32>, vector<16xi32> -> vector<16xf32>
        %parallel_loop3A_416 = arith.index_cast %parallel_loop3A_344 : i32 to index
        %parallel_loop3A_417 = arith.constant 48 : index
        %parallel_loop3A_418 = tpu.vector_load %arg17[%parallel_loop3A_416, %parallel_loop3A_417] {strides = array<i32>} : memref<80x128xf32, #tpu.memory_space<vmem>>, vector<1x16xf32>,
        %parallel_loop3A_419 = vector.shape_cast %parallel_loop3A_418 : vector<1x16xf32> to vector<16xf32>
        %parallel_loop3A_420 = arith.mulf %parallel_loop3A_419, %parallel_loop3A_415 : vector<16xf32>
        %parallel_loop3A_421 = arith.index_cast %parallel_loop3A_344 : i32 to index
        %parallel_loop3A_422 = arith.constant 48 : index
        %parallel_loop3A_423 = tpu.vector_load %arg17[%parallel_loop3A_421, %parallel_loop3A_422] {strides = array<i32>} : memref<80x128xf32, #tpu.memory_space<vmem>>, vector<1x16xf32>,
        %parallel_loop3A_424 = vector.shape_cast %parallel_loop3A_423 : vector<1x16xf32> to vector<16xf32>
        %parallel_loop3A_425 = vector.shape_cast %parallel_loop3A_420 : vector<16xf32> to vector<1x16xf32>
        tpu.vector_store %arg17[%parallel_loop3A_421, %parallel_loop3A_422], %parallel_loop3A_425 {strides = array<i32>} : memref<80x128xf32, #tpu.memory_space<vmem>>, vector<1x16xf32>,
        %parallel_loop3A_426 = arith.constant 4 : i32
        %parallel_loop3A_427 = vector.broadcast %parallel_loop3A_426 : i32 to vector<16x1xi32>
        %parallel_loop3A_428 = vector.shape_cast %parallel_loop3A_427 : vector<16x1xi32> to vector<16xi32>
        %parallel_loop3A_429 = tpu.dynamic_gather %parallel_loop3A_364[%parallel_loop3A_428] in [0] : vector<16xf32>, vector<16xi32> -> vector<16xf32>
        %parallel_loop3A_430 = arith.index_cast %parallel_loop3A_344 : i32 to index
        %parallel_loop3A_431 = arith.constant 64 : index
        %parallel_loop3A_432 = tpu.vector_load %arg17[%parallel_loop3A_430, %parallel_loop3A_431] {strides = array<i32>} : memref<80x128xf32, #tpu.memory_space<vmem>>, vector<1x16xf32>,
        %parallel_loop3A_433 = vector.shape_cast %parallel_loop3A_432 : vector<1x16xf32> to vector<16xf32>
        %parallel_loop3A_434 = arith.mulf %parallel_loop3A_433, %parallel_loop3A_429 : vector<16xf32>
        %parallel_loop3A_435 = arith.index_cast %parallel_loop3A_344 : i32 to index
        %parallel_loop3A_436 = arith.constant 64 : index
        %parallel_loop3A_437 = tpu.vector_load %arg17[%parallel_loop3A_435, %parallel_loop3A_436] {strides = array<i32>} : memref<80x128xf32, #tpu.memory_space<vmem>>, vector<1x16xf32>,
        %parallel_loop3A_438 = vector.shape_cast %parallel_loop3A_437 : vector<1x16xf32> to vector<16xf32>
        %parallel_loop3A_439 = vector.shape_cast %parallel_loop3A_434 : vector<16xf32> to vector<1x16xf32>
        tpu.vector_store %arg17[%parallel_loop3A_435, %parallel_loop3A_436], %parallel_loop3A_439 {strides = array<i32>} : memref<80x128xf32, #tpu.memory_space<vmem>>, vector<1x16xf32>,
        %parallel_loop3A_440 = arith.constant 5 : i32
        %parallel_loop3A_441 = vector.broadcast %parallel_loop3A_440 : i32 to vector<16x1xi32>
        %parallel_loop3A_442 = vector.shape_cast %parallel_loop3A_441 : vector<16x1xi32> to vector<16xi32>
        %parallel_loop3A_443 = tpu.dynamic_gather %parallel_loop3A_364[%parallel_loop3A_442] in [0] : vector<16xf32>, vector<16xi32> -> vector<16xf32>
        %parallel_loop3A_444 = arith.index_cast %parallel_loop3A_344 : i32 to index
        %parallel_loop3A_445 = arith.constant 80 : index
        %parallel_loop3A_446 = tpu.vector_load %arg17[%parallel_loop3A_444, %parallel_loop3A_445] {strides = array<i32>} : memref<80x128xf32, #tpu.memory_space<vmem>>, vector<1x16xf32>,
        %parallel_loop3A_447 = vector.shape_cast %parallel_loop3A_446 : vector<1x16xf32> to vector<16xf32>
        %parallel_loop3A_448 = arith.mulf %parallel_loop3A_447, %parallel_loop3A_443 : vector<16xf32>
        %parallel_loop3A_449 = arith.index_cast %parallel_loop3A_344 : i32 to index
        %parallel_loop3A_450 = arith.constant 80 : index
        %parallel_loop3A_451 = tpu.vector_load %arg17[%parallel_loop3A_449, %parallel_loop3A_450] {strides = array<i32>} : memref<80x128xf32, #tpu.memory_space<vmem>>, vector<1x16xf32>,
        %parallel_loop3A_452 = vector.shape_cast %parallel_loop3A_451 : vector<1x16xf32> to vector<16xf32>
        %parallel_loop3A_453 = vector.shape_cast %parallel_loop3A_448 : vector<16xf32> to vector<1x16xf32>
        tpu.vector_store %arg17[%parallel_loop3A_449, %parallel_loop3A_450], %parallel_loop3A_453 {strides = array<i32>} : memref<80x128xf32, #tpu.memory_space<vmem>>, vector<1x16xf32>,
        %parallel_loop3A_454 = arith.constant 6 : i32
        %parallel_loop3A_455 = vector.broadcast %parallel_loop3A_454 : i32 to vector<16x1xi32>
        %parallel_loop3A_456 = vector.shape_cast %parallel_loop3A_455 : vector<16x1xi32> to vector<16xi32>
        %parallel_loop3A_457 = tpu.dynamic_gather %parallel_loop3A_364[%parallel_loop3A_456] in [0] : vector<16xf32>, vector<16xi32> -> vector<16xf32>
        %parallel_loop3A_458 = arith.index_cast %parallel_loop3A_344 : i32 to index
        %parallel_loop3A_459 = arith.constant 96 : index
        %parallel_loop3A_460 = tpu.vector_load %arg17[%parallel_loop3A_458, %parallel_loop3A_459] {strides = array<i32>} : memref<80x128xf32, #tpu.memory_space<vmem>>, vector<1x16xf32>,
        %parallel_loop3A_461 = vector.shape_cast %parallel_loop3A_460 : vector<1x16xf32> to vector<16xf32>
        %parallel_loop3A_462 = arith.mulf %parallel_loop3A_461, %parallel_loop3A_457 : vector<16xf32>
        %parallel_loop3A_463 = arith.index_cast %parallel_loop3A_344 : i32 to index
        %parallel_loop3A_464 = arith.constant 96 : index
        %parallel_loop3A_465 = tpu.vector_load %arg17[%parallel_loop3A_463, %parallel_loop3A_464] {strides = array<i32>} : memref<80x128xf32, #tpu.memory_space<vmem>>, vector<1x16xf32>,
        %parallel_loop3A_466 = vector.shape_cast %parallel_loop3A_465 : vector<1x16xf32> to vector<16xf32>
        %parallel_loop3A_467 = vector.shape_cast %parallel_loop3A_462 : vector<16xf32> to vector<1x16xf32>
        tpu.vector_store %arg17[%parallel_loop3A_463, %parallel_loop3A_464], %parallel_loop3A_467 {strides = array<i32>} : memref<80x128xf32, #tpu.memory_space<vmem>>, vector<1x16xf32>,
        %parallel_loop3A_468 = arith.constant 7 : i32
        %parallel_loop3A_469 = vector.broadcast %parallel_loop3A_468 : i32 to vector<16x1xi32>
        %parallel_loop3A_470 = vector.shape_cast %parallel_loop3A_469 : vector<16x1xi32> to vector<16xi32>
        %parallel_loop3A_471 = tpu.dynamic_gather %parallel_loop3A_364[%parallel_loop3A_470] in [0] : vector<16xf32>, vector<16xi32> -> vector<16xf32>
        %parallel_loop3A_472 = arith.index_cast %parallel_loop3A_344 : i32 to index
        %parallel_loop3A_473 = arith.constant 112 : index
        %parallel_loop3A_474 = tpu.vector_load %arg17[%parallel_loop3A_472, %parallel_loop3A_473] {strides = array<i32>} : memref<80x128xf32, #tpu.memory_space<vmem>>, vector<1x16xf32>,
        %parallel_loop3A_475 = vector.shape_cast %parallel_loop3A_474 : vector<1x16xf32> to vector<16xf32>
        %parallel_loop3A_476 = arith.mulf %parallel_loop3A_475, %parallel_loop3A_471 : vector<16xf32>
        %parallel_loop3A_477 = arith.index_cast %parallel_loop3A_344 : i32 to index
        %parallel_loop3A_478 = arith.constant 112 : index
        %parallel_loop3A_479 = tpu.vector_load %arg17[%parallel_loop3A_477, %parallel_loop3A_478] {strides = array<i32>} : memref<80x128xf32, #tpu.memory_space<vmem>>, vector<1x16xf32>,
        %parallel_loop3A_480 = vector.shape_cast %parallel_loop3A_479 : vector<1x16xf32> to vector<16xf32>
        %parallel_loop3A_481 = vector.shape_cast %parallel_loop3A_476 : vector<16xf32> to vector<1x16xf32>
        tpu.vector_store %arg17[%parallel_loop3A_477, %parallel_loop3A_478], %parallel_loop3A_481 {strides = array<i32>} : memref<80x128xf32, #tpu.memory_space<vmem>>, vector<1x16xf32>,
      } {sc.loop_unroll_factor = 2 : i64, sc.parallel_access}
      "tpu.region"() ({
        %run_scoped3A = tpu.sem_alloc : memref<!tpu.dma_semaphore, #tpu.memory_space<semaphore_mem>>
        %dma_start3A_344 = arith.constant 0 : i32
        %dma_start3A_345 = arith.constant 0 : i32
        %dma_start3A_346 = tpu.memref_slice %arg24[%dma_start3A_344, %dma_start3A_345] : memref<10240x128xf32, #tpu.memory_space<vmem_shared>> -> memref<10240x128xf32, #tpu.memory_space<vmem_shared>>
        tpu.enqueue_indirect_dma source(%arg17 : memref<80x128xf32, #tpu.memory_space<vmem>>) target(%dma_start3A_346 : memref<10240x128xf32, #tpu.memory_space<vmem_shared>>) offsets(%arg14 : memref<80xi32, #tpu.memory_space<vmem>>) semaphore(%run_scoped3A : memref<!tpu.dma_semaphore, #tpu.memory_space<semaphore_mem>>) {add = true}
        %dma_wait3A_347 = arith.constant 0 : i32
        %dma_wait3A_348 = arith.constant 0 : i32
        %dma_wait3A_349 = tpu.memref_slice %arg24[%dma_wait3A_347, %dma_wait3A_348] : memref<10240x128xf32, #tpu.memory_space<vmem_shared>> -> memref<10240x128xf32, #tpu.memory_space<vmem_shared>>
        tpu.wait_indirect_dma semaphore(%run_scoped3A : memref<!tpu.dma_semaphore, #tpu.memory_space<semaphore_mem>>) src(%arg17 : memref<80x128xf32, #tpu.memory_space<vmem>>) dst(%dma_wait3A_349 : memref<10240x128xf32, #tpu.memory_space<vmem_shared>>)
        tpu.yield
      }) : () -> ()
      "tpu.region"() ({
        %run_scoped3A = tpu.sem_alloc : memref<!tpu.dma_semaphore, #tpu.memory_space<semaphore_mem>>
        %dma_start3A_344 = arith.constant 0 : i32
        %dma_start3A_345 = arith.constant 0 : i32
        %dma_start3A_346 = tpu.memref_slice %arg25[%dma_start3A_344, %dma_start3A_345] : memref<10240x16xf32, #tpu.memory_space<vmem_shared>> -> memref<10240x16xf32, #tpu.memory_space<vmem_shared>>
        tpu.enqueue_indirect_dma source(%arg20 : memref<80x16xf32, #tpu.memory_space<vmem>>) target(%dma_start3A_346 : memref<10240x16xf32, #tpu.memory_space<vmem_shared>>) offsets(%arg14 : memref<80xi32, #tpu.memory_space<vmem>>) semaphore(%run_scoped3A : memref<!tpu.dma_semaphore, #tpu.memory_space<semaphore_mem>>) {add = true}
        %dma_wait3A_347 = arith.constant 0 : i32
        %dma_wait3A_348 = arith.constant 0 : i32
        %dma_wait3A_349 = tpu.memref_slice %arg25[%dma_wait3A_347, %dma_wait3A_348] : memref<10240x16xf32, #tpu.memory_space<vmem_shared>> -> memref<10240x16xf32, #tpu.memory_space<vmem_shared>>
        tpu.wait_indirect_dma semaphore(%run_scoped3A : memref<!tpu.dma_semaphore, #tpu.memory_space<semaphore_mem>>) src(%arg20 : memref<80x16xf32, #tpu.memory_space<vmem>>) dst(%dma_wait3A_349 : memref<10240x16xf32, #tpu.memory_space<vmem_shared>>)
        tpu.yield
      }) : () -> ()
      %add3A_304 = arith.constant 2 : i32
      %add3A_305 = arith.addi %add3A_225, %add3A_304 : i32
      %add3A_306 = arith.constant 2 : i32
      %add3A_307 = arith.addi %add3A_305, %add3A_306 : i32
      %mul3A_308 = arith.constant 80 : i32
      %mul3A_309 = arith.muli %add3A_307, %mul3A_308 : i32
      %add3A_310 = arith.addi %add3A_39, %mul3A_309 : i32
      %dma_start3A_311 = tpu.memref_slice %arg2[%add3A_310] : memref<320000xi32, #tpu.memory_space<hbm>> -> memref<80xi32, #tpu.memory_space<hbm>>
      %dma_start3A_312 = tpu.memref_slice %arg2[%add3A_310] : memref<320000xi32, #tpu.memory_space<hbm>> -> memref<80xi32, #tpu.memory_space<hbm>>
      tpu.enqueue_dma source(%dma_start3A_312 : memref<80xi32, #tpu.memory_space<hbm>>) target(%arg11 : memref<80xi32, #tpu.memory_space<vmem>>) target_semaphore(%arg28 : memref<!tpu.dma_semaphore, #tpu.memory_space<semaphore_mem>>)
      %dma_start3A_313 = tpu.memref_slice %arg3[%add3A_310] : memref<320000xi32, #tpu.memory_space<hbm>> -> memref<80xi32, #tpu.memory_space<hbm>>
      %dma_start3A_314 = tpu.memref_slice %arg3[%add3A_310] : memref<320000xi32, #tpu.memory_space<hbm>> -> memref<80xi32, #tpu.memory_space<hbm>>
      tpu.enqueue_dma source(%dma_start3A_314 : memref<80xi32, #tpu.memory_space<hbm>>) target(%arg14 : memref<80xi32, #tpu.memory_space<vmem>>) target_semaphore(%arg28 : memref<!tpu.dma_semaphore, #tpu.memory_space<semaphore_mem>>)
      %dma_wait3A_315 = arith.constant 0 : i32
      %dma_wait3A_316 = tpu.memref_slice %arg2[%dma_wait3A_315] : memref<320000xi32, #tpu.memory_space<hbm>> -> memref<80xi32, #tpu.memory_space<hbm>>
      %dma_wait3A_317 = arith.constant 0 : i32
      %dma_wait3A_318 = tpu.memref_slice %arg2[%dma_wait3A_317] : memref<320000xi32, #tpu.memory_space<hbm>> -> memref<80xi32, #tpu.memory_space<hbm>>
      tpu.wait_dma2 semaphore(%arg27 : memref<!tpu.dma_semaphore, #tpu.memory_space<semaphore_mem>>) src(%dma_wait3A_318 : memref<80xi32, #tpu.memory_space<hbm>>) dst(%arg10 : memref<80xi32, #tpu.memory_space<vmem>>)
      %dma_wait3A_319 = arith.constant 0 : i32
      %dma_wait3A_320 = tpu.memref_slice %arg3[%dma_wait3A_319] : memref<320000xi32, #tpu.memory_space<hbm>> -> memref<80xi32, #tpu.memory_space<hbm>>
      %dma_wait3A_321 = arith.constant 0 : i32
      %dma_wait3A_322 = tpu.memref_slice %arg3[%dma_wait3A_321] : memref<320000xi32, #tpu.memory_space<hbm>> -> memref<80xi32, #tpu.memory_space<hbm>>
      tpu.wait_dma2 semaphore(%arg27 : memref<!tpu.dma_semaphore, #tpu.memory_space<semaphore_mem>>) src(%dma_wait3A_322 : memref<80xi32, #tpu.memory_space<hbm>>) dst(%arg13 : memref<80xi32, #tpu.memory_space<vmem>>)
      %dma_start3A_323 = arith.constant 0 : i32
      %dma_start3A_324 = arith.constant 0 : i32
      %dma_start3A_325 = tpu.memref_slice %arg4[%dma_start3A_323, %dma_start3A_324] : memref<10000x128xf32, #tpu.memory_space<hbm>> -> memref<10000x128xf32, #tpu.memory_space<hbm>>
      tpu.enqueue_indirect_dma source(%dma_start3A_325 : memref<10000x128xf32, #tpu.memory_space<hbm>>) target(%arg16 : memref<80x128xf32, #tpu.memory_space<vmem>>) offsets(%arg10 : memref<80xi32, #tpu.memory_space<vmem>>) semaphore(%arg30 : memref<!tpu.dma_semaphore, #tpu.memory_space<semaphore_mem>>)
      %dma_start3A_326 = arith.constant 0 : i32
      %dma_start3A_327 = arith.constant 0 : i32
      %dma_start3A_328 = tpu.memref_slice %arg5[%dma_start3A_326, %dma_start3A_327] : memref<10000x16xf32, #tpu.memory_space<hbm>> -> memref<10000x16xf32, #tpu.memory_space<hbm>>
      tpu.enqueue_indirect_dma source(%dma_start3A_328 : memref<10000x16xf32, #tpu.memory_space<hbm>>) target(%arg19 : memref<80x16xf32, #tpu.memory_space<vmem>>) offsets(%arg10 : memref<80xi32, #tpu.memory_space<vmem>>) semaphore(%arg33 : memref<!tpu.dma_semaphore, #tpu.memory_space<semaphore_mem>>)
      %dma_start3A_329 = arith.constant 0 : i32
      %dma_start3A_330 = arith.constant 0 : i32
      %dma_start3A_331 = tpu.memref_slice %arg6[%dma_start3A_329, %dma_start3A_330] : memref<10000x16xf32, #tpu.memory_space<hbm>> -> memref<10000x16xf32, #tpu.memory_space<hbm>>
      tpu.enqueue_indirect_dma source(%dma_start3A_331 : memref<10000x16xf32, #tpu.memory_space<hbm>>) target(%arg22 : memref<80x16xf32, #tpu.memory_space<vmem>>) offsets(%arg13 : memref<80xi32, #tpu.memory_space<vmem>>) semaphore(%arg36 : memref<!tpu.dma_semaphore, #tpu.memory_space<semaphore_mem>>)
      %dma_wait3A_332 = arith.constant 0 : i32
      %dma_wait3A_333 = arith.constant 0 : i32
      %dma_wait3A_334 = tpu.memref_slice %arg4[%dma_wait3A_332, %dma_wait3A_333] : memref<10000x128xf32, #tpu.memory_space<hbm>> -> memref<10000x128xf32, #tpu.memory_space<hbm>>
      tpu.wait_indirect_dma semaphore(%arg29 : memref<!tpu.dma_semaphore, #tpu.memory_space<semaphore_mem>>) src(%dma_wait3A_334 : memref<10000x128xf32, #tpu.memory_space<hbm>>) dst(%arg15 : memref<80x128xf32, #tpu.memory_space<vmem>>)
      %dma_wait3A_335 = arith.constant 0 : i32
      %dma_wait3A_336 = arith.constant 0 : i32
      %dma_wait3A_337 = tpu.memref_slice %arg5[%dma_wait3A_335, %dma_wait3A_336] : memref<10000x16xf32, #tpu.memory_space<hbm>> -> memref<10000x16xf32, #tpu.memory_space<hbm>>
      tpu.wait_indirect_dma semaphore(%arg32 : memref<!tpu.dma_semaphore, #tpu.memory_space<semaphore_mem>>) src(%dma_wait3A_337 : memref<10000x16xf32, #tpu.memory_space<hbm>>) dst(%arg18 : memref<80x16xf32, #tpu.memory_space<vmem>>)
      %dma_wait3A_338 = arith.constant 0 : i32
      %dma_wait3A_339 = arith.constant 0 : i32
      %dma_wait3A_340 = tpu.memref_slice %arg6[%dma_wait3A_338, %dma_wait3A_339] : memref<10000x16xf32, #tpu.memory_space<hbm>> -> memref<10000x16xf32, #tpu.memory_space<hbm>>
      tpu.wait_indirect_dma semaphore(%arg35 : memref<!tpu.dma_semaphore, #tpu.memory_space<semaphore_mem>>) src(%dma_wait3A_340 : memref<10000x16xf32, #tpu.memory_space<hbm>>) dst(%arg21 : memref<80x16xf32, #tpu.memory_space<vmem>>)
      %parallel_loop3A_341 = arith.constant 0 : i32
      %parallel_loop3A_342 = arith.constant 80 : i32
      %parallel_loop3A_343 = arith.constant 1 : i32
      scf.for %parallel_loop3A_344 = %parallel_loop3A_341 to %parallel_loop3A_342 step %parallel_loop3A_343  : i32 {
        %parallel_loop3A_345 = arith.index_cast %parallel_loop3A_344 : i32 to index
        %parallel_loop3A_346 = arith.constant 0 : index
        %parallel_loop3A_347 = tpu.vector_load %arg18[%parallel_loop3A_345, %parallel_loop3A_346] {strides = array<i32>} : memref<80x16xf32, #tpu.memory_space<vmem>>, vector<1x16xf32>,
        %parallel_loop3A_348 = vector.shape_cast %parallel_loop3A_347 : vector<1x16xf32> to vector<16xf32>
        %parallel_loop3A_349 = arith.index_cast %parallel_loop3A_344 : i32 to index
        %parallel_loop3A_350 = arith.constant 0 : index
        %parallel_loop3A_351 = tpu.vector_load %arg21[%parallel_loop3A_349, %parallel_loop3A_350] {strides = array<i32>} : memref<80x16xf32, #tpu.memory_space<vmem>>, vector<1x16xf32>,
        %parallel_loop3A_352 = vector.shape_cast %parallel_loop3A_351 : vector<1x16xf32> to vector<16xf32>
        %parallel_loop3A_353 = arith.addf %parallel_loop3A_348, %parallel_loop3A_352 : vector<16xf32>
        %parallel_loop3A_354 = arith.constant 0.000000e+00 : f32
        %parallel_loop3A_355 = vector.broadcast %parallel_loop3A_354 : f32 to vector<16xf32>
        %parallel_loop3A_356 = arith.maximumf %parallel_loop3A_353, %parallel_loop3A_355 : vector<16xf32>
        %parallel_loop3A_357 = arith.constant 0.000000e+00 : f32
        %parallel_loop3A_358 = vector.broadcast %parallel_loop3A_357 : f32 to vector<16xf32>
        %parallel_loop3A_359 = arith.minimumf %parallel_loop3A_353, %parallel_loop3A_358 : vector<16xf32>
        %parallel_loop3A_360 = arith.constant 2.000000e-01 : f32
        %parallel_loop3A_361 = vector.broadcast %parallel_loop3A_360 : f32 to vector<16xf32>
        %parallel_loop3A_362 = arith.mulf %parallel_loop3A_361, %parallel_loop3A_359 : vector<16xf32>
        %parallel_loop3A_363 = arith.addf %parallel_loop3A_356, %parallel_loop3A_362 : vector<16xf32>
        %parallel_loop3A_364 = math.exp %parallel_loop3A_363 : vector<16xf32>
        %parallel_loop3A_365 = arith.index_cast %parallel_loop3A_344 : i32 to index
        %parallel_loop3A_366 = arith.constant 0 : index
        %parallel_loop3A_367 = tpu.vector_load %arg18[%parallel_loop3A_365, %parallel_loop3A_366] {strides = array<i32>} : memref<80x16xf32, #tpu.memory_space<vmem>>, vector<1x16xf32>,
        %parallel_loop3A_368 = vector.shape_cast %parallel_loop3A_367 : vector<1x16xf32> to vector<16xf32>
        %parallel_loop3A_369 = vector.shape_cast %parallel_loop3A_364 : vector<16xf32> to vector<1x16xf32>
        tpu.vector_store %arg18[%parallel_loop3A_365, %parallel_loop3A_366], %parallel_loop3A_369 {strides = array<i32>} : memref<80x16xf32, #tpu.memory_space<vmem>>, vector<1x16xf32>,
        %parallel_loop3A_370 = arith.constant 0 : i32
        %parallel_loop3A_371 = vector.broadcast %parallel_loop3A_370 : i32 to vector<16x1xi32>
        %parallel_loop3A_372 = vector.shape_cast %parallel_loop3A_371 : vector<16x1xi32> to vector<16xi32>
        %parallel_loop3A_373 = tpu.dynamic_gather %parallel_loop3A_364[%parallel_loop3A_372] in [0] : vector<16xf32>, vector<16xi32> -> vector<16xf32>
        %parallel_loop3A_374 = arith.index_cast %parallel_loop3A_344 : i32 to index
        %parallel_loop3A_375 = arith.constant 0 : index
        %parallel_loop3A_376 = tpu.vector_load %arg15[%parallel_loop3A_374, %parallel_loop3A_375] {strides = array<i32>} : memref<80x128xf32, #tpu.memory_space<vmem>>, vector<1x16xf32>,
        %parallel_loop3A_377 = vector.shape_cast %parallel_loop3A_376 : vector<1x16xf32> to vector<16xf32>
        %parallel_loop3A_378 = arith.mulf %parallel_loop3A_377, %parallel_loop3A_373 : vector<16xf32>
        %parallel_loop3A_379 = arith.index_cast %parallel_loop3A_344 : i32 to index
        %parallel_loop3A_380 = arith.constant 0 : index
        %parallel_loop3A_381 = tpu.vector_load %arg15[%parallel_loop3A_379, %parallel_loop3A_380] {strides = array<i32>} : memref<80x128xf32, #tpu.memory_space<vmem>>, vector<1x16xf32>,
        %parallel_loop3A_382 = vector.shape_cast %parallel_loop3A_381 : vector<1x16xf32> to vector<16xf32>
        %parallel_loop3A_383 = vector.shape_cast %parallel_loop3A_378 : vector<16xf32> to vector<1x16xf32>
        tpu.vector_store %arg15[%parallel_loop3A_379, %parallel_loop3A_380], %parallel_loop3A_383 {strides = array<i32>} : memref<80x128xf32, #tpu.memory_space<vmem>>, vector<1x16xf32>,
        %parallel_loop3A_384 = arith.constant 1 : i32
        %parallel_loop3A_385 = vector.broadcast %parallel_loop3A_384 : i32 to vector<16x1xi32>
        %parallel_loop3A_386 = vector.shape_cast %parallel_loop3A_385 : vector<16x1xi32> to vector<16xi32>
        %parallel_loop3A_387 = tpu.dynamic_gather %parallel_loop3A_364[%parallel_loop3A_386] in [0] : vector<16xf32>, vector<16xi32> -> vector<16xf32>
        %parallel_loop3A_388 = arith.index_cast %parallel_loop3A_344 : i32 to index
        %parallel_loop3A_389 = arith.constant 16 : index
        %parallel_loop3A_390 = tpu.vector_load %arg15[%parallel_loop3A_388, %parallel_loop3A_389] {strides = array<i32>} : memref<80x128xf32, #tpu.memory_space<vmem>>, vector<1x16xf32>,
        %parallel_loop3A_391 = vector.shape_cast %parallel_loop3A_390 : vector<1x16xf32> to vector<16xf32>
        %parallel_loop3A_392 = arith.mulf %parallel_loop3A_391, %parallel_loop3A_387 : vector<16xf32>
        %parallel_loop3A_393 = arith.index_cast %parallel_loop3A_344 : i32 to index
        %parallel_loop3A_394 = arith.constant 16 : index
        %parallel_loop3A_395 = tpu.vector_load %arg15[%parallel_loop3A_393, %parallel_loop3A_394] {strides = array<i32>} : memref<80x128xf32, #tpu.memory_space<vmem>>, vector<1x16xf32>,
        %parallel_loop3A_396 = vector.shape_cast %parallel_loop3A_395 : vector<1x16xf32> to vector<16xf32>
        %parallel_loop3A_397 = vector.shape_cast %parallel_loop3A_392 : vector<16xf32> to vector<1x16xf32>
        tpu.vector_store %arg15[%parallel_loop3A_393, %parallel_loop3A_394], %parallel_loop3A_397 {strides = array<i32>} : memref<80x128xf32, #tpu.memory_space<vmem>>, vector<1x16xf32>,
        %parallel_loop3A_398 = arith.constant 2 : i32
        %parallel_loop3A_399 = vector.broadcast %parallel_loop3A_398 : i32 to vector<16x1xi32>
        %parallel_loop3A_400 = vector.shape_cast %parallel_loop3A_399 : vector<16x1xi32> to vector<16xi32>
        %parallel_loop3A_401 = tpu.dynamic_gather %parallel_loop3A_364[%parallel_loop3A_400] in [0] : vector<16xf32>, vector<16xi32> -> vector<16xf32>
        %parallel_loop3A_402 = arith.index_cast %parallel_loop3A_344 : i32 to index
        %parallel_loop3A_403 = arith.constant 32 : index
        %parallel_loop3A_404 = tpu.vector_load %arg15[%parallel_loop3A_402, %parallel_loop3A_403] {strides = array<i32>} : memref<80x128xf32, #tpu.memory_space<vmem>>, vector<1x16xf32>,
        %parallel_loop3A_405 = vector.shape_cast %parallel_loop3A_404 : vector<1x16xf32> to vector<16xf32>
        %parallel_loop3A_406 = arith.mulf %parallel_loop3A_405, %parallel_loop3A_401 : vector<16xf32>
        %parallel_loop3A_407 = arith.index_cast %parallel_loop3A_344 : i32 to index
        %parallel_loop3A_408 = arith.constant 32 : index
        %parallel_loop3A_409 = tpu.vector_load %arg15[%parallel_loop3A_407, %parallel_loop3A_408] {strides = array<i32>} : memref<80x128xf32, #tpu.memory_space<vmem>>, vector<1x16xf32>,
        %parallel_loop3A_410 = vector.shape_cast %parallel_loop3A_409 : vector<1x16xf32> to vector<16xf32>
        %parallel_loop3A_411 = vector.shape_cast %parallel_loop3A_406 : vector<16xf32> to vector<1x16xf32>
        tpu.vector_store %arg15[%parallel_loop3A_407, %parallel_loop3A_408], %parallel_loop3A_411 {strides = array<i32>} : memref<80x128xf32, #tpu.memory_space<vmem>>, vector<1x16xf32>,
        %parallel_loop3A_412 = arith.constant 3 : i32
        %parallel_loop3A_413 = vector.broadcast %parallel_loop3A_412 : i32 to vector<16x1xi32>
        %parallel_loop3A_414 = vector.shape_cast %parallel_loop3A_413 : vector<16x1xi32> to vector<16xi32>
        %parallel_loop3A_415 = tpu.dynamic_gather %parallel_loop3A_364[%parallel_loop3A_414] in [0] : vector<16xf32>, vector<16xi32> -> vector<16xf32>
        %parallel_loop3A_416 = arith.index_cast %parallel_loop3A_344 : i32 to index
        %parallel_loop3A_417 = arith.constant 48 : index
        %parallel_loop3A_418 = tpu.vector_load %arg15[%parallel_loop3A_416, %parallel_loop3A_417] {strides = array<i32>} : memref<80x128xf32, #tpu.memory_space<vmem>>, vector<1x16xf32>,
        %parallel_loop3A_419 = vector.shape_cast %parallel_loop3A_418 : vector<1x16xf32> to vector<16xf32>
        %parallel_loop3A_420 = arith.mulf %parallel_loop3A_419, %parallel_loop3A_415 : vector<16xf32>
        %parallel_loop3A_421 = arith.index_cast %parallel_loop3A_344 : i32 to index
        %parallel_loop3A_422 = arith.constant 48 : index
        %parallel_loop3A_423 = tpu.vector_load %arg15[%parallel_loop3A_421, %parallel_loop3A_422] {strides = array<i32>} : memref<80x128xf32, #tpu.memory_space<vmem>>, vector<1x16xf32>,
        %parallel_loop3A_424 = vector.shape_cast %parallel_loop3A_423 : vector<1x16xf32> to vector<16xf32>
        %parallel_loop3A_425 = vector.shape_cast %parallel_loop3A_420 : vector<16xf32> to vector<1x16xf32>
        tpu.vector_store %arg15[%parallel_loop3A_421, %parallel_loop3A_422], %parallel_loop3A_425 {strides = array<i32>} : memref<80x128xf32, #tpu.memory_space<vmem>>, vector<1x16xf32>,
        %parallel_loop3A_426 = arith.constant 4 : i32
        %parallel_loop3A_427 = vector.broadcast %parallel_loop3A_426 : i32 to vector<16x1xi32>
        %parallel_loop3A_428 = vector.shape_cast %parallel_loop3A_427 : vector<16x1xi32> to vector<16xi32>
        %parallel_loop3A_429 = tpu.dynamic_gather %parallel_loop3A_364[%parallel_loop3A_428] in [0] : vector<16xf32>, vector<16xi32> -> vector<16xf32>
        %parallel_loop3A_430 = arith.index_cast %parallel_loop3A_344 : i32 to index
        %parallel_loop3A_431 = arith.constant 64 : index
        %parallel_loop3A_432 = tpu.vector_load %arg15[%parallel_loop3A_430, %parallel_loop3A_431] {strides = array<i32>} : memref<80x128xf32, #tpu.memory_space<vmem>>, vector<1x16xf32>,
        %parallel_loop3A_433 = vector.shape_cast %parallel_loop3A_432 : vector<1x16xf32> to vector<16xf32>
        %parallel_loop3A_434 = arith.mulf %parallel_loop3A_433, %parallel_loop3A_429 : vector<16xf32>
        %parallel_loop3A_435 = arith.index_cast %parallel_loop3A_344 : i32 to index
        %parallel_loop3A_436 = arith.constant 64 : index
        %parallel_loop3A_437 = tpu.vector_load %arg15[%parallel_loop3A_435, %parallel_loop3A_436] {strides = array<i32>} : memref<80x128xf32, #tpu.memory_space<vmem>>, vector<1x16xf32>,
        %parallel_loop3A_438 = vector.shape_cast %parallel_loop3A_437 : vector<1x16xf32> to vector<16xf32>
        %parallel_loop3A_439 = vector.shape_cast %parallel_loop3A_434 : vector<16xf32> to vector<1x16xf32>
        tpu.vector_store %arg15[%parallel_loop3A_435, %parallel_loop3A_436], %parallel_loop3A_439 {strides = array<i32>} : memref<80x128xf32, #tpu.memory_space<vmem>>, vector<1x16xf32>,
        %parallel_loop3A_440 = arith.constant 5 : i32
        %parallel_loop3A_441 = vector.broadcast %parallel_loop3A_440 : i32 to vector<16x1xi32>
        %parallel_loop3A_442 = vector.shape_cast %parallel_loop3A_441 : vector<16x1xi32> to vector<16xi32>
        %parallel_loop3A_443 = tpu.dynamic_gather %parallel_loop3A_364[%parallel_loop3A_442] in [0] : vector<16xf32>, vector<16xi32> -> vector<16xf32>
        %parallel_loop3A_444 = arith.index_cast %parallel_loop3A_344 : i32 to index
        %parallel_loop3A_445 = arith.constant 80 : index
        %parallel_loop3A_446 = tpu.vector_load %arg15[%parallel_loop3A_444, %parallel_loop3A_445] {strides = array<i32>} : memref<80x128xf32, #tpu.memory_space<vmem>>, vector<1x16xf32>,
        %parallel_loop3A_447 = vector.shape_cast %parallel_loop3A_446 : vector<1x16xf32> to vector<16xf32>
        %parallel_loop3A_448 = arith.mulf %parallel_loop3A_447, %parallel_loop3A_443 : vector<16xf32>
        %parallel_loop3A_449 = arith.index_cast %parallel_loop3A_344 : i32 to index
        %parallel_loop3A_450 = arith.constant 80 : index
        %parallel_loop3A_451 = tpu.vector_load %arg15[%parallel_loop3A_449, %parallel_loop3A_450] {strides = array<i32>} : memref<80x128xf32, #tpu.memory_space<vmem>>, vector<1x16xf32>,
        %parallel_loop3A_452 = vector.shape_cast %parallel_loop3A_451 : vector<1x16xf32> to vector<16xf32>
        %parallel_loop3A_453 = vector.shape_cast %parallel_loop3A_448 : vector<16xf32> to vector<1x16xf32>
        tpu.vector_store %arg15[%parallel_loop3A_449, %parallel_loop3A_450], %parallel_loop3A_453 {strides = array<i32>} : memref<80x128xf32, #tpu.memory_space<vmem>>, vector<1x16xf32>,
        %parallel_loop3A_454 = arith.constant 6 : i32
        %parallel_loop3A_455 = vector.broadcast %parallel_loop3A_454 : i32 to vector<16x1xi32>
        %parallel_loop3A_456 = vector.shape_cast %parallel_loop3A_455 : vector<16x1xi32> to vector<16xi32>
        %parallel_loop3A_457 = tpu.dynamic_gather %parallel_loop3A_364[%parallel_loop3A_456] in [0] : vector<16xf32>, vector<16xi32> -> vector<16xf32>
        %parallel_loop3A_458 = arith.index_cast %parallel_loop3A_344 : i32 to index
        %parallel_loop3A_459 = arith.constant 96 : index
        %parallel_loop3A_460 = tpu.vector_load %arg15[%parallel_loop3A_458, %parallel_loop3A_459] {strides = array<i32>} : memref<80x128xf32, #tpu.memory_space<vmem>>, vector<1x16xf32>,
        %parallel_loop3A_461 = vector.shape_cast %parallel_loop3A_460 : vector<1x16xf32> to vector<16xf32>
        %parallel_loop3A_462 = arith.mulf %parallel_loop3A_461, %parallel_loop3A_457 : vector<16xf32>
        %parallel_loop3A_463 = arith.index_cast %parallel_loop3A_344 : i32 to index
        %parallel_loop3A_464 = arith.constant 96 : index
        %parallel_loop3A_465 = tpu.vector_load %arg15[%parallel_loop3A_463, %parallel_loop3A_464] {strides = array<i32>} : memref<80x128xf32, #tpu.memory_space<vmem>>, vector<1x16xf32>,
        %parallel_loop3A_466 = vector.shape_cast %parallel_loop3A_465 : vector<1x16xf32> to vector<16xf32>
        %parallel_loop3A_467 = vector.shape_cast %parallel_loop3A_462 : vector<16xf32> to vector<1x16xf32>
        tpu.vector_store %arg15[%parallel_loop3A_463, %parallel_loop3A_464], %parallel_loop3A_467 {strides = array<i32>} : memref<80x128xf32, #tpu.memory_space<vmem>>, vector<1x16xf32>,
        %parallel_loop3A_468 = arith.constant 7 : i32
        %parallel_loop3A_469 = vector.broadcast %parallel_loop3A_468 : i32 to vector<16x1xi32>
        %parallel_loop3A_470 = vector.shape_cast %parallel_loop3A_469 : vector<16x1xi32> to vector<16xi32>
        %parallel_loop3A_471 = tpu.dynamic_gather %parallel_loop3A_364[%parallel_loop3A_470] in [0] : vector<16xf32>, vector<16xi32> -> vector<16xf32>
        %parallel_loop3A_472 = arith.index_cast %parallel_loop3A_344 : i32 to index
        %parallel_loop3A_473 = arith.constant 112 : index
        %parallel_loop3A_474 = tpu.vector_load %arg15[%parallel_loop3A_472, %parallel_loop3A_473] {strides = array<i32>} : memref<80x128xf32, #tpu.memory_space<vmem>>, vector<1x16xf32>,
        %parallel_loop3A_475 = vector.shape_cast %parallel_loop3A_474 : vector<1x16xf32> to vector<16xf32>
        %parallel_loop3A_476 = arith.mulf %parallel_loop3A_475, %parallel_loop3A_471 : vector<16xf32>
        %parallel_loop3A_477 = arith.index_cast %parallel_loop3A_344 : i32 to index
        %parallel_loop3A_478 = arith.constant 112 : index
        %parallel_loop3A_479 = tpu.vector_load %arg15[%parallel_loop3A_477, %parallel_loop3A_478] {strides = array<i32>} : memref<80x128xf32, #tpu.memory_space<vmem>>, vector<1x16xf32>,
        %parallel_loop3A_480 = vector.shape_cast %parallel_loop3A_479 : vector<1x16xf32> to vector<16xf32>
        %parallel_loop3A_481 = vector.shape_cast %parallel_loop3A_476 : vector<16xf32> to vector<1x16xf32>
        tpu.vector_store %arg15[%parallel_loop3A_477, %parallel_loop3A_478], %parallel_loop3A_481 {strides = array<i32>} : memref<80x128xf32, #tpu.memory_space<vmem>>, vector<1x16xf32>,
      } {sc.loop_unroll_factor = 2 : i64, sc.parallel_access}
      "tpu.region"() ({
        %run_scoped3A = tpu.sem_alloc : memref<!tpu.dma_semaphore, #tpu.memory_space<semaphore_mem>>
        %dma_start3A_344 = arith.constant 0 : i32
        %dma_start3A_345 = arith.constant 0 : i32
        %dma_start3A_346 = tpu.memref_slice %arg24[%dma_start3A_344, %dma_start3A_345] : memref<10240x128xf32, #tpu.memory_space<vmem_shared>> -> memref<10240x128xf32, #tpu.memory_space<vmem_shared>>
        tpu.enqueue_indirect_dma source(%arg15 : memref<80x128xf32, #tpu.memory_space<vmem>>) target(%dma_start3A_346 : memref<10240x128xf32, #tpu.memory_space<vmem_shared>>) offsets(%arg12 : memref<80xi32, #tpu.memory_space<vmem>>) semaphore(%run_scoped3A : memref<!tpu.dma_semaphore, #tpu.memory_space<semaphore_mem>>) {add = true}
        %dma_wait3A_347 = arith.constant 0 : i32
        %dma_wait3A_348 = arith.constant 0 : i32
        %dma_wait3A_349 = tpu.memref_slice %arg24[%dma_wait3A_347, %dma_wait3A_348] : memref<10240x128xf32, #tpu.memory_space<vmem_shared>> -> memref<10240x128xf32, #tpu.memory_space<vmem_shared>>
        tpu.wait_indirect_dma semaphore(%run_scoped3A : memref<!tpu.dma_semaphore, #tpu.memory_space<semaphore_mem>>) src(%arg15 : memref<80x128xf32, #tpu.memory_space<vmem>>) dst(%dma_wait3A_349 : memref<10240x128xf32, #tpu.memory_space<vmem_shared>>)
        tpu.yield
      }) : () -> ()
      "tpu.region"() ({
        %run_scoped3A = tpu.sem_alloc : memref<!tpu.dma_semaphore, #tpu.memory_space<semaphore_mem>>
        %dma_start3A_344 = arith.constant 0 : i32
        %dma_start3A_345 = arith.constant 0 : i32
        %dma_start3A_346 = tpu.memref_slice %arg25[%dma_start3A_344, %dma_start3A_345] : memref<10240x16xf32, #tpu.memory_space<vmem_shared>> -> memref<10240x16xf32, #tpu.memory_space<vmem_shared>>
        tpu.enqueue_indirect_dma source(%arg18 : memref<80x16xf32, #tpu.memory_space<vmem>>) target(%dma_start3A_346 : memref<10240x16xf32, #tpu.memory_space<vmem_shared>>) offsets(%arg12 : memref<80xi32, #tpu.memory_space<vmem>>) semaphore(%run_scoped3A : memref<!tpu.dma_semaphore, #tpu.memory_space<semaphore_mem>>) {add = true}
        %dma_wait3A_347 = arith.constant 0 : i32
        %dma_wait3A_348 = arith.constant 0 : i32
        %dma_wait3A_349 = tpu.memref_slice %arg25[%dma_wait3A_347, %dma_wait3A_348] : memref<10240x16xf32, #tpu.memory_space<vmem_shared>> -> memref<10240x16xf32, #tpu.memory_space<vmem_shared>>
        tpu.wait_indirect_dma semaphore(%run_scoped3A : memref<!tpu.dma_semaphore, #tpu.memory_space<semaphore_mem>>) src(%arg18 : memref<80x16xf32, #tpu.memory_space<vmem>>) dst(%dma_wait3A_349 : memref<10240x16xf32, #tpu.memory_space<vmem_shared>>)
        tpu.yield
      }) : () -> ()
    }
    %scan3A_106 = arith.constant 40 : i32
    %add3A_107 = arith.constant 9840 : i32
    %add3A_108 = arith.addi %add3A_39, %add3A_107 : i32
    %dma_start3A_109 = tpu.memref_slice %arg2[%add3A_108] : memref<320000xi32, #tpu.memory_space<hbm>> -> memref<80xi32, #tpu.memory_space<hbm>>
    %dma_start3A_110 = tpu.memref_slice %arg2[%add3A_108] : memref<320000xi32, #tpu.memory_space<hbm>> -> memref<80xi32, #tpu.memory_space<hbm>>
    tpu.enqueue_dma source(%dma_start3A_110 : memref<80xi32, #tpu.memory_space<hbm>>) target(%arg9 : memref<80xi32, #tpu.memory_space<vmem>>) target_semaphore(%arg26 : memref<!tpu.dma_semaphore, #tpu.memory_space<semaphore_mem>>)
    %dma_start3A_111 = tpu.memref_slice %arg3[%add3A_108] : memref<320000xi32, #tpu.memory_space<hbm>> -> memref<80xi32, #tpu.memory_space<hbm>>
    %dma_start3A_112 = tpu.memref_slice %arg3[%add3A_108] : memref<320000xi32, #tpu.memory_space<hbm>> -> memref<80xi32, #tpu.memory_space<hbm>>
    tpu.enqueue_dma source(%dma_start3A_112 : memref<80xi32, #tpu.memory_space<hbm>>) target(%arg12 : memref<80xi32, #tpu.memory_space<vmem>>) target_semaphore(%arg26 : memref<!tpu.dma_semaphore, #tpu.memory_space<semaphore_mem>>)
    %dma_wait3A_113 = arith.constant 0 : i32
    %dma_wait3A_114 = tpu.memref_slice %arg2[%dma_wait3A_113] : memref<320000xi32, #tpu.memory_space<hbm>> -> memref<80xi32, #tpu.memory_space<hbm>>
    %dma_wait3A_115 = arith.constant 0 : i32
    %dma_wait3A_116 = tpu.memref_slice %arg2[%dma_wait3A_115] : memref<320000xi32, #tpu.memory_space<hbm>> -> memref<80xi32, #tpu.memory_space<hbm>>
    tpu.wait_dma2 semaphore(%arg28 : memref<!tpu.dma_semaphore, #tpu.memory_space<semaphore_mem>>) src(%dma_wait3A_116 : memref<80xi32, #tpu.memory_space<hbm>>) dst(%arg11 : memref<80xi32, #tpu.memory_space<vmem>>)
    %dma_wait3A_117 = arith.constant 0 : i32
    %dma_wait3A_118 = tpu.memref_slice %arg3[%dma_wait3A_117] : memref<320000xi32, #tpu.memory_space<hbm>> -> memref<80xi32, #tpu.memory_space<hbm>>
    %dma_wait3A_119 = arith.constant 0 : i32
    %dma_wait3A_120 = tpu.memref_slice %arg3[%dma_wait3A_119] : memref<320000xi32, #tpu.memory_space<hbm>> -> memref<80xi32, #tpu.memory_space<hbm>>
    tpu.wait_dma2 semaphore(%arg28 : memref<!tpu.dma_semaphore, #tpu.memory_space<semaphore_mem>>) src(%dma_wait3A_120 : memref<80xi32, #tpu.memory_space<hbm>>) dst(%arg14 : memref<80xi32, #tpu.memory_space<vmem>>)
    %dma_start3A_121 = arith.constant 0 : i32
    %dma_start3A_122 = arith.constant 0 : i32
    %dma_start3A_123 = tpu.memref_slice %arg4[%dma_start3A_121, %dma_start3A_122] : memref<10000x128xf32, #tpu.memory_space<hbm>> -> memref<10000x128xf32, #tpu.memory_space<hbm>>
    tpu.enqueue_indirect_dma source(%dma_start3A_123 : memref<10000x128xf32, #tpu.memory_space<hbm>>) target(%arg17 : memref<80x128xf32, #tpu.memory_space<vmem>>) offsets(%arg11 : memref<80xi32, #tpu.memory_space<vmem>>) semaphore(%arg31 : memref<!tpu.dma_semaphore, #tpu.memory_space<semaphore_mem>>)
    %dma_start3A_124 = arith.constant 0 : i32
    %dma_start3A_125 = arith.constant 0 : i32
    %dma_start3A_126 = tpu.memref_slice %arg5[%dma_start3A_124, %dma_start3A_125] : memref<10000x16xf32, #tpu.memory_space<hbm>> -> memref<10000x16xf32, #tpu.memory_space<hbm>>
    tpu.enqueue_indirect_dma source(%dma_start3A_126 : memref<10000x16xf32, #tpu.memory_space<hbm>>) target(%arg20 : memref<80x16xf32, #tpu.memory_space<vmem>>) offsets(%arg11 : memref<80xi32, #tpu.memory_space<vmem>>) semaphore(%arg34 : memref<!tpu.dma_semaphore, #tpu.memory_space<semaphore_mem>>)
    %dma_start3A_127 = arith.constant 0 : i32
    %dma_start3A_128 = arith.constant 0 : i32
    %dma_start3A_129 = tpu.memref_slice %arg6[%dma_start3A_127, %dma_start3A_128] : memref<10000x16xf32, #tpu.memory_space<hbm>> -> memref<10000x16xf32, #tpu.memory_space<hbm>>
    tpu.enqueue_indirect_dma source(%dma_start3A_129 : memref<10000x16xf32, #tpu.memory_space<hbm>>) target(%arg23 : memref<80x16xf32, #tpu.memory_space<vmem>>) offsets(%arg14 : memref<80xi32, #tpu.memory_space<vmem>>) semaphore(%arg37 : memref<!tpu.dma_semaphore, #tpu.memory_space<semaphore_mem>>)
    %dma_wait3A_130 = arith.constant 0 : i32
    %dma_wait3A_131 = arith.constant 0 : i32
    %dma_wait3A_132 = tpu.memref_slice %arg4[%dma_wait3A_130, %dma_wait3A_131] : memref<10000x128xf32, #tpu.memory_space<hbm>> -> memref<10000x128xf32, #tpu.memory_space<hbm>>
    tpu.wait_indirect_dma semaphore(%arg30 : memref<!tpu.dma_semaphore, #tpu.memory_space<semaphore_mem>>) src(%dma_wait3A_132 : memref<10000x128xf32, #tpu.memory_space<hbm>>) dst(%arg16 : memref<80x128xf32, #tpu.memory_space<vmem>>)
    %dma_wait3A_133 = arith.constant 0 : i32
    %dma_wait3A_134 = arith.constant 0 : i32
    %dma_wait3A_135 = tpu.memref_slice %arg5[%dma_wait3A_133, %dma_wait3A_134] : memref<10000x16xf32, #tpu.memory_space<hbm>> -> memref<10000x16xf32, #tpu.memory_space<hbm>>
    tpu.wait_indirect_dma semaphore(%arg33 : memref<!tpu.dma_semaphore, #tpu.memory_space<semaphore_mem>>) src(%dma_wait3A_135 : memref<10000x16xf32, #tpu.memory_space<hbm>>) dst(%arg19 : memref<80x16xf32, #tpu.memory_space<vmem>>)
    %dma_wait3A_136 = arith.constant 0 : i32
    %dma_wait3A_137 = arith.constant 0 : i32
    %dma_wait3A_138 = tpu.memref_slice %arg6[%dma_wait3A_136, %dma_wait3A_137] : memref<10000x16xf32, #tpu.memory_space<hbm>> -> memref<10000x16xf32, #tpu.memory_space<hbm>>
    tpu.wait_indirect_dma semaphore(%arg36 : memref<!tpu.dma_semaphore, #tpu.memory_space<semaphore_mem>>) src(%dma_wait3A_138 : memref<10000x16xf32, #tpu.memory_space<hbm>>) dst(%arg22 : memref<80x16xf32, #tpu.memory_space<vmem>>)
    %parallel_loop3A_139 = arith.constant 0 : i32
    %parallel_loop3A_140 = arith.constant 80 : i32
    %parallel_loop3A_141 = arith.constant 1 : i32
    scf.for %parallel_loop3A_221 = %parallel_loop3A_139 to %parallel_loop3A_140 step %parallel_loop3A_141  : i32 {
      %parallel_loop3A_222 = arith.index_cast %parallel_loop3A_221 : i32 to index
      %parallel_loop3A_223 = arith.constant 0 : index
      %parallel_loop3A_224 = tpu.vector_load %arg19[%parallel_loop3A_222, %parallel_loop3A_223] {strides = array<i32>} : memref<80x16xf32, #tpu.memory_space<vmem>>, vector<1x16xf32>,
      %parallel_loop3A_225 = vector.shape_cast %parallel_loop3A_224 : vector<1x16xf32> to vector<16xf32>
      %parallel_loop3A_226 = arith.index_cast %parallel_loop3A_221 : i32 to index
      %parallel_loop3A_227 = arith.constant 0 : index
      %parallel_loop3A_228 = tpu.vector_load %arg22[%parallel_loop3A_226, %parallel_loop3A_227] {strides = array<i32>} : memref<80x16xf32, #tpu.memory_space<vmem>>, vector<1x16xf32>,
      %parallel_loop3A_229 = vector.shape_cast %parallel_loop3A_228 : vector<1x16xf32> to vector<16xf32>
      %parallel_loop3A_230 = arith.addf %parallel_loop3A_225, %parallel_loop3A_229 : vector<16xf32>
      %parallel_loop3A_231 = arith.constant 0.000000e+00 : f32
      %parallel_loop3A_232 = vector.broadcast %parallel_loop3A_231 : f32 to vector<16xf32>
      %parallel_loop3A_233 = arith.maximumf %parallel_loop3A_230, %parallel_loop3A_232 : vector<16xf32>
      %parallel_loop3A_234 = arith.constant 0.000000e+00 : f32
      %parallel_loop3A_235 = vector.broadcast %parallel_loop3A_234 : f32 to vector<16xf32>
      %parallel_loop3A_236 = arith.minimumf %parallel_loop3A_230, %parallel_loop3A_235 : vector<16xf32>
      %parallel_loop3A_237 = arith.constant 2.000000e-01 : f32
      %parallel_loop3A_238 = vector.broadcast %parallel_loop3A_237 : f32 to vector<16xf32>
      %parallel_loop3A_239 = arith.mulf %parallel_loop3A_238, %parallel_loop3A_236 : vector<16xf32>
      %parallel_loop3A_240 = arith.addf %parallel_loop3A_233, %parallel_loop3A_239 : vector<16xf32>
      %parallel_loop3A_241 = math.exp %parallel_loop3A_240 : vector<16xf32>
      %parallel_loop3A_242 = arith.index_cast %parallel_loop3A_221 : i32 to index
      %parallel_loop3A_243 = arith.constant 0 : index
      %parallel_loop3A_244 = tpu.vector_load %arg19[%parallel_loop3A_242, %parallel_loop3A_243] {strides = array<i32>} : memref<80x16xf32, #tpu.memory_space<vmem>>, vector<1x16xf32>,
      %parallel_loop3A_245 = vector.shape_cast %parallel_loop3A_244 : vector<1x16xf32> to vector<16xf32>
      %parallel_loop3A_246 = vector.shape_cast %parallel_loop3A_241 : vector<16xf32> to vector<1x16xf32>
      tpu.vector_store %arg19[%parallel_loop3A_242, %parallel_loop3A_243], %parallel_loop3A_246 {strides = array<i32>} : memref<80x16xf32, #tpu.memory_space<vmem>>, vector<1x16xf32>,
      %parallel_loop3A_247 = arith.constant 0 : i32
      %parallel_loop3A_248 = vector.broadcast %parallel_loop3A_247 : i32 to vector<16x1xi32>
      %parallel_loop3A_249 = vector.shape_cast %parallel_loop3A_248 : vector<16x1xi32> to vector<16xi32>
      %parallel_loop3A_250 = tpu.dynamic_gather %parallel_loop3A_241[%parallel_loop3A_249] in [0] : vector<16xf32>, vector<16xi32> -> vector<16xf32>
      %parallel_loop3A_251 = arith.index_cast %parallel_loop3A_221 : i32 to index
      %parallel_loop3A_252 = arith.constant 0 : index
      %parallel_loop3A_253 = tpu.vector_load %arg16[%parallel_loop3A_251, %parallel_loop3A_252] {strides = array<i32>} : memref<80x128xf32, #tpu.memory_space<vmem>>, vector<1x16xf32>,
      %parallel_loop3A_254 = vector.shape_cast %parallel_loop3A_253 : vector<1x16xf32> to vector<16xf32>
      %parallel_loop3A_255 = arith.mulf %parallel_loop3A_254, %parallel_loop3A_250 : vector<16xf32>
      %parallel_loop3A_256 = arith.index_cast %parallel_loop3A_221 : i32 to index
      %parallel_loop3A_257 = arith.constant 0 : index
      %parallel_loop3A_258 = tpu.vector_load %arg16[%parallel_loop3A_256, %parallel_loop3A_257] {strides = array<i32>} : memref<80x128xf32, #tpu.memory_space<vmem>>, vector<1x16xf32>,
      %parallel_loop3A_259 = vector.shape_cast %parallel_loop3A_258 : vector<1x16xf32> to vector<16xf32>
      %parallel_loop3A_260 = vector.shape_cast %parallel_loop3A_255 : vector<16xf32> to vector<1x16xf32>
      tpu.vector_store %arg16[%parallel_loop3A_256, %parallel_loop3A_257], %parallel_loop3A_260 {strides = array<i32>} : memref<80x128xf32, #tpu.memory_space<vmem>>, vector<1x16xf32>,
      %parallel_loop3A_261 = arith.constant 1 : i32
      %parallel_loop3A_262 = vector.broadcast %parallel_loop3A_261 : i32 to vector<16x1xi32>
      %parallel_loop3A_263 = vector.shape_cast %parallel_loop3A_262 : vector<16x1xi32> to vector<16xi32>
      %parallel_loop3A_264 = tpu.dynamic_gather %parallel_loop3A_241[%parallel_loop3A_263] in [0] : vector<16xf32>, vector<16xi32> -> vector<16xf32>
      %parallel_loop3A_265 = arith.index_cast %parallel_loop3A_221 : i32 to index
      %parallel_loop3A_266 = arith.constant 16 : index
      %parallel_loop3A_267 = tpu.vector_load %arg16[%parallel_loop3A_265, %parallel_loop3A_266] {strides = array<i32>} : memref<80x128xf32, #tpu.memory_space<vmem>>, vector<1x16xf32>,
      %parallel_loop3A_268 = vector.shape_cast %parallel_loop3A_267 : vector<1x16xf32> to vector<16xf32>
      %parallel_loop3A_269 = arith.mulf %parallel_loop3A_268, %parallel_loop3A_264 : vector<16xf32>
      %parallel_loop3A_270 = arith.index_cast %parallel_loop3A_221 : i32 to index
      %parallel_loop3A_271 = arith.constant 16 : index
      %parallel_loop3A_272 = tpu.vector_load %arg16[%parallel_loop3A_270, %parallel_loop3A_271] {strides = array<i32>} : memref<80x128xf32, #tpu.memory_space<vmem>>, vector<1x16xf32>,
      %parallel_loop3A_273 = vector.shape_cast %parallel_loop3A_272 : vector<1x16xf32> to vector<16xf32>
      %parallel_loop3A_274 = vector.shape_cast %parallel_loop3A_269 : vector<16xf32> to vector<1x16xf32>
      tpu.vector_store %arg16[%parallel_loop3A_270, %parallel_loop3A_271], %parallel_loop3A_274 {strides = array<i32>} : memref<80x128xf32, #tpu.memory_space<vmem>>, vector<1x16xf32>,
      %parallel_loop3A_275 = arith.constant 2 : i32
      %parallel_loop3A_276 = vector.broadcast %parallel_loop3A_275 : i32 to vector<16x1xi32>
      %parallel_loop3A_277 = vector.shape_cast %parallel_loop3A_276 : vector<16x1xi32> to vector<16xi32>
      %parallel_loop3A_278 = tpu.dynamic_gather %parallel_loop3A_241[%parallel_loop3A_277] in [0] : vector<16xf32>, vector<16xi32> -> vector<16xf32>
      %parallel_loop3A_279 = arith.index_cast %parallel_loop3A_221 : i32 to index
      %parallel_loop3A_280 = arith.constant 32 : index
      %parallel_loop3A_281 = tpu.vector_load %arg16[%parallel_loop3A_279, %parallel_loop3A_280] {strides = array<i32>} : memref<80x128xf32, #tpu.memory_space<vmem>>, vector<1x16xf32>,
      %parallel_loop3A_282 = vector.shape_cast %parallel_loop3A_281 : vector<1x16xf32> to vector<16xf32>
      %parallel_loop3A_283 = arith.mulf %parallel_loop3A_282, %parallel_loop3A_278 : vector<16xf32>
      %parallel_loop3A_284 = arith.index_cast %parallel_loop3A_221 : i32 to index
      %parallel_loop3A_285 = arith.constant 32 : index
      %parallel_loop3A_286 = tpu.vector_load %arg16[%parallel_loop3A_284, %parallel_loop3A_285] {strides = array<i32>} : memref<80x128xf32, #tpu.memory_space<vmem>>, vector<1x16xf32>,
      %parallel_loop3A_287 = vector.shape_cast %parallel_loop3A_286 : vector<1x16xf32> to vector<16xf32>
      %parallel_loop3A_288 = vector.shape_cast %parallel_loop3A_283 : vector<16xf32> to vector<1x16xf32>
      tpu.vector_store %arg16[%parallel_loop3A_284, %parallel_loop3A_285], %parallel_loop3A_288 {strides = array<i32>} : memref<80x128xf32, #tpu.memory_space<vmem>>, vector<1x16xf32>,
      %parallel_loop3A_289 = arith.constant 3 : i32
      %parallel_loop3A_290 = vector.broadcast %parallel_loop3A_289 : i32 to vector<16x1xi32>
      %parallel_loop3A_291 = vector.shape_cast %parallel_loop3A_290 : vector<16x1xi32> to vector<16xi32>
      %parallel_loop3A_292 = tpu.dynamic_gather %parallel_loop3A_241[%parallel_loop3A_291] in [0] : vector<16xf32>, vector<16xi32> -> vector<16xf32>
      %parallel_loop3A_293 = arith.index_cast %parallel_loop3A_221 : i32 to index
      %parallel_loop3A_294 = arith.constant 48 : index
      %parallel_loop3A_295 = tpu.vector_load %arg16[%parallel_loop3A_293, %parallel_loop3A_294] {strides = array<i32>} : memref<80x128xf32, #tpu.memory_space<vmem>>, vector<1x16xf32>,
      %parallel_loop3A_296 = vector.shape_cast %parallel_loop3A_295 : vector<1x16xf32> to vector<16xf32>
      %parallel_loop3A_297 = arith.mulf %parallel_loop3A_296, %parallel_loop3A_292 : vector<16xf32>
      %parallel_loop3A_298 = arith.index_cast %parallel_loop3A_221 : i32 to index
      %parallel_loop3A_299 = arith.constant 48 : index
      %parallel_loop3A_300 = tpu.vector_load %arg16[%parallel_loop3A_298, %parallel_loop3A_299] {strides = array<i32>} : memref<80x128xf32, #tpu.memory_space<vmem>>, vector<1x16xf32>,
      %parallel_loop3A_301 = vector.shape_cast %parallel_loop3A_300 : vector<1x16xf32> to vector<16xf32>
      %parallel_loop3A_302 = vector.shape_cast %parallel_loop3A_297 : vector<16xf32> to vector<1x16xf32>
      tpu.vector_store %arg16[%parallel_loop3A_298, %parallel_loop3A_299], %parallel_loop3A_302 {strides = array<i32>} : memref<80x128xf32, #tpu.memory_space<vmem>>, vector<1x16xf32>,
      %parallel_loop3A_303 = arith.constant 4 : i32
      %parallel_loop3A_304 = vector.broadcast %parallel_loop3A_303 : i32 to vector<16x1xi32>
      %parallel_loop3A_305 = vector.shape_cast %parallel_loop3A_304 : vector<16x1xi32> to vector<16xi32>
      %parallel_loop3A_306 = tpu.dynamic_gather %parallel_loop3A_241[%parallel_loop3A_305] in [0] : vector<16xf32>, vector<16xi32> -> vector<16xf32>
      %parallel_loop3A_307 = arith.index_cast %parallel_loop3A_221 : i32 to index
      %parallel_loop3A_308 = arith.constant 64 : index
      %parallel_loop3A_309 = tpu.vector_load %arg16[%parallel_loop3A_307, %parallel_loop3A_308] {strides = array<i32>} : memref<80x128xf32, #tpu.memory_space<vmem>>, vector<1x16xf32>,
      %parallel_loop3A_310 = vector.shape_cast %parallel_loop3A_309 : vector<1x16xf32> to vector<16xf32>
      %parallel_loop3A_311 = arith.mulf %parallel_loop3A_310, %parallel_loop3A_306 : vector<16xf32>
      %parallel_loop3A_312 = arith.index_cast %parallel_loop3A_221 : i32 to index
      %parallel_loop3A_313 = arith.constant 64 : index
      %parallel_loop3A_314 = tpu.vector_load %arg16[%parallel_loop3A_312, %parallel_loop3A_313] {strides = array<i32>} : memref<80x128xf32, #tpu.memory_space<vmem>>, vector<1x16xf32>,
      %parallel_loop3A_315 = vector.shape_cast %parallel_loop3A_314 : vector<1x16xf32> to vector<16xf32>
      %parallel_loop3A_316 = vector.shape_cast %parallel_loop3A_311 : vector<16xf32> to vector<1x16xf32>
      tpu.vector_store %arg16[%parallel_loop3A_312, %parallel_loop3A_313], %parallel_loop3A_316 {strides = array<i32>} : memref<80x128xf32, #tpu.memory_space<vmem>>, vector<1x16xf32>,
      %parallel_loop3A_317 = arith.constant 5 : i32
      %parallel_loop3A_318 = vector.broadcast %parallel_loop3A_317 : i32 to vector<16x1xi32>
      %parallel_loop3A_319 = vector.shape_cast %parallel_loop3A_318 : vector<16x1xi32> to vector<16xi32>
      %parallel_loop3A_320 = tpu.dynamic_gather %parallel_loop3A_241[%parallel_loop3A_319] in [0] : vector<16xf32>, vector<16xi32> -> vector<16xf32>
      %parallel_loop3A_321 = arith.index_cast %parallel_loop3A_221 : i32 to index
      %parallel_loop3A_322 = arith.constant 80 : index
      %parallel_loop3A_323 = tpu.vector_load %arg16[%parallel_loop3A_321, %parallel_loop3A_322] {strides = array<i32>} : memref<80x128xf32, #tpu.memory_space<vmem>>, vector<1x16xf32>,
      %parallel_loop3A_324 = vector.shape_cast %parallel_loop3A_323 : vector<1x16xf32> to vector<16xf32>
      %parallel_loop3A_325 = arith.mulf %parallel_loop3A_324, %parallel_loop3A_320 : vector<16xf32>
      %parallel_loop3A_326 = arith.index_cast %parallel_loop3A_221 : i32 to index
      %parallel_loop3A_327 = arith.constant 80 : index
      %parallel_loop3A_328 = tpu.vector_load %arg16[%parallel_loop3A_326, %parallel_loop3A_327] {strides = array<i32>} : memref<80x128xf32, #tpu.memory_space<vmem>>, vector<1x16xf32>,
      %parallel_loop3A_329 = vector.shape_cast %parallel_loop3A_328 : vector<1x16xf32> to vector<16xf32>
      %parallel_loop3A_330 = vector.shape_cast %parallel_loop3A_325 : vector<16xf32> to vector<1x16xf32>
      tpu.vector_store %arg16[%parallel_loop3A_326, %parallel_loop3A_327], %parallel_loop3A_330 {strides = array<i32>} : memref<80x128xf32, #tpu.memory_space<vmem>>, vector<1x16xf32>,
      %parallel_loop3A_331 = arith.constant 6 : i32
      %parallel_loop3A_332 = vector.broadcast %parallel_loop3A_331 : i32 to vector<16x1xi32>
      %parallel_loop3A_333 = vector.shape_cast %parallel_loop3A_332 : vector<16x1xi32> to vector<16xi32>
      %parallel_loop3A_334 = tpu.dynamic_gather %parallel_loop3A_241[%parallel_loop3A_333] in [0] : vector<16xf32>, vector<16xi32> -> vector<16xf32>
      %parallel_loop3A_335 = arith.index_cast %parallel_loop3A_221 : i32 to index
      %parallel_loop3A_336 = arith.constant 96 : index
      %parallel_loop3A_337 = tpu.vector_load %arg16[%parallel_loop3A_335, %parallel_loop3A_336] {strides = array<i32>} : memref<80x128xf32, #tpu.memory_space<vmem>>, vector<1x16xf32>,
      %parallel_loop3A_338 = vector.shape_cast %parallel_loop3A_337 : vector<1x16xf32> to vector<16xf32>
      %parallel_loop3A_339 = arith.mulf %parallel_loop3A_338, %parallel_loop3A_334 : vector<16xf32>
      %parallel_loop3A_340 = arith.index_cast %parallel_loop3A_221 : i32 to index
      %parallel_loop3A_341 = arith.constant 96 : index
      %parallel_loop3A_342 = tpu.vector_load %arg16[%parallel_loop3A_340, %parallel_loop3A_341] {strides = array<i32>} : memref<80x128xf32, #tpu.memory_space<vmem>>, vector<1x16xf32>,
      %parallel_loop3A_343 = vector.shape_cast %parallel_loop3A_342 : vector<1x16xf32> to vector<16xf32>
      %parallel_loop3A_344 = vector.shape_cast %parallel_loop3A_339 : vector<16xf32> to vector<1x16xf32>
      tpu.vector_store %arg16[%parallel_loop3A_340, %parallel_loop3A_341], %parallel_loop3A_344 {strides = array<i32>} : memref<80x128xf32, #tpu.memory_space<vmem>>, vector<1x16xf32>,
      %parallel_loop3A_345 = arith.constant 7 : i32
      %parallel_loop3A_346 = vector.broadcast %parallel_loop3A_345 : i32 to vector<16x1xi32>
      %parallel_loop3A_347 = vector.shape_cast %parallel_loop3A_346 : vector<16x1xi32> to vector<16xi32>
      %parallel_loop3A_348 = tpu.dynamic_gather %parallel_loop3A_241[%parallel_loop3A_347] in [0] : vector<16xf32>, vector<16xi32> -> vector<16xf32>
      %parallel_loop3A_349 = arith.index_cast %parallel_loop3A_221 : i32 to index
      %parallel_loop3A_350 = arith.constant 112 : index
      %parallel_loop3A_351 = tpu.vector_load %arg16[%parallel_loop3A_349, %parallel_loop3A_350] {strides = array<i32>} : memref<80x128xf32, #tpu.memory_space<vmem>>, vector<1x16xf32>,
      %parallel_loop3A_352 = vector.shape_cast %parallel_loop3A_351 : vector<1x16xf32> to vector<16xf32>
      %parallel_loop3A_353 = arith.mulf %parallel_loop3A_352, %parallel_loop3A_348 : vector<16xf32>
      %parallel_loop3A_354 = arith.index_cast %parallel_loop3A_221 : i32 to index
      %parallel_loop3A_355 = arith.constant 112 : index
      %parallel_loop3A_356 = tpu.vector_load %arg16[%parallel_loop3A_354, %parallel_loop3A_355] {strides = array<i32>} : memref<80x128xf32, #tpu.memory_space<vmem>>, vector<1x16xf32>,
      %parallel_loop3A_357 = vector.shape_cast %parallel_loop3A_356 : vector<1x16xf32> to vector<16xf32>
      %parallel_loop3A_358 = vector.shape_cast %parallel_loop3A_353 : vector<16xf32> to vector<1x16xf32>
      tpu.vector_store %arg16[%parallel_loop3A_354, %parallel_loop3A_355], %parallel_loop3A_358 {strides = array<i32>} : memref<80x128xf32, #tpu.memory_space<vmem>>, vector<1x16xf32>,
    } {sc.loop_unroll_factor = 2 : i64, sc.parallel_access}
    "tpu.region"() ({
      %run_scoped3A = tpu.sem_alloc : memref<!tpu.dma_semaphore, #tpu.memory_space<semaphore_mem>>
      %dma_start3A_221 = arith.constant 0 : i32
      %dma_start3A_222 = arith.constant 0 : i32
      %dma_start3A_223 = tpu.memref_slice %arg24[%dma_start3A_221, %dma_start3A_222] : memref<10240x128xf32, #tpu.memory_space<vmem_shared>> -> memref<10240x128xf32, #tpu.memory_space<vmem_shared>>
      tpu.enqueue_indirect_dma source(%arg16 : memref<80x128xf32, #tpu.memory_space<vmem>>) target(%dma_start3A_223 : memref<10240x128xf32, #tpu.memory_space<vmem_shared>>) offsets(%arg13 : memref<80xi32, #tpu.memory_space<vmem>>) semaphore(%run_scoped3A : memref<!tpu.dma_semaphore, #tpu.memory_space<semaphore_mem>>) {add = true}
      %dma_wait3A_224 = arith.constant 0 : i32
      %dma_wait3A_225 = arith.constant 0 : i32
      %dma_wait3A_226 = tpu.memref_slice %arg24[%dma_wait3A_224, %dma_wait3A_225] : memref<10240x128xf32, #tpu.memory_space<vmem_shared>> -> memref<10240x128xf32, #tpu.memory_space<vmem_shared>>
      tpu.wait_indirect_dma semaphore(%run_scoped3A : memref<!tpu.dma_semaphore, #tpu.memory_space<semaphore_mem>>) src(%arg16 : memref<80x128xf32, #tpu.memory_space<vmem>>) dst(%dma_wait3A_226 : memref<10240x128xf32, #tpu.memory_space<vmem_shared>>)
      tpu.yield
    }) : () -> ()
    "tpu.region"() ({
      %run_scoped3A = tpu.sem_alloc : memref<!tpu.dma_semaphore, #tpu.memory_space<semaphore_mem>>
      %dma_start3A_221 = arith.constant 0 : i32
      %dma_start3A_222 = arith.constant 0 : i32
      %dma_start3A_223 = tpu.memref_slice %arg25[%dma_start3A_221, %dma_start3A_222] : memref<10240x16xf32, #tpu.memory_space<vmem_shared>> -> memref<10240x16xf32, #tpu.memory_space<vmem_shared>>
      tpu.enqueue_indirect_dma source(%arg19 : memref<80x16xf32, #tpu.memory_space<vmem>>) target(%dma_start3A_223 : memref<10240x16xf32, #tpu.memory_space<vmem_shared>>) offsets(%arg13 : memref<80xi32, #tpu.memory_space<vmem>>) semaphore(%run_scoped3A : memref<!tpu.dma_semaphore, #tpu.memory_space<semaphore_mem>>) {add = true}
      %dma_wait3A_224 = arith.constant 0 : i32
      %dma_wait3A_225 = arith.constant 0 : i32
      %dma_wait3A_226 = tpu.memref_slice %arg25[%dma_wait3A_224, %dma_wait3A_225] : memref<10240x16xf32, #tpu.memory_space<vmem_shared>> -> memref<10240x16xf32, #tpu.memory_space<vmem_shared>>
      tpu.wait_indirect_dma semaphore(%run_scoped3A : memref<!tpu.dma_semaphore, #tpu.memory_space<semaphore_mem>>) src(%arg19 : memref<80x16xf32, #tpu.memory_space<vmem>>) dst(%dma_wait3A_226 : memref<10240x16xf32, #tpu.memory_space<vmem_shared>>)
      tpu.yield
    }) : () -> ()
    %add3A_142 = arith.constant 9920 : i32
    %add3A_143 = arith.addi %add3A_39, %add3A_142 : i32
    %dma_start3A_144 = tpu.memref_slice %arg2[%add3A_143] : memref<320000xi32, #tpu.memory_space<hbm>> -> memref<80xi32, #tpu.memory_space<hbm>>
    %dma_start3A_145 = tpu.memref_slice %arg2[%add3A_143] : memref<320000xi32, #tpu.memory_space<hbm>> -> memref<80xi32, #tpu.memory_space<hbm>>
    tpu.enqueue_dma source(%dma_start3A_145 : memref<80xi32, #tpu.memory_space<hbm>>) target(%arg10 : memref<80xi32, #tpu.memory_space<vmem>>) target_semaphore(%arg27 : memref<!tpu.dma_semaphore, #tpu.memory_space<semaphore_mem>>)
    %dma_start3A_146 = tpu.memref_slice %arg3[%add3A_143] : memref<320000xi32, #tpu.memory_space<hbm>> -> memref<80xi32, #tpu.memory_space<hbm>>
    %dma_start3A_147 = tpu.memref_slice %arg3[%add3A_143] : memref<320000xi32, #tpu.memory_space<hbm>> -> memref<80xi32, #tpu.memory_space<hbm>>
    tpu.enqueue_dma source(%dma_start3A_147 : memref<80xi32, #tpu.memory_space<hbm>>) target(%arg13 : memref<80xi32, #tpu.memory_space<vmem>>) target_semaphore(%arg27 : memref<!tpu.dma_semaphore, #tpu.memory_space<semaphore_mem>>)
    %dma_wait3A_148 = arith.constant 0 : i32
    %dma_wait3A_149 = tpu.memref_slice %arg2[%dma_wait3A_148] : memref<320000xi32, #tpu.memory_space<hbm>> -> memref<80xi32, #tpu.memory_space<hbm>>
    %dma_wait3A_150 = arith.constant 0 : i32
    %dma_wait3A_151 = tpu.memref_slice %arg2[%dma_wait3A_150] : memref<320000xi32, #tpu.memory_space<hbm>> -> memref<80xi32, #tpu.memory_space<hbm>>
    tpu.wait_dma2 semaphore(%arg26 : memref<!tpu.dma_semaphore, #tpu.memory_space<semaphore_mem>>) src(%dma_wait3A_151 : memref<80xi32, #tpu.memory_space<hbm>>) dst(%arg9 : memref<80xi32, #tpu.memory_space<vmem>>)
    %dma_wait3A_152 = arith.constant 0 : i32
    %dma_wait3A_153 = tpu.memref_slice %arg3[%dma_wait3A_152] : memref<320000xi32, #tpu.memory_space<hbm>> -> memref<80xi32, #tpu.memory_space<hbm>>
    %dma_wait3A_154 = arith.constant 0 : i32
    %dma_wait3A_155 = tpu.memref_slice %arg3[%dma_wait3A_154] : memref<320000xi32, #tpu.memory_space<hbm>> -> memref<80xi32, #tpu.memory_space<hbm>>
    tpu.wait_dma2 semaphore(%arg26 : memref<!tpu.dma_semaphore, #tpu.memory_space<semaphore_mem>>) src(%dma_wait3A_155 : memref<80xi32, #tpu.memory_space<hbm>>) dst(%arg12 : memref<80xi32, #tpu.memory_space<vmem>>)
    %dma_start3A_156 = arith.constant 0 : i32
    %dma_start3A_157 = arith.constant 0 : i32
    %dma_start3A_158 = tpu.memref_slice %arg4[%dma_start3A_156, %dma_start3A_157] : memref<10000x128xf32, #tpu.memory_space<hbm>> -> memref<10000x128xf32, #tpu.memory_space<hbm>>
    tpu.enqueue_indirect_dma source(%dma_start3A_158 : memref<10000x128xf32, #tpu.memory_space<hbm>>) target(%arg15 : memref<80x128xf32, #tpu.memory_space<vmem>>) offsets(%arg9 : memref<80xi32, #tpu.memory_space<vmem>>) semaphore(%arg29 : memref<!tpu.dma_semaphore, #tpu.memory_space<semaphore_mem>>)
    %dma_start3A_159 = arith.constant 0 : i32
    %dma_start3A_160 = arith.constant 0 : i32
    %dma_start3A_161 = tpu.memref_slice %arg5[%dma_start3A_159, %dma_start3A_160] : memref<10000x16xf32, #tpu.memory_space<hbm>> -> memref<10000x16xf32, #tpu.memory_space<hbm>>
    tpu.enqueue_indirect_dma source(%dma_start3A_161 : memref<10000x16xf32, #tpu.memory_space<hbm>>) target(%arg18 : memref<80x16xf32, #tpu.memory_space<vmem>>) offsets(%arg9 : memref<80xi32, #tpu.memory_space<vmem>>) semaphore(%arg32 : memref<!tpu.dma_semaphore, #tpu.memory_space<semaphore_mem>>)
    %dma_start3A_162 = arith.constant 0 : i32
    %dma_start3A_163 = arith.constant 0 : i32
    %dma_start3A_164 = tpu.memref_slice %arg6[%dma_start3A_162, %dma_start3A_163] : memref<10000x16xf32, #tpu.memory_space<hbm>> -> memref<10000x16xf32, #tpu.memory_space<hbm>>
    tpu.enqueue_indirect_dma source(%dma_start3A_164 : memref<10000x16xf32, #tpu.memory_space<hbm>>) target(%arg21 : memref<80x16xf32, #tpu.memory_space<vmem>>) offsets(%arg12 : memref<80xi32, #tpu.memory_space<vmem>>) semaphore(%arg35 : memref<!tpu.dma_semaphore, #tpu.memory_space<semaphore_mem>>)
    %dma_wait3A_165 = arith.constant 0 : i32
    %dma_wait3A_166 = arith.constant 0 : i32
    %dma_wait3A_167 = tpu.memref_slice %arg4[%dma_wait3A_165, %dma_wait3A_166] : memref<10000x128xf32, #tpu.memory_space<hbm>> -> memref<10000x128xf32, #tpu.memory_space<hbm>>
    tpu.wait_indirect_dma semaphore(%arg31 : memref<!tpu.dma_semaphore, #tpu.memory_space<semaphore_mem>>) src(%dma_wait3A_167 : memref<10000x128xf32, #tpu.memory_space<hbm>>) dst(%arg17 : memref<80x128xf32, #tpu.memory_space<vmem>>)
    %dma_wait3A_168 = arith.constant 0 : i32
    %dma_wait3A_169 = arith.constant 0 : i32
    %dma_wait3A_170 = tpu.memref_slice %arg5[%dma_wait3A_168, %dma_wait3A_169] : memref<10000x16xf32, #tpu.memory_space<hbm>> -> memref<10000x16xf32, #tpu.memory_space<hbm>>
    tpu.wait_indirect_dma semaphore(%arg34 : memref<!tpu.dma_semaphore, #tpu.memory_space<semaphore_mem>>) src(%dma_wait3A_170 : memref<10000x16xf32, #tpu.memory_space<hbm>>) dst(%arg20 : memref<80x16xf32, #tpu.memory_space<vmem>>)
    %dma_wait3A_171 = arith.constant 0 : i32
    %dma_wait3A_172 = arith.constant 0 : i32
    %dma_wait3A_173 = tpu.memref_slice %arg6[%dma_wait3A_171, %dma_wait3A_172] : memref<10000x16xf32, #tpu.memory_space<hbm>> -> memref<10000x16xf32, #tpu.memory_space<hbm>>
    tpu.wait_indirect_dma semaphore(%arg37 : memref<!tpu.dma_semaphore, #tpu.memory_space<semaphore_mem>>) src(%dma_wait3A_173 : memref<10000x16xf32, #tpu.memory_space<hbm>>) dst(%arg23 : memref<80x16xf32, #tpu.memory_space<vmem>>)
    %parallel_loop3A_174 = arith.constant 0 : i32
    %parallel_loop3A_175 = arith.constant 80 : i32
    %parallel_loop3A_176 = arith.constant 1 : i32
    scf.for %parallel_loop3A_221 = %parallel_loop3A_174 to %parallel_loop3A_175 step %parallel_loop3A_176  : i32 {
      %parallel_loop3A_222 = arith.index_cast %parallel_loop3A_221 : i32 to index
      %parallel_loop3A_223 = arith.constant 0 : index
      %parallel_loop3A_224 = tpu.vector_load %arg20[%parallel_loop3A_222, %parallel_loop3A_223] {strides = array<i32>} : memref<80x16xf32, #tpu.memory_space<vmem>>, vector<1x16xf32>,
      %parallel_loop3A_225 = vector.shape_cast %parallel_loop3A_224 : vector<1x16xf32> to vector<16xf32>
      %parallel_loop3A_226 = arith.index_cast %parallel_loop3A_221 : i32 to index
      %parallel_loop3A_227 = arith.constant 0 : index
      %parallel_loop3A_228 = tpu.vector_load %arg23[%parallel_loop3A_226, %parallel_loop3A_227] {strides = array<i32>} : memref<80x16xf32, #tpu.memory_space<vmem>>, vector<1x16xf32>,
      %parallel_loop3A_229 = vector.shape_cast %parallel_loop3A_228 : vector<1x16xf32> to vector<16xf32>
      %parallel_loop3A_230 = arith.addf %parallel_loop3A_225, %parallel_loop3A_229 : vector<16xf32>
      %parallel_loop3A_231 = arith.constant 0.000000e+00 : f32
      %parallel_loop3A_232 = vector.broadcast %parallel_loop3A_231 : f32 to vector<16xf32>
      %parallel_loop3A_233 = arith.maximumf %parallel_loop3A_230, %parallel_loop3A_232 : vector<16xf32>
      %parallel_loop3A_234 = arith.constant 0.000000e+00 : f32
      %parallel_loop3A_235 = vector.broadcast %parallel_loop3A_234 : f32 to vector<16xf32>
      %parallel_loop3A_236 = arith.minimumf %parallel_loop3A_230, %parallel_loop3A_235 : vector<16xf32>
      %parallel_loop3A_237 = arith.constant 2.000000e-01 : f32
      %parallel_loop3A_238 = vector.broadcast %parallel_loop3A_237 : f32 to vector<16xf32>
      %parallel_loop3A_239 = arith.mulf %parallel_loop3A_238, %parallel_loop3A_236 : vector<16xf32>
      %parallel_loop3A_240 = arith.addf %parallel_loop3A_233, %parallel_loop3A_239 : vector<16xf32>
      %parallel_loop3A_241 = math.exp %parallel_loop3A_240 : vector<16xf32>
      %parallel_loop3A_242 = arith.index_cast %parallel_loop3A_221 : i32 to index
      %parallel_loop3A_243 = arith.constant 0 : index
      %parallel_loop3A_244 = tpu.vector_load %arg20[%parallel_loop3A_242, %parallel_loop3A_243] {strides = array<i32>} : memref<80x16xf32, #tpu.memory_space<vmem>>, vector<1x16xf32>,
      %parallel_loop3A_245 = vector.shape_cast %parallel_loop3A_244 : vector<1x16xf32> to vector<16xf32>
      %parallel_loop3A_246 = vector.shape_cast %parallel_loop3A_241 : vector<16xf32> to vector<1x16xf32>
      tpu.vector_store %arg20[%parallel_loop3A_242, %parallel_loop3A_243], %parallel_loop3A_246 {strides = array<i32>} : memref<80x16xf32, #tpu.memory_space<vmem>>, vector<1x16xf32>,
      %parallel_loop3A_247 = arith.constant 0 : i32
      %parallel_loop3A_248 = vector.broadcast %parallel_loop3A_247 : i32 to vector<16x1xi32>
      %parallel_loop3A_249 = vector.shape_cast %parallel_loop3A_248 : vector<16x1xi32> to vector<16xi32>
      %parallel_loop3A_250 = tpu.dynamic_gather %parallel_loop3A_241[%parallel_loop3A_249] in [0] : vector<16xf32>, vector<16xi32> -> vector<16xf32>
      %parallel_loop3A_251 = arith.index_cast %parallel_loop3A_221 : i32 to index
      %parallel_loop3A_252 = arith.constant 0 : index
      %parallel_loop3A_253 = tpu.vector_load %arg17[%parallel_loop3A_251, %parallel_loop3A_252] {strides = array<i32>} : memref<80x128xf32, #tpu.memory_space<vmem>>, vector<1x16xf32>,
      %parallel_loop3A_254 = vector.shape_cast %parallel_loop3A_253 : vector<1x16xf32> to vector<16xf32>
      %parallel_loop3A_255 = arith.mulf %parallel_loop3A_254, %parallel_loop3A_250 : vector<16xf32>
      %parallel_loop3A_256 = arith.index_cast %parallel_loop3A_221 : i32 to index
      %parallel_loop3A_257 = arith.constant 0 : index
      %parallel_loop3A_258 = tpu.vector_load %arg17[%parallel_loop3A_256, %parallel_loop3A_257] {strides = array<i32>} : memref<80x128xf32, #tpu.memory_space<vmem>>, vector<1x16xf32>,
      %parallel_loop3A_259 = vector.shape_cast %parallel_loop3A_258 : vector<1x16xf32> to vector<16xf32>
      %parallel_loop3A_260 = vector.shape_cast %parallel_loop3A_255 : vector<16xf32> to vector<1x16xf32>
      tpu.vector_store %arg17[%parallel_loop3A_256, %parallel_loop3A_257], %parallel_loop3A_260 {strides = array<i32>} : memref<80x128xf32, #tpu.memory_space<vmem>>, vector<1x16xf32>,
      %parallel_loop3A_261 = arith.constant 1 : i32
      %parallel_loop3A_262 = vector.broadcast %parallel_loop3A_261 : i32 to vector<16x1xi32>
      %parallel_loop3A_263 = vector.shape_cast %parallel_loop3A_262 : vector<16x1xi32> to vector<16xi32>
      %parallel_loop3A_264 = tpu.dynamic_gather %parallel_loop3A_241[%parallel_loop3A_263] in [0] : vector<16xf32>, vector<16xi32> -> vector<16xf32>
      %parallel_loop3A_265 = arith.index_cast %parallel_loop3A_221 : i32 to index
      %parallel_loop3A_266 = arith.constant 16 : index
      %parallel_loop3A_267 = tpu.vector_load %arg17[%parallel_loop3A_265, %parallel_loop3A_266] {strides = array<i32>} : memref<80x128xf32, #tpu.memory_space<vmem>>, vector<1x16xf32>,
      %parallel_loop3A_268 = vector.shape_cast %parallel_loop3A_267 : vector<1x16xf32> to vector<16xf32>
      %parallel_loop3A_269 = arith.mulf %parallel_loop3A_268, %parallel_loop3A_264 : vector<16xf32>
      %parallel_loop3A_270 = arith.index_cast %parallel_loop3A_221 : i32 to index
      %parallel_loop3A_271 = arith.constant 16 : index
      %parallel_loop3A_272 = tpu.vector_load %arg17[%parallel_loop3A_270, %parallel_loop3A_271] {strides = array<i32>} : memref<80x128xf32, #tpu.memory_space<vmem>>, vector<1x16xf32>,
      %parallel_loop3A_273 = vector.shape_cast %parallel_loop3A_272 : vector<1x16xf32> to vector<16xf32>
      %parallel_loop3A_274 = vector.shape_cast %parallel_loop3A_269 : vector<16xf32> to vector<1x16xf32>
      tpu.vector_store %arg17[%parallel_loop3A_270, %parallel_loop3A_271], %parallel_loop3A_274 {strides = array<i32>} : memref<80x128xf32, #tpu.memory_space<vmem>>, vector<1x16xf32>,
      %parallel_loop3A_275 = arith.constant 2 : i32
      %parallel_loop3A_276 = vector.broadcast %parallel_loop3A_275 : i32 to vector<16x1xi32>
      %parallel_loop3A_277 = vector.shape_cast %parallel_loop3A_276 : vector<16x1xi32> to vector<16xi32>
      %parallel_loop3A_278 = tpu.dynamic_gather %parallel_loop3A_241[%parallel_loop3A_277] in [0] : vector<16xf32>, vector<16xi32> -> vector<16xf32>
      %parallel_loop3A_279 = arith.index_cast %parallel_loop3A_221 : i32 to index
      %parallel_loop3A_280 = arith.constant 32 : index
      %parallel_loop3A_281 = tpu.vector_load %arg17[%parallel_loop3A_279, %parallel_loop3A_280] {strides = array<i32>} : memref<80x128xf32, #tpu.memory_space<vmem>>, vector<1x16xf32>,
      %parallel_loop3A_282 = vector.shape_cast %parallel_loop3A_281 : vector<1x16xf32> to vector<16xf32>
      %parallel_loop3A_283 = arith.mulf %parallel_loop3A_282, %parallel_loop3A_278 : vector<16xf32>
      %parallel_loop3A_284 = arith.index_cast %parallel_loop3A_221 : i32 to index
      %parallel_loop3A_285 = arith.constant 32 : index
      %parallel_loop3A_286 = tpu.vector_load %arg17[%parallel_loop3A_284, %parallel_loop3A_285] {strides = array<i32>} : memref<80x128xf32, #tpu.memory_space<vmem>>, vector<1x16xf32>,
      %parallel_loop3A_287 = vector.shape_cast %parallel_loop3A_286 : vector<1x16xf32> to vector<16xf32>
      %parallel_loop3A_288 = vector.shape_cast %parallel_loop3A_283 : vector<16xf32> to vector<1x16xf32>
      tpu.vector_store %arg17[%parallel_loop3A_284, %parallel_loop3A_285], %parallel_loop3A_288 {strides = array<i32>} : memref<80x128xf32, #tpu.memory_space<vmem>>, vector<1x16xf32>,
      %parallel_loop3A_289 = arith.constant 3 : i32
      %parallel_loop3A_290 = vector.broadcast %parallel_loop3A_289 : i32 to vector<16x1xi32>
      %parallel_loop3A_291 = vector.shape_cast %parallel_loop3A_290 : vector<16x1xi32> to vector<16xi32>
      %parallel_loop3A_292 = tpu.dynamic_gather %parallel_loop3A_241[%parallel_loop3A_291] in [0] : vector<16xf32>, vector<16xi32> -> vector<16xf32>
      %parallel_loop3A_293 = arith.index_cast %parallel_loop3A_221 : i32 to index
      %parallel_loop3A_294 = arith.constant 48 : index
      %parallel_loop3A_295 = tpu.vector_load %arg17[%parallel_loop3A_293, %parallel_loop3A_294] {strides = array<i32>} : memref<80x128xf32, #tpu.memory_space<vmem>>, vector<1x16xf32>,
      %parallel_loop3A_296 = vector.shape_cast %parallel_loop3A_295 : vector<1x16xf32> to vector<16xf32>
      %parallel_loop3A_297 = arith.mulf %parallel_loop3A_296, %parallel_loop3A_292 : vector<16xf32>
      %parallel_loop3A_298 = arith.index_cast %parallel_loop3A_221 : i32 to index
      %parallel_loop3A_299 = arith.constant 48 : index
      %parallel_loop3A_300 = tpu.vector_load %arg17[%parallel_loop3A_298, %parallel_loop3A_299] {strides = array<i32>} : memref<80x128xf32, #tpu.memory_space<vmem>>, vector<1x16xf32>,
      %parallel_loop3A_301 = vector.shape_cast %parallel_loop3A_300 : vector<1x16xf32> to vector<16xf32>
      %parallel_loop3A_302 = vector.shape_cast %parallel_loop3A_297 : vector<16xf32> to vector<1x16xf32>
      tpu.vector_store %arg17[%parallel_loop3A_298, %parallel_loop3A_299], %parallel_loop3A_302 {strides = array<i32>} : memref<80x128xf32, #tpu.memory_space<vmem>>, vector<1x16xf32>,
      %parallel_loop3A_303 = arith.constant 4 : i32
      %parallel_loop3A_304 = vector.broadcast %parallel_loop3A_303 : i32 to vector<16x1xi32>
      %parallel_loop3A_305 = vector.shape_cast %parallel_loop3A_304 : vector<16x1xi32> to vector<16xi32>
      %parallel_loop3A_306 = tpu.dynamic_gather %parallel_loop3A_241[%parallel_loop3A_305] in [0] : vector<16xf32>, vector<16xi32> -> vector<16xf32>
      %parallel_loop3A_307 = arith.index_cast %parallel_loop3A_221 : i32 to index
      %parallel_loop3A_308 = arith.constant 64 : index
      %parallel_loop3A_309 = tpu.vector_load %arg17[%parallel_loop3A_307, %parallel_loop3A_308] {strides = array<i32>} : memref<80x128xf32, #tpu.memory_space<vmem>>, vector<1x16xf32>,
      %parallel_loop3A_310 = vector.shape_cast %parallel_loop3A_309 : vector<1x16xf32> to vector<16xf32>
      %parallel_loop3A_311 = arith.mulf %parallel_loop3A_310, %parallel_loop3A_306 : vector<16xf32>
      %parallel_loop3A_312 = arith.index_cast %parallel_loop3A_221 : i32 to index
      %parallel_loop3A_313 = arith.constant 64 : index
      %parallel_loop3A_314 = tpu.vector_load %arg17[%parallel_loop3A_312, %parallel_loop3A_313] {strides = array<i32>} : memref<80x128xf32, #tpu.memory_space<vmem>>, vector<1x16xf32>,
      %parallel_loop3A_315 = vector.shape_cast %parallel_loop3A_314 : vector<1x16xf32> to vector<16xf32>
      %parallel_loop3A_316 = vector.shape_cast %parallel_loop3A_311 : vector<16xf32> to vector<1x16xf32>
      tpu.vector_store %arg17[%parallel_loop3A_312, %parallel_loop3A_313], %parallel_loop3A_316 {strides = array<i32>} : memref<80x128xf32, #tpu.memory_space<vmem>>, vector<1x16xf32>,
      %parallel_loop3A_317 = arith.constant 5 : i32
      %parallel_loop3A_318 = vector.broadcast %parallel_loop3A_317 : i32 to vector<16x1xi32>
      %parallel_loop3A_319 = vector.shape_cast %parallel_loop3A_318 : vector<16x1xi32> to vector<16xi32>
      %parallel_loop3A_320 = tpu.dynamic_gather %parallel_loop3A_241[%parallel_loop3A_319] in [0] : vector<16xf32>, vector<16xi32> -> vector<16xf32>
      %parallel_loop3A_321 = arith.index_cast %parallel_loop3A_221 : i32 to index
      %parallel_loop3A_322 = arith.constant 80 : index
      %parallel_loop3A_323 = tpu.vector_load %arg17[%parallel_loop3A_321, %parallel_loop3A_322] {strides = array<i32>} : memref<80x128xf32, #tpu.memory_space<vmem>>, vector<1x16xf32>,
      %parallel_loop3A_324 = vector.shape_cast %parallel_loop3A_323 : vector<1x16xf32> to vector<16xf32>
      %parallel_loop3A_325 = arith.mulf %parallel_loop3A_324, %parallel_loop3A_320 : vector<16xf32>
      %parallel_loop3A_326 = arith.index_cast %parallel_loop3A_221 : i32 to index
      %parallel_loop3A_327 = arith.constant 80 : index
      %parallel_loop3A_328 = tpu.vector_load %arg17[%parallel_loop3A_326, %parallel_loop3A_327] {strides = array<i32>} : memref<80x128xf32, #tpu.memory_space<vmem>>, vector<1x16xf32>,
      %parallel_loop3A_329 = vector.shape_cast %parallel_loop3A_328 : vector<1x16xf32> to vector<16xf32>
      %parallel_loop3A_330 = vector.shape_cast %parallel_loop3A_325 : vector<16xf32> to vector<1x16xf32>
      tpu.vector_store %arg17[%parallel_loop3A_326, %parallel_loop3A_327], %parallel_loop3A_330 {strides = array<i32>} : memref<80x128xf32, #tpu.memory_space<vmem>>, vector<1x16xf32>,
      %parallel_loop3A_331 = arith.constant 6 : i32
      %parallel_loop3A_332 = vector.broadcast %parallel_loop3A_331 : i32 to vector<16x1xi32>
      %parallel_loop3A_333 = vector.shape_cast %parallel_loop3A_332 : vector<16x1xi32> to vector<16xi32>
      %parallel_loop3A_334 = tpu.dynamic_gather %parallel_loop3A_241[%parallel_loop3A_333] in [0] : vector<16xf32>, vector<16xi32> -> vector<16xf32>
      %parallel_loop3A_335 = arith.index_cast %parallel_loop3A_221 : i32 to index
      %parallel_loop3A_336 = arith.constant 96 : index
      %parallel_loop3A_337 = tpu.vector_load %arg17[%parallel_loop3A_335, %parallel_loop3A_336] {strides = array<i32>} : memref<80x128xf32, #tpu.memory_space<vmem>>, vector<1x16xf32>,
      %parallel_loop3A_338 = vector.shape_cast %parallel_loop3A_337 : vector<1x16xf32> to vector<16xf32>
      %parallel_loop3A_339 = arith.mulf %parallel_loop3A_338, %parallel_loop3A_334 : vector<16xf32>
      %parallel_loop3A_340 = arith.index_cast %parallel_loop3A_221 : i32 to index
      %parallel_loop3A_341 = arith.constant 96 : index
      %parallel_loop3A_342 = tpu.vector_load %arg17[%parallel_loop3A_340, %parallel_loop3A_341] {strides = array<i32>} : memref<80x128xf32, #tpu.memory_space<vmem>>, vector<1x16xf32>,
      %parallel_loop3A_343 = vector.shape_cast %parallel_loop3A_342 : vector<1x16xf32> to vector<16xf32>
      %parallel_loop3A_344 = vector.shape_cast %parallel_loop3A_339 : vector<16xf32> to vector<1x16xf32>
      tpu.vector_store %arg17[%parallel_loop3A_340, %parallel_loop3A_341], %parallel_loop3A_344 {strides = array<i32>} : memref<80x128xf32, #tpu.memory_space<vmem>>, vector<1x16xf32>,
      %parallel_loop3A_345 = arith.constant 7 : i32
      %parallel_loop3A_346 = vector.broadcast %parallel_loop3A_345 : i32 to vector<16x1xi32>
      %parallel_loop3A_347 = vector.shape_cast %parallel_loop3A_346 : vector<16x1xi32> to vector<16xi32>
      %parallel_loop3A_348 = tpu.dynamic_gather %parallel_loop3A_241[%parallel_loop3A_347] in [0] : vector<16xf32>, vector<16xi32> -> vector<16xf32>
      %parallel_loop3A_349 = arith.index_cast %parallel_loop3A_221 : i32 to index
      %parallel_loop3A_350 = arith.constant 112 : index
      %parallel_loop3A_351 = tpu.vector_load %arg17[%parallel_loop3A_349, %parallel_loop3A_350] {strides = array<i32>} : memref<80x128xf32, #tpu.memory_space<vmem>>, vector<1x16xf32>,
      %parallel_loop3A_352 = vector.shape_cast %parallel_loop3A_351 : vector<1x16xf32> to vector<16xf32>
      %parallel_loop3A_353 = arith.mulf %parallel_loop3A_352, %parallel_loop3A_348 : vector<16xf32>
      %parallel_loop3A_354 = arith.index_cast %parallel_loop3A_221 : i32 to index
      %parallel_loop3A_355 = arith.constant 112 : index
      %parallel_loop3A_356 = tpu.vector_load %arg17[%parallel_loop3A_354, %parallel_loop3A_355] {strides = array<i32>} : memref<80x128xf32, #tpu.memory_space<vmem>>, vector<1x16xf32>,
      %parallel_loop3A_357 = vector.shape_cast %parallel_loop3A_356 : vector<1x16xf32> to vector<16xf32>
      %parallel_loop3A_358 = vector.shape_cast %parallel_loop3A_353 : vector<16xf32> to vector<1x16xf32>
      tpu.vector_store %arg17[%parallel_loop3A_354, %parallel_loop3A_355], %parallel_loop3A_358 {strides = array<i32>} : memref<80x128xf32, #tpu.memory_space<vmem>>, vector<1x16xf32>,
    } {sc.loop_unroll_factor = 2 : i64, sc.parallel_access}
    "tpu.region"() ({
      %run_scoped3A = tpu.sem_alloc : memref<!tpu.dma_semaphore, #tpu.memory_space<semaphore_mem>>
      %dma_start3A_221 = arith.constant 0 : i32
      %dma_start3A_222 = arith.constant 0 : i32
      %dma_start3A_223 = tpu.memref_slice %arg24[%dma_start3A_221, %dma_start3A_222] : memref<10240x128xf32, #tpu.memory_space<vmem_shared>> -> memref<10240x128xf32, #tpu.memory_space<vmem_shared>>
      tpu.enqueue_indirect_dma source(%arg17 : memref<80x128xf32, #tpu.memory_space<vmem>>) target(%dma_start3A_223 : memref<10240x128xf32, #tpu.memory_space<vmem_shared>>) offsets(%arg14 : memref<80xi32, #tpu.memory_space<vmem>>) semaphore(%run_scoped3A : memref<!tpu.dma_semaphore, #tpu.memory_space<semaphore_mem>>) {add = true}
      %dma_wait3A_224 = arith.constant 0 : i32
      %dma_wait3A_225 = arith.constant 0 : i32
      %dma_wait3A_226 = tpu.memref_slice %arg24[%dma_wait3A_224, %dma_wait3A_225] : memref<10240x128xf32, #tpu.memory_space<vmem_shared>> -> memref<10240x128xf32, #tpu.memory_space<vmem_shared>>
      tpu.wait_indirect_dma semaphore(%run_scoped3A : memref<!tpu.dma_semaphore, #tpu.memory_space<semaphore_mem>>) src(%arg17 : memref<80x128xf32, #tpu.memory_space<vmem>>) dst(%dma_wait3A_226 : memref<10240x128xf32, #tpu.memory_space<vmem_shared>>)
      tpu.yield
    }) : () -> ()
    "tpu.region"() ({
      %run_scoped3A = tpu.sem_alloc : memref<!tpu.dma_semaphore, #tpu.memory_space<semaphore_mem>>
      %dma_start3A_221 = arith.constant 0 : i32
      %dma_start3A_222 = arith.constant 0 : i32
      %dma_start3A_223 = tpu.memref_slice %arg25[%dma_start3A_221, %dma_start3A_222] : memref<10240x16xf32, #tpu.memory_space<vmem_shared>> -> memref<10240x16xf32, #tpu.memory_space<vmem_shared>>
      tpu.enqueue_indirect_dma source(%arg20 : memref<80x16xf32, #tpu.memory_space<vmem>>) target(%dma_start3A_223 : memref<10240x16xf32, #tpu.memory_space<vmem_shared>>) offsets(%arg14 : memref<80xi32, #tpu.memory_space<vmem>>) semaphore(%run_scoped3A : memref<!tpu.dma_semaphore, #tpu.memory_space<semaphore_mem>>) {add = true}
      %dma_wait3A_224 = arith.constant 0 : i32
      %dma_wait3A_225 = arith.constant 0 : i32
      %dma_wait3A_226 = tpu.memref_slice %arg25[%dma_wait3A_224, %dma_wait3A_225] : memref<10240x16xf32, #tpu.memory_space<vmem_shared>> -> memref<10240x16xf32, #tpu.memory_space<vmem_shared>>
      tpu.wait_indirect_dma semaphore(%run_scoped3A : memref<!tpu.dma_semaphore, #tpu.memory_space<semaphore_mem>>) src(%arg20 : memref<80x16xf32, #tpu.memory_space<vmem>>) dst(%dma_wait3A_226 : memref<10240x16xf32, #tpu.memory_space<vmem_shared>>)
      tpu.yield
    }) : () -> ()
    %dma_wait3A_177 = arith.constant 0 : i32
    %dma_wait3A_178 = tpu.memref_slice %arg2[%dma_wait3A_177] : memref<320000xi32, #tpu.memory_space<hbm>> -> memref<80xi32, #tpu.memory_space<hbm>>
    %dma_wait3A_179 = arith.constant 0 : i32
    %dma_wait3A_180 = tpu.memref_slice %arg2[%dma_wait3A_179] : memref<320000xi32, #tpu.memory_space<hbm>> -> memref<80xi32, #tpu.memory_space<hbm>>
    tpu.wait_dma2 semaphore(%arg27 : memref<!tpu.dma_semaphore, #tpu.memory_space<semaphore_mem>>) src(%dma_wait3A_180 : memref<80xi32, #tpu.memory_space<hbm>>) dst(%arg10 : memref<80xi32, #tpu.memory_space<vmem>>)
    %dma_wait3A_181 = arith.constant 0 : i32
    %dma_wait3A_182 = tpu.memref_slice %arg3[%dma_wait3A_181] : memref<320000xi32, #tpu.memory_space<hbm>> -> memref<80xi32, #tpu.memory_space<hbm>>
    %dma_wait3A_183 = arith.constant 0 : i32
    %dma_wait3A_184 = tpu.memref_slice %arg3[%dma_wait3A_183] : memref<320000xi32, #tpu.memory_space<hbm>> -> memref<80xi32, #tpu.memory_space<hbm>>
    tpu.wait_dma2 semaphore(%arg27 : memref<!tpu.dma_semaphore, #tpu.memory_space<semaphore_mem>>) src(%dma_wait3A_184 : memref<80xi32, #tpu.memory_space<hbm>>) dst(%arg13 : memref<80xi32, #tpu.memory_space<vmem>>)
    %dma_start3A_185 = arith.constant 0 : i32
    %dma_start3A_186 = arith.constant 0 : i32
    %dma_start3A_187 = tpu.memref_slice %arg4[%dma_start3A_185, %dma_start3A_186] : memref<10000x128xf32, #tpu.memory_space<hbm>> -> memref<10000x128xf32, #tpu.memory_space<hbm>>
    tpu.enqueue_indirect_dma source(%dma_start3A_187 : memref<10000x128xf32, #tpu.memory_space<hbm>>) target(%arg16 : memref<80x128xf32, #tpu.memory_space<vmem>>) offsets(%arg10 : memref<80xi32, #tpu.memory_space<vmem>>) semaphore(%arg30 : memref<!tpu.dma_semaphore, #tpu.memory_space<semaphore_mem>>)
    %dma_start3A_188 = arith.constant 0 : i32
    %dma_start3A_189 = arith.constant 0 : i32
    %dma_start3A_190 = tpu.memref_slice %arg5[%dma_start3A_188, %dma_start3A_189] : memref<10000x16xf32, #tpu.memory_space<hbm>> -> memref<10000x16xf32, #tpu.memory_space<hbm>>
    tpu.enqueue_indirect_dma source(%dma_start3A_190 : memref<10000x16xf32, #tpu.memory_space<hbm>>) target(%arg19 : memref<80x16xf32, #tpu.memory_space<vmem>>) offsets(%arg10 : memref<80xi32, #tpu.memory_space<vmem>>) semaphore(%arg33 : memref<!tpu.dma_semaphore, #tpu.memory_space<semaphore_mem>>)
    %dma_start3A_191 = arith.constant 0 : i32
    %dma_start3A_192 = arith.constant 0 : i32
    %dma_start3A_193 = tpu.memref_slice %arg6[%dma_start3A_191, %dma_start3A_192] : memref<10000x16xf32, #tpu.memory_space<hbm>> -> memref<10000x16xf32, #tpu.memory_space<hbm>>
    tpu.enqueue_indirect_dma source(%dma_start3A_193 : memref<10000x16xf32, #tpu.memory_space<hbm>>) target(%arg22 : memref<80x16xf32, #tpu.memory_space<vmem>>) offsets(%arg13 : memref<80xi32, #tpu.memory_space<vmem>>) semaphore(%arg36 : memref<!tpu.dma_semaphore, #tpu.memory_space<semaphore_mem>>)
    %dma_wait3A_194 = arith.constant 0 : i32
    %dma_wait3A_195 = arith.constant 0 : i32
    %dma_wait3A_196 = tpu.memref_slice %arg4[%dma_wait3A_194, %dma_wait3A_195] : memref<10000x128xf32, #tpu.memory_space<hbm>> -> memref<10000x128xf32, #tpu.memory_space<hbm>>
    tpu.wait_indirect_dma semaphore(%arg29 : memref<!tpu.dma_semaphore, #tpu.memory_space<semaphore_mem>>) src(%dma_wait3A_196 : memref<10000x128xf32, #tpu.memory_space<hbm>>) dst(%arg15 : memref<80x128xf32, #tpu.memory_space<vmem>>)
    %dma_wait3A_197 = arith.constant 0 : i32
    %dma_wait3A_198 = arith.constant 0 : i32
    %dma_wait3A_199 = tpu.memref_slice %arg5[%dma_wait3A_197, %dma_wait3A_198] : memref<10000x16xf32, #tpu.memory_space<hbm>> -> memref<10000x16xf32, #tpu.memory_space<hbm>>
    tpu.wait_indirect_dma semaphore(%arg32 : memref<!tpu.dma_semaphore, #tpu.memory_space<semaphore_mem>>) src(%dma_wait3A_199 : memref<10000x16xf32, #tpu.memory_space<hbm>>) dst(%arg18 : memref<80x16xf32, #tpu.memory_space<vmem>>)
    %dma_wait3A_200 = arith.constant 0 : i32
    %dma_wait3A_201 = arith.constant 0 : i32
    %dma_wait3A_202 = tpu.memref_slice %arg6[%dma_wait3A_200, %dma_wait3A_201] : memref<10000x16xf32, #tpu.memory_space<hbm>> -> memref<10000x16xf32, #tpu.memory_space<hbm>>
    tpu.wait_indirect_dma semaphore(%arg35 : memref<!tpu.dma_semaphore, #tpu.memory_space<semaphore_mem>>) src(%dma_wait3A_202 : memref<10000x16xf32, #tpu.memory_space<hbm>>) dst(%arg21 : memref<80x16xf32, #tpu.memory_space<vmem>>)
    %parallel_loop3A_203 = arith.constant 0 : i32
    %parallel_loop3A_204 = arith.constant 80 : i32
    %parallel_loop3A_205 = arith.constant 1 : i32
    scf.for %parallel_loop3A_221 = %parallel_loop3A_203 to %parallel_loop3A_204 step %parallel_loop3A_205  : i32 {
      %parallel_loop3A_222 = arith.index_cast %parallel_loop3A_221 : i32 to index
      %parallel_loop3A_223 = arith.constant 0 : index
      %parallel_loop3A_224 = tpu.vector_load %arg18[%parallel_loop3A_222, %parallel_loop3A_223] {strides = array<i32>} : memref<80x16xf32, #tpu.memory_space<vmem>>, vector<1x16xf32>,
      %parallel_loop3A_225 = vector.shape_cast %parallel_loop3A_224 : vector<1x16xf32> to vector<16xf32>
      %parallel_loop3A_226 = arith.index_cast %parallel_loop3A_221 : i32 to index
      %parallel_loop3A_227 = arith.constant 0 : index
      %parallel_loop3A_228 = tpu.vector_load %arg21[%parallel_loop3A_226, %parallel_loop3A_227] {strides = array<i32>} : memref<80x16xf32, #tpu.memory_space<vmem>>, vector<1x16xf32>,
      %parallel_loop3A_229 = vector.shape_cast %parallel_loop3A_228 : vector<1x16xf32> to vector<16xf32>
      %parallel_loop3A_230 = arith.addf %parallel_loop3A_225, %parallel_loop3A_229 : vector<16xf32>
      %parallel_loop3A_231 = arith.constant 0.000000e+00 : f32
      %parallel_loop3A_232 = vector.broadcast %parallel_loop3A_231 : f32 to vector<16xf32>
      %parallel_loop3A_233 = arith.maximumf %parallel_loop3A_230, %parallel_loop3A_232 : vector<16xf32>
      %parallel_loop3A_234 = arith.constant 0.000000e+00 : f32
      %parallel_loop3A_235 = vector.broadcast %parallel_loop3A_234 : f32 to vector<16xf32>
      %parallel_loop3A_236 = arith.minimumf %parallel_loop3A_230, %parallel_loop3A_235 : vector<16xf32>
      %parallel_loop3A_237 = arith.constant 2.000000e-01 : f32
      %parallel_loop3A_238 = vector.broadcast %parallel_loop3A_237 : f32 to vector<16xf32>
      %parallel_loop3A_239 = arith.mulf %parallel_loop3A_238, %parallel_loop3A_236 : vector<16xf32>
      %parallel_loop3A_240 = arith.addf %parallel_loop3A_233, %parallel_loop3A_239 : vector<16xf32>
      %parallel_loop3A_241 = math.exp %parallel_loop3A_240 : vector<16xf32>
      %parallel_loop3A_242 = arith.index_cast %parallel_loop3A_221 : i32 to index
      %parallel_loop3A_243 = arith.constant 0 : index
      %parallel_loop3A_244 = tpu.vector_load %arg18[%parallel_loop3A_242, %parallel_loop3A_243] {strides = array<i32>} : memref<80x16xf32, #tpu.memory_space<vmem>>, vector<1x16xf32>,
      %parallel_loop3A_245 = vector.shape_cast %parallel_loop3A_244 : vector<1x16xf32> to vector<16xf32>
      %parallel_loop3A_246 = vector.shape_cast %parallel_loop3A_241 : vector<16xf32> to vector<1x16xf32>
      tpu.vector_store %arg18[%parallel_loop3A_242, %parallel_loop3A_243], %parallel_loop3A_246 {strides = array<i32>} : memref<80x16xf32, #tpu.memory_space<vmem>>, vector<1x16xf32>,
      %parallel_loop3A_247 = arith.constant 0 : i32
      %parallel_loop3A_248 = vector.broadcast %parallel_loop3A_247 : i32 to vector<16x1xi32>
      %parallel_loop3A_249 = vector.shape_cast %parallel_loop3A_248 : vector<16x1xi32> to vector<16xi32>
      %parallel_loop3A_250 = tpu.dynamic_gather %parallel_loop3A_241[%parallel_loop3A_249] in [0] : vector<16xf32>, vector<16xi32> -> vector<16xf32>
      %parallel_loop3A_251 = arith.index_cast %parallel_loop3A_221 : i32 to index
      %parallel_loop3A_252 = arith.constant 0 : index
      %parallel_loop3A_253 = tpu.vector_load %arg15[%parallel_loop3A_251, %parallel_loop3A_252] {strides = array<i32>} : memref<80x128xf32, #tpu.memory_space<vmem>>, vector<1x16xf32>,
      %parallel_loop3A_254 = vector.shape_cast %parallel_loop3A_253 : vector<1x16xf32> to vector<16xf32>
      %parallel_loop3A_255 = arith.mulf %parallel_loop3A_254, %parallel_loop3A_250 : vector<16xf32>
      %parallel_loop3A_256 = arith.index_cast %parallel_loop3A_221 : i32 to index
      %parallel_loop3A_257 = arith.constant 0 : index
      %parallel_loop3A_258 = tpu.vector_load %arg15[%parallel_loop3A_256, %parallel_loop3A_257] {strides = array<i32>} : memref<80x128xf32, #tpu.memory_space<vmem>>, vector<1x16xf32>,
      %parallel_loop3A_259 = vector.shape_cast %parallel_loop3A_258 : vector<1x16xf32> to vector<16xf32>
      %parallel_loop3A_260 = vector.shape_cast %parallel_loop3A_255 : vector<16xf32> to vector<1x16xf32>
      tpu.vector_store %arg15[%parallel_loop3A_256, %parallel_loop3A_257], %parallel_loop3A_260 {strides = array<i32>} : memref<80x128xf32, #tpu.memory_space<vmem>>, vector<1x16xf32>,
      %parallel_loop3A_261 = arith.constant 1 : i32
      %parallel_loop3A_262 = vector.broadcast %parallel_loop3A_261 : i32 to vector<16x1xi32>
      %parallel_loop3A_263 = vector.shape_cast %parallel_loop3A_262 : vector<16x1xi32> to vector<16xi32>
      %parallel_loop3A_264 = tpu.dynamic_gather %parallel_loop3A_241[%parallel_loop3A_263] in [0] : vector<16xf32>, vector<16xi32> -> vector<16xf32>
      %parallel_loop3A_265 = arith.index_cast %parallel_loop3A_221 : i32 to index
      %parallel_loop3A_266 = arith.constant 16 : index
      %parallel_loop3A_267 = tpu.vector_load %arg15[%parallel_loop3A_265, %parallel_loop3A_266] {strides = array<i32>} : memref<80x128xf32, #tpu.memory_space<vmem>>, vector<1x16xf32>,
      %parallel_loop3A_268 = vector.shape_cast %parallel_loop3A_267 : vector<1x16xf32> to vector<16xf32>
      %parallel_loop3A_269 = arith.mulf %parallel_loop3A_268, %parallel_loop3A_264 : vector<16xf32>
      %parallel_loop3A_270 = arith.index_cast %parallel_loop3A_221 : i32 to index
      %parallel_loop3A_271 = arith.constant 16 : index
      %parallel_loop3A_272 = tpu.vector_load %arg15[%parallel_loop3A_270, %parallel_loop3A_271] {strides = array<i32>} : memref<80x128xf32, #tpu.memory_space<vmem>>, vector<1x16xf32>,
      %parallel_loop3A_273 = vector.shape_cast %parallel_loop3A_272 : vector<1x16xf32> to vector<16xf32>
      %parallel_loop3A_274 = vector.shape_cast %parallel_loop3A_269 : vector<16xf32> to vector<1x16xf32>
      tpu.vector_store %arg15[%parallel_loop3A_270, %parallel_loop3A_271], %parallel_loop3A_274 {strides = array<i32>} : memref<80x128xf32, #tpu.memory_space<vmem>>, vector<1x16xf32>,
      %parallel_loop3A_275 = arith.constant 2 : i32
      %parallel_loop3A_276 = vector.broadcast %parallel_loop3A_275 : i32 to vector<16x1xi32>
      %parallel_loop3A_277 = vector.shape_cast %parallel_loop3A_276 : vector<16x1xi32> to vector<16xi32>
      %parallel_loop3A_278 = tpu.dynamic_gather %parallel_loop3A_241[%parallel_loop3A_277] in [0] : vector<16xf32>, vector<16xi32> -> vector<16xf32>
      %parallel_loop3A_279 = arith.index_cast %parallel_loop3A_221 : i32 to index
      %parallel_loop3A_280 = arith.constant 32 : index
      %parallel_loop3A_281 = tpu.vector_load %arg15[%parallel_loop3A_279, %parallel_loop3A_280] {strides = array<i32>} : memref<80x128xf32, #tpu.memory_space<vmem>>, vector<1x16xf32>,
      %parallel_loop3A_282 = vector.shape_cast %parallel_loop3A_281 : vector<1x16xf32> to vector<16xf32>
      %parallel_loop3A_283 = arith.mulf %parallel_loop3A_282, %parallel_loop3A_278 : vector<16xf32>
      %parallel_loop3A_284 = arith.index_cast %parallel_loop3A_221 : i32 to index
      %parallel_loop3A_285 = arith.constant 32 : index
      %parallel_loop3A_286 = tpu.vector_load %arg15[%parallel_loop3A_284, %parallel_loop3A_285] {strides = array<i32>} : memref<80x128xf32, #tpu.memory_space<vmem>>, vector<1x16xf32>,
      %parallel_loop3A_287 = vector.shape_cast %parallel_loop3A_286 : vector<1x16xf32> to vector<16xf32>
      %parallel_loop3A_288 = vector.shape_cast %parallel_loop3A_283 : vector<16xf32> to vector<1x16xf32>
      tpu.vector_store %arg15[%parallel_loop3A_284, %parallel_loop3A_285], %parallel_loop3A_288 {strides = array<i32>} : memref<80x128xf32, #tpu.memory_space<vmem>>, vector<1x16xf32>,
      %parallel_loop3A_289 = arith.constant 3 : i32
      %parallel_loop3A_290 = vector.broadcast %parallel_loop3A_289 : i32 to vector<16x1xi32>
      %parallel_loop3A_291 = vector.shape_cast %parallel_loop3A_290 : vector<16x1xi32> to vector<16xi32>
      %parallel_loop3A_292 = tpu.dynamic_gather %parallel_loop3A_241[%parallel_loop3A_291] in [0] : vector<16xf32>, vector<16xi32> -> vector<16xf32>
      %parallel_loop3A_293 = arith.index_cast %parallel_loop3A_221 : i32 to index
      %parallel_loop3A_294 = arith.constant 48 : index
      %parallel_loop3A_295 = tpu.vector_load %arg15[%parallel_loop3A_293, %parallel_loop3A_294] {strides = array<i32>} : memref<80x128xf32, #tpu.memory_space<vmem>>, vector<1x16xf32>,
      %parallel_loop3A_296 = vector.shape_cast %parallel_loop3A_295 : vector<1x16xf32> to vector<16xf32>
      %parallel_loop3A_297 = arith.mulf %parallel_loop3A_296, %parallel_loop3A_292 : vector<16xf32>
      %parallel_loop3A_298 = arith.index_cast %parallel_loop3A_221 : i32 to index
      %parallel_loop3A_299 = arith.constant 48 : index
      %parallel_loop3A_300 = tpu.vector_load %arg15[%parallel_loop3A_298, %parallel_loop3A_299] {strides = array<i32>} : memref<80x128xf32, #tpu.memory_space<vmem>>, vector<1x16xf32>,
      %parallel_loop3A_301 = vector.shape_cast %parallel_loop3A_300 : vector<1x16xf32> to vector<16xf32>
      %parallel_loop3A_302 = vector.shape_cast %parallel_loop3A_297 : vector<16xf32> to vector<1x16xf32>
      tpu.vector_store %arg15[%parallel_loop3A_298, %parallel_loop3A_299], %parallel_loop3A_302 {strides = array<i32>} : memref<80x128xf32, #tpu.memory_space<vmem>>, vector<1x16xf32>,
      %parallel_loop3A_303 = arith.constant 4 : i32
      %parallel_loop3A_304 = vector.broadcast %parallel_loop3A_303 : i32 to vector<16x1xi32>
      %parallel_loop3A_305 = vector.shape_cast %parallel_loop3A_304 : vector<16x1xi32> to vector<16xi32>
      %parallel_loop3A_306 = tpu.dynamic_gather %parallel_loop3A_241[%parallel_loop3A_305] in [0] : vector<16xf32>, vector<16xi32> -> vector<16xf32>
      %parallel_loop3A_307 = arith.index_cast %parallel_loop3A_221 : i32 to index
      %parallel_loop3A_308 = arith.constant 64 : index
      %parallel_loop3A_309 = tpu.vector_load %arg15[%parallel_loop3A_307, %parallel_loop3A_308] {strides = array<i32>} : memref<80x128xf32, #tpu.memory_space<vmem>>, vector<1x16xf32>,
      %parallel_loop3A_310 = vector.shape_cast %parallel_loop3A_309 : vector<1x16xf32> to vector<16xf32>
      %parallel_loop3A_311 = arith.mulf %parallel_loop3A_310, %parallel_loop3A_306 : vector<16xf32>
      %parallel_loop3A_312 = arith.index_cast %parallel_loop3A_221 : i32 to index
      %parallel_loop3A_313 = arith.constant 64 : index
      %parallel_loop3A_314 = tpu.vector_load %arg15[%parallel_loop3A_312, %parallel_loop3A_313] {strides = array<i32>} : memref<80x128xf32, #tpu.memory_space<vmem>>, vector<1x16xf32>,
      %parallel_loop3A_315 = vector.shape_cast %parallel_loop3A_314 : vector<1x16xf32> to vector<16xf32>
      %parallel_loop3A_316 = vector.shape_cast %parallel_loop3A_311 : vector<16xf32> to vector<1x16xf32>
      tpu.vector_store %arg15[%parallel_loop3A_312, %parallel_loop3A_313], %parallel_loop3A_316 {strides = array<i32>} : memref<80x128xf32, #tpu.memory_space<vmem>>, vector<1x16xf32>,
      %parallel_loop3A_317 = arith.constant 5 : i32
      %parallel_loop3A_318 = vector.broadcast %parallel_loop3A_317 : i32 to vector<16x1xi32>
      %parallel_loop3A_319 = vector.shape_cast %parallel_loop3A_318 : vector<16x1xi32> to vector<16xi32>
      %parallel_loop3A_320 = tpu.dynamic_gather %parallel_loop3A_241[%parallel_loop3A_319] in [0] : vector<16xf32>, vector<16xi32> -> vector<16xf32>
      %parallel_loop3A_321 = arith.index_cast %parallel_loop3A_221 : i32 to index
      %parallel_loop3A_322 = arith.constant 80 : index
      %parallel_loop3A_323 = tpu.vector_load %arg15[%parallel_loop3A_321, %parallel_loop3A_322] {strides = array<i32>} : memref<80x128xf32, #tpu.memory_space<vmem>>, vector<1x16xf32>,
      %parallel_loop3A_324 = vector.shape_cast %parallel_loop3A_323 : vector<1x16xf32> to vector<16xf32>
      %parallel_loop3A_325 = arith.mulf %parallel_loop3A_324, %parallel_loop3A_320 : vector<16xf32>
      %parallel_loop3A_326 = arith.index_cast %parallel_loop3A_221 : i32 to index
      %parallel_loop3A_327 = arith.constant 80 : index
      %parallel_loop3A_328 = tpu.vector_load %arg15[%parallel_loop3A_326, %parallel_loop3A_327] {strides = array<i32>} : memref<80x128xf32, #tpu.memory_space<vmem>>, vector<1x16xf32>,
      %parallel_loop3A_329 = vector.shape_cast %parallel_loop3A_328 : vector<1x16xf32> to vector<16xf32>
      %parallel_loop3A_330 = vector.shape_cast %parallel_loop3A_325 : vector<16xf32> to vector<1x16xf32>
      tpu.vector_store %arg15[%parallel_loop3A_326, %parallel_loop3A_327], %parallel_loop3A_330 {strides = array<i32>} : memref<80x128xf32, #tpu.memory_space<vmem>>, vector<1x16xf32>,
      %parallel_loop3A_331 = arith.constant 6 : i32
      %parallel_loop3A_332 = vector.broadcast %parallel_loop3A_331 : i32 to vector<16x1xi32>
      %parallel_loop3A_333 = vector.shape_cast %parallel_loop3A_332 : vector<16x1xi32> to vector<16xi32>
      %parallel_loop3A_334 = tpu.dynamic_gather %parallel_loop3A_241[%parallel_loop3A_333] in [0] : vector<16xf32>, vector<16xi32> -> vector<16xf32>
      %parallel_loop3A_335 = arith.index_cast %parallel_loop3A_221 : i32 to index
      %parallel_loop3A_336 = arith.constant 96 : index
      %parallel_loop3A_337 = tpu.vector_load %arg15[%parallel_loop3A_335, %parallel_loop3A_336] {strides = array<i32>} : memref<80x128xf32, #tpu.memory_space<vmem>>, vector<1x16xf32>,
      %parallel_loop3A_338 = vector.shape_cast %parallel_loop3A_337 : vector<1x16xf32> to vector<16xf32>
      %parallel_loop3A_339 = arith.mulf %parallel_loop3A_338, %parallel_loop3A_334 : vector<16xf32>
      %parallel_loop3A_340 = arith.index_cast %parallel_loop3A_221 : i32 to index
      %parallel_loop3A_341 = arith.constant 96 : index
      %parallel_loop3A_342 = tpu.vector_load %arg15[%parallel_loop3A_340, %parallel_loop3A_341] {strides = array<i32>} : memref<80x128xf32, #tpu.memory_space<vmem>>, vector<1x16xf32>,
      %parallel_loop3A_343 = vector.shape_cast %parallel_loop3A_342 : vector<1x16xf32> to vector<16xf32>
      %parallel_loop3A_344 = vector.shape_cast %parallel_loop3A_339 : vector<16xf32> to vector<1x16xf32>
      tpu.vector_store %arg15[%parallel_loop3A_340, %parallel_loop3A_341], %parallel_loop3A_344 {strides = array<i32>} : memref<80x128xf32, #tpu.memory_space<vmem>>, vector<1x16xf32>,
      %parallel_loop3A_345 = arith.constant 7 : i32
      %parallel_loop3A_346 = vector.broadcast %parallel_loop3A_345 : i32 to vector<16x1xi32>
      %parallel_loop3A_347 = vector.shape_cast %parallel_loop3A_346 : vector<16x1xi32> to vector<16xi32>
      %parallel_loop3A_348 = tpu.dynamic_gather %parallel_loop3A_241[%parallel_loop3A_347] in [0] : vector<16xf32>, vector<16xi32> -> vector<16xf32>
      %parallel_loop3A_349 = arith.index_cast %parallel_loop3A_221 : i32 to index
      %parallel_loop3A_350 = arith.constant 112 : index
      %parallel_loop3A_351 = tpu.vector_load %arg15[%parallel_loop3A_349, %parallel_loop3A_350] {strides = array<i32>} : memref<80x128xf32, #tpu.memory_space<vmem>>, vector<1x16xf32>,
      %parallel_loop3A_352 = vector.shape_cast %parallel_loop3A_351 : vector<1x16xf32> to vector<16xf32>
      %parallel_loop3A_353 = arith.mulf %parallel_loop3A_352, %parallel_loop3A_348 : vector<16xf32>
      %parallel_loop3A_354 = arith.index_cast %parallel_loop3A_221 : i32 to index
      %parallel_loop3A_355 = arith.constant 112 : index
      %parallel_loop3A_356 = tpu.vector_load %arg15[%parallel_loop3A_354, %parallel_loop3A_355] {strides = array<i32>} : memref<80x128xf32, #tpu.memory_space<vmem>>, vector<1x16xf32>,
      %parallel_loop3A_357 = vector.shape_cast %parallel_loop3A_356 : vector<1x16xf32> to vector<16xf32>
      %parallel_loop3A_358 = vector.shape_cast %parallel_loop3A_353 : vector<16xf32> to vector<1x16xf32>
      tpu.vector_store %arg15[%parallel_loop3A_354, %parallel_loop3A_355], %parallel_loop3A_358 {strides = array<i32>} : memref<80x128xf32, #tpu.memory_space<vmem>>, vector<1x16xf32>,
    } {sc.loop_unroll_factor = 2 : i64, sc.parallel_access}
    "tpu.region"() ({
      %run_scoped3A = tpu.sem_alloc : memref<!tpu.dma_semaphore, #tpu.memory_space<semaphore_mem>>
      %dma_start3A_221 = arith.constant 0 : i32
      %dma_start3A_222 = arith.constant 0 : i32
      %dma_start3A_223 = tpu.memref_slice %arg24[%dma_start3A_221, %dma_start3A_222] : memref<10240x128xf32, #tpu.memory_space<vmem_shared>> -> memref<10240x128xf32, #tpu.memory_space<vmem_shared>>
      tpu.enqueue_indirect_dma source(%arg15 : memref<80x128xf32, #tpu.memory_space<vmem>>) target(%dma_start3A_223 : memref<10240x128xf32, #tpu.memory_space<vmem_shared>>) offsets(%arg12 : memref<80xi32, #tpu.memory_space<vmem>>) semaphore(%run_scoped3A : memref<!tpu.dma_semaphore, #tpu.memory_space<semaphore_mem>>) {add = true}
      %dma_wait3A_224 = arith.constant 0 : i32
      %dma_wait3A_225 = arith.constant 0 : i32
      %dma_wait3A_226 = tpu.memref_slice %arg24[%dma_wait3A_224, %dma_wait3A_225] : memref<10240x128xf32, #tpu.memory_space<vmem_shared>> -> memref<10240x128xf32, #tpu.memory_space<vmem_shared>>
      tpu.wait_indirect_dma semaphore(%run_scoped3A : memref<!tpu.dma_semaphore, #tpu.memory_space<semaphore_mem>>) src(%arg15 : memref<80x128xf32, #tpu.memory_space<vmem>>) dst(%dma_wait3A_226 : memref<10240x128xf32, #tpu.memory_space<vmem_shared>>)
      tpu.yield
    }) : () -> ()
    "tpu.region"() ({
      %run_scoped3A = tpu.sem_alloc : memref<!tpu.dma_semaphore, #tpu.memory_space<semaphore_mem>>
      %dma_start3A_221 = arith.constant 0 : i32
      %dma_start3A_222 = arith.constant 0 : i32
      %dma_start3A_223 = tpu.memref_slice %arg25[%dma_start3A_221, %dma_start3A_222] : memref<10240x16xf32, #tpu.memory_space<vmem_shared>> -> memref<10240x16xf32, #tpu.memory_space<vmem_shared>>
      tpu.enqueue_indirect_dma source(%arg18 : memref<80x16xf32, #tpu.memory_space<vmem>>) target(%dma_start3A_223 : memref<10240x16xf32, #tpu.memory_space<vmem_shared>>) offsets(%arg12 : memref<80xi32, #tpu.memory_space<vmem>>) semaphore(%run_scoped3A : memref<!tpu.dma_semaphore, #tpu.memory_space<semaphore_mem>>) {add = true}
      %dma_wait3A_224 = arith.constant 0 : i32
      %dma_wait3A_225 = arith.constant 0 : i32
      %dma_wait3A_226 = tpu.memref_slice %arg25[%dma_wait3A_224, %dma_wait3A_225] : memref<10240x16xf32, #tpu.memory_space<vmem_shared>> -> memref<10240x16xf32, #tpu.memory_space<vmem_shared>>
      tpu.wait_indirect_dma semaphore(%run_scoped3A : memref<!tpu.dma_semaphore, #tpu.memory_space<semaphore_mem>>) src(%arg18 : memref<80x16xf32, #tpu.memory_space<vmem>>) dst(%dma_wait3A_226 : memref<10240x16xf32, #tpu.memory_space<vmem_shared>>)
      tpu.yield
    }) : () -> ()
    %dma_wait3A_206 = arith.constant 0 : i32
    %dma_wait3A_207 = arith.constant 0 : i32
    %dma_wait3A_208 = tpu.memref_slice %arg4[%dma_wait3A_206, %dma_wait3A_207] : memref<10000x128xf32, #tpu.memory_space<hbm>> -> memref<10000x128xf32, #tpu.memory_space<hbm>>
    tpu.wait_indirect_dma semaphore(%arg30 : memref<!tpu.dma_semaphore, #tpu.memory_space<semaphore_mem>>) src(%dma_wait3A_208 : memref<10000x128xf32, #tpu.memory_space<hbm>>) dst(%arg16 : memref<80x128xf32, #tpu.memory_space<vmem>>)
    %dma_wait3A_209 = arith.constant 0 : i32
    %dma_wait3A_210 = arith.constant 0 : i32
    %dma_wait3A_211 = tpu.memref_slice %arg5[%dma_wait3A_209, %dma_wait3A_210] : memref<10000x16xf32, #tpu.memory_space<hbm>> -> memref<10000x16xf32, #tpu.memory_space<hbm>>
    tpu.wait_indirect_dma semaphore(%arg33 : memref<!tpu.dma_semaphore, #tpu.memory_space<semaphore_mem>>) src(%dma_wait3A_211 : memref<10000x16xf32, #tpu.memory_space<hbm>>) dst(%arg19 : memref<80x16xf32, #tpu.memory_space<vmem>>)
    %dma_wait3A_212 = arith.constant 0 : i32
    %dma_wait3A_213 = arith.constant 0 : i32
    %dma_wait3A_214 = tpu.memref_slice %arg6[%dma_wait3A_212, %dma_wait3A_213] : memref<10000x16xf32, #tpu.memory_space<hbm>> -> memref<10000x16xf32, #tpu.memory_space<hbm>>
    tpu.wait_indirect_dma semaphore(%arg36 : memref<!tpu.dma_semaphore, #tpu.memory_space<semaphore_mem>>) src(%dma_wait3A_214 : memref<10000x16xf32, #tpu.memory_space<hbm>>) dst(%arg22 : memref<80x16xf32, #tpu.memory_space<vmem>>)
    %parallel_loop3A_215 = arith.constant 0 : i32
    %parallel_loop3A_216 = arith.constant 80 : i32
    %parallel_loop3A_217 = arith.constant 1 : i32
    scf.for %parallel_loop3A_221 = %parallel_loop3A_215 to %parallel_loop3A_216 step %parallel_loop3A_217  : i32 {
      %parallel_loop3A_222 = arith.index_cast %parallel_loop3A_221 : i32 to index
      %parallel_loop3A_223 = arith.constant 0 : index
      %parallel_loop3A_224 = tpu.vector_load %arg19[%parallel_loop3A_222, %parallel_loop3A_223] {strides = array<i32>} : memref<80x16xf32, #tpu.memory_space<vmem>>, vector<1x16xf32>,
      %parallel_loop3A_225 = vector.shape_cast %parallel_loop3A_224 : vector<1x16xf32> to vector<16xf32>
      %parallel_loop3A_226 = arith.index_cast %parallel_loop3A_221 : i32 to index
      %parallel_loop3A_227 = arith.constant 0 : index
      %parallel_loop3A_228 = tpu.vector_load %arg22[%parallel_loop3A_226, %parallel_loop3A_227] {strides = array<i32>} : memref<80x16xf32, #tpu.memory_space<vmem>>, vector<1x16xf32>,
      %parallel_loop3A_229 = vector.shape_cast %parallel_loop3A_228 : vector<1x16xf32> to vector<16xf32>
      %parallel_loop3A_230 = arith.addf %parallel_loop3A_225, %parallel_loop3A_229 : vector<16xf32>
      %parallel_loop3A_231 = arith.constant 0.000000e+00 : f32
      %parallel_loop3A_232 = vector.broadcast %parallel_loop3A_231 : f32 to vector<16xf32>
      %parallel_loop3A_233 = arith.maximumf %parallel_loop3A_230, %parallel_loop3A_232 : vector<16xf32>
      %parallel_loop3A_234 = arith.constant 0.000000e+00 : f32
      %parallel_loop3A_235 = vector.broadcast %parallel_loop3A_234 : f32 to vector<16xf32>
      %parallel_loop3A_236 = arith.minimumf %parallel_loop3A_230, %parallel_loop3A_235 : vector<16xf32>
      %parallel_loop3A_237 = arith.constant 2.000000e-01 : f32
      %parallel_loop3A_238 = vector.broadcast %parallel_loop3A_237 : f32 to vector<16xf32>
      %parallel_loop3A_239 = arith.mulf %parallel_loop3A_238, %parallel_loop3A_236 : vector<16xf32>
      %parallel_loop3A_240 = arith.addf %parallel_loop3A_233, %parallel_loop3A_239 : vector<16xf32>
      %parallel_loop3A_241 = math.exp %parallel_loop3A_240 : vector<16xf32>
      %parallel_loop3A_242 = arith.index_cast %parallel_loop3A_221 : i32 to index
      %parallel_loop3A_243 = arith.constant 0 : index
      %parallel_loop3A_244 = tpu.vector_load %arg19[%parallel_loop3A_242, %parallel_loop3A_243] {strides = array<i32>} : memref<80x16xf32, #tpu.memory_space<vmem>>, vector<1x16xf32>,
      %parallel_loop3A_245 = vector.shape_cast %parallel_loop3A_244 : vector<1x16xf32> to vector<16xf32>
      %parallel_loop3A_246 = vector.shape_cast %parallel_loop3A_241 : vector<16xf32> to vector<1x16xf32>
      tpu.vector_store %arg19[%parallel_loop3A_242, %parallel_loop3A_243], %parallel_loop3A_246 {strides = array<i32>} : memref<80x16xf32, #tpu.memory_space<vmem>>, vector<1x16xf32>,
      %parallel_loop3A_247 = arith.constant 0 : i32
      %parallel_loop3A_248 = vector.broadcast %parallel_loop3A_247 : i32 to vector<16x1xi32>
      %parallel_loop3A_249 = vector.shape_cast %parallel_loop3A_248 : vector<16x1xi32> to vector<16xi32>
      %parallel_loop3A_250 = tpu.dynamic_gather %parallel_loop3A_241[%parallel_loop3A_249] in [0] : vector<16xf32>, vector<16xi32> -> vector<16xf32>
      %parallel_loop3A_251 = arith.index_cast %parallel_loop3A_221 : i32 to index
      %parallel_loop3A_252 = arith.constant 0 : index
      %parallel_loop3A_253 = tpu.vector_load %arg16[%parallel_loop3A_251, %parallel_loop3A_252] {strides = array<i32>} : memref<80x128xf32, #tpu.memory_space<vmem>>, vector<1x16xf32>,
      %parallel_loop3A_254 = vector.shape_cast %parallel_loop3A_253 : vector<1x16xf32> to vector<16xf32>
      %parallel_loop3A_255 = arith.mulf %parallel_loop3A_254, %parallel_loop3A_250 : vector<16xf32>
      %parallel_loop3A_256 = arith.index_cast %parallel_loop3A_221 : i32 to index
      %parallel_loop3A_257 = arith.constant 0 : index
      %parallel_loop3A_258 = tpu.vector_load %arg16[%parallel_loop3A_256, %parallel_loop3A_257] {strides = array<i32>} : memref<80x128xf32, #tpu.memory_space<vmem>>, vector<1x16xf32>,
      %parallel_loop3A_259 = vector.shape_cast %parallel_loop3A_258 : vector<1x16xf32> to vector<16xf32>
      %parallel_loop3A_260 = vector.shape_cast %parallel_loop3A_255 : vector<16xf32> to vector<1x16xf32>
      tpu.vector_store %arg16[%parallel_loop3A_256, %parallel_loop3A_257], %parallel_loop3A_260 {strides = array<i32>} : memref<80x128xf32, #tpu.memory_space<vmem>>, vector<1x16xf32>,
      %parallel_loop3A_261 = arith.constant 1 : i32
      %parallel_loop3A_262 = vector.broadcast %parallel_loop3A_261 : i32 to vector<16x1xi32>
      %parallel_loop3A_263 = vector.shape_cast %parallel_loop3A_262 : vector<16x1xi32> to vector<16xi32>
      %parallel_loop3A_264 = tpu.dynamic_gather %parallel_loop3A_241[%parallel_loop3A_263] in [0] : vector<16xf32>, vector<16xi32> -> vector<16xf32>
      %parallel_loop3A_265 = arith.index_cast %parallel_loop3A_221 : i32 to index
      %parallel_loop3A_266 = arith.constant 16 : index
      %parallel_loop3A_267 = tpu.vector_load %arg16[%parallel_loop3A_265, %parallel_loop3A_266] {strides = array<i32>} : memref<80x128xf32, #tpu.memory_space<vmem>>, vector<1x16xf32>,
      %parallel_loop3A_268 = vector.shape_cast %parallel_loop3A_267 : vector<1x16xf32> to vector<16xf32>
      %parallel_loop3A_269 = arith.mulf %parallel_loop3A_268, %parallel_loop3A_264 : vector<16xf32>
      %parallel_loop3A_270 = arith.index_cast %parallel_loop3A_221 : i32 to index
      %parallel_loop3A_271 = arith.constant 16 : index
      %parallel_loop3A_272 = tpu.vector_load %arg16[%parallel_loop3A_270, %parallel_loop3A_271] {strides = array<i32>} : memref<80x128xf32, #tpu.memory_space<vmem>>, vector<1x16xf32>,
      %parallel_loop3A_273 = vector.shape_cast %parallel_loop3A_272 : vector<1x16xf32> to vector<16xf32>
      %parallel_loop3A_274 = vector.shape_cast %parallel_loop3A_269 : vector<16xf32> to vector<1x16xf32>
      tpu.vector_store %arg16[%parallel_loop3A_270, %parallel_loop3A_271], %parallel_loop3A_274 {strides = array<i32>} : memref<80x128xf32, #tpu.memory_space<vmem>>, vector<1x16xf32>,
      %parallel_loop3A_275 = arith.constant 2 : i32
      %parallel_loop3A_276 = vector.broadcast %parallel_loop3A_275 : i32 to vector<16x1xi32>
      %parallel_loop3A_277 = vector.shape_cast %parallel_loop3A_276 : vector<16x1xi32> to vector<16xi32>
      %parallel_loop3A_278 = tpu.dynamic_gather %parallel_loop3A_241[%parallel_loop3A_277] in [0] : vector<16xf32>, vector<16xi32> -> vector<16xf32>
      %parallel_loop3A_279 = arith.index_cast %parallel_loop3A_221 : i32 to index
      %parallel_loop3A_280 = arith.constant 32 : index
      %parallel_loop3A_281 = tpu.vector_load %arg16[%parallel_loop3A_279, %parallel_loop3A_280] {strides = array<i32>} : memref<80x128xf32, #tpu.memory_space<vmem>>, vector<1x16xf32>,
      %parallel_loop3A_282 = vector.shape_cast %parallel_loop3A_281 : vector<1x16xf32> to vector<16xf32>
      %parallel_loop3A_283 = arith.mulf %parallel_loop3A_282, %parallel_loop3A_278 : vector<16xf32>
      %parallel_loop3A_284 = arith.index_cast %parallel_loop3A_221 : i32 to index
      %parallel_loop3A_285 = arith.constant 32 : index
      %parallel_loop3A_286 = tpu.vector_load %arg16[%parallel_loop3A_284, %parallel_loop3A_285] {strides = array<i32>} : memref<80x128xf32, #tpu.memory_space<vmem>>, vector<1x16xf32>,
      %parallel_loop3A_287 = vector.shape_cast %parallel_loop3A_286 : vector<1x16xf32> to vector<16xf32>
      %parallel_loop3A_288 = vector.shape_cast %parallel_loop3A_283 : vector<16xf32> to vector<1x16xf32>
      tpu.vector_store %arg16[%parallel_loop3A_284, %parallel_loop3A_285], %parallel_loop3A_288 {strides = array<i32>} : memref<80x128xf32, #tpu.memory_space<vmem>>, vector<1x16xf32>,
      %parallel_loop3A_289 = arith.constant 3 : i32
      %parallel_loop3A_290 = vector.broadcast %parallel_loop3A_289 : i32 to vector<16x1xi32>
      %parallel_loop3A_291 = vector.shape_cast %parallel_loop3A_290 : vector<16x1xi32> to vector<16xi32>
      %parallel_loop3A_292 = tpu.dynamic_gather %parallel_loop3A_241[%parallel_loop3A_291] in [0] : vector<16xf32>, vector<16xi32> -> vector<16xf32>
      %parallel_loop3A_293 = arith.index_cast %parallel_loop3A_221 : i32 to index
      %parallel_loop3A_294 = arith.constant 48 : index
      %parallel_loop3A_295 = tpu.vector_load %arg16[%parallel_loop3A_293, %parallel_loop3A_294] {strides = array<i32>} : memref<80x128xf32, #tpu.memory_space<vmem>>, vector<1x16xf32>,
      %parallel_loop3A_296 = vector.shape_cast %parallel_loop3A_295 : vector<1x16xf32> to vector<16xf32>
      %parallel_loop3A_297 = arith.mulf %parallel_loop3A_296, %parallel_loop3A_292 : vector<16xf32>
      %parallel_loop3A_298 = arith.index_cast %parallel_loop3A_221 : i32 to index
      %parallel_loop3A_299 = arith.constant 48 : index
      %parallel_loop3A_300 = tpu.vector_load %arg16[%parallel_loop3A_298, %parallel_loop3A_299] {strides = array<i32>} : memref<80x128xf32, #tpu.memory_space<vmem>>, vector<1x16xf32>,
      %parallel_loop3A_301 = vector.shape_cast %parallel_loop3A_300 : vector<1x16xf32> to vector<16xf32>
      %parallel_loop3A_302 = vector.shape_cast %parallel_loop3A_297 : vector<16xf32> to vector<1x16xf32>
      tpu.vector_store %arg16[%parallel_loop3A_298, %parallel_loop3A_299], %parallel_loop3A_302 {strides = array<i32>} : memref<80x128xf32, #tpu.memory_space<vmem>>, vector<1x16xf32>,
      %parallel_loop3A_303 = arith.constant 4 : i32
      %parallel_loop3A_304 = vector.broadcast %parallel_loop3A_303 : i32 to vector<16x1xi32>
      %parallel_loop3A_305 = vector.shape_cast %parallel_loop3A_304 : vector<16x1xi32> to vector<16xi32>
      %parallel_loop3A_306 = tpu.dynamic_gather %parallel_loop3A_241[%parallel_loop3A_305] in [0] : vector<16xf32>, vector<16xi32> -> vector<16xf32>
      %parallel_loop3A_307 = arith.index_cast %parallel_loop3A_221 : i32 to index
      %parallel_loop3A_308 = arith.constant 64 : index
      %parallel_loop3A_309 = tpu.vector_load %arg16[%parallel_loop3A_307, %parallel_loop3A_308] {strides = array<i32>} : memref<80x128xf32, #tpu.memory_space<vmem>>, vector<1x16xf32>,
      %parallel_loop3A_310 = vector.shape_cast %parallel_loop3A_309 : vector<1x16xf32> to vector<16xf32>
      %parallel_loop3A_311 = arith.mulf %parallel_loop3A_310, %parallel_loop3A_306 : vector<16xf32>
      %parallel_loop3A_312 = arith.index_cast %parallel_loop3A_221 : i32 to index
      %parallel_loop3A_313 = arith.constant 64 : index
      %parallel_loop3A_314 = tpu.vector_load %arg16[%parallel_loop3A_312, %parallel_loop3A_313] {strides = array<i32>} : memref<80x128xf32, #tpu.memory_space<vmem>>, vector<1x16xf32>,
      %parallel_loop3A_315 = vector.shape_cast %parallel_loop3A_314 : vector<1x16xf32> to vector<16xf32>
      %parallel_loop3A_316 = vector.shape_cast %parallel_loop3A_311 : vector<16xf32> to vector<1x16xf32>
      tpu.vector_store %arg16[%parallel_loop3A_312, %parallel_loop3A_313], %parallel_loop3A_316 {strides = array<i32>} : memref<80x128xf32, #tpu.memory_space<vmem>>, vector<1x16xf32>,
      %parallel_loop3A_317 = arith.constant 5 : i32
      %parallel_loop3A_318 = vector.broadcast %parallel_loop3A_317 : i32 to vector<16x1xi32>
      %parallel_loop3A_319 = vector.shape_cast %parallel_loop3A_318 : vector<16x1xi32> to vector<16xi32>
      %parallel_loop3A_320 = tpu.dynamic_gather %parallel_loop3A_241[%parallel_loop3A_319] in [0] : vector<16xf32>, vector<16xi32> -> vector<16xf32>
      %parallel_loop3A_321 = arith.index_cast %parallel_loop3A_221 : i32 to index
      %parallel_loop3A_322 = arith.constant 80 : index
      %parallel_loop3A_323 = tpu.vector_load %arg16[%parallel_loop3A_321, %parallel_loop3A_322] {strides = array<i32>} : memref<80x128xf32, #tpu.memory_space<vmem>>, vector<1x16xf32>,
      %parallel_loop3A_324 = vector.shape_cast %parallel_loop3A_323 : vector<1x16xf32> to vector<16xf32>
      %parallel_loop3A_325 = arith.mulf %parallel_loop3A_324, %parallel_loop3A_320 : vector<16xf32>
      %parallel_loop3A_326 = arith.index_cast %parallel_loop3A_221 : i32 to index
      %parallel_loop3A_327 = arith.constant 80 : index
      %parallel_loop3A_328 = tpu.vector_load %arg16[%parallel_loop3A_326, %parallel_loop3A_327] {strides = array<i32>} : memref<80x128xf32, #tpu.memory_space<vmem>>, vector<1x16xf32>,
      %parallel_loop3A_329 = vector.shape_cast %parallel_loop3A_328 : vector<1x16xf32> to vector<16xf32>
      %parallel_loop3A_330 = vector.shape_cast %parallel_loop3A_325 : vector<16xf32> to vector<1x16xf32>
      tpu.vector_store %arg16[%parallel_loop3A_326, %parallel_loop3A_327], %parallel_loop3A_330 {strides = array<i32>} : memref<80x128xf32, #tpu.memory_space<vmem>>, vector<1x16xf32>,
      %parallel_loop3A_331 = arith.constant 6 : i32
      %parallel_loop3A_332 = vector.broadcast %parallel_loop3A_331 : i32 to vector<16x1xi32>
      %parallel_loop3A_333 = vector.shape_cast %parallel_loop3A_332 : vector<16x1xi32> to vector<16xi32>
      %parallel_loop3A_334 = tpu.dynamic_gather %parallel_loop3A_241[%parallel_loop3A_333] in [0] : vector<16xf32>, vector<16xi32> -> vector<16xf32>
      %parallel_loop3A_335 = arith.index_cast %parallel_loop3A_221 : i32 to index
      %parallel_loop3A_336 = arith.constant 96 : index
      %parallel_loop3A_337 = tpu.vector_load %arg16[%parallel_loop3A_335, %parallel_loop3A_336] {strides = array<i32>} : memref<80x128xf32, #tpu.memory_space<vmem>>, vector<1x16xf32>,
      %parallel_loop3A_338 = vector.shape_cast %parallel_loop3A_337 : vector<1x16xf32> to vector<16xf32>
      %parallel_loop3A_339 = arith.mulf %parallel_loop3A_338, %parallel_loop3A_334 : vector<16xf32>
      %parallel_loop3A_340 = arith.index_cast %parallel_loop3A_221 : i32 to index
      %parallel_loop3A_341 = arith.constant 96 : index
      %parallel_loop3A_342 = tpu.vector_load %arg16[%parallel_loop3A_340, %parallel_loop3A_341] {strides = array<i32>} : memref<80x128xf32, #tpu.memory_space<vmem>>, vector<1x16xf32>,
      %parallel_loop3A_343 = vector.shape_cast %parallel_loop3A_342 : vector<1x16xf32> to vector<16xf32>
      %parallel_loop3A_344 = vector.shape_cast %parallel_loop3A_339 : vector<16xf32> to vector<1x16xf32>
      tpu.vector_store %arg16[%parallel_loop3A_340, %parallel_loop3A_341], %parallel_loop3A_344 {strides = array<i32>} : memref<80x128xf32, #tpu.memory_space<vmem>>, vector<1x16xf32>,
      %parallel_loop3A_345 = arith.constant 7 : i32
      %parallel_loop3A_346 = vector.broadcast %parallel_loop3A_345 : i32 to vector<16x1xi32>
      %parallel_loop3A_347 = vector.shape_cast %parallel_loop3A_346 : vector<16x1xi32> to vector<16xi32>
      %parallel_loop3A_348 = tpu.dynamic_gather %parallel_loop3A_241[%parallel_loop3A_347] in [0] : vector<16xf32>, vector<16xi32> -> vector<16xf32>
      %parallel_loop3A_349 = arith.index_cast %parallel_loop3A_221 : i32 to index
      %parallel_loop3A_350 = arith.constant 112 : index
      %parallel_loop3A_351 = tpu.vector_load %arg16[%parallel_loop3A_349, %parallel_loop3A_350] {strides = array<i32>} : memref<80x128xf32, #tpu.memory_space<vmem>>, vector<1x16xf32>,
      %parallel_loop3A_352 = vector.shape_cast %parallel_loop3A_351 : vector<1x16xf32> to vector<16xf32>
      %parallel_loop3A_353 = arith.mulf %parallel_loop3A_352, %parallel_loop3A_348 : vector<16xf32>
      %parallel_loop3A_354 = arith.index_cast %parallel_loop3A_221 : i32 to index
      %parallel_loop3A_355 = arith.constant 112 : index
      %parallel_loop3A_356 = tpu.vector_load %arg16[%parallel_loop3A_354, %parallel_loop3A_355] {strides = array<i32>} : memref<80x128xf32, #tpu.memory_space<vmem>>, vector<1x16xf32>,
      %parallel_loop3A_357 = vector.shape_cast %parallel_loop3A_356 : vector<1x16xf32> to vector<16xf32>
      %parallel_loop3A_358 = vector.shape_cast %parallel_loop3A_353 : vector<16xf32> to vector<1x16xf32>
      tpu.vector_store %arg16[%parallel_loop3A_354, %parallel_loop3A_355], %parallel_loop3A_358 {strides = array<i32>} : memref<80x128xf32, #tpu.memory_space<vmem>>, vector<1x16xf32>,
    } {sc.loop_unroll_factor = 2 : i64, sc.parallel_access}
    "tpu.region"() ({
      %run_scoped3A = tpu.sem_alloc : memref<!tpu.dma_semaphore, #tpu.memory_space<semaphore_mem>>
      %dma_start3A_221 = arith.constant 0 : i32
      %dma_start3A_222 = arith.constant 0 : i32
      %dma_start3A_223 = tpu.memref_slice %arg24[%dma_start3A_221, %dma_start3A_222] : memref<10240x128xf32, #tpu.memory_space<vmem_shared>> -> memref<10240x128xf32, #tpu.memory_space<vmem_shared>>
      tpu.enqueue_indirect_dma source(%arg16 : memref<80x128xf32, #tpu.memory_space<vmem>>) target(%dma_start3A_223 : memref<10240x128xf32, #tpu.memory_space<vmem_shared>>) offsets(%arg13 : memref<80xi32, #tpu.memory_space<vmem>>) semaphore(%run_scoped3A : memref<!tpu.dma_semaphore, #tpu.memory_space<semaphore_mem>>) {add = true}
      %dma_wait3A_224 = arith.constant 0 : i32
      %dma_wait3A_225 = arith.constant 0 : i32
      %dma_wait3A_226 = tpu.memref_slice %arg24[%dma_wait3A_224, %dma_wait3A_225] : memref<10240x128xf32, #tpu.memory_space<vmem_shared>> -> memref<10240x128xf32, #tpu.memory_space<vmem_shared>>
      tpu.wait_indirect_dma semaphore(%run_scoped3A : memref<!tpu.dma_semaphore, #tpu.memory_space<semaphore_mem>>) src(%arg16 : memref<80x128xf32, #tpu.memory_space<vmem>>) dst(%dma_wait3A_226 : memref<10240x128xf32, #tpu.memory_space<vmem_shared>>)
      tpu.yield
    }) : () -> ()
    "tpu.region"() ({
      %run_scoped3A = tpu.sem_alloc : memref<!tpu.dma_semaphore, #tpu.memory_space<semaphore_mem>>
      %dma_start3A_221 = arith.constant 0 : i32
      %dma_start3A_222 = arith.constant 0 : i32
      %dma_start3A_223 = tpu.memref_slice %arg25[%dma_start3A_221, %dma_start3A_222] : memref<10240x16xf32, #tpu.memory_space<vmem_shared>> -> memref<10240x16xf32, #tpu.memory_space<vmem_shared>>
      tpu.enqueue_indirect_dma source(%arg19 : memref<80x16xf32, #tpu.memory_space<vmem>>) target(%dma_start3A_223 : memref<10240x16xf32, #tpu.memory_space<vmem_shared>>) offsets(%arg13 : memref<80xi32, #tpu.memory_space<vmem>>) semaphore(%run_scoped3A : memref<!tpu.dma_semaphore, #tpu.memory_space<semaphore_mem>>) {add = true}
      %dma_wait3A_224 = arith.constant 0 : i32
      %dma_wait3A_225 = arith.constant 0 : i32
      %dma_wait3A_226 = tpu.memref_slice %arg25[%dma_wait3A_224, %dma_wait3A_225] : memref<10240x16xf32, #tpu.memory_space<vmem_shared>> -> memref<10240x16xf32, #tpu.memory_space<vmem_shared>>
      tpu.wait_indirect_dma semaphore(%run_scoped3A : memref<!tpu.dma_semaphore, #tpu.memory_space<semaphore_mem>>) src(%arg19 : memref<80x16xf32, #tpu.memory_space<vmem>>) dst(%dma_wait3A_226 : memref<10240x16xf32, #tpu.memory_space<vmem_shared>>)
      tpu.yield
    }) : () -> ()
    %barrier3A_218 = arith.constant 0 : index
    tpu.barrier barrier_id(%barrier3A_218)
    %mul3A_219 = arith.constant 640 : i32
    %mul3A_220 = arith.muli %arg1, %mul3A_219 : i32
    "tpu.region"() ({
      %run_scoped3A = tpu.sem_alloc : memref<!tpu.dma_semaphore, #tpu.memory_space<semaphore_mem>>
      %dma_start3A_221 = arith.constant 0 : i32
      %dma_start3A_222 = tpu.memref_slice %arg7[%arg0, %mul3A_220, %dma_start3A_221] : memref<2x10240x128xf32, #tpu.memory_space<hbm>> -> memref<1x640x128xf32, #tpu.memory_space<hbm>>
      %dma_start3A_223 = tpu.memref_squeeze %dma_start3A_222 : memref<1x640x128xf32, #tpu.memory_space<hbm>> -> memref<640x128xf32, #tpu.memory_space<hbm>>
      %dma_start3A_224 = arith.constant 0 : i32
      %dma_start3A_225 = tpu.memref_slice %arg24[%mul3A_220, %dma_start3A_224] : memref<10240x128xf32, #tpu.memory_space<vmem_shared>> -> memref<640x128xf32, #tpu.memory_space<vmem_shared>>
      tpu.enqueue_dma source(%dma_start3A_225 : memref<640x128xf32, #tpu.memory_space<vmem_shared>>) target(%dma_start3A_223 : memref<640x128xf32, #tpu.memory_space<hbm>>) target_semaphore(%run_scoped3A : memref<!tpu.dma_semaphore, #tpu.memory_space<semaphore_mem>>)
      %dma_wait3A_226 = arith.constant 0 : i32
      %dma_wait3A_227 = tpu.memref_slice %arg7[%arg0, %mul3A_220, %dma_wait3A_226] : memref<2x10240x128xf32, #tpu.memory_space<hbm>> -> memref<1x640x128xf32, #tpu.memory_space<hbm>>
      %dma_wait3A_228 = tpu.memref_squeeze %dma_wait3A_227 : memref<1x640x128xf32, #tpu.memory_space<hbm>> -> memref<640x128xf32, #tpu.memory_space<hbm>>
      %dma_wait3A_229 = arith.constant 0 : i32
      %dma_wait3A_230 = tpu.memref_slice %arg24[%mul3A_220, %dma_wait3A_229] : memref<10240x128xf32, #tpu.memory_space<vmem_shared>> -> memref<640x128xf32, #tpu.memory_space<vmem_shared>>
      tpu.wait_dma2 semaphore(%run_scoped3A : memref<!tpu.dma_semaphore, #tpu.memory_space<semaphore_mem>>) src(%dma_wait3A_230 : memref<640x128xf32, #tpu.memory_space<vmem_shared>>) dst(%dma_wait3A_228 : memref<640x128xf32, #tpu.memory_space<hbm>>)
      tpu.yield
    }) : () -> ()
    "tpu.region"() ({
      %run_scoped3A = tpu.sem_alloc : memref<!tpu.dma_semaphore, #tpu.memory_space<semaphore_mem>>
      %dma_start3A_221 = arith.constant 0 : i32
      %dma_start3A_222 = tpu.memref_slice %arg8[%arg0, %mul3A_220, %dma_start3A_221] : memref<2x10240x16xf32, #tpu.memory_space<hbm>> -> memref<1x640x16xf32, #tpu.memory_space<hbm>>
      %dma_start3A_223 = tpu.memref_squeeze %dma_start3A_222 : memref<1x640x16xf32, #tpu.memory_space<hbm>> -> memref<640x16xf32, #tpu.memory_space<hbm>>
      %dma_start3A_224 = arith.constant 0 : i32
      %dma_start3A_225 = tpu.memref_slice %arg25[%mul3A_220, %dma_start3A_224] : memref<10240x16xf32, #tpu.memory_space<vmem_shared>> -> memref<640x16xf32, #tpu.memory_space<vmem_shared>>
      tpu.enqueue_dma source(%dma_start3A_225 : memref<640x16xf32, #tpu.memory_space<vmem_shared>>) target(%dma_start3A_223 : memref<640x16xf32, #tpu.memory_space<hbm>>) target_semaphore(%run_scoped3A : memref<!tpu.dma_semaphore, #tpu.memory_space<semaphore_mem>>)
      %dma_wait3A_226 = arith.constant 0 : i32
      %dma_wait3A_227 = tpu.memref_slice %arg8[%arg0, %mul3A_220, %dma_wait3A_226] : memref<2x10240x16xf32, #tpu.memory_space<hbm>> -> memref<1x640x16xf32, #tpu.memory_space<hbm>>
      %dma_wait3A_228 = tpu.memref_squeeze %dma_wait3A_227 : memref<1x640x16xf32, #tpu.memory_space<hbm>> -> memref<640x16xf32, #tpu.memory_space<hbm>>
      %dma_wait3A_229 = arith.constant 0 : i32
      %dma_wait3A_230 = tpu.memref_slice %arg25[%mul3A_220, %dma_wait3A_229] : memref<10240x16xf32, #tpu.memory_space<vmem_shared>> -> memref<640x16xf32, #tpu.memory_space<vmem_shared>>
      tpu.wait_dma2 semaphore(%run_scoped3A : memref<!tpu.dma_semaphore, #tpu.memory_space<semaphore_mem>>) src(%dma_wait3A_230 : memref<640x16xf32, #tpu.memory_space<vmem_shared>>) dst(%dma_wait3A_228 : memref<640x16xf32, #tpu.memory_space<hbm>>)
      tpu.yield
    }) : () -> ()
    return
  }
}

module attributes {stable_mosaic.version = 14 : i64} {
  func.func @_project_body(%arg0: i32, %arg1: memref<2000x128xf32, #tpu.memory_space<vmem>>, %arg2: memref<128x128xf32, #tpu.memory_space<vmem>>, %arg3: memref<1x128xf32, #tpu.memory_space<vmem>>, %arg4: memref<1x128xf32, #tpu.memory_space<vmem>>, %arg5: memref<2000x128xf32, #tpu.memory_space<vmem>>, %arg6: memref<2000x16xf32, #tpu.memory_space<vmem>>, %arg7: memref<2000x16xf32, #tpu.memory_space<vmem>>) attributes {dimension_semantics = [#tpu.dimension_semantics<arbitrary>], iteration_bounds = array<i64: 5>, scalar_prefetch = 0 : i64, scratch_operands = 0 : i64, tpu.core_type = #tpu.core_type<tc>, window_params = [{transform_indices = @transform_0, window_bounds = array<i64: 2000, 128>}, {pipeline_mode = #tpu.pipeline_mode<synchronous>, transform_indices = @transform_1, window_bounds = array<i64: 128, 128>}, {pipeline_mode = #tpu.pipeline_mode<synchronous>, transform_indices = @transform_2, window_bounds = array<i64: 1, 128>}, {pipeline_mode = #tpu.pipeline_mode<synchronous>, transform_indices = @transform_3, window_bounds = array<i64: 1, 128>}, {transform_indices = @transform_4, window_bounds = array<i64: 2000, 128>}, {transform_indices = @transform_5, window_bounds = array<i64: 2000, 16>}, {transform_indices = @transform_6, window_bounds = array<i64: 2000, 16>}]} {
    %get3A = arith.constant 0 : index
    %get3A_0 = arith.constant 0 : index
    %get3A_1 = vector.load %arg1[%get3A, %get3A_0] : memref<2000x128xf32, #tpu.memory_space<vmem>>, vector<2000x128xf32>
    %get3A_2 = arith.constant 0 : index
    %get3A_3 = arith.constant 0 : index
    %get3A_4 = vector.load %arg2[%get3A_2, %get3A_3] : memref<128x128xf32, #tpu.memory_space<vmem>>, vector<128x128xf32>
    %dot_general3A = arith.constant dense<0.000000e+00> : vector<2000x128xf32>
    %dot_general3A_5 = tpu.matmul %get3A_1, %get3A_4, %dot_general3A {dimension_numbers = #tpu.dot_dimension_numbers<[1], [0], [0], [1], [0, 0, 1, 1], [], []>, transpose_lhs_hint = false} : vector<2000x128xf32>, vector<128x128xf32>, vector<2000x128xf32> -> vector<2000x128xf32>
    %iota3A = tpu.iota {dimensions = array<i32: 0>} : vector<128x16xi32>
    %jit3A = arith.constant 16 : i32
    %div3A = vector.broadcast %jit3A : i32 to vector<128x16xi32>
    %div3A_6 = arith.divsi %iota3A, %div3A : vector<128x16xi32>
    %sign3A = arith.constant 0 : i32
    %sign3A_7 = vector.broadcast %sign3A : i32 to vector<128x16xi32>
    %sign3A_8 = arith.cmpi sgt, %iota3A, %sign3A_7 : vector<128x16xi32>
    %sign3A_9 = arith.extui %sign3A_8 : vector<128x16xi1> to vector<128x16xi32>
    %sign3A_10 = arith.constant 0 : i32
    %sign3A_11 = vector.broadcast %sign3A_10 : i32 to vector<128x16xi32>
    %sign3A_12 = arith.cmpi slt, %iota3A, %sign3A_11 : vector<128x16xi32>
    %sign3A_13 = arith.extui %sign3A_12 : vector<128x16xi1> to vector<128x16xi32>
    %sign3A_14 = arith.subi %sign3A_9, %sign3A_13 : vector<128x16xi32>
    %sign3A_15 = arith.constant 0 : i32
    %sign3A_16 = arith.cmpi sgt, %jit3A, %sign3A_15 : i32
    %sign3A_17 = arith.extui %sign3A_16 : i1 to i32
    %sign3A_18 = arith.constant 0 : i32
    %sign3A_19 = arith.cmpi slt, %jit3A, %sign3A_18 : i32
    %sign3A_20 = arith.extui %sign3A_19 : i1 to i32
    %sign3A_21 = arith.subi %sign3A_17, %sign3A_20 : i32
    %ne3A = vector.broadcast %sign3A_21 : i32 to vector<128x16xi32>
    %ne3A_22 = arith.cmpi ne, %sign3A_14, %ne3A : vector<128x16xi32>
    %rem3A = vector.broadcast %jit3A : i32 to vector<128x16xi32>
    %rem3A_23 = arith.remsi %iota3A, %rem3A : vector<128x16xi32>
    %ne3A_24 = arith.constant 0 : i32
    %ne3A_25 = vector.broadcast %ne3A_24 : i32 to vector<128x16xi32>
    %ne3A_26 = arith.cmpi ne, %rem3A_23, %ne3A_25 : vector<128x16xi32>
    %and3A = arith.andi %ne3A_22, %ne3A_26 : vector<128x16xi1>
    %sub3A = arith.constant 1 : i32
    %sub3A_27 = vector.broadcast %sub3A : i32 to vector<128x16xi32>
    %sub3A_28 = arith.subi %div3A_6, %sub3A_27 : vector<128x16xi32>
    %select_n3A = arith.select %and3A, %sub3A_28, %div3A_6 : vector<128x16xi1>, vector<128x16xi32>
    %iota3A_29 = tpu.iota {dimensions = array<i32: 1>} : vector<128x16xi32>
    %jit3A_30 = arith.constant 8 : i32
    %eq3A = arith.constant 0 : i32
    %eq3A_31 = arith.cmpi eq, %jit3A_30, %eq3A : i32
    %jit3A_32 = arith.constant 1 : i32
    %select_n3A_33 = arith.select %eq3A_31, %jit3A_32, %jit3A_30 : i32
    %rem3A_34 = vector.broadcast %select_n3A_33 : i32 to vector<128x16xi32>
    %rem3A_35 = arith.remsi %iota3A_29, %rem3A_34 : vector<128x16xi32>
    %ne3A_36 = arith.constant 0 : i32
    %ne3A_37 = vector.broadcast %ne3A_36 : i32 to vector<128x16xi32>
    %ne3A_38 = arith.cmpi ne, %rem3A_35, %ne3A_37 : vector<128x16xi32>
    %lt3A = arith.constant 0 : i32
    %lt3A_39 = vector.broadcast %lt3A : i32 to vector<128x16xi32>
    %lt3A_40 = arith.cmpi slt, %rem3A_35, %lt3A_39 : vector<128x16xi32>
    %lt3A_41 = arith.constant 0 : i32
    %lt3A_42 = arith.cmpi slt, %select_n3A_33, %lt3A_41 : i32
    %ne3A_43 = vector.broadcast %lt3A_42 : i1 to vector<128x16xi1>
    %ne3A_44 = vector.broadcast %ne3A_43 : vector<128x16xi1> to vector<128x16xi1>
    %ne3A_45 = arith.xori %lt3A_40, %ne3A_44 : vector<128x16xi1>
    %and3A_46 = arith.andi %ne3A_45, %ne3A_38 : vector<128x16xi1>
    %add3A = vector.broadcast %select_n3A_33 : i32 to vector<128x16xi32>
    %add3A_47 = arith.addi %rem3A_35, %add3A : vector<128x16xi32>
    %select_n3A_48 = arith.select %and3A_46, %add3A_47, %rem3A_35 : vector<128x16xi1>, vector<128x16xi32>
    %eq3A_49 = arith.cmpi eq, %select_n3A, %select_n3A_48 : vector<128x16xi32>
    %convert_element_type3A = arith.extui %eq3A_49 : vector<128x16xi1> to vector<128x16xi32>
    %convert_element_type3A_50 = arith.sitofp %convert_element_type3A : vector<128x16xi32> to vector<128x16xf32>
    %swap3A = arith.constant 0 : index
    %swap3A_51 = arith.constant 0 : index
    %swap3A_52 = vector.load %arg5[%swap3A, %swap3A_51] : memref<2000x128xf32, #tpu.memory_space<vmem>>, vector<2000x128xf32>
    tpu.vector_store %arg5[%swap3A, %swap3A_51], %dot_general3A_5 {strides = array<i32>} : memref<2000x128xf32, #tpu.memory_space<vmem>>, vector<2000x128xf32>,
    %get3A_53 = arith.constant 0 : index
    %get3A_54 = arith.constant 0 : index
    %get3A_55 = vector.load %arg3[%get3A_53, %get3A_54] : memref<1x128xf32, #tpu.memory_space<vmem>>, vector<1x128xf32>
    %mul3A = vector.broadcast %get3A_55 : vector<1x128xf32> to vector<2000x128xf32>
    %mul3A_56 = arith.mulf %dot_general3A_5, %mul3A : vector<2000x128xf32>
    %dot_general3A_57 = arith.constant dense<0.000000e+00> : vector<2000x16xf32>
    %dot_general3A_58 = tpu.matmul %mul3A_56, %convert_element_type3A_50, %dot_general3A_57 {dimension_numbers = #tpu.dot_dimension_numbers<[1], [0], [0], [1], [0, 0, 1, 1], [], []>, transpose_lhs_hint = false} : vector<2000x128xf32>, vector<128x16xf32>, vector<2000x16xf32> -> vector<2000x16xf32>
    %swap3A_59 = arith.constant 0 : index
    %swap3A_60 = arith.constant 0 : index
    %swap3A_61 = vector.load %arg6[%swap3A_59, %swap3A_60] : memref<2000x16xf32, #tpu.memory_space<vmem>>, vector<2000x16xf32>
    tpu.vector_store %arg6[%swap3A_59, %swap3A_60], %dot_general3A_58 {strides = array<i32>} : memref<2000x16xf32, #tpu.memory_space<vmem>>, vector<2000x16xf32>,
    %get3A_62 = arith.constant 0 : index
    %get3A_63 = arith.constant 0 : index
    %get3A_64 = vector.load %arg4[%get3A_62, %get3A_63] : memref<1x128xf32, #tpu.memory_space<vmem>>, vector<1x128xf32>
    %mul3A_65 = vector.broadcast %get3A_64 : vector<1x128xf32> to vector<2000x128xf32>
    %mul3A_66 = arith.mulf %dot_general3A_5, %mul3A_65 : vector<2000x128xf32>
    %dot_general3A_67 = arith.constant dense<0.000000e+00> : vector<2000x16xf32>
    %dot_general3A_68 = tpu.matmul %mul3A_66, %convert_element_type3A_50, %dot_general3A_67 {dimension_numbers = #tpu.dot_dimension_numbers<[1], [0], [0], [1], [0, 0, 1, 1], [], []>, transpose_lhs_hint = false} : vector<2000x128xf32>, vector<128x16xf32>, vector<2000x16xf32> -> vector<2000x16xf32>
    %swap3A_69 = arith.constant 0 : index
    %swap3A_70 = arith.constant 0 : index
    %swap3A_71 = vector.load %arg7[%swap3A_69, %swap3A_70] : memref<2000x16xf32, #tpu.memory_space<vmem>>, vector<2000x16xf32>
    tpu.vector_store %arg7[%swap3A_69, %swap3A_70], %dot_general3A_68 {strides = array<i32>} : memref<2000x16xf32, #tpu.memory_space<vmem>>, vector<2000x16xf32>,
    return
  }
  func.func @transform_0(%arg0: i32) -> (i32, i32) {
    %c0_i32 = arith.constant 0 : i32
    %c0_i32_0 = arith.constant 0 : i32
    return %arg0, %c0_i32 : i32, i32
  }
  func.func @transform_1(%arg0: i32) -> (i32, i32) {
    %c0_i32 = arith.constant 0 : i32
    %c0_i32_0 = arith.constant 0 : i32
    %c0_i32_1 = arith.constant 0 : i32
    return %c0_i32, %c0_i32_0 : i32, i32
  }
  func.func @transform_2(%arg0: i32) -> (i32, i32) {
    %c0_i32 = arith.constant 0 : i32
    %c0_i32_0 = arith.constant 0 : i32
    %c0_i32_1 = arith.constant 0 : i32
    return %c0_i32, %c0_i32_0 : i32, i32
  }
  func.func @transform_3(%arg0: i32) -> (i32, i32) {
    %c0_i32 = arith.constant 0 : i32
    %c0_i32_0 = arith.constant 0 : i32
    %c0_i32_1 = arith.constant 0 : i32
    return %c0_i32, %c0_i32_0 : i32, i32
  }
  func.func @transform_4(%arg0: i32) -> (i32, i32) {
    %c0_i32 = arith.constant 0 : i32
    %c0_i32_0 = arith.constant 0 : i32
    return %arg0, %c0_i32 : i32, i32
  }
  func.func @transform_5(%arg0: i32) -> (i32, i32) {
    %c0_i32 = arith.constant 0 : i32
    %c0_i32_0 = arith.constant 0 : i32
    return %arg0, %c0_i32 : i32, i32
  }
  func.func @transform_6(%arg0: i32) -> (i32, i32) {
    %c0_i32 = arith.constant 0 : i32
    %c0_i32_0 = arith.constant 0 : i32
    return %arg0, %c0_i32 : i32, i32
  }
}

module attributes {stable_mosaic.version = 14 : i64} {
  func.func @_finalize_body(%arg0: i32, %arg1: memref<2x2000x128xf32, #tpu.memory_space<vmem>>, %arg2: memref<2x2000x16xf32, #tpu.memory_space<vmem>>, %arg3: memref<2000x128xf32, #tpu.memory_space<vmem>>, %arg4: memref<2000x16xf32, #tpu.memory_space<vmem>>, %arg5: memref<2000x16xf32, #tpu.memory_space<vmem>>, %arg6: memref<1x128xf32, #tpu.memory_space<vmem>>, %arg7: memref<2000x128xf32, #tpu.memory_space<vmem>>) attributes {dimension_semantics = [#tpu.dimension_semantics<arbitrary>], iteration_bounds = array<i64: 5>, scalar_prefetch = 0 : i64, scratch_operands = 0 : i64, tpu.core_type = #tpu.core_type<tc>, window_params = [{transform_indices = @transform_0, window_bounds = array<i64: 2, 2000, 128>}, {transform_indices = @transform_1, window_bounds = array<i64: 2, 2000, 16>}, {transform_indices = @transform_2, window_bounds = array<i64: 2000, 128>}, {transform_indices = @transform_3, window_bounds = array<i64: 2000, 16>}, {transform_indices = @transform_4, window_bounds = array<i64: 2000, 16>}, {pipeline_mode = #tpu.pipeline_mode<synchronous>, transform_indices = @transform_5, window_bounds = array<i64: 1, 128>}, {transform_indices = @transform_6, window_bounds = array<i64: 2000, 128>}]} {
    %get3A = arith.constant 0 : index
    %get3A_0 = arith.constant 0 : index
    %get3A_1 = arith.constant 0 : index
    %get3A_2 = vector.load %arg1[%get3A, %get3A_0, %get3A_1] : memref<2x2000x128xf32, #tpu.memory_space<vmem>>, vector<1x2000x128xf32>
    %get3A_3 = vector.shape_cast %get3A_2 : vector<1x2000x128xf32> to vector<2000x128xf32>
    %get3A_4 = arith.constant 1 : index
    %get3A_5 = arith.constant 0 : index
    %get3A_6 = arith.constant 0 : index
    %get3A_7 = vector.load %arg1[%get3A_4, %get3A_5, %get3A_6] : memref<2x2000x128xf32, #tpu.memory_space<vmem>>, vector<1x2000x128xf32>
    %get3A_8 = vector.shape_cast %get3A_7 : vector<1x2000x128xf32> to vector<2000x128xf32>
    %add3A = arith.addf %get3A_3, %get3A_8 : vector<2000x128xf32>
    %get3A_9 = arith.constant 0 : index
    %get3A_10 = arith.constant 0 : index
    %get3A_11 = arith.constant 0 : index
    %get3A_12 = vector.load %arg2[%get3A_9, %get3A_10, %get3A_11] : memref<2x2000x16xf32, #tpu.memory_space<vmem>>, vector<1x2000x16xf32>
    %get3A_13 = vector.shape_cast %get3A_12 : vector<1x2000x16xf32> to vector<2000x16xf32>
    %get3A_14 = arith.constant 1 : index
    %get3A_15 = arith.constant 0 : index
    %get3A_16 = arith.constant 0 : index
    %get3A_17 = vector.load %arg2[%get3A_14, %get3A_15, %get3A_16] : memref<2x2000x16xf32, #tpu.memory_space<vmem>>, vector<1x2000x16xf32>
    %get3A_18 = vector.shape_cast %get3A_17 : vector<1x2000x16xf32> to vector<2000x16xf32>
    %add3A_19 = arith.addf %get3A_13, %get3A_18 : vector<2000x16xf32>
    %get3A_20 = arith.constant 0 : index
    %get3A_21 = arith.constant 0 : index
    %get3A_22 = vector.load %arg4[%get3A_20, %get3A_21] : memref<2000x16xf32, #tpu.memory_space<vmem>>, vector<2000x16xf32>
    %get3A_23 = arith.constant 0 : index
    %get3A_24 = arith.constant 0 : index
    %get3A_25 = vector.load %arg5[%get3A_23, %get3A_24] : memref<2000x16xf32, #tpu.memory_space<vmem>>, vector<2000x16xf32>
    %add3A_26 = arith.addf %get3A_22, %get3A_25 : vector<2000x16xf32>
    %max3A = arith.constant 0.000000e+00 : f32
    %max3A_27 = vector.broadcast %max3A : f32 to vector<2000x16xf32>
    %max3A_28 = arith.maximumf %add3A_26, %max3A_27 : vector<2000x16xf32>
    %min3A = arith.constant 0.000000e+00 : f32
    %min3A_29 = vector.broadcast %min3A : f32 to vector<2000x16xf32>
    %min3A_30 = arith.minimumf %add3A_26, %min3A_29 : vector<2000x16xf32>
    %mul3A = arith.constant 2.000000e-01 : f32
    %mul3A_31 = vector.broadcast %mul3A : f32 to vector<2000x16xf32>
    %mul3A_32 = arith.mulf %mul3A_31, %min3A_30 : vector<2000x16xf32>
    %add3A_33 = arith.addf %max3A_28, %mul3A_32 : vector<2000x16xf32>
    %exp3A = math.exp %add3A_33 : vector<2000x16xf32>
    %slice3A = vector.extract_strided_slice %exp3A {offsets = [0, 0], sizes = [2000, 8], strides = [1, 1]} : vector<2000x16xf32> to vector<2000x8xf32>
    %iota3A = tpu.iota {dimensions = array<i32: 0>} : vector<8x128xi32>
    %iota3A_34 = tpu.iota {dimensions = array<i32: 1>} : vector<8x128xi32>
    %jit3A = arith.constant 16 : i32
    %div3A = vector.broadcast %jit3A : i32 to vector<8x128xi32>
    %div3A_35 = arith.divsi %iota3A_34, %div3A : vector<8x128xi32>
    %sign3A = arith.constant 0 : i32
    %sign3A_36 = vector.broadcast %sign3A : i32 to vector<8x128xi32>
    %sign3A_37 = arith.cmpi sgt, %iota3A_34, %sign3A_36 : vector<8x128xi32>
    %sign3A_38 = arith.extui %sign3A_37 : vector<8x128xi1> to vector<8x128xi32>
    %sign3A_39 = arith.constant 0 : i32
    %sign3A_40 = vector.broadcast %sign3A_39 : i32 to vector<8x128xi32>
    %sign3A_41 = arith.cmpi slt, %iota3A_34, %sign3A_40 : vector<8x128xi32>
    %sign3A_42 = arith.extui %sign3A_41 : vector<8x128xi1> to vector<8x128xi32>
    %sign3A_43 = arith.subi %sign3A_38, %sign3A_42 : vector<8x128xi32>
    %sign3A_44 = arith.constant 0 : i32
    %sign3A_45 = arith.cmpi sgt, %jit3A, %sign3A_44 : i32
    %sign3A_46 = arith.extui %sign3A_45 : i1 to i32
    %sign3A_47 = arith.constant 0 : i32
    %sign3A_48 = arith.cmpi slt, %jit3A, %sign3A_47 : i32
    %sign3A_49 = arith.extui %sign3A_48 : i1 to i32
    %sign3A_50 = arith.subi %sign3A_46, %sign3A_49 : i32
    %ne3A = vector.broadcast %sign3A_50 : i32 to vector<8x128xi32>
    %ne3A_51 = arith.cmpi ne, %sign3A_43, %ne3A : vector<8x128xi32>
    %rem3A = vector.broadcast %jit3A : i32 to vector<8x128xi32>
    %rem3A_52 = arith.remsi %iota3A_34, %rem3A : vector<8x128xi32>
    %ne3A_53 = arith.constant 0 : i32
    %ne3A_54 = vector.broadcast %ne3A_53 : i32 to vector<8x128xi32>
    %ne3A_55 = arith.cmpi ne, %rem3A_52, %ne3A_54 : vector<8x128xi32>
    %and3A = arith.andi %ne3A_51, %ne3A_55 : vector<8x128xi1>
    %sub3A = arith.constant 1 : i32
    %sub3A_56 = vector.broadcast %sub3A : i32 to vector<8x128xi32>
    %sub3A_57 = arith.subi %div3A_35, %sub3A_56 : vector<8x128xi32>
    %select_n3A = arith.select %and3A, %sub3A_57, %div3A_35 : vector<8x128xi1>, vector<8x128xi32>
    %eq3A = arith.cmpi eq, %iota3A, %select_n3A : vector<8x128xi32>
    %convert_element_type3A = arith.extui %eq3A : vector<8x128xi1> to vector<8x128xi32>
    %convert_element_type3A_58 = arith.sitofp %convert_element_type3A : vector<8x128xi32> to vector<8x128xf32>
    %dot_general3A = arith.constant dense<0.000000e+00> : vector<2000x128xf32>
    %dot_general3A_59 = tpu.matmul %slice3A, %convert_element_type3A_58, %dot_general3A {dimension_numbers = #tpu.dot_dimension_numbers<[1], [0], [0], [1], [0, 0, 1, 1], [], []>, transpose_lhs_hint = false} : vector<2000x8xf32>, vector<8x128xf32>, vector<2000x128xf32> -> vector<2000x128xf32>
    %get3A_60 = arith.constant 0 : index
    %get3A_61 = arith.constant 0 : index
    %get3A_62 = vector.load %arg3[%get3A_60, %get3A_61] : memref<2000x128xf32, #tpu.memory_space<vmem>>, vector<2000x128xf32>
    %mul3A_63 = arith.mulf %get3A_62, %dot_general3A_59 : vector<2000x128xf32>
    %add3A_64 = arith.addf %add3A, %mul3A_63 : vector<2000x128xf32>
    %slice3A_65 = vector.extract_strided_slice %add3A_19 {offsets = [0, 0], sizes = [2000, 8], strides = [1, 1]} : vector<2000x16xf32> to vector<2000x8xf32>
    %add3A_66 = arith.addf %slice3A_65, %slice3A : vector<2000x8xf32>
    %dot_general3A_67 = arith.constant dense<0.000000e+00> : vector<2000x128xf32>
    %dot_general3A_68 = tpu.matmul %add3A_66, %convert_element_type3A_58, %dot_general3A_67 {dimension_numbers = #tpu.dot_dimension_numbers<[1], [0], [0], [1], [0, 0, 1, 1], [], []>, transpose_lhs_hint = false} : vector<2000x8xf32>, vector<8x128xf32>, vector<2000x128xf32> -> vector<2000x128xf32>
    %add3A_69 = arith.constant 1.000000e-16 : f32
    %add3A_70 = vector.broadcast %add3A_69 : f32 to vector<2000x128xf32>
    %add3A_71 = arith.addf %dot_general3A_68, %add3A_70 : vector<2000x128xf32>
    %div3A_72 = arith.divf %add3A_64, %add3A_71 : vector<2000x128xf32>
    %get3A_73 = arith.constant 0 : index
    %get3A_74 = arith.constant 0 : index
    %get3A_75 = vector.load %arg6[%get3A_73, %get3A_74] : memref<1x128xf32, #tpu.memory_space<vmem>>, vector<1x128xf32>
    %add3A_76 = vector.broadcast %get3A_75 : vector<1x128xf32> to vector<2000x128xf32>
    %add3A_77 = arith.addf %div3A_72, %add3A_76 : vector<2000x128xf32>
    %swap3A = arith.constant 0 : index
    %swap3A_78 = arith.constant 0 : index
    %swap3A_79 = vector.load %arg7[%swap3A, %swap3A_78] : memref<2000x128xf32, #tpu.memory_space<vmem>>, vector<2000x128xf32>
    tpu.vector_store %arg7[%swap3A, %swap3A_78], %add3A_77 {strides = array<i32>} : memref<2000x128xf32, #tpu.memory_space<vmem>>, vector<2000x128xf32>,
    return
  }
  func.func @transform_0(%arg0: i32) -> (i32, i32, i32) {
    %c0_i32 = arith.constant 0 : i32
    %c0_i32_0 = arith.constant 0 : i32
    %c0_i32_1 = arith.constant 0 : i32
    return %c0_i32, %arg0, %c0_i32_0 : i32, i32, i32
  }
  func.func @transform_1(%arg0: i32) -> (i32, i32, i32) {
    %c0_i32 = arith.constant 0 : i32
    %c0_i32_0 = arith.constant 0 : i32
    %c0_i32_1 = arith.constant 0 : i32
    return %c0_i32, %arg0, %c0_i32_0 : i32, i32, i32
  }
  func.func @transform_2(%arg0: i32) -> (i32, i32) {
    %c0_i32 = arith.constant 0 : i32
    %c0_i32_0 = arith.constant 0 : i32
    return %arg0, %c0_i32 : i32, i32
  }
  func.func @transform_3(%arg0: i32) -> (i32, i32) {
    %c0_i32 = arith.constant 0 : i32
    %c0_i32_0 = arith.constant 0 : i32
    return %arg0, %c0_i32 : i32, i32
  }
  func.func @transform_4(%arg0: i32) -> (i32, i32) {
    %c0_i32 = arith.constant 0 : i32
    %c0_i32_0 = arith.constant 0 : i32
    return %arg0, %c0_i32 : i32, i32
  }
  func.func @transform_5(%arg0: i32) -> (i32, i32) {
    %c0_i32 = arith.constant 0 : i32
    %c0_i32_0 = arith.constant 0 : i32
    %c0_i32_1 = arith.constant 0 : i32
    return %c0_i32, %c0_i32_0 : i32, i32
  }
  func.func @transform_6(%arg0: i32) -> (i32, i32) {
    %c0_i32 = arith.constant 0 : i32
    %c0_i32_0 = arith.constant 0 : i32
    return %arg0, %c0_i32 : i32, i32
  }
}

</mosaic_0001>

<sc_bundles>
// kernel: kernel.5.cloned.1.call-start
scs
__scs_entry_jumppad:
0x0: {  	(pc) =	sbr.rel $0x88, $3  }
0x1: {  	(tag) =	ssettag $0x0;
	lr =	simm.s32 $0x1  }
0x2: {  	[smem:$0x3F9B] =	sst lr;
	_ =	strace $0xD0000000  }
0x3: {  	_ = 	snop  }
0x4: {  	_ = 	snop  }
0x5: {  	_ = 	snop  }
0x6: {  	_ = 	snop  }
0x7: {  	_ = 	snop  }
__scs_overlays_trampoline_lowered:
0x8: {  	[smem:$0x3FAA] =	sst s0  }
0x9: {  	[smem:$0x3FAB] =	sst s1  }
0xa: {  	[smem:$0x3FAC] =	sst s2  }
0xb: {  	[smem:$0x3FAD] =	sst s3  }
0xc: {  	[smem:$0x3FAE] =	sst s4  }
0xd: {  	[smem:$0x3FAF] =	sst s5  }
0xe: {  	[smem:$0x3FB0] =	sst s6  }
0xf: {  	[smem:$0x3FB1] =	sst s7  }
0x10: {  	[smem:$0x3FB2] =	sst s8  }
0x11: {  	[smem:$0x3FB3] =	sst s9;
	s0 =	simm.s32 @!p0 $0x0  }
0x12: {  	s1 =	sld [smem:$0x3F99];
	s0 =	simm.s32 @p0 $0x1  }
0x13: {  	[smem:$0x3FB4] =	sst s0;
	s0 =	simm.s32 @!p1 $0x0  }
0x14: {  	s2 =	sld [smem:$0x3F98];
	s0 =	simm.s32 @p1 $0x1  }
0x15: {  	[smem:$0x3FB5] =	sst s0;
	s0 =	simm.s32 @!p2 $0x0  }
0x16: {  	s3 =	sld [smem:$0x3FDB];
	s0 =	simm.s32 @p2 $0x1  }
0x17: {  	s4 =	simm.s32 $0x1BF5;
	[smem:$0x3FB7] =	sst s0  }
0x18: {  	s0 =	sld [smem:$0x3F9A];
	_ =	swait.ge [sflag:s4], $0x0  }
0x19: {  	s7 =	sld [smem:$0x3F9B]  }
0x1a: {  	s8 =	sadd.s32 $0xFFFFE003, lr  }
0x1b: {  	s9 =	sadd.s32 $0xFFFFFEF7, lr;
	s5 =	simm.s32 $0xFFFFFFFF;
	p2 =	slt.u32 s8, $0xFFFFF086  }
0x1c: {  	p1 =	slt.u32 s9, $0xF7A;
	s5 =	simm.s32 @!p2 $0x0  }
0x1d: {  	s5 =	simm.s32 @p1 $0x1;
	p0 =	seq.s32 s7, s2  }
0x1e: {  	s7 =	smul.u32 @!p0 $0xF7A, s2;
	p2 =	seq.s32 @!p0 s5, $0x0  }
0x1f: {  	s9 =	smul.u32 $0xF7A, s1;
	s8 =	simm.s32 @!p0 $0x1BF5;
	p2 =	por !p2, p0  }
0x20: {  	[sflag:s8] =	ssyncset.s32 @!p0 $0xFFFFF086;
	s6 =	sadd.s32 @!p0 s3, s7;
	s7 =	simm.s32 @!p0 $0x108  }
0x21: {  	s3 =	sadd.s32 s3, s9;
	s6 =	sadd.s32 @!p0 $0x88, s6;
	s7 =	simm.s32 @p2 $0x1082  }
0x22: {  	[simem:s7], [sflag:s8] =	dma.local @!p0 [hbm:s6], $0xF7A  }
0x23: {  	s9 =	sor.u32 $0xD0000000, s2;
	s6 =	simm.s32 $0x108;
	_ =	swait.ge @!p0 [sflag:s8], $0x0  }
0x24: {  	s3 =	sadd.s32 $0x88, s3;
	s6 =	simm.s32 @!p1 $0x1082;
	[sflag:s4] =	ssyncset.s32 $0xFFFFF086  }
0x25: {  	[simem:s6], [sflag:s4] =	dma.local [hbm:s3], $0xF7A  }
0x26: {  	[smem:$0x3F9B] =	sst s1;
	(tag) =	ssettag s2;
	_ =	strace s9  }
0x27: {  	s1 =	sld [smem:$0x3FAB]  }
0x28: {  	s2 =	sld [smem:$0x3FAC]  }
0x29: {  	s4 =	sld [smem:$0x3FAE]  }
0x2a: {  	p0 =	seq.s32 s5, $0x0;
	s5 =	sld [smem:$0x3FAF]  }
0x2b: {  	s6 =	sld [smem:$0x3FB0]  }
0x2c: {  	s7 =	sld [smem:$0x3FB1]  }
0x2d: {  	s3 =	simm.s32 $0x108;
	s8 =	sld [smem:$0x3FB2]  }
0x2e: {  	s3 =	simm.s32 @!p0 $0x1082;
	s9 =	sld [smem:$0x3FB3]  }
0x2f: {  	lr =	sadd.s32 s0, s3;
	s0 =	sld [smem:$0x3FAA]  }
0x30: {  	s3 =	sld [smem:$0x3FAD]  }
0x31: {  	[smem:$0x3FB6] =	sst s10  }
0x32: {  	s10 =	sld [smem:$0x3FB4];
	_ =	sdelay $0x3  }
0x33: {  	p0 =	seq.s32 s10, $0x1;
	s10 =	sld [smem:$0x3FB6];
	_ =	sdelay $0x3  }
0x34: {  	[smem:$0x3FB6] =	sst s10  }
0x35: {  	s10 =	sld [smem:$0x3FB5];
	_ =	sdelay $0x3  }
0x36: {  	p1 =	seq.s32 s10, $0x1;
	s10 =	sld [smem:$0x3FB6];
	_ =	sdelay $0x3  }
0x37: {  	[smem:$0x3FB6] =	sst s10  }
0x38: {  	s10 =	sld [smem:$0x3FB7]  }
0x39: {  	_ = 	snop;
	(pc) =	sbr.ind lr, $3  }
0x3a: {  	_ = 	snop  }
0x3b: {  	_ = 	snop  }
0x3c: {  	p2 =	seq.s32 s10, $0x1;
	s10 =	sld [smem:$0x3FB6]  }
0x3d: {  	_ =	shalt  }
0x3e: {  	_ =	shalt  }
0x3f: {  	_ =	shalt  }
0x40: {  	_ =	shalt  }
0x41: {  	_ =	shalt  }
0x42: {  	_ =	shalt  }
0x43: {  	_ =	shalt  }
0x44: {  	_ =	shalt  }
0x45: {  	_ =	shalt  }
0x46: {  	_ =	shalt  }
0x47: {  	_ =	shalt  }
0x48: {  	_ =	shalt  }
0x49: {  	_ =	shalt  }
0x4a: {  	_ =	shalt  }
0x4b: {  	_ =	shalt  }
0x4c: {  	_ =	shalt  }
0x4d: {  	_ =	shalt  }
0x4e: {  	_ =	shalt  }
0x4f: {  	_ =	shalt  }
0x50: {  	_ =	shalt  }
0x51: {  	_ =	shalt  }
0x52: {  	_ =	shalt  }
0x53: {  	_ =	shalt  }
0x54: {  	_ =	shalt  }
0x55: {  	_ =	shalt  }
0x56: {  	_ =	shalt  }
0x57: {  	_ =	shalt  }
0x58: {  	_ =	shalt  }
0x59: {  	_ =	shalt  }
0x5a: {  	_ =	shalt  }
0x5b: {  	_ =	shalt  }
0x5c: {  	_ =	shalt  }
0x5d: {  	_ =	shalt  }
0x5e: {  	_ =	shalt  }
0x5f: {  	_ =	shalt  }
0x60: {  	_ =	shalt  }
0x61: {  	_ =	shalt  }
0x62: {  	_ =	shalt  }
0x63: {  	_ =	shalt  }
0x64: {  	_ =	shalt  }
0x65: {  	_ =	shalt  }
0x66: {  	_ =	shalt  }
0x67: {  	_ =	shalt  }
0x68: {  	_ =	shalt  }
0x69: {  	_ =	shalt  }
0x6a: {  	_ =	shalt  }
0x6b: {  	_ =	shalt  }
0x6c: {  	_ =	shalt  }
0x6d: {  	_ =	shalt  }
0x6e: {  	_ =	shalt  }
0x6f: {  	_ =	shalt  }
0x70: {  	_ =	shalt  }
0x71: {  	_ =	shalt  }
0x72: {  	_ =	shalt  }
0x73: {  	_ =	shalt  }
0x74: {  	_ =	shalt  }
0x75: {  	_ =	shalt  }
0x76: {  	_ =	shalt  }
0x77: {  	_ =	shalt  }
0x78: {  	_ =	shalt  }
0x79: {  	_ =	shalt  }
0x7a: {  	_ =	shalt  }
0x7b: {  	_ =	shalt  }
0x7c: {  	_ =	shalt  }
0x7d: {  	_ =	shalt  }
0x7e: {  	_ =	shalt  }
0x7f: {  	_ =	shalt  }
0x80: {  	_ =	shalt  }
0x81: {  	_ =	shalt  }
0x82: {  	_ =	shalt  }
0x83: {  	_ =	shalt  }
0x84: {  	_ =	shalt  }
0x85: {  	_ =	shalt  }
0x86: {  	_ =	shalt  }
0x87: {  	_ =	shalt  }
.Lfunc_end0:
.L_simem_size_0:
called_computation_lowered:
.L_overlay_start_0:
0x88: {  	s2 =	sld [smem:$0x3FD9]  }
0x89: {  	s3 =	sld [smem:$0x3FFE];
	_ =	sdelay $0x1  }
0x8a: {  	s1 =	srdreg.scid  }
0x8b: {  	s0 =	sand.u32 $0x1, s1  }
0x8c: {  	s17 =	sshll.u32 s0, $0xA;
	s2 =	sadd.s32 s3, s2  }
0x8d: {  	s2 =	sadd.s32 s2, s17  }
0x8e: {  	[smem:$0x3FC2] =	sst s2  }
0x8f: {  	_ = 	snop  }
0x90: {  	s2 =	sld [smem:$0x3FD0];
	(tm) =	ssettm $0x1  }
0x91: {  	s18 =	sld [smem:$0x3FFB];
	_ =	sdelay $0x3  }
0x92: {  	_ =	strace s18  }
0x93: {  	s3 =	sld [smem:$0x3FFC];
	_ =	sdelay $0x3  }
0x94: {  	_ =	strace s3  }
0x95: {  	s3 =	sld [smem:$0x3FFD];
	_ =	sdelay $0x3  }
0x96: {  	_ =	strace s3  }
0x97: {  	_ =	strace $0x8FFFFFFF  }
0x98: {  	s19 =	sld [smem:$0x3FDB];
	_ =	sdelay $0x1  }
0x99: {  	s4 =	simm.s32 $_scs_section_size  }
0x9a: {  	s5 =	simm.s32 $_size__tile_overlayer_lowered;
	s6 =	simm.s32 $_tile_overlayer_lowered  }
0x9b: {  	s22 =	simm.s32 $0x1BFF;
	s21 =	sshll.u32 s6, $0x1;
	s3 =	sadd.s32 s4, s19  }
0x9c: {  	s7 =	simm.s32 $0x0;
	s20 =	sshll.u32 s5, $0x1;
	s5 =	sadd.s32 s21, s3  }
0x9d: {  	[timem:s7], [sflag:s22] =	dma.local [hbm:s5], s20  }
0x9e: {  	_ =	swait.ge [sflag:s22], s20  }
0x9f: {  	s4 =	ssub.s32 $0x0, s20;
	[sflag:s22] =	ssyncset.done $0x0  }
0xa0: {  	[sflag:s22] =	ssyncadd.s32 s4;
	_ =	sdelay $0x1  }
0xa1: {  	s23 =	simm.s32 $0x1B8B  }
0xa2: {  	_ =	swait.ge [sflag:s23], $0x1  }
0xa3: {  	[sflag:s23] =	ssyncset.done $0x0  }
0xa4: {  	s25 =	simm.s32 $0x1B8E;
	s24 =	sld [smem:$0x3FFE];
	[sflag:s23] =	ssyncadd.s32 $0xFFFFFFFF  }
0xa5: {  	s26 =	simm.s32 $execute0_lowered;
	[smem:$0x3FD2] =	sst s25  }
0xa6: {  	s5 =	sshll.u32 s26, $0x1;
	_ =	strace $0x80000046;
	[dreg:$0x1] =	wrdreg $0xFFFFFFFF  }
0xa7: {  	s28 =	simm.s32 $_size_execute0_lowered;
	s3 =	sadd.s32 s3, s5;
	[dreg:$0x0] =	wrdreg $0x0  }
0xa8: {  	s5 =	sshll.u32 s28, $0x1;
	[dreg:$0x2] =	wrdreg s3  }
0xa9: {  	[dreg:$0x3] =	wrdreg s5  }
0xaa: {  	[dreg:$0x4] =	wrdreg $0xC0  }
0xab: {  	_ =	task [dreg:s7], $0x5FFFF  }
0xac: {  	[dreg:$0x1] =	wrdreg $0xFFFFFFFF  }
0xad: {  	[dreg:$0x0] =	wrdreg $0x60  }
0xae: {  	[dreg:$0x2] =	wrdreg s24  }
0xaf: {  	[dreg:$0x3] =	wrdreg s2  }
0xb0: {  	[dreg:$0x4] =	wrdreg $0x97E00  }
0xb1: {  	[dreg:$0x5] =	wrdreg $0x1D7E00  }
0xb2: {  	[dreg:$0x6] =	wrdreg $0x9  }
0xb3: {  	_ =	task.clear_ibuf [dreg:s7], $0x7FFFF;
	_ =	strace $0x90000046  }
0xb4: {  	s29 =	simm.s32 $0x9;
	_ =	strace $0x80000048  }
0xb5: {  	_ =	swait.ge [sflag:s29], $0x1  }
0xb6: {  	[sflag:s29] =	ssyncadd.s32 $0xFFFFFFFF  }
0xb7: {  	_ =	strace $0x90000048  }
0xb8: {  	_ =	sfence  }
0xb9: {  	s30 =	sld [smem:$0x0];
	_ =	sdelay $0x2  }
0xba: {  	s31 =	sshll.u32 s1, $0xD;
	s1 =	sshrl.u32 s1, $0x2  }
0xbb: {  	s3 =	sand.u32 $0x4000, s31;
	s1 =	sadd.s32 s1, s30  }
0xbc: {  	s0 =	sor.u32 s3, s0;
	s1 =	sshll.u32 s1, $0x11  }
0xbd: {  	s0 =	sor.u32 s1, s0  }
0xbe: {  	s0 =	sadd.s32 $0x8F2B, s0  }
0xbf: {  	[sflag:s0] =	ssyncadd.remote.s32 $0x1  }
0xc0: {  	_ =	sfence.sel $0xFFFF  }
0xc1: {  	[dreg:$0x0] =	wrdreg $0xFFFFFFFF;
	(pc) =	sbr.abs _section_cstart, $3  }
0xc2: {  	[dreg:$0x1] =	wrdreg $0xFFFFFFFF  }
0xc3: {  	_ =	task.clear_ibuf [dreg:s7], $0x2FFFF;
	_ =	strace $0x9FFFFFFF  }
0xc4: {  	(tm) =	ssettm $0x7FFFFFFF  }
0xc5: {  	_ =	shalt  }
tec
execute0_lowered:
.L_overlay_start_1:
0x0: {  	(tag) =	ssettag $0x1  }
0x1: {  	s0 =	rddreg [dreg:$0x0]  }
0x2: {  	s14 =	rddreg [dreg:$0x2]  }
0x3: {  	s1 =	srdreg.scid;
	s13 =	stileid.u32  }
0x4: {  	s15 =	rddreg [dreg:$0x3];
	s5 =	simm.s32 $0x0;
	s2 =	smul.u32 $0x14000, s13  }
0x5: {  	s28 =	simm.s32 $0x1;
	s30 =	simm.s32 $0xA0;
	s4 =	smul.u32 $0x2800, s13  }
0x6: {  	s1 =	sand.u32 $0x1, s1;
	[smem:$0x7FF] =	sst s5;
	s12 =	smul.u32 $0x280, s13  }
0x7: {  	s6 =	sadd.s32 $0xB000, s0;
	s7 =	sadd.s32 $0x1200, s0;
	s13 =	smul.u32 $0x2710, s13  }
0x8: {  	s8 =	sadd.s32 $0x14E00, s0;
	s9 =	sadd.s32 $0x19E00, s0;
	s3 =	smul.u32 $0x140000, s1  }
0x9: {  	_ =	strace $0x80000047;
	s10 =	smul.u32 $0x28000, s1;
	s11 =	ssub.s32 $0x2, s1  }
0xa: {  	s1 =	smul.u32 $0x27100, s1;
	s23 =	sshrl.u32 s11, $0x1;
	s21 =	sadd.s32 s2, s14  }
0xb: {  	s24 =	sor.u32 $0x50, s12;
	s17 =	sadd.s32 $0xF0, s12;
	s3 =	sadd.s32 s2, s3  }
0xc: {  	s10 =	sadd.s32 s4, s10;
	s25 =	sshll.u32 s24, $0x7;
	s2 =	sshll.u32 s24, $0x4  }
0xd: {  	s20 =	sshll.u32 s17, $0x7;
	s24 =	sadd.s32 $0x140, s12;
	s1 =	sadd.s32 s13, s1  }
0xe: {  	s13 =	sadd.s32 $0x230, s12;
	[dreg:$0x5] =	wrdreg s21;
	s3 =	sshrl.u32 s3, $0x3  }
0xf: {  	s10 =	sshrl.u32 s10, $0x3;
	s26 =	sadd.s32 s25, s14;
	s2 =	sadd.s32 s2, s15  }
0x10: {  	s22 =	sadd.s32 s20, s14;
	s25 =	sshll.u32 s17, $0x4;
	s20 =	sadd.s32 $0x190, s12  }
0x11: {  	s3 =	sadd.s32 s3, s0;
	s16 =	sadd.s32 s10, s0;
	[dreg:$0x7] =	wrdreg s26  }
0x12: {  	s10 =	ssub.s32 s11, s23;
	s23 =	sadd.s32 s4, s15;
	[dreg:$0x8] =	wrdreg s2  }
0x13: {  	s4 =	sadd.s32 $0xA0, s12;
	[dreg:$0xb] =	wrdreg s22;
	s17 =	sadd.s32 s25, s15  }
0x14: {  	s26 =	sshll.u32 s24, $0x7;
	s22 =	sshll.u32 s20, $0x7;
	[dreg:$0xc] =	wrdreg s17  }
0x15: {  	s11 =	sshll.u32 s4, $0x7;
	s25 =	sadd.s32 s22, s14;
	[dreg:$0x6] =	wrdreg s23  }
0x16: {  	s2 =	sshll.u32 s4, $0x4;
	s18 =	sadd.s32 s11, s14;
	[dreg:$0xf] =	wrdreg s25  }
0x17: {  	s19 =	sadd.s32 s2, s15;
	s2 =	sshll.u32 s24, $0x4;
	[dreg:$0x9] =	wrdreg s18  }
0x18: {  	s24 =	sadd.s32 $0x1E0, s12;
	[dreg:$0xa] =	wrdreg s19;
	s18 =	sadd.s32 s26, s14  }
0x19: {  	s19 =	sadd.s32 s2, s15;
	s2 =	sshll.u32 s20, $0x4;
	[dreg:$0xd] =	wrdreg s18  }
0x1a: {  	s0 =	sshll.u32 s24, $0x7;
	[dreg:$0xe] =	wrdreg s19;
	s26 =	sadd.s32 s2, s15  }
0x1b: {  	s11 =	sshll.u32 s24, $0x4;
	s4 =	sadd.s32 s0, s14;
	[dreg:$0x10] =	wrdreg s26  }
0x1c: {  	s12 =	sshll.u32 s13, $0x7;
	s17 =	sadd.s32 s11, s15;
	[dreg:$0x11] =	wrdreg s4  }
0x1d: {  	s29 =	simm.s32 $0x5;
	s18 =	sadd.s32 s12, s14;
	[dreg:$0x12] =	wrdreg s17  }
0x1e: {  	s19 =	sshll.u32 s13, $0x4;
	s13 =	sadd.s32 $0x140, s1;
	[dreg:$0x13] =	wrdreg s18  }
0x1f: {  	s11 =	sshrl.u32 s1, $0x3;
	s12 =	sadd.s32 s19, s15;
	[dreg:$0x1a] =	wrdreg s13  }
0x20: {  	s31 =	simm.s32 $0xB;
	s18 =	sadd.s32 s6, s11;
	[dreg:$0x14] =	wrdreg s12  }
0x21: {  	s20 =	sadd.s32 $0xA, s11;
	s19 =	sadd.s32 s7, s11;
	[dreg:$0x1e] =	wrdreg s18  }
0x22: {  	s2 =	smov.u32 s14;
	s22 =	sadd.s32 s6, s20;
	[dreg:$0x1f] =	wrdreg s19  }
0x23: {  	s24 =	sadd.s32 $0x14, s11;
	s4 =	sadd.s32 s7, s20;
	[dreg:$0x15] =	wrdreg s22  }
0x24: {  	s0 =	smov.u32 s15;
	s25 =	sadd.s32 s6, s24;
	[dreg:$0x16] =	wrdreg s4  }
0x25: {  	s14 =	sadd.s32 $0x4CE, s11;
	s26 =	sadd.s32 s7, s24;
	[dreg:$0x17] =	wrdreg s25  }
0x26: {  	s13 =	simm.s32 $0x2;
	s12 =	sadd.s32 $0xF0, s1;
	[dreg:$0x18] =	wrdreg s26  }
0x27: {  	s1 =	sadd.s32 $0x190, s1;
	s15 =	sadd.s32 s6, s14;
	[dreg:$0x19] =	wrdreg s12  }
0x28: {  	s17 =	sadd.s32 s7, s14;
	s20 =	sadd.s32 $0x4D8, s11;
	[dreg:$0x1b] =	wrdreg s1  }
0x29: {  	s24 =	sadd.s32 $0x28E00, s3;
	s18 =	simm.s32 $0x7;
	[dreg:$0x1c] =	wrdreg s15  }
0x2a: {  	s19 =	simm.s32 $0xA;
	s3 =	simm.s32 $0x0;
	[dreg:$0x1d] =	wrdreg s17  }
0x2b: {  	s22 =	sadd.s32 s6, s20;
	s1 =	sadd.s32 s7, s20;
	[smem:$0x7FB] =	sst s24  }
0x2c: {  	s25 =	sadd.s32 $0x1EE00, s16;
	s26 =	smax.u32 s10, $0x1;
	[smem:$0x7F9] =	sst s22  }
0x2d: {  	s24 =	simm.s32 $0xF0;
	s12 =	simm.s32 $0x190;
	[smem:$0x7FA] =	sst s1  }
0x2e: {  	v0 =	vimm.f32 $0.0e+00;
	v1 =	vimm.s32 $0x0;
	v2 =	vimm.s32 $0x1;
	s17 =	simm.s32 $0x4;
	s20 =	simm.s32 $0x3;
	[smem:$0x7FC] =	sst s25  }
0x2f: {  	v3 =	vimm.s32 $0x2;
	v4 =	vimm.s32 $0x3;
	v5 =	vimm.s32 $0x4;
	s16 =	simm.s32 $0x8;
	s10 =	simm.s32 $0xC;
	[smem:$0x7FD] =	sst s26  }
0x30: {  	v6 =	vimm.s32 $0x5;
	v7 =	vimm.s32 $0x6;
	v8 =	vimm.s32 $0x7;
	s22 =	simm.s32 $0xD;
	s25 =	simm.s32 $0x50;
	s26 =	simm.s32 $0x140  }
.LBB2_1:
0x31: {  	s1 =	simm.s32 $0x220  }
0x32: {  	[tilespmem:s1+$0xFFFFFFD0] =	vst v0  }
0x33: {  	[tilespmem:s1+$0xFFFFFFE0] =	vst v0  }
0x34: {  	[tilespmem:s1+$0xFFFFFFF0] =	vst v0  }
0x35: {  	[tilespmem:s1+$0x0] =	vst v0  }
0x36: {  	[tilespmem:s1+$0x10] =	vst v0  }
0x37: {  	[tilespmem:s1+$0x20] =	vst v0  }
0x38: {  	[tilespmem:s1+$0x30] =	vst v0  }
0x39: {  	[smem:$0x7F8] =	sst s3;
	s4 =	simm.s32 $0x0;
	s3 =	simm.s32 $0x40;
	[tilespmem:s1+$0xFFFFFFC0] =	vst v0  }
.LBB2_2:
0x3a: {  	p0 =	sne.s32 s3, $0x13C0;
	[tilespmem:s4+$0x79E0] =	vst v0;
	s1 =	sadd.s32 $0x80, s1  }
0x3b: {  	[tilespmem:s1+$0xFFFFFFD0] =	vst v0  }
0x3c: {  	[tilespmem:s1+$0xFFFFFFE0] =	vst v0  }
0x3d: {  	[tilespmem:s1+$0xFFFFFFF0] =	vst v0  }
.Ltmp0:
0x3e: {  	[tilespmem:s1+$0x0] =	vst v0;
	(pc) =	sbr.rel @p0 .LBB2_2-.Ltmp0, $4  }
0x3f: {  	[tilespmem:s1+$0x10] =	vst v0  }
0x40: {  	[tilespmem:s1+$0x20] =	vst v0  }
0x41: {  	[tilespmem:s1+$0x30] =	vst v0  }
0x42: {  	s4 =	sshra.s32 s3, $0x2;
	s3 =	sadd.s32 $0x40, s3;
	[tilespmem:s1+$0xFFFFFFC0] =	vst v0  }
0x43: {  	[tilespmem:s4+$0x79E0] =	vst v0;
	s3 =	simm.s32 $0x1E0  }
0x44: {  	[spmem:s21] =	stream.linear.scatter [tilespmem:s3], [sflag:$0xD], $0x2800, $0x38;
	v63 =	vld [tilespmem:$0x0]  }
0x45: {  	_ =	swait.ge [sflag:s22], $0x2800  }
0x46: {  	[sflag:s22] =	ssyncset.done $0x0  }
0x47: {  	s4 =	simm.s32 $0x79E0;
	[sflag:s22] =	ssyncadd.s32 $0xFFFFD800  }
0x48: {  	[spmem:s23] =	stream.linear.scatter [tilespmem:s4], [sflag:$0xD], $0x500, $0x38;
	v63 =	vld [tilespmem:$0x0]  }
0x49: {  	_ =	swait.ge [sflag:s22], $0x500  }
0x4a: {  	[sflag:s22] =	ssyncset.done $0x0  }
0x4b: {  	s1 =	rddreg [dreg:$0x7];
	[sflag:s22] =	ssyncadd.s32 $0xFFFFFB00  }
0x4c: {  	[spmem:s1] =	stream.linear.scatter [tilespmem:s3], [sflag:$0xD], $0x2800, $0x38;
	v63 =	vld [tilespmem:$0x0]  }
0x4d: {  	_ =	swait.ge [sflag:s22], $0x2800  }
0x4e: {  	[sflag:s22] =	ssyncset.done $0x0  }
0x4f: {  	s11 =	rddreg [dreg:$0x8];
	[sflag:s22] =	ssyncadd.s32 $0xFFFFD800  }
0x50: {  	[spmem:s11] =	stream.linear.scatter [tilespmem:s4], [sflag:$0xD], $0x500, $0x38;
	v63 =	vld [tilespmem:$0x0]  }
0x51: {  	_ =	swait.ge [sflag:s22], $0x500  }
0x52: {  	[sflag:s22] =	ssyncset.done $0x0  }
0x53: {  	s14 =	rddreg [dreg:$0x9];
	[sflag:s22] =	ssyncadd.s32 $0xFFFFFB00  }
0x54: {  	[spmem:s14] =	stream.linear.scatter [tilespmem:s3], [sflag:$0xD], $0x2800, $0x38;
	v63 =	vld [tilespmem:$0x0]  }
0x55: {  	_ =	swait.ge [sflag:s22], $0x2800  }
0x56: {  	[sflag:s22] =	ssyncset.done $0x0  }
0x57: {  	s15 =	rddreg [dreg:$0xa];
	[sflag:s22] =	ssyncadd.s32 $0xFFFFD800  }
0x58: {  	[spmem:s15] =	stream.linear.scatter [tilespmem:s4], [sflag:$0xD], $0x500, $0x38;
	v63 =	vld [tilespmem:$0x0]  }
0x59: {  	_ =	swait.ge [sflag:s22], $0x500  }
0x5a: {  	[sflag:s22] =	ssyncset.done $0x0  }
0x5b: {  	s21 =	rddreg [dreg:$0xb];
	[sflag:s22] =	ssyncadd.s32 $0xFFFFFB00  }
0x5c: {  	[spmem:s21] =	stream.linear.scatter [tilespmem:s3], [sflag:$0xD], $0x2800, $0x38;
	v63 =	vld [tilespmem:$0x0]  }
0x5d: {  	_ =	swait.ge [sflag:s22], $0x2800  }
0x5e: {  	[sflag:s22] =	ssyncset.done $0x0  }
0x5f: {  	s23 =	rddreg [dreg:$0xc];
	[sflag:s22] =	ssyncadd.s32 $0xFFFFD800  }
0x60: {  	[spmem:s23] =	stream.linear.scatter [tilespmem:s4], [sflag:$0xD], $0x500, $0x38;
	v63 =	vld [tilespmem:$0x0]  }
0x61: {  	_ =	swait.ge [sflag:s22], $0x500  }
0x62: {  	[sflag:s22] =	ssyncset.done $0x0  }
0x63: {  	s11 =	rddreg [dreg:$0xd];
	[sflag:s22] =	ssyncadd.s32 $0xFFFFFB00  }
0x64: {  	[spmem:s11] =	stream.linear.scatter [tilespmem:s3], [sflag:$0xD], $0x2800, $0x38;
	v63 =	vld [tilespmem:$0x0]  }
0x65: {  	_ =	swait.ge [sflag:s22], $0x2800  }
0x66: {  	[sflag:s22] =	ssyncset.done $0x0  }
0x67: {  	s14 =	rddreg [dreg:$0xe];
	[sflag:s22] =	ssyncadd.s32 $0xFFFFD800  }
0x68: {  	[spmem:s14] =	stream.linear.scatter [tilespmem:s4], [sflag:$0xD], $0x500, $0x38;
	v63 =	vld [tilespmem:$0x0]  }
0x69: {  	_ =	swait.ge [sflag:s22], $0x500  }
0x6a: {  	[sflag:s22] =	ssyncset.done $0x0  }
0x6b: {  	s15 =	rddreg [dreg:$0xf];
	[sflag:s22] =	ssyncadd.s32 $0xFFFFFB00  }
0x6c: {  	[spmem:s15] =	stream.linear.scatter [tilespmem:s3], [sflag:$0xD], $0x2800, $0x38;
	v63 =	vld [tilespmem:$0x0]  }
0x6d: {  	_ =	swait.ge [sflag:s22], $0x2800  }
0x6e: {  	[sflag:s22] =	ssyncset.done $0x0  }
0x6f: {  	s21 =	rddreg [dreg:$0x10];
	[sflag:s22] =	ssyncadd.s32 $0xFFFFD800  }
0x70: {  	[spmem:s21] =	stream.linear.scatter [tilespmem:s4], [sflag:$0xD], $0x500, $0x38;
	v63 =	vld [tilespmem:$0x0]  }
0x71: {  	_ =	swait.ge [sflag:s22], $0x500  }
0x72: {  	[sflag:s22] =	ssyncset.done $0x0  }
0x73: {  	s23 =	rddreg [dreg:$0x11];
	[sflag:s22] =	ssyncadd.s32 $0xFFFFFB00  }
0x74: {  	[spmem:s23] =	stream.linear.scatter [tilespmem:s3], [sflag:$0xD], $0x2800, $0x38;
	v63 =	vld [tilespmem:$0x0]  }
0x75: {  	_ =	swait.ge [sflag:s22], $0x2800  }
0x76: {  	[sflag:s22] =	ssyncset.done $0x0  }
0x77: {  	s11 =	rddreg [dreg:$0x12];
	[sflag:s22] =	ssyncadd.s32 $0xFFFFD800  }
0x78: {  	[spmem:s11] =	stream.linear.scatter [tilespmem:s4], [sflag:$0xD], $0x500, $0x38;
	v63 =	vld [tilespmem:$0x0]  }
0x79: {  	_ =	swait.ge [sflag:s22], $0x500  }
0x7a: {  	[sflag:s22] =	ssyncset.done $0x0  }
0x7b: {  	s14 =	rddreg [dreg:$0x13];
	[sflag:s22] =	ssyncadd.s32 $0xFFFFFB00  }
0x7c: {  	[spmem:s14] =	stream.linear.scatter [tilespmem:s3], [sflag:$0xD], $0x2800, $0x38;
	v63 =	vld [tilespmem:$0x0]  }
0x7d: {  	_ =	swait.ge [sflag:s22], $0x2800  }
0x7e: {  	[sflag:s22] =	ssyncset.done $0x0  }
0x7f: {  	s15 =	rddreg [dreg:$0x14];
	[sflag:s22] =	ssyncadd.s32 $0xFFFFD800  }
0x80: {  	[spmem:s15] =	stream.linear.scatter [tilespmem:s4], [sflag:$0xD], $0x500, $0x38;
	v63 =	vld [tilespmem:$0x0]  }
0x81: {  	_ =	swait.ge [sflag:s22], $0x500  }
0x82: {  	[sflag:s22] =	ssyncset.done $0x0  }
0x83: {  	[sflag:s22] =	ssyncadd.s32 $0xFFFFFB00  }
0x84: {  	[bflag:$0x0] =	sbarrier.arrive $0xFFFF  }
0x85: {  	s21 =	rddreg [dreg:$0x1e]  }
0x86: {  	[tilespmem:s5], [sflag:$0x1] =	stream.linear.gather [hbm4b:s21+s5], $0x50, $0x38;
	v63 =	vld [tilespmem:$0x0]  }
0x87: {  	s23 =	rddreg [dreg:$0x1f]  }
0x88: {  	[tilespmem:s24], [sflag:$0x1] =	stream.linear.gather [hbm4b:s23+s5], $0x50, $0x38;
	v63 =	vld [tilespmem:$0x0]  }
0x89: {  	s11 =	rddreg [dreg:$0x15]  }
0x8a: {  	[tilespmem:s25], [sflag:$0x2] =	stream.linear.gather [hbm4b:s11+s5], $0x50, $0x38;
	v63 =	vld [tilespmem:$0x0]  }
0x8b: {  	s14 =	rddreg [dreg:$0x16]  }
0x8c: {  	[tilespmem:s26], [sflag:$0x2] =	stream.linear.gather [hbm4b:s14+s5], $0x50, $0x38;
	v63 =	vld [tilespmem:$0x0]  }
0x8d: {  	_ =	swait.ge [sflag:s28], $0x50  }
0x8e: {  	[sflag:s28] =	ssyncset.done $0x0  }
0x8f: {  	[sflag:s28] =	ssyncadd.s32 $0xFFFFFFB0  }
0x90: {  	_ =	swait.ge [sflag:s28], $0x50  }
0x91: {  	[sflag:s28] =	ssyncset.done $0x0  }
0x92: {  	[sflag:s28] =	ssyncadd.s32 $0xFFFFFFB0  }
0x93: {  	s15 =	rddreg [dreg:$0x1]  }
0x94: {  	[tilespmem:s3], [sflag:$0x4] =	stream.indirect.gather [hbm4b:s15+s25], $0x80, s5, s25, $0xb8;
	v63 =	vld [tilespmem:$0x0]  }
0x95: {  	_ = 	snop  }
0x96: {  	[tilespmem:s4], [sflag:$0x7] =	stream.indirect.gather [hbm4b:s8+s25], $0x10, s5, s25, $0xb8;
	v63 =	vld [tilespmem:$0x0]  }
0x97: {  	s21 =	simm.s32 $0x88E0  }
0x98: {  	[tilespmem:s21], [sflag:$0xA] =	stream.indirect.gather [hbm4b:s9+s25], $0x10, s24, s25, $0xb8;
	v63 =	vld [tilespmem:$0x0]  }
0x99: {  	s23 =	rddreg [dreg:$0x17]  }
0x9a: {  	[tilespmem:s30], [sflag:$0x3] =	stream.linear.gather [hbm4b:s23+s5], $0x50, $0x38;
	v63 =	vld [tilespmem:$0x0]  }
0x9b: {  	s4 =	rddreg [dreg:$0x18]  }
0x9c: {  	[tilespmem:s12], [sflag:$0x3] =	stream.linear.gather [hbm4b:s4+s5], $0x50, $0x38;
	v63 =	vld [tilespmem:$0x0]  }
0x9d: {  	_ =	swait.ge [sflag:s13], $0x50  }
0x9e: {  	[sflag:s13] =	ssyncset.done $0x0  }
0x9f: {  	[sflag:s13] =	ssyncadd.s32 $0xFFFFFFB0  }
0xa0: {  	_ =	swait.ge [sflag:s13], $0x50  }
0xa1: {  	[sflag:s13] =	ssyncset.done $0x0  }
0xa2: {  	s11 =	simm.s32 $0x29E0;
	[sflag:s13] =	ssyncadd.s32 $0xFFFFFFB0  }
0xa3: {  	[tilespmem:s11], [sflag:$0x5] =	stream.indirect.gather [hbm4b:s15+s25], $0x80, s25, s25, $0xb8;
	v63 =	vld [tilespmem:$0x0]  }
0xa4: {  	s14 =	simm.s32 $0x7EE0  }
0xa5: {  	[tilespmem:s14], [sflag:$0x8] =	stream.indirect.gather [hbm4b:s8+s25], $0x10, s25, s25, $0xb8;
	v63 =	vld [tilespmem:$0x0]  }
0xa6: {  	s15 =	simm.s32 $0x8DE0  }
0xa7: {  	[tilespmem:s15], [sflag:$0xB] =	stream.indirect.gather [hbm4b:s9+s25], $0x10, s26, s25, $0xb8;
	v63 =	vld [tilespmem:$0x0]  }
0xa8: {  	_ =	swait.ge [sflag:s17], $0x2800  }
0xa9: {  	[sflag:s17] =	ssyncset.done $0x0  }
0xaa: {  	[sflag:s17] =	ssyncadd.s32 $0xFFFFD800  }
0xab: {  	_ =	swait.ge [sflag:s18], $0x500  }
0xac: {  	[sflag:s18] =	ssyncset.done $0x0  }
0xad: {  	[sflag:s18] =	ssyncadd.s32 $0xFFFFFB00  }
0xae: {  	_ =	swait.ge [sflag:s19], $0x500  }
0xaf: {  	[sflag:s19] =	ssyncset.done $0x0  }
0xb0: {  	s21 =	simm.s32 $0x79F0;
	[sflag:s19] =	ssyncadd.s32 $0xFFFFFB00  }
0xb1: {  	s4 =	simm.s32 $0x88F0;
	v9 =	vld [tilespmem:s21+$0x0]  }
0xb2: {  	v10 =	vld [tilespmem:s4+$0x0];
	_ =	sdelay $0x4  }
0xb3: {  	v9 =	vadd.f32 v10, v9;
	_ =	sdelay $0x1  }
0xb4: {  	v12 =	vld [tilespmem:s21+$0xFFFFFFF0];
	v11 =	vmin.f32 v9, $0.0e+00  }
0xb5: {  	v10 =	vld [tilespmem:s4+$0xFFFFFFF0];
	v11 =	vmul.f32 $2.000000030e-01, v11  }
0xb6: {  	v9 =	vmax.f32 v9, $0.0e+00  }
0xb7: {  	v9 =	vadd.f32 v11, v9;
	_ =	sdelay $0x1  }
0xb8: {  	v9 =	vmul.f32 $1.442695020e+00, v9  }
0xb9: {  	v10 =	vadd.f32 v10, v12  }
0xba: {  	(erf) = vpow2.f32 v9  }
0xbb: {  	v9 =	vmin.f32 v10, $0.0e+00  }
0xbc: {  	v9 =	vmul.f32 $2.000000030e-01, v9  }
0xbd: {  	v10 =	vmax.f32 v10, $0.0e+00  }
0xbe: {  	s23 =	simm.s32 $0x8910;
	v9 =	vadd.f32 v9, v10  }
0xbf: {  	s11 =	simm.s32 $0x7A10;
	v11 =	vld [tilespmem:s23+$0x0]  }
0xc0: {  	v10 =	vld [tilespmem:s11+$0x0];
	v9 =	vmul.f32 $1.442695020e+00, v9;
	_ =	sdelay $0x1  }
0xc1: {  	v12 =	vld [tilespmem:s23+$0xFFFFFFF0];
	(erf) = vpow2.f32 v9  }
0xc2: {  	s1 =	simm.s32 $0x7A30;
	v9 =	vld [tilespmem:s11+$0xFFFFFFF0];
	v13 =	vpop (erf)  }
0xc3: {  	s14 =	simm.s32 $0x260;
	v27 =	vld [tilespmem:s1+$0x0];
	[tilespmem:s21+$0x0] =	vst v13  }
0xc4: {  	v10 =	vadd.f32 v11, v10;
	v11 =	vld [tilespmem:s14+$0x0]  }
0xc5: {  	v14 =	vld [tilespmem:s14+$0x10]  }
0xc6: {  	v15 =	vmin.f32 v10, $0.0e+00;
	v16 =	vld [tilespmem:s14+$0x40]  }
0xc7: {  	v17 =	vld [tilespmem:s14+$0x70];
	v9 =	vadd.f32 v12, v9;
	v12 =	vmul.f32 $2.000000030e-01, v15  }
0xc8: {  	v10 =	vmax.f32 v10, $0.0e+00;
	v18 =	vperm.xlane v13, v2;
	v21 =	vperm.xlane v13, v1;
	v22 =	vld [tilespmem:s14+$0x50]  }
0xc9: {  	v23 =	vperm.xlane v13, v5;
	v24 =	vld [tilespmem:s14+$0x30];
	v19 =	vmin.f32 v9, $0.0e+00;
	v10 =	vadd.f32 v12, v10  }
0xca: {  	v26 =	vperm.xlane v13, v7;
	v15 =	vld [tilespmem:s14+$0x20];
	v19 =	vmul.f32 $2.000000030e-01, v19;
	v20 =	vpop (erf)  }
0xcb: {  	v28 =	vperm.xlane v13, v4;
	v12 =	vld [tilespmem:s14+$0x60];
	v9 =	vmax.f32 v9, $0.0e+00;
	v10 =	vmul.f32 $1.442695020e+00, v10;
	[tilespmem:s21+$0xFFFFFFF0] =	vst v20  }
0xcc: {  	v14 =	vmul.f32 v14, v18;
	v18 =	vperm.xlane v13, v8;
	v9 =	vadd.f32 v19, v9;
	s21 =	simm.s32 $0x8930;
	v19 =	vld [tilespmem:s14+$0xFFFFFFF0]  }
0xcd: {  	v11 =	vmul.f32 v11, v21;
	v25 =	vld [tilespmem:s21+$0xFFFFFFF0];
	(erf) = vpow2.f32 v10  }
0xce: {  	v16 =	vmul.f32 v16, v23;
	v10 =	vperm.xlane v13, v6;
	v29 =	vld [tilespmem:s21+$0x0]  }
0xcf: {  	v30 =	vld [tilespmem:s14+$0xFFFFFFA0];
	v13 =	vperm.xlane v13, v3;
	v9 =	vmul.f32 $1.442695020e+00, v9  }
0xd0: {  	[tilespmem:s14+$0x10] =	vst v14;
	v14 =	vld [tilespmem:s14+$0xFFFFFFB0];
	v10 =	vmul.f32 v22, v10;
	v22 =	vperm.xlane v20, v8  }
0xd1: {  	v21 =	vld [tilespmem:s14+$0xFFFFFFD0];
	[tilespmem:s14+$0x40] =	vst v16;
	v12 =	vmul.f32 v12, v26;
	(erf) = vpow2.f32 v9  }
0xd2: {  	v60 =	vld [tilespmem:s14+$0xFFFFFFC0];
	v9 =	vmul.f32 v24, v28;
	[tilespmem:s14+$0x50] =	vst v10;
	v10 =	vmul.f32 v19, v22  }
0xd3: {  	v26 =	vld [tilespmem:s14+$0xFFFFFF80];
	v13 =	vmul.f32 v15, v13;
	[tilespmem:s14+$0x60] =	vst v12  }
0xd4: {  	v23 =	vperm.xlane v20, v1;
	v16 =	vperm.xlane v20, v4;
	[tilespmem:s14+$0x30] =	vst v9;
	v9 =	vld [tilespmem:s1+$0xFFFFFFF0]  }
0xd5: {  	v15 =	vmul.f32 v17, v18;
	v17 =	vperm.xlane v20, v2;
	v12 =	vld [tilespmem:s14+$0xFFFFFF90];
	[tilespmem:s14+$0x20] =	vst v13  }
0xd6: {  	v18 =	vperm.xlane v20, v6;
	v24 =	vld [tilespmem:s14+$0xFFFFFFE0];
	v13 =	vperm.xlane v20, v7;
	[tilespmem:s14+$0xFFFFFFF0] =	vst v10;
	v10 =	vpop (erf)  }
0xd7: {  	s15 =	simm.s32 $0x360;
	v19 =	vperm.xlane v20, v3;
	v22 =	vperm.xlane v20, v5;
	[tilespmem:s11+$0x0] =	vst v10  }
0xd8: {  	[tilespmem:s14+$0x0] =	vst v11;
	v27 =	vadd.f32 v29, v27;
	v16 =	vmul.f32 v14, v16;
	v18 =	vmul.f32 v21, v18;
	v11 =	vld [tilespmem:s15+$0x0]  }
0xd9: {  	[tilespmem:s14+$0x70] =	vst v15;
	v23 =	vmul.f32 v26, v23;
	v19 =	vmul.f32 v30, v19;
	v20 =	vadd.f32 v25, v9;
	v25 =	vld [tilespmem:s15+$0x10]  }
0xda: {  	[tilespmem:s14+$0xFFFFFFB0] =	vst v16;
	v28 =	vmul.f32 v60, v22;
	v61 =	vmul.f32 v12, v17;
	v12 =	vmin.f32 v27, $0.0e+00;
	v14 =	vld [tilespmem:s15+$0x40]  }
0xdb: {  	v24 =	vmul.f32 v24, v13;
	[tilespmem:s14+$0xFFFFFFA0] =	vst v19;
	v19 =	vmul.f32 $2.000000030e-01, v12;
	v13 =	vld [tilespmem:s15+$0x20];
	v17 =	vmin.f32 v20, $0.0e+00  }
0xdc: {  	v27 =	vmax.f32 v27, $0.0e+00;
	[tilespmem:s14+$0xFFFFFFC0] =	vst v28;
	v21 =	vperm.xlane v10, v2;
	v12 =	vld [tilespmem:s15+$0x70];
	v62 =	vmul.f32 $2.000000030e-01, v17  }
0xdd: {  	v16 =	vperm.xlane v10, v1;
	[tilespmem:s14+$0xFFFFFFE0] =	vst v24;
	v27 =	vadd.f32 v19, v27;
	v19 =	vld [tilespmem:s15+$0x60];
	v22 =	vmax.f32 v20, $0.0e+00  }
0xde: {  	v15 =	vperm.xlane v10, v8;
	[tilespmem:s14+$0xFFFFFF90] =	vst v61;
	v9 =	vpop (erf);
	v24 =	vadd.f32 v62, v22;
	v20 =	vmul.f32 v25, v21;
	v21 =	vld [tilespmem:s15+$0x50]  }
0xdf: {  	s3 =	simm.s32 $0x7A30;
	s4 =	simm.s32 $0x4;
	[tilespmem:s11+$0xFFFFFFF0] =	vst v9;
	v17 =	vperm.xlane v10, v5;
	s11 =	simm.s32 $0x460;
	v22 =	vld [tilespmem:s15+$0x30];
	v25 =	vmul.f32 $1.442695020e+00, v27  }
.LBB2_4:
0xe0: {  	s4 =	sadd.s32 $0x2, s4;
	v24 =	vmul.f32 $1.442695020e+00, v24;
	s21 =	sadd.s32 $0x20, s21;
	s1 =	sadd.s32 $0x20, s1;
	v26 =	vld [tilespmem:s15+$0xFFFFFFF0];
	v27 =	vperm.xlane v10, v7;
	[tilespmem:s14+$0xFFFFFFD0] =	vst v18  }
0xe1: {  	v18 =	vld [tilespmem:s21+$0xFFFFFFF0];
	p0 =	slt.u32 s4, $0x4E;
	(erf) = vpow2.f32 v25;
	v25 =	vperm.xlane v10, v6;
	[tilespmem:s14+$0xFFFFFF80] =	vst v23;
	s14 =	smov.u32 s15;
	s15 =	smov.u32 s11  }
0xe2: {  	v23 =	vld [tilespmem:s1+$0x0];
	(erf) = vpow2.f32 v24;
	v24 =	vperm.xlane v10, v4  }
0xe3: {  	v29 =	vperm.xlane v9, v8;
	v28 =	vld [tilespmem:s21+$0x0];
	v21 =	vmul.f32 v21, v25  }
0xe4: {  	v19 =	vmul.f32 v19, v27;
	v25 =	vld [tilespmem:s14+$0xFFFFFFA0];
	[tilespmem:s14+$0x10] =	vst v20;
	v20 =	vmul.f32 v22, v24  }
0xe5: {  	v11 =	vmul.f32 v11, v16;
	v22 =	vld [tilespmem:s1+$0xFFFFFFF0];
	v24 =	vmul.f32 v26, v29;
	[tilespmem:s14+$0x50] =	vst v21  }
0xe6: {  	v16 =	vperm.xlane v9, v3;
	v14 =	vmul.f32 v14, v17;
	v21 =	vld [tilespmem:s14+$0xFFFFFFB0];
	[tilespmem:s14+$0x60] =	vst v19  }
0xe7: {  	v26 =	vperm.xlane v9, v1;
	v17 =	vld [tilespmem:s14+$0xFFFFFF90];
	[tilespmem:s14+$0x30] =	vst v20  }
0xe8: {  	v20 =	vperm.xlane v9, v5;
	v19 =	vld [tilespmem:s14+$0xFFFFFFD0];
	[tilespmem:s14+$0xFFFFFFF0] =	vst v24;
	v24 =	vperm.xlane v10, v3  }
0xe9: {  	v16 =	vmul.f32 v25, v16;
	v25 =	vperm.xlane v9, v4;
	v27 =	vld [tilespmem:s14+$0xFFFFFFE0];
	[tilespmem:s14+$0x40] =	vst v14  }
0xea: {  	v15 =	vmul.f32 v12, v15;
	v10 =	vpop (erf);
	v29 =	vld [tilespmem:s14+$0xFFFFFF80];
	[tilespmem:s14+$0x0] =	vst v11;
	v13 =	vmul.f32 v13, v24  }
0xeb: {  	v30 =	vperm.xlane v9, v6;
	v14 =	vperm.xlane v9, v2;
	[tilespmem:s3+$0x0] =	vst v10;
	v12 =	vpop (erf);
	v24 =	vld [tilespmem:s14+$0xFFFFFFC0]  }
0xec: {  	v31 =	vperm.xlane v9, v7;
	v23 =	vadd.f32 v28, v23;
	v21 =	vmul.f32 v21, v25;
	v11 =	vld [tilespmem:s11+$0x0];
	[tilespmem:s14+$0x20] =	vst v13  }
0xed: {  	v22 =	vadd.f32 v18, v22;
	v28 =	vmul.f32 v17, v14;
	v25 =	vld [tilespmem:s11+$0x10];
	[tilespmem:s14+$0xFFFFFFA0] =	vst v16;
	v18 =	vmul.f32 v19, v30  }
0xee: {  	v13 =	vmin.f32 v23, $0.0e+00;
	v9 =	vmovc v12;
	v30 =	vperm.xlane v10, v2;
	v14 =	vld [tilespmem:s11+$0x40];
	[tilespmem:s14+$0xFFFFFFB0] =	vst v21;
	v21 =	vmul.f32 v27, v31  }
.Ltmp1:
0xef: {  	v12 =	vmin.f32 v22, $0.0e+00;
	v19 =	vmul.f32 $2.000000030e-01, v13;
	v16 =	vperm.xlane v10, v1;
	[tilespmem:s3+$0xFFFFFFF0] =	vst v9;
	v13 =	vld [tilespmem:s11+$0x20];
	s3 =	smov.u32 s1;
	(pc) =	sbr.rel @p0 .LBB2_4-.Ltmp1, $4  }
0xf0: {  	v23 =	vmax.f32 v23, $0.0e+00;
	v17 =	vperm.xlane v10, v5;
	v27 =	vmul.f32 $2.000000030e-01, v12;
	v12 =	vld [tilespmem:s11+$0x70];
	[tilespmem:s14+$0x70] =	vst v15  }
0xf1: {  	v15 =	vmax.f32 v22, $0.0e+00;
	v22 =	vadd.f32 v19, v23;
	v31 =	vmul.f32 v24, v20;
	v19 =	vld [tilespmem:s11+$0x60];
	[tilespmem:s14+$0xFFFFFFE0] =	vst v21  }
0xf2: {  	v24 =	vadd.f32 v27, v15;
	v15 =	vperm.xlane v10, v8;
	v20 =	vmul.f32 v25, v30;
	v21 =	vld [tilespmem:s11+$0x50];
	[tilespmem:s14+$0xFFFFFF90] =	vst v28  }
0xf3: {  	v23 =	vmul.f32 v29, v26;
	v25 =	vmul.f32 $1.442695020e+00, v22;
	s11 =	sadd.s32 $0x100, s11;
	v22 =	vld [tilespmem:s15+$0x30];
	[tilespmem:s14+$0xFFFFFFC0] =	vst v31  }
0xf4: {  	v51 =	vperm.xlane v10, v6  }
0xf5: {  	v27 =	vperm.xlane v10, v7;
	[tilespmem:s14+$0xFFFFFFD0] =	vst v18;
	v52 =	vperm.xlane v10, v4  }
0xf6: {  	[tilespmem:s15+$0x10] =	vst v20;
	v14 =	vmul.f32 v14, v17;
	v11 =	vmul.f32 v11, v16  }
0xf7: {  	v26 =	vld [tilespmem:s15+$0xFFFFFFF0];
	v10 =	vperm.xlane v10, v3;
	(erf) = vpow2.f32 v25;
	[tilespmem:s14+$0xFFFFFF80] =	vst v23  }
0xf8: {  	v24 =	vmul.f32 $1.442695020e+00, v24;
	v54 =	vld [tilespmem:s15+$0xFFFFFFA0];
	v19 =	vmul.f32 v19, v27;
	[tilespmem:s15+$0x40] =	vst v14  }
0xf9: {  	v53 =	vperm.xlane v9, v8;
	v55 =	vld [tilespmem:s15+$0xFFFFFFB0];
	[tilespmem:s15+$0x0] =	vst v11;
	v10 =	vmul.f32 v13, v10  }
0xfa: {  	v59 =	vperm.xlane v9, v3;
	v21 =	vmul.f32 v21, v51;
	[tilespmem:s15+$0x60] =	vst v19  }
0xfb: {  	v61 =	vperm.xlane v9, v4;
	v29 =	vld [tilespmem:s15+$0xFFFFFFC0];
	v18 =	vmul.f32 v22, v52;
	[tilespmem:s15+$0x20] =	vst v10  }
0xfc: {  	(erf) = vpow2.f32 v24;
	[tilespmem:s15+$0x50] =	vst v21;
	v56 =	vmul.f32 v26, v53  }
0xfd: {  	v60 =	vld [tilespmem:s15+$0xFFFFFFE0];
	v11 =	vmul.f32 v54, v59;
	[tilespmem:s15+$0x30] =	vst v18  }
0xfe: {  	v28 =	vld [tilespmem:s15+$0xFFFFFF80];
	v35 =	vperm.xlane v9, v5;
	v14 =	vmul.f32 v55, v61;
	[tilespmem:s15+$0xFFFFFFF0] =	vst v56  }
0xff: {  	v33 =	vperm.xlane v9, v2;
	v37 =	vperm.xlane v9, v6;
	[tilespmem:s15+$0xFFFFFFA0] =	vst v11  }
0x100: {  	v57 =	vld [tilespmem:s15+$0xFFFFFF90];
	v10 =	vperm.xlane v9, v7;
	v13 =	vmul.f32 v29, v35;
	[tilespmem:s15+$0xFFFFFFB0] =	vst v14;
	v62 =	vpop (erf)  }
0x101: {  	v58 =	vld [tilespmem:s15+$0xFFFFFFD0];
	v9 =	vperm.xlane v9, v1;
	v11 =	vmul.f32 v12, v15;
	[tilespmem:s3+$0x0] =	vst v62  }
0x102: {  	v10 =	vmul.f32 v60, v10;
	[tilespmem:s15+$0xFFFFFFC0] =	vst v13;
	v31 =	vld [tilespmem:s11+$0x10]  }
0x103: {  	v9 =	vmul.f32 v28, v9;
	[tilespmem:s15+$0x70] =	vst v11;
	v11 =	vld [tilespmem:s11+$0x50]  }
0x104: {  	[tilespmem:s15+$0xFFFFFFE0] =	vst v10;
	v38 =	vld [tilespmem:s11+$0x60]  }
0x105: {  	v15 =	vmul.f32 v57, v33;
	[tilespmem:s15+$0xFFFFFF80] =	vst v9;
	v32 =	vpop (erf);
	v39 =	vperm.xlane v62, v2;
	v41 =	vld [tilespmem:s11+$0x30]  }
0x106: {  	v10 =	vmul.f32 v58, v37;
	v42 =	vperm.xlane v62, v6;
	v34 =	vld [tilespmem:s11+$0x40];
	[tilespmem:s3+$0xFFFFFFF0] =	vst v32  }
0x107: {  	[tilespmem:s15+$0xFFFFFF90] =	vst v15;
	v44 =	vperm.xlane v62, v7;
	v40 =	vld [tilespmem:s11+$0xFFFFFFF0];
	v14 =	vmul.f32 v31, v39  }
0x108: {  	[tilespmem:s15+$0xFFFFFFD0] =	vst v10;
	v45 =	vperm.xlane v62, v4;
	v30 =	vld [tilespmem:s11+$0x0];
	v10 =	vmul.f32 v11, v42  }
0x109: {  	v48 =	vperm.xlane v62, v5;
	v47 =	vld [tilespmem:s11+$0xFFFFFFB0];
	v46 =	vmul.f32 v38, v44;
	[tilespmem:s11+$0x10] =	vst v14  }
0x10a: {  	v9 =	vperm.xlane v32, v8;
	v53 =	vld [tilespmem:s11+$0xFFFFFFE0];
	v13 =	vmul.f32 v41, v45;
	[tilespmem:s11+$0x50] =	vst v10  }
0x10b: {  	v49 =	vperm.xlane v62, v1;
	v36 =	vld [tilespmem:s11+$0x20];
	v51 =	vmul.f32 v34, v48;
	[tilespmem:s11+$0x60] =	vst v46  }
0x10c: {  	v54 =	vperm.xlane v32, v4;
	v11 =	vld [tilespmem:s11+$0xFFFFFFA0];
	v9 =	vmul.f32 v40, v9;
	[tilespmem:s11+$0x30] =	vst v13  }
0x10d: {  	v43 =	vld [tilespmem:s11+$0x70];
	v59 =	vperm.xlane v32, v7;
	v15 =	vmul.f32 v30, v49;
	[tilespmem:s11+$0x40] =	vst v51  }
0x10e: {  	v50 =	vld [tilespmem:s11+$0xFFFFFFD0];
	v58 =	vmul.f32 v47, v54;
	[tilespmem:s11+$0xFFFFFFF0] =	vst v9;
	v9 =	vperm.xlane v62, v3  }
0x10f: {  	v52 =	vperm.xlane v32, v3;
	v10 =	vld [tilespmem:s11+$0xFFFFFF90];
	[tilespmem:s11+$0x0] =	vst v15;
	v13 =	vmul.f32 v53, v59  }
0x110: {  	v55 =	vperm.xlane v62, v8;
	v56 =	vld [tilespmem:s11+$0xFFFFFFC0];
	[tilespmem:s11+$0xFFFFFFB0] =	vst v58;
	v9 =	vmul.f32 v36, v9  }
0x111: {  	v61 =	vperm.xlane v32, v6;
	v57 =	vld [tilespmem:s11+$0xFFFFFF80];
	[tilespmem:s11+$0xFFFFFFE0] =	vst v13;
	v11 =	vmul.f32 v11, v52  }
0x112: {  	v60 =	vperm.xlane v32, v2;
	[tilespmem:s11+$0x20] =	vst v9;
	v9 =	vmul.f32 v43, v55  }
0x113: {  	v62 =	vmul.f32 v50, v61;
	[tilespmem:s11+$0xFFFFFFA0] =	vst v11;
	v11 =	vperm.xlane v32, v5  }
0x114: {  	v10 =	vmul.f32 v10, v60;
	[tilespmem:s11+$0x70] =	vst v9;
	v9 =	vperm.xlane v32, v1  }
0x115: {  	[tilespmem:s11+$0xFFFFFFD0] =	vst v62;
	v11 =	vmul.f32 v56, v11  }
0x116: {  	[tilespmem:s11+$0xFFFFFF90] =	vst v10;
	v9 =	vmul.f32 v57, v9  }
0x117: {  	[tilespmem:s11+$0xFFFFFFC0] =	vst v11  }
0x118: {  	s1 =	simm.s32 $0x1E0;
	[tilespmem:s11+$0xFFFFFF80] =	vst v9  }
0x119: {  	[spmem:s2] =	stream.indirect.scatter.add.f32 [tilespmem:s1], [sflag:$0xD], $0x80, s24, s25, $0xb8;
	v63 =	vld [tilespmem:$0x0]  }
0x11a: {  	_ =	swait.ge [sflag:s22], $0x2800  }
0x11b: {  	[sflag:s22] =	ssyncset.done $0x0  }
0x11c: {  	s23 =	simm.s32 $0x79E0;
	[sflag:s22] =	ssyncadd.s32 $0xFFFFD800  }
0x11d: {  	[spmem:s0] =	stream.indirect.scatter.add.f32 [tilespmem:s23], [sflag:$0xD], $0x10, s24, s25, $0xb8;
	v63 =	vld [tilespmem:$0x0]  }
0x11e: {  	_ =	swait.ge [sflag:s22], $0x500  }
0x11f: {  	[sflag:s22] =	ssyncset.done $0x0  }
0x120: {  	s11 =	simm.s32 $0x0;
	[sflag:s22] =	ssyncadd.s32 $0xFFFFFB00  }
.LBB2_6:
0x121: {  	s14 =	smul.u32 $0xF0, s11  }
0x122: {  	s1 =	rddreg [dreg:$0x19]  }
0x123: {  	s1 =	sadd.s32 s14, s1  }
0x124: {  	s1 =	sshrl.u32 s1, $0x3  }
0x125: {  	s3 =	sadd.s32 s6, s1  }
0x126: {  	[tilespmem:s5], [sflag:$0x1] =	stream.linear.gather [hbm4b:s3+s5], $0x50, $0x38;
	v63 =	vld [tilespmem:$0x0]  }
0x127: {  	s1 =	sadd.s32 s7, s1  }
0x128: {  	[tilespmem:s24], [sflag:$0x1] =	stream.linear.gather [hbm4b:s1+s5], $0x50, $0x38;
	v63 =	vld [tilespmem:$0x0]  }
0x129: {  	_ =	swait.ge [sflag:s20], $0x50  }
0x12a: {  	[sflag:s20] =	ssyncset.done $0x0  }
0x12b: {  	[sflag:s20] =	ssyncadd.s32 $0xFFFFFFB0  }
0x12c: {  	_ =	swait.ge [sflag:s20], $0x50  }
0x12d: {  	[sflag:s20] =	ssyncset.done $0x0  }
0x12e: {  	[sflag:s20] =	ssyncadd.s32 $0xFFFFFFB0  }
0x12f: {  	s23 =	simm.s32 $0x51E0;
	s21 =	rddreg [dreg:$0x1]  }
0x130: {  	[tilespmem:s23], [sflag:$0x6] =	stream.indirect.gather [hbm4b:s21+s25], $0x80, s30, s25, $0xb8;
	v63 =	vld [tilespmem:$0x0]  }
0x131: {  	s3 =	simm.s32 $0x83E0  }
0x132: {  	[tilespmem:s3], [sflag:$0x9] =	stream.indirect.gather [hbm4b:s8+s25], $0x10, s30, s25, $0xb8;
	v63 =	vld [tilespmem:$0x0]  }
0x133: {  	s4 =	simm.s32 $0x92E0  }
0x134: {  	[tilespmem:s4], [sflag:$0xC] =	stream.indirect.gather [hbm4b:s9+s25], $0x10, s12, s25, $0xb8;
	v63 =	vld [tilespmem:$0x0]  }
0x135: {  	_ =	swait.ge [sflag:s29], $0x2800  }
0x136: {  	[sflag:s29] =	ssyncset.done $0x0  }
0x137: {  	[sflag:s29] =	ssyncadd.s32 $0xFFFFD800  }
0x138: {  	_ =	swait.ge [sflag:s16], $0x500  }
0x139: {  	[sflag:s16] =	ssyncset.done $0x0  }
0x13a: {  	[sflag:s16] =	ssyncadd.s32 $0xFFFFFB00  }
0x13b: {  	_ =	swait.ge [sflag:s31], $0x500  }
0x13c: {  	[sflag:s31] =	ssyncset.done $0x0  }
0x13d: {  	s15 =	simm.s32 $0x7EF0;
	[sflag:s31] =	ssyncadd.s32 $0xFFFFFB00  }
0x13e: {  	s21 =	simm.s32 $0x8DF0;
	v9 =	vld [tilespmem:s15+$0x0]  }
0x13f: {  	v10 =	vld [tilespmem:s21+$0x0];
	_ =	sdelay $0x4  }
0x140: {  	v9 =	vadd.f32 v10, v9  }
0x141: {  	v12 =	vld [tilespmem:s15+$0xFFFFFFF0]  }
0x142: {  	v10 =	vld [tilespmem:s21+$0xFFFFFFF0];
	v11 =	vmin.f32 v9, $0.0e+00  }
0x143: {  	v11 =	vmul.f32 $2.000000030e-01, v11  }
0x144: {  	v9 =	vmax.f32 v9, $0.0e+00  }
0x145: {  	v9 =	vadd.f32 v11, v9;
	_ =	sdelay $0x1  }
0x146: {  	v10 =	vadd.f32 v10, v12;
	v9 =	vmul.f32 $1.442695020e+00, v9;
	_ =	sdelay $0x1  }
0x147: {  	(erf) = vpow2.f32 v9;
	v9 =	vmin.f32 v10, $0.0e+00  }
0x148: {  	v9 =	vmul.f32 $2.000000030e-01, v9  }
0x149: {  	s23 =	simm.s32 $0x8E10;
	v10 =	vmax.f32 v10, $0.0e+00  }
0x14a: {  	s4 =	simm.s32 $0x7F10;
	v11 =	vld [tilespmem:s23+$0x0];
	v9 =	vadd.f32 v9, v10  }
0x14b: {  	v10 =	vld [tilespmem:s4+$0x0]  }
0x14c: {  	v9 =	vmul.f32 $1.442695020e+00, v9  }
0x14d: {  	v12 =	vld [tilespmem:s23+$0xFFFFFFF0]  }
0x14e: {  	s1 =	simm.s32 $0x8E30;
	(erf) = vpow2.f32 v9;
	v9 =	vld [tilespmem:s4+$0xFFFFFFF0]  }
0x14f: {  	s3 =	simm.s32 $0x7F30;
	v25 =	vld [tilespmem:s1+$0xFFFFFFF0]  }
0x150: {  	v27 =	vld [tilespmem:s3+$0x0];
	v10 =	vadd.f32 v11, v10;
	v13 =	vpop (erf)  }
0x151: {  	v29 =	vld [tilespmem:s1+$0x0];
	s21 =	simm.s32 $0x2A60;
	[tilespmem:s15+$0x0] =	vst v13  }
0x152: {  	v15 =	vmin.f32 v10, $0.0e+00;
	v11 =	vld [tilespmem:s21+$0x0]  }
0x153: {  	v14 =	vld [tilespmem:s21+$0x10];
	v9 =	vadd.f32 v12, v9;
	v12 =	vmul.f32 $2.000000030e-01, v15  }
0x154: {  	v10 =	vmax.f32 v10, $0.0e+00;
	v18 =	vperm.xlane v13, v2;
	v16 =	vld [tilespmem:s21+$0x40]  }
0x155: {  	v21 =	vperm.xlane v13, v1;
	v23 =	vperm.xlane v13, v5;
	v17 =	vld [tilespmem:s21+$0x70];
	v10 =	vadd.f32 v12, v10  }
0x156: {  	v26 =	vperm.xlane v13, v7;
	v28 =	vperm.xlane v13, v4;
	v22 =	vld [tilespmem:s21+$0x50];
	v19 =	vmin.f32 v9, $0.0e+00  }
0x157: {  	v24 =	vld [tilespmem:s21+$0x30];
	v19 =	vmul.f32 $2.000000030e-01, v19;
	v20 =	vpop (erf);
	v10 =	vmul.f32 $1.442695020e+00, v10  }
0x158: {  	v12 =	vld [tilespmem:s21+$0x60];
	v9 =	vmax.f32 v9, $0.0e+00;
	v14 =	vmul.f32 v14, v18;
	v18 =	vperm.xlane v13, v8;
	[tilespmem:s15+$0xFFFFFFF0] =	vst v20  }
0x159: {  	v11 =	vmul.f32 v11, v21;
	v9 =	vadd.f32 v19, v9;
	v19 =	vld [tilespmem:s21+$0xFFFFFFF0];
	(erf) = vpow2.f32 v10  }
0x15a: {  	v15 =	vld [tilespmem:s21+$0x20];
	v16 =	vmul.f32 v16, v23;
	v10 =	vperm.xlane v13, v6  }
0x15b: {  	v30 =	vld [tilespmem:s21+$0xFFFFFFA0];
	v13 =	vperm.xlane v13, v3;
	v9 =	vmul.f32 $1.442695020e+00, v9  }
0x15c: {  	[tilespmem:s21+$0x10] =	vst v14;
	v14 =	vld [tilespmem:s21+$0xFFFFFFB0];
	v10 =	vmul.f32 v22, v10;
	v22 =	vperm.xlane v20, v8  }
0x15d: {  	v21 =	vld [tilespmem:s21+$0xFFFFFFD0];
	[tilespmem:s21+$0x40] =	vst v16;
	v12 =	vmul.f32 v12, v26;
	(erf) = vpow2.f32 v9  }
0x15e: {  	v60 =	vld [tilespmem:s21+$0xFFFFFFC0];
	v9 =	vmul.f32 v24, v28;
	[tilespmem:s21+$0x50] =	vst v10;
	v10 =	vmul.f32 v19, v22  }
0x15f: {  	v26 =	vld [tilespmem:s21+$0xFFFFFF80];
	v13 =	vmul.f32 v15, v13;
	[tilespmem:s21+$0x60] =	vst v12  }
0x160: {  	v23 =	vperm.xlane v20, v1;
	v16 =	vperm.xlane v20, v4;
	[tilespmem:s21+$0x30] =	vst v9;
	v9 =	vld [tilespmem:s3+$0xFFFFFFF0]  }
0x161: {  	v15 =	vmul.f32 v17, v18;
	v17 =	vperm.xlane v20, v2;
	v12 =	vld [tilespmem:s21+$0xFFFFFF90];
	[tilespmem:s21+$0x20] =	vst v13  }
0x162: {  	v18 =	vperm.xlane v20, v6;
	v24 =	vld [tilespmem:s21+$0xFFFFFFE0];
	v13 =	vperm.xlane v20, v7;
	[tilespmem:s21+$0xFFFFFFF0] =	vst v10;
	v10 =	vpop (erf)  }
0x163: {  	s23 =	simm.s32 $0x2B60;
	v19 =	vperm.xlane v20, v3;
	v22 =	vperm.xlane v20, v5;
	[tilespmem:s4+$0x0] =	vst v10  }
0x164: {  	v27 =	vadd.f32 v29, v27;
	[tilespmem:s21+$0x0] =	vst v11;
	v16 =	vmul.f32 v14, v16;
	v18 =	vmul.f32 v21, v18;
	v11 =	vld [tilespmem:s23+$0x0]  }
0x165: {  	[tilespmem:s21+$0x70] =	vst v15;
	v23 =	vmul.f32 v26, v23;
	v19 =	vmul.f32 v30, v19;
	v20 =	vadd.f32 v25, v9;
	v25 =	vld [tilespmem:s23+$0x10]  }
0x166: {  	[tilespmem:s21+$0xFFFFFFB0] =	vst v16;
	v28 =	vmul.f32 v60, v22;
	v61 =	vmul.f32 v12, v17;
	v12 =	vmin.f32 v27, $0.0e+00;
	v14 =	vld [tilespmem:s23+$0x40]  }
0x167: {  	v24 =	vmul.f32 v24, v13;
	[tilespmem:s21+$0xFFFFFFA0] =	vst v19;
	v19 =	vmul.f32 $2.000000030e-01, v12;
	v13 =	vld [tilespmem:s23+$0x20];
	v17 =	vmin.f32 v20, $0.0e+00  }
0x168: {  	v27 =	vmax.f32 v27, $0.0e+00;
	[tilespmem:s21+$0xFFFFFFC0] =	vst v28;
	v21 =	vperm.xlane v10, v2;
	v12 =	vld [tilespmem:s23+$0x70];
	v62 =	vmul.f32 $2.000000030e-01, v17  }
0x169: {  	v16 =	vperm.xlane v10, v1;
	[tilespmem:s21+$0xFFFFFFE0] =	vst v24;
	v27 =	vadd.f32 v19, v27;
	v19 =	vld [tilespmem:s23+$0x60];
	v22 =	vmax.f32 v20, $0.0e+00  }
0x16a: {  	v15 =	vperm.xlane v10, v8;
	[tilespmem:s21+$0xFFFFFF90] =	vst v61;
	v9 =	vpop (erf);
	v24 =	vadd.f32 v62, v22;
	v20 =	vmul.f32 v25, v21;
	v21 =	vld [tilespmem:s23+$0x50]  }
0x16b: {  	s30 =	simm.s32 $0x4;
	s15 =	simm.s32 $0x2C60;
	[tilespmem:s4+$0xFFFFFFF0] =	vst v9;
	v17 =	vperm.xlane v10, v5;
	s4 =	simm.s32 $0x7F30;
	v22 =	vld [tilespmem:s23+$0x30];
	v25 =	vmul.f32 $1.442695020e+00, v27  }
.LBB2_7:
0x16c: {  	s30 =	sadd.s32 $0x2, s30;
	v24 =	vmul.f32 $1.442695020e+00, v24;
	s1 =	sadd.s32 $0x20, s1;
	s3 =	sadd.s32 $0x20, s3;
	v26 =	vld [tilespmem:s23+$0xFFFFFFF0];
	v27 =	vperm.xlane v10, v7;
	[tilespmem:s21+$0xFFFFFFD0] =	vst v18  }
0x16d: {  	v18 =	vld [tilespmem:s1+$0xFFFFFFF0];
	p0 =	slt.u32 s30, $0x4E;
	(erf) = vpow2.f32 v25;
	v25 =	vperm.xlane v10, v6;
	[tilespmem:s21+$0xFFFFFF80] =	vst v23;
	s21 =	smov.u32 s23;
	s23 =	smov.u32 s15  }
0x16e: {  	v23 =	vld [tilespmem:s3+$0x0];
	(erf) = vpow2.f32 v24;
	v24 =	vperm.xlane v10, v4  }
0x16f: {  	v29 =	vperm.xlane v9, v8;
	v28 =	vld [tilespmem:s1+$0x0];
	v21 =	vmul.f32 v21, v25  }
0x170: {  	v19 =	vmul.f32 v19, v27;
	v25 =	vld [tilespmem:s21+$0xFFFFFFA0];
	[tilespmem:s21+$0x10] =	vst v20;
	v20 =	vmul.f32 v22, v24  }
0x171: {  	v11 =	vmul.f32 v11, v16;
	v22 =	vld [tilespmem:s3+$0xFFFFFFF0];
	v24 =	vmul.f32 v26, v29;
	[tilespmem:s21+$0x50] =	vst v21  }
0x172: {  	v16 =	vperm.xlane v9, v3;
	v14 =	vmul.f32 v14, v17;
	v21 =	vld [tilespmem:s21+$0xFFFFFFB0];
	[tilespmem:s21+$0x60] =	vst v19  }
0x173: {  	v26 =	vperm.xlane v9, v1;
	v17 =	vld [tilespmem:s21+$0xFFFFFF90];
	[tilespmem:s21+$0x30] =	vst v20  }
0x174: {  	v20 =	vperm.xlane v9, v5;
	v19 =	vld [tilespmem:s21+$0xFFFFFFD0];
	[tilespmem:s21+$0xFFFFFFF0] =	vst v24;
	v24 =	vperm.xlane v10, v3  }
0x175: {  	v16 =	vmul.f32 v25, v16;
	v25 =	vperm.xlane v9, v4;
	v27 =	vld [tilespmem:s21+$0xFFFFFFE0];
	[tilespmem:s21+$0x40] =	vst v14  }
0x176: {  	v15 =	vmul.f32 v12, v15;
	v10 =	vpop (erf);
	v29 =	vld [tilespmem:s21+$0xFFFFFF80];
	[tilespmem:s21+$0x0] =	vst v11;
	v13 =	vmul.f32 v13, v24  }
0x177: {  	v30 =	vperm.xlane v9, v6;
	v14 =	vperm.xlane v9, v2;
	[tilespmem:s4+$0x0] =	vst v10;
	v12 =	vpop (erf);
	v24 =	vld [tilespmem:s21+$0xFFFFFFC0]  }
0x178: {  	v31 =	vperm.xlane v9, v7;
	v23 =	vadd.f32 v28, v23;
	v21 =	vmul.f32 v21, v25;
	v11 =	vld [tilespmem:s15+$0x0];
	[tilespmem:s21+$0x20] =	vst v13  }
0x179: {  	v22 =	vadd.f32 v18, v22;
	v28 =	vmul.f32 v17, v14;
	v25 =	vld [tilespmem:s15+$0x10];
	[tilespmem:s21+$0xFFFFFFA0] =	vst v16;
	v18 =	vmul.f32 v19, v30  }
0x17a: {  	v13 =	vmin.f32 v23, $0.0e+00;
	v9 =	vmovc v12;
	v30 =	vperm.xlane v10, v2;
	v14 =	vld [tilespmem:s15+$0x40];
	[tilespmem:s21+$0xFFFFFFB0] =	vst v21;
	v21 =	vmul.f32 v27, v31  }
.Ltmp2:
0x17b: {  	v12 =	vmin.f32 v22, $0.0e+00;
	v19 =	vmul.f32 $2.000000030e-01, v13;
	v16 =	vperm.xlane v10, v1;
	[tilespmem:s4+$0xFFFFFFF0] =	vst v9;
	v13 =	vld [tilespmem:s15+$0x20];
	s4 =	smov.u32 s3;
	(pc) =	sbr.rel @p0 .LBB2_7-.Ltmp2, $4  }
0x17c: {  	v23 =	vmax.f32 v23, $0.0e+00;
	v17 =	vperm.xlane v10, v5;
	v27 =	vmul.f32 $2.000000030e-01, v12;
	v12 =	vld [tilespmem:s15+$0x70];
	[tilespmem:s21+$0x70] =	vst v15  }
0x17d: {  	v15 =	vmax.f32 v22, $0.0e+00;
	v22 =	vadd.f32 v19, v23;
	v31 =	vmul.f32 v24, v20;
	v19 =	vld [tilespmem:s15+$0x60];
	[tilespmem:s21+$0xFFFFFFE0] =	vst v21  }
0x17e: {  	v24 =	vadd.f32 v27, v15;
	v15 =	vperm.xlane v10, v8;
	v20 =	vmul.f32 v25, v30;
	v21 =	vld [tilespmem:s15+$0x50];
	[tilespmem:s21+$0xFFFFFF90] =	vst v28  }
0x17f: {  	v23 =	vmul.f32 v29, v26;
	v25 =	vmul.f32 $1.442695020e+00, v22;
	s15 =	sadd.s32 $0x100, s15;
	v22 =	vld [tilespmem:s23+$0x30];
	[tilespmem:s21+$0xFFFFFFC0] =	vst v31  }
0x180: {  	v24 =	vmul.f32 $1.442695020e+00, v24;
	v27 =	vperm.xlane v10, v7  }
0x181: {  	[tilespmem:s21+$0xFFFFFFD0] =	vst v18;
	v18 =	vperm.xlane v10, v4;
	v14 =	vmul.f32 v14, v17  }
0x182: {  	v26 =	vld [tilespmem:s23+$0xFFFFFFF0];
	[tilespmem:s23+$0x10] =	vst v20;
	v11 =	vmul.f32 v11, v16;
	(erf) = vpow2.f32 v25  }
0x183: {  	v20 =	vld [tilespmem:s23+$0xFFFFFFB0];
	v25 =	vperm.xlane v10, v6;
	[tilespmem:s21+$0xFFFFFF80] =	vst v23;
	v23 =	vperm.xlane v9, v8  }
0x184: {  	v10 =	vperm.xlane v10, v3;
	v19 =	vmul.f32 v19, v27;
	[tilespmem:s23+$0x40] =	vst v14  }
0x185: {  	(erf) = vpow2.f32 v24;
	[tilespmem:s23+$0x0] =	vst v11;
	v21 =	vmul.f32 v21, v25;
	v25 =	vld [tilespmem:s23+$0xFFFFFFA0]  }
0x186: {  	v14 =	vperm.xlane v9, v4;
	v10 =	vmul.f32 v13, v10;
	[tilespmem:s23+$0x60] =	vst v19  }
0x187: {  	v16 =	vperm.xlane v9, v3;
	v13 =	vld [tilespmem:s23+$0xFFFFFFC0];
	v18 =	vmul.f32 v22, v18;
	[tilespmem:s23+$0x50] =	vst v21  }
0x188: {  	v21 =	vmul.f32 v26, v23;
	v14 =	vmul.f32 v20, v14;
	[tilespmem:s23+$0x20] =	vst v10  }
0x189: {  	[tilespmem:s23+$0x30] =	vst v18  }
0x18a: {  	v19 =	vld [tilespmem:s23+$0xFFFFFF90];
	[tilespmem:s23+$0xFFFFFFB0] =	vst v14;
	v14 =	vperm.xlane v9, v5;
	v11 =	vmul.f32 v25, v16  }
0x18b: {  	v18 =	vld [tilespmem:s23+$0xFFFFFFE0];
	[tilespmem:s23+$0xFFFFFFF0] =	vst v21  }
0x18c: {  	v22 =	vld [tilespmem:s23+$0xFFFFFF80];
	v13 =	vmul.f32 v13, v14;
	v21 =	vpop (erf);
	[tilespmem:s23+$0xFFFFFFA0] =	vst v11  }
0x18d: {  	v17 =	vld [tilespmem:s23+$0xFFFFFFD0];
	v11 =	vmul.f32 v12, v15;
	v15 =	vperm.xlane v9, v2;
	[tilespmem:s4+$0x0] =	vst v21  }
0x18e: {  	v24 =	vperm.xlane v9, v6;
	v10 =	vperm.xlane v9, v7;
	[tilespmem:s23+$0xFFFFFFC0] =	vst v13;
	v20 =	vld [tilespmem:s15+$0x10]  }
0x18f: {  	v9 =	vperm.xlane v9, v1;
	v12 =	vpop (erf);
	v15 =	vmul.f32 v19, v15;
	[tilespmem:s23+$0x70] =	vst v11;
	v11 =	vld [tilespmem:s15+$0x50]  }
0x190: {  	v10 =	vmul.f32 v18, v10;
	[tilespmem:s4+$0xFFFFFFF0] =	vst v12;
	v19 =	vld [tilespmem:s15+$0x60]  }
0x191: {  	v14 =	vperm.xlane v21, v2;
	v9 =	vmul.f32 v22, v9;
	[tilespmem:s23+$0xFFFFFF90] =	vst v15;
	v15 =	vld [tilespmem:s15+$0xFFFFFFF0]  }
0x192: {  	v13 =	vperm.xlane v21, v6;
	[tilespmem:s23+$0xFFFFFFE0] =	vst v10;
	v10 =	vmul.f32 v17, v24;
	v17 =	vld [tilespmem:s15+$0x30]  }
0x193: {  	v23 =	vld [tilespmem:s15+$0x40];
	[tilespmem:s23+$0xFFFFFF80] =	vst v9;
	v14 =	vmul.f32 v20, v14;
	v20 =	vperm.xlane v21, v7  }
0x194: {  	v16 =	vld [tilespmem:s15+$0x0];
	v9 =	vperm.xlane v12, v8;
	[tilespmem:s23+$0xFFFFFFD0] =	vst v10;
	v10 =	vmul.f32 v11, v13  }
0x195: {  	v18 =	vld [tilespmem:s15+$0x20];
	v13 =	vperm.xlane v21, v4;
	[tilespmem:s15+$0x10] =	vst v14;
	v14 =	vmul.f32 v19, v20  }
0x196: {  	v11 =	vld [tilespmem:s15+$0xFFFFFFA0];
	v20 =	vperm.xlane v21, v5;
	v9 =	vmul.f32 v15, v9;
	[tilespmem:s15+$0x50] =	vst v10  }
0x197: {  	v19 =	vld [tilespmem:s15+$0xFFFFFFB0];
	v15 =	vperm.xlane v21, v1;
	v13 =	vmul.f32 v17, v13;
	[tilespmem:s15+$0x60] =	vst v14  }
0x198: {  	v22 =	vld [tilespmem:s15+$0x70];
	v17 =	vmul.f32 v23, v20;
	[tilespmem:s15+$0xFFFFFFF0] =	vst v9;
	v9 =	vperm.xlane v21, v3  }
0x199: {  	v15 =	vmul.f32 v16, v15;
	v16 =	vperm.xlane v12, v3;
	[tilespmem:s15+$0x30] =	vst v13;
	v13 =	vld [tilespmem:s15+$0xFFFFFFE0]  }
0x19a: {  	v10 =	vld [tilespmem:s15+$0xFFFFFF90];
	v20 =	vperm.xlane v12, v4;
	[tilespmem:s15+$0x40] =	vst v17;
	v9 =	vmul.f32 v18, v9  }
0x19b: {  	v17 =	vperm.xlane v21, v8;
	v11 =	vmul.f32 v11, v16;
	[tilespmem:s15+$0x0] =	vst v15;
	v15 =	vld [tilespmem:s15+$0xFFFFFFC0]  }
0x19c: {  	v14 =	vld [tilespmem:s15+$0xFFFFFFD0];
	v18 =	vmul.f32 v19, v20;
	v19 =	vperm.xlane v12, v7;
	[tilespmem:s15+$0x20] =	vst v9  }
0x19d: {  	v16 =	vld [tilespmem:s15+$0xFFFFFF80];
	v9 =	vmul.f32 v22, v17;
	v17 =	vperm.xlane v12, v2;
	[tilespmem:s15+$0xFFFFFFA0] =	vst v11  }
0x19e: {  	v11 =	vperm.xlane v12, v5;
	[tilespmem:s15+$0xFFFFFFB0] =	vst v18;
	v13 =	vmul.f32 v13, v19  }
0x19f: {  	v18 =	vperm.xlane v12, v6;
	v10 =	vmul.f32 v10, v17;
	[tilespmem:s15+$0x70] =	vst v9  }
0x1a0: {  	v9 =	vperm.xlane v12, v1;
	v11 =	vmul.f32 v15, v11;
	[tilespmem:s15+$0xFFFFFFE0] =	vst v13  }
0x1a1: {  	v12 =	vmul.f32 v14, v18;
	[tilespmem:s15+$0xFFFFFF90] =	vst v10  }
0x1a2: {  	v9 =	vmul.f32 v16, v9;
	[tilespmem:s15+$0xFFFFFFC0] =	vst v11  }
0x1a3: {  	[tilespmem:s15+$0xFFFFFFD0] =	vst v12  }
0x1a4: {  	s1 =	simm.s32 $0x29E0;
	[tilespmem:s15+$0xFFFFFF80] =	vst v9  }
0x1a5: {  	[spmem:s2] =	stream.indirect.scatter.add.f32 [tilespmem:s1], [sflag:$0xD], $0x80, s26, s25, $0xb8;
	v63 =	vld [tilespmem:$0x0]  }
0x1a6: {  	_ =	swait.ge [sflag:s22], $0x2800  }
0x1a7: {  	[sflag:s22] =	ssyncset.done $0x0  }
0x1a8: {  	s21 =	simm.s32 $0x7EE0;
	[sflag:s22] =	ssyncadd.s32 $0xFFFFD800  }
0x1a9: {  	[spmem:s0] =	stream.indirect.scatter.add.f32 [tilespmem:s21], [sflag:$0xD], $0x10, s26, s25, $0xb8;
	v63 =	vld [tilespmem:$0x0]  }
0x1aa: {  	_ =	swait.ge [sflag:s22], $0x500  }
0x1ab: {  	s23 =	rddreg [dreg:$0x1a]  }
0x1ac: {  	s1 =	sadd.s32 s14, s23  }
0x1ad: {  	[sflag:s22] =	ssyncset.done $0x0;
	s1 =	sshrl.u32 s1, $0x3  }
0x1ae: {  	[sflag:s22] =	ssyncadd.s32 $0xFFFFFB00;
	s3 =	sadd.s32 s6, s1  }
0x1af: {  	[tilespmem:s25], [sflag:$0x2] =	stream.linear.gather [hbm4b:s3+s5], $0x50, $0x38;
	v63 =	vld [tilespmem:$0x0]  }
0x1b0: {  	s1 =	sadd.s32 s7, s1  }
0x1b1: {  	[tilespmem:s26], [sflag:$0x2] =	stream.linear.gather [hbm4b:s1+s5], $0x50, $0x38;
	v63 =	vld [tilespmem:$0x0]  }
0x1b2: {  	_ =	swait.ge [sflag:s28], $0x50  }
0x1b3: {  	[sflag:s28] =	ssyncset.done $0x0  }
0x1b4: {  	[sflag:s28] =	ssyncadd.s32 $0xFFFFFFB0  }
0x1b5: {  	_ =	swait.ge [sflag:s28], $0x50  }
0x1b6: {  	[sflag:s28] =	ssyncset.done $0x0  }
0x1b7: {  	[sflag:s28] =	ssyncadd.s32 $0xFFFFFFB0  }
0x1b8: {  	s4 =	simm.s32 $0x1E0;
	s3 =	rddreg [dreg:$0x1]  }
0x1b9: {  	[tilespmem:s4], [sflag:$0x4] =	stream.indirect.gather [hbm4b:s3+s25], $0x80, s5, s25, $0xb8;
	v63 =	vld [tilespmem:$0x0]  }
0x1ba: {  	s15 =	simm.s32 $0x79E0  }
0x1bb: {  	[tilespmem:s15], [sflag:$0x7] =	stream.indirect.gather [hbm4b:s8+s25], $0x10, s5, s25, $0xb8;
	v63 =	vld [tilespmem:$0x0]  }
0x1bc: {  	s21 =	simm.s32 $0x88E0;
	s23 =	simm.s32 $0x6  }
0x1bd: {  	[tilespmem:s21], [sflag:$0xA] =	stream.indirect.gather [hbm4b:s9+s25], $0x10, s24, s25, $0xb8;
	v63 =	vld [tilespmem:$0x0]  }
0x1be: {  	_ =	swait.ge [sflag:s23], $0x2800  }
0x1bf: {  	[sflag:s23] =	ssyncset.done $0x0  }
0x1c0: {  	s3 =	simm.s32 $0x9;
	[sflag:s23] =	ssyncadd.s32 $0xFFFFD800  }
0x1c1: {  	_ =	swait.ge [sflag:s3], $0x500  }
0x1c2: {  	[sflag:s3] =	ssyncset.done $0x0  }
0x1c3: {  	[sflag:s3] =	ssyncadd.s32 $0xFFFFFB00  }
0x1c4: {  	_ =	swait.ge [sflag:s10], $0x500  }
0x1c5: {  	[sflag:s10] =	ssyncset.done $0x0  }
0x1c6: {  	s1 =	simm.s32 $0x83F0;
	[sflag:s10] =	ssyncadd.s32 $0xFFFFFB00  }
0x1c7: {  	s4 =	simm.s32 $0x92F0;
	v9 =	vld [tilespmem:s1+$0x0]  }
0x1c8: {  	v10 =	vld [tilespmem:s4+$0x0];
	_ =	sdelay $0x4  }
0x1c9: {  	v9 =	vadd.f32 v10, v9;
	_ =	sdelay $0x1  }
0x1ca: {  	v12 =	vld [tilespmem:s1+$0xFFFFFFF0];
	v11 =	vmin.f32 v9, $0.0e+00  }
0x1cb: {  	v10 =	vld [tilespmem:s4+$0xFFFFFFF0];
	v11 =	vmul.f32 $2.000000030e-01, v11  }
0x1cc: {  	v9 =	vmax.f32 v9, $0.0e+00  }
0x1cd: {  	v9 =	vadd.f32 v11, v9;
	_ =	sdelay $0x1  }
0x1ce: {  	v9 =	vmul.f32 $1.442695020e+00, v9  }
0x1cf: {  	v10 =	vadd.f32 v10, v12  }
0x1d0: {  	(erf) = vpow2.f32 v9  }
0x1d1: {  	v9 =	vmin.f32 v10, $0.0e+00  }
0x1d2: {  	v9 =	vmul.f32 $2.000000030e-01, v9  }
0x1d3: {  	v10 =	vmax.f32 v10, $0.0e+00  }
0x1d4: {  	s23 =	simm.s32 $0x9310;
	v9 =	vadd.f32 v9, v10  }
0x1d5: {  	s15 =	simm.s32 $0x8410;
	v11 =	vld [tilespmem:s23+$0x0]  }
0x1d6: {  	v10 =	vld [tilespmem:s15+$0x0];
	v9 =	vmul.f32 $1.442695020e+00, v9;
	_ =	sdelay $0x1  }
0x1d7: {  	v12 =	vld [tilespmem:s23+$0xFFFFFFF0];
	(erf) = vpow2.f32 v9  }
0x1d8: {  	s3 =	simm.s32 $0x8430;
	v9 =	vld [tilespmem:s15+$0xFFFFFFF0];
	v13 =	vpop (erf)  }
0x1d9: {  	s21 =	simm.s32 $0x5260;
	v27 =	vld [tilespmem:s3+$0x0];
	[tilespmem:s1+$0x0] =	vst v13  }
0x1da: {  	v10 =	vadd.f32 v11, v10;
	v11 =	vld [tilespmem:s21+$0x0]  }
0x1db: {  	v14 =	vld [tilespmem:s21+$0x10]  }
0x1dc: {  	v15 =	vmin.f32 v10, $0.0e+00;
	v16 =	vld [tilespmem:s21+$0x40]  }
0x1dd: {  	v17 =	vld [tilespmem:s21+$0x70];
	v9 =	vadd.f32 v12, v9;
	v12 =	vmul.f32 $2.000000030e-01, v15  }
0x1de: {  	v10 =	vmax.f32 v10, $0.0e+00;
	v18 =	vperm.xlane v13, v2;
	v21 =	vperm.xlane v13, v1;
	v22 =	vld [tilespmem:s21+$0x50]  }
0x1df: {  	v23 =	vperm.xlane v13, v5;
	v24 =	vld [tilespmem:s21+$0x30];
	v19 =	vmin.f32 v9, $0.0e+00;
	v10 =	vadd.f32 v12, v10  }
0x1e0: {  	v26 =	vperm.xlane v13, v7;
	v15 =	vld [tilespmem:s21+$0x20];
	v19 =	vmul.f32 $2.000000030e-01, v19;
	v20 =	vpop (erf)  }
0x1e1: {  	v28 =	vperm.xlane v13, v4;
	v12 =	vld [tilespmem:s21+$0x60];
	v9 =	vmax.f32 v9, $0.0e+00;
	v10 =	vmul.f32 $1.442695020e+00, v10;
	[tilespmem:s1+$0xFFFFFFF0] =	vst v20  }
0x1e2: {  	v14 =	vmul.f32 v14, v18;
	v18 =	vperm.xlane v13, v8;
	v9 =	vadd.f32 v19, v9;
	s1 =	simm.s32 $0x9330;
	v19 =	vld [tilespmem:s21+$0xFFFFFFF0]  }
0x1e3: {  	v11 =	vmul.f32 v11, v21;
	v25 =	vld [tilespmem:s1+$0xFFFFFFF0];
	(erf) = vpow2.f32 v10  }
0x1e4: {  	v16 =	vmul.f32 v16, v23;
	v10 =	vperm.xlane v13, v6;
	v29 =	vld [tilespmem:s1+$0x0]  }
0x1e5: {  	v30 =	vld [tilespmem:s21+$0xFFFFFFA0];
	v13 =	vperm.xlane v13, v3;
	v9 =	vmul.f32 $1.442695020e+00, v9  }
0x1e6: {  	[tilespmem:s21+$0x10] =	vst v14;
	v14 =	vld [tilespmem:s21+$0xFFFFFFB0];
	v10 =	vmul.f32 v22, v10;
	v22 =	vperm.xlane v20, v8  }
0x1e7: {  	v21 =	vld [tilespmem:s21+$0xFFFFFFD0];
	[tilespmem:s21+$0x40] =	vst v16;
	v12 =	vmul.f32 v12, v26;
	(erf) = vpow2.f32 v9  }
0x1e8: {  	v60 =	vld [tilespmem:s21+$0xFFFFFFC0];
	v9 =	vmul.f32 v24, v28;
	[tilespmem:s21+$0x50] =	vst v10;
	v10 =	vmul.f32 v19, v22  }
0x1e9: {  	v26 =	vld [tilespmem:s21+$0xFFFFFF80];
	v13 =	vmul.f32 v15, v13;
	[tilespmem:s21+$0x60] =	vst v12  }
0x1ea: {  	v23 =	vperm.xlane v20, v1;
	v16 =	vperm.xlane v20, v4;
	[tilespmem:s21+$0x30] =	vst v9;
	v9 =	vld [tilespmem:s3+$0xFFFFFFF0]  }
0x1eb: {  	v15 =	vmul.f32 v17, v18;
	v17 =	vperm.xlane v20, v2;
	v12 =	vld [tilespmem:s21+$0xFFFFFF90];
	[tilespmem:s21+$0x20] =	vst v13  }
0x1ec: {  	v18 =	vperm.xlane v20, v6;
	v24 =	vld [tilespmem:s21+$0xFFFFFFE0];
	v13 =	vperm.xlane v20, v7;
	[tilespmem:s21+$0xFFFFFFF0] =	vst v10;
	v10 =	vpop (erf)  }
0x1ed: {  	s23 =	simm.s32 $0x5360;
	v19 =	vperm.xlane v20, v3;
	v22 =	vperm.xlane v20, v5;
	[tilespmem:s15+$0x0] =	vst v10  }
0x1ee: {  	[tilespmem:s21+$0x0] =	vst v11;
	v27 =	vadd.f32 v29, v27;
	v16 =	vmul.f32 v14, v16;
	v18 =	vmul.f32 v21, v18;
	v11 =	vld [tilespmem:s23+$0x0]  }
0x1ef: {  	[tilespmem:s21+$0x70] =	vst v15;
	v23 =	vmul.f32 v26, v23;
	v19 =	vmul.f32 v30, v19;
	v20 =	vadd.f32 v25, v9;
	v25 =	vld [tilespmem:s23+$0x10]  }
0x1f0: {  	[tilespmem:s21+$0xFFFFFFB0] =	vst v16;
	v28 =	vmul.f32 v60, v22;
	v61 =	vmul.f32 v12, v17;
	v12 =	vmin.f32 v27, $0.0e+00;
	v14 =	vld [tilespmem:s23+$0x40]  }
0x1f1: {  	v24 =	vmul.f32 v24, v13;
	[tilespmem:s21+$0xFFFFFFA0] =	vst v19;
	v19 =	vmul.f32 $2.000000030e-01, v12;
	v13 =	vld [tilespmem:s23+$0x20];
	v17 =	vmin.f32 v20, $0.0e+00  }
0x1f2: {  	v27 =	vmax.f32 v27, $0.0e+00;
	[tilespmem:s21+$0xFFFFFFC0] =	vst v28;
	v21 =	vperm.xlane v10, v2;
	v12 =	vld [tilespmem:s23+$0x70];
	v62 =	vmul.f32 $2.000000030e-01, v17  }
0x1f3: {  	v16 =	vperm.xlane v10, v1;
	[tilespmem:s21+$0xFFFFFFE0] =	vst v24;
	v27 =	vadd.f32 v19, v27;
	v19 =	vld [tilespmem:s23+$0x60];
	v22 =	vmax.f32 v20, $0.0e+00  }
0x1f4: {  	v15 =	vperm.xlane v10, v8;
	[tilespmem:s21+$0xFFFFFF90] =	vst v61;
	v9 =	vpop (erf);
	v24 =	vadd.f32 v62, v22;
	v20 =	vmul.f32 v25, v21;
	v21 =	vld [tilespmem:s23+$0x50]  }
0x1f5: {  	s30 =	simm.s32 $0x4;
	s4 =	simm.s32 $0x8430;
	[tilespmem:s15+$0xFFFFFFF0] =	vst v9;
	v17 =	vperm.xlane v10, v5;
	s15 =	simm.s32 $0x5460;
	v22 =	vld [tilespmem:s23+$0x30];
	v25 =	vmul.f32 $1.442695020e+00, v27  }
.LBB2_9:
0x1f6: {  	s30 =	sadd.s32 $0x2, s30;
	v24 =	vmul.f32 $1.442695020e+00, v24;
	s1 =	sadd.s32 $0x20, s1;
	s3 =	sadd.s32 $0x20, s3;
	v26 =	vld [tilespmem:s23+$0xFFFFFFF0];
	v27 =	vperm.xlane v10, v7;
	[tilespmem:s21+$0xFFFFFFD0] =	vst v18  }
0x1f7: {  	v18 =	vld [tilespmem:s1+$0xFFFFFFF0];
	p0 =	slt.u32 s30, $0x4E;
	(erf) = vpow2.f32 v25;
	v25 =	vperm.xlane v10, v6;
	[tilespmem:s21+$0xFFFFFF80] =	vst v23;
	s21 =	smov.u32 s23;
	s23 =	smov.u32 s15  }
0x1f8: {  	v23 =	vld [tilespmem:s3+$0x0];
	(erf) = vpow2.f32 v24;
	v24 =	vperm.xlane v10, v4  }
0x1f9: {  	v29 =	vperm.xlane v9, v8;
	v28 =	vld [tilespmem:s1+$0x0];
	v21 =	vmul.f32 v21, v25  }
0x1fa: {  	v19 =	vmul.f32 v19, v27;
	v25 =	vld [tilespmem:s21+$0xFFFFFFA0];
	[tilespmem:s21+$0x10] =	vst v20;
	v20 =	vmul.f32 v22, v24  }
0x1fb: {  	v11 =	vmul.f32 v11, v16;
	v22 =	vld [tilespmem:s3+$0xFFFFFFF0];
	v24 =	vmul.f32 v26, v29;
	[tilespmem:s21+$0x50] =	vst v21  }
0x1fc: {  	v16 =	vperm.xlane v9, v3;
	v14 =	vmul.f32 v14, v17;
	v21 =	vld [tilespmem:s21+$0xFFFFFFB0];
	[tilespmem:s21+$0x60] =	vst v19  }
0x1fd: {  	v26 =	vperm.xlane v9, v1;
	v17 =	vld [tilespmem:s21+$0xFFFFFF90];
	[tilespmem:s21+$0x30] =	vst v20  }
0x1fe: {  	v20 =	vperm.xlane v9, v5;
	v19 =	vld [tilespmem:s21+$0xFFFFFFD0];
	[tilespmem:s21+$0xFFFFFFF0] =	vst v24;
	v24 =	vperm.xlane v10, v3  }
0x1ff: {  	v16 =	vmul.f32 v25, v16;
	v25 =	vperm.xlane v9, v4;
	v27 =	vld [tilespmem:s21+$0xFFFFFFE0];
	[tilespmem:s21+$0x40] =	vst v14  }
0x200: {  	v15 =	vmul.f32 v12, v15;
	v10 =	vpop (erf);
	v29 =	vld [tilespmem:s21+$0xFFFFFF80];
	[tilespmem:s21+$0x0] =	vst v11;
	v13 =	vmul.f32 v13, v24  }
0x201: {  	v30 =	vperm.xlane v9, v6;
	v14 =	vperm.xlane v9, v2;
	[tilespmem:s4+$0x0] =	vst v10;
	v12 =	vpop (erf);
	v24 =	vld [tilespmem:s21+$0xFFFFFFC0]  }
0x202: {  	v31 =	vperm.xlane v9, v7;
	v23 =	vadd.f32 v28, v23;
	v21 =	vmul.f32 v21, v25;
	v11 =	vld [tilespmem:s15+$0x0];
	[tilespmem:s21+$0x20] =	vst v13  }
0x203: {  	v22 =	vadd.f32 v18, v22;
	v28 =	vmul.f32 v17, v14;
	v25 =	vld [tilespmem:s15+$0x10];
	[tilespmem:s21+$0xFFFFFFA0] =	vst v16;
	v18 =	vmul.f32 v19, v30  }
0x204: {  	v13 =	vmin.f32 v23, $0.0e+00;
	v9 =	vmovc v12;
	v30 =	vperm.xlane v10, v2;
	v14 =	vld [tilespmem:s15+$0x40];
	[tilespmem:s21+$0xFFFFFFB0] =	vst v21;
	v21 =	vmul.f32 v27, v31  }
.Ltmp3:
0x205: {  	v12 =	vmin.f32 v22, $0.0e+00;
	v19 =	vmul.f32 $2.000000030e-01, v13;
	v16 =	vperm.xlane v10, v1;
	[tilespmem:s4+$0xFFFFFFF0] =	vst v9;
	v13 =	vld [tilespmem:s15+$0x20];
	s4 =	smov.u32 s3;
	(pc) =	sbr.rel @p0 .LBB2_9-.Ltmp3, $4  }
0x206: {  	v23 =	vmax.f32 v23, $0.0e+00;
	v17 =	vperm.xlane v10, v5;
	v27 =	vmul.f32 $2.000000030e-01, v12;
	v12 =	vld [tilespmem:s15+$0x70];
	[tilespmem:s21+$0x70] =	vst v15  }
0x207: {  	v15 =	vmax.f32 v22, $0.0e+00;
	v22 =	vadd.f32 v19, v23;
	v31 =	vmul.f32 v24, v20;
	v19 =	vld [tilespmem:s15+$0x60];
	[tilespmem:s21+$0xFFFFFFE0] =	vst v21  }
0x208: {  	v24 =	vadd.f32 v27, v15;
	v15 =	vperm.xlane v10, v8;
	v20 =	vmul.f32 v25, v30;
	v21 =	vld [tilespmem:s15+$0x50];
	[tilespmem:s21+$0xFFFFFF90] =	vst v28  }
0x209: {  	v23 =	vmul.f32 v29, v26;
	v25 =	vmul.f32 $1.442695020e+00, v22;
	s15 =	sadd.s32 $0x100, s15;
	v22 =	vld [tilespmem:s23+$0x30];
	[tilespmem:s21+$0xFFFFFFC0] =	vst v31  }
0x20a: {  	v24 =	vmul.f32 $1.442695020e+00, v24;
	v27 =	vperm.xlane v10, v7  }
0x20b: {  	[tilespmem:s21+$0xFFFFFFD0] =	vst v18;
	v18 =	vperm.xlane v10, v4;
	v14 =	vmul.f32 v14, v17  }
0x20c: {  	v26 =	vld [tilespmem:s23+$0xFFFFFFF0];
	[tilespmem:s23+$0x10] =	vst v20;
	v11 =	vmul.f32 v11, v16;
	(erf) = vpow2.f32 v25  }
0x20d: {  	v20 =	vld [tilespmem:s23+$0xFFFFFFB0];
	v25 =	vperm.xlane v10, v6;
	[tilespmem:s21+$0xFFFFFF80] =	vst v23;
	v23 =	vperm.xlane v9, v8  }
0x20e: {  	v10 =	vperm.xlane v10, v3;
	v19 =	vmul.f32 v19, v27;
	[tilespmem:s23+$0x40] =	vst v14  }
0x20f: {  	(erf) = vpow2.f32 v24;
	[tilespmem:s23+$0x0] =	vst v11;
	v21 =	vmul.f32 v21, v25;
	v25 =	vld [tilespmem:s23+$0xFFFFFFA0]  }
0x210: {  	v14 =	vperm.xlane v9, v4;
	v10 =	vmul.f32 v13, v10;
	[tilespmem:s23+$0x60] =	vst v19  }
0x211: {  	v16 =	vperm.xlane v9, v3;
	v13 =	vld [tilespmem:s23+$0xFFFFFFC0];
	v18 =	vmul.f32 v22, v18;
	[tilespmem:s23+$0x50] =	vst v21  }
0x212: {  	v21 =	vmul.f32 v26, v23;
	v14 =	vmul.f32 v20, v14;
	[tilespmem:s23+$0x20] =	vst v10  }
0x213: {  	[tilespmem:s23+$0x30] =	vst v18  }
0x214: {  	v19 =	vld [tilespmem:s23+$0xFFFFFF90];
	[tilespmem:s23+$0xFFFFFFB0] =	vst v14;
	v14 =	vperm.xlane v9, v5;
	v11 =	vmul.f32 v25, v16  }
0x215: {  	v18 =	vld [tilespmem:s23+$0xFFFFFFE0];
	[tilespmem:s23+$0xFFFFFFF0] =	vst v21  }
0x216: {  	v22 =	vld [tilespmem:s23+$0xFFFFFF80];
	v13 =	vmul.f32 v13, v14;
	v21 =	vpop (erf);
	[tilespmem:s23+$0xFFFFFFA0] =	vst v11  }
0x217: {  	v17 =	vld [tilespmem:s23+$0xFFFFFFD0];
	v11 =	vmul.f32 v12, v15;
	v15 =	vperm.xlane v9, v2;
	[tilespmem:s4+$0x0] =	vst v21  }
0x218: {  	v24 =	vperm.xlane v9, v6;
	v10 =	vperm.xlane v9, v7;
	[tilespmem:s23+$0xFFFFFFC0] =	vst v13;
	v20 =	vld [tilespmem:s15+$0x10]  }
0x219: {  	v9 =	vperm.xlane v9, v1;
	v12 =	vpop (erf);
	v15 =	vmul.f32 v19, v15;
	[tilespmem:s23+$0x70] =	vst v11;
	v11 =	vld [tilespmem:s15+$0x50]  }
0x21a: {  	v10 =	vmul.f32 v18, v10;
	[tilespmem:s4+$0xFFFFFFF0] =	vst v12;
	v19 =	vld [tilespmem:s15+$0x60]  }
0x21b: {  	v14 =	vperm.xlane v21, v2;
	v9 =	vmul.f32 v22, v9;
	[tilespmem:s23+$0xFFFFFF90] =	vst v15;
	v15 =	vld [tilespmem:s15+$0xFFFFFFF0]  }
0x21c: {  	v13 =	vperm.xlane v21, v6;
	[tilespmem:s23+$0xFFFFFFE0] =	vst v10;
	v10 =	vmul.f32 v17, v24;
	v17 =	vld [tilespmem:s15+$0x30]  }
0x21d: {  	v23 =	vld [tilespmem:s15+$0x40];
	[tilespmem:s23+$0xFFFFFF80] =	vst v9;
	v14 =	vmul.f32 v20, v14;
	v20 =	vperm.xlane v21, v7  }
0x21e: {  	v16 =	vld [tilespmem:s15+$0x0];
	v9 =	vperm.xlane v12, v8;
	[tilespmem:s23+$0xFFFFFFD0] =	vst v10;
	v10 =	vmul.f32 v11, v13  }
0x21f: {  	v18 =	vld [tilespmem:s15+$0x20];
	v13 =	vperm.xlane v21, v4;
	[tilespmem:s15+$0x10] =	vst v14;
	v14 =	vmul.f32 v19, v20  }
0x220: {  	v11 =	vld [tilespmem:s15+$0xFFFFFFA0];
	v20 =	vperm.xlane v21, v5;
	v9 =	vmul.f32 v15, v9;
	[tilespmem:s15+$0x50] =	vst v10  }
0x221: {  	v19 =	vld [tilespmem:s15+$0xFFFFFFB0];
	v15 =	vperm.xlane v21, v1;
	v13 =	vmul.f32 v17, v13;
	[tilespmem:s15+$0x60] =	vst v14  }
0x222: {  	v22 =	vld [tilespmem:s15+$0x70];
	v17 =	vmul.f32 v23, v20;
	[tilespmem:s15+$0xFFFFFFF0] =	vst v9;
	v9 =	vperm.xlane v21, v3  }
0x223: {  	v15 =	vmul.f32 v16, v15;
	v16 =	vperm.xlane v12, v3;
	[tilespmem:s15+$0x30] =	vst v13;
	v13 =	vld [tilespmem:s15+$0xFFFFFFE0]  }
0x224: {  	v10 =	vld [tilespmem:s15+$0xFFFFFF90];
	v20 =	vperm.xlane v12, v4;
	[tilespmem:s15+$0x40] =	vst v17;
	v9 =	vmul.f32 v18, v9  }
0x225: {  	v17 =	vperm.xlane v21, v8;
	v11 =	vmul.f32 v11, v16;
	[tilespmem:s15+$0x0] =	vst v15;
	v15 =	vld [tilespmem:s15+$0xFFFFFFC0]  }
0x226: {  	v14 =	vld [tilespmem:s15+$0xFFFFFFD0];
	v18 =	vmul.f32 v19, v20;
	v19 =	vperm.xlane v12, v7;
	[tilespmem:s15+$0x20] =	vst v9  }
0x227: {  	v16 =	vld [tilespmem:s15+$0xFFFFFF80];
	v9 =	vmul.f32 v22, v17;
	v17 =	vperm.xlane v12, v2;
	[tilespmem:s15+$0xFFFFFFA0] =	vst v11  }
0x228: {  	v11 =	vperm.xlane v12, v5;
	[tilespmem:s15+$0xFFFFFFB0] =	vst v18;
	v13 =	vmul.f32 v13, v19  }
0x229: {  	v18 =	vperm.xlane v12, v6;
	v10 =	vmul.f32 v10, v17;
	[tilespmem:s15+$0x70] =	vst v9  }
0x22a: {  	v9 =	vperm.xlane v12, v1;
	v11 =	vmul.f32 v15, v11;
	[tilespmem:s15+$0xFFFFFFE0] =	vst v13  }
0x22b: {  	v12 =	vmul.f32 v14, v18;
	[tilespmem:s15+$0xFFFFFF90] =	vst v10  }
0x22c: {  	v9 =	vmul.f32 v16, v9;
	[tilespmem:s15+$0xFFFFFFC0] =	vst v11  }
0x22d: {  	[tilespmem:s15+$0xFFFFFFD0] =	vst v12  }
0x22e: {  	s1 =	simm.s32 $0x51E0;
	[tilespmem:s15+$0xFFFFFF80] =	vst v9  }
0x22f: {  	[spmem:s2] =	stream.indirect.scatter.add.f32 [tilespmem:s1], [sflag:$0xD], $0x80, s12, s25, $0xb8;
	v63 =	vld [tilespmem:$0x0]  }
0x230: {  	_ =	swait.ge [sflag:s22], $0x2800  }
0x231: {  	[sflag:s22] =	ssyncset.done $0x0  }
0x232: {  	s21 =	simm.s32 $0x83E0;
	[sflag:s22] =	ssyncadd.s32 $0xFFFFD800  }
0x233: {  	[spmem:s0] =	stream.indirect.scatter.add.f32 [tilespmem:s21], [sflag:$0xD], $0x10, s12, s25, $0xb8;
	v63 =	vld [tilespmem:$0x0]  }
0x234: {  	_ =	swait.ge [sflag:s22], $0x500  }
0x235: {  	s23 =	rddreg [dreg:$0x1b]  }
0x236: {  	s1 =	sadd.s32 s14, s23  }
0x237: {  	[sflag:s22] =	ssyncset.done $0x0;
	s1 =	sshrl.u32 s1, $0x3  }
0x238: {  	s30 =	simm.s32 $0xA0;
	[sflag:s22] =	ssyncadd.s32 $0xFFFFFB00;
	s3 =	sadd.s32 s6, s1  }
0x239: {  	[tilespmem:s30], [sflag:$0x3] =	stream.linear.gather [hbm4b:s3+s5], $0x50, $0x38;
	v63 =	vld [tilespmem:$0x0]  }
0x23a: {  	s1 =	sadd.s32 s7, s1  }
0x23b: {  	[tilespmem:s12], [sflag:$0x3] =	stream.linear.gather [hbm4b:s1+s5], $0x50, $0x38;
	v63 =	vld [tilespmem:$0x0]  }
0x23c: {  	_ =	swait.ge [sflag:s13], $0x50  }
0x23d: {  	[sflag:s13] =	ssyncset.done $0x0  }
0x23e: {  	[sflag:s13] =	ssyncadd.s32 $0xFFFFFFB0  }
0x23f: {  	_ =	swait.ge [sflag:s13], $0x50  }
0x240: {  	[sflag:s13] =	ssyncset.done $0x0  }
0x241: {  	[sflag:s13] =	ssyncadd.s32 $0xFFFFFFB0  }
0x242: {  	s4 =	simm.s32 $0x29E0;
	s3 =	rddreg [dreg:$0x1]  }
0x243: {  	[tilespmem:s4], [sflag:$0x5] =	stream.indirect.gather [hbm4b:s3+s25], $0x80, s25, s25, $0xb8;
	v63 =	vld [tilespmem:$0x0]  }
0x244: {  	s14 =	simm.s32 $0x7EE0  }
0x245: {  	[tilespmem:s14], [sflag:$0x8] =	stream.indirect.gather [hbm4b:s8+s25], $0x10, s25, s25, $0xb8;
	v63 =	vld [tilespmem:$0x0]  }
0x246: {  	s15 =	simm.s32 $0x8DE0  }
0x247: {  	[tilespmem:s15], [sflag:$0xB] =	stream.indirect.gather [hbm4b:s9+s25], $0x10, s26, s25, $0xb8;
	v63 =	vld [tilespmem:$0x0]  }
0x248: {  	_ =	swait.ge [sflag:s17], $0x2800  }
0x249: {  	[sflag:s17] =	ssyncset.done $0x0  }
0x24a: {  	[sflag:s17] =	ssyncadd.s32 $0xFFFFD800  }
0x24b: {  	_ =	swait.ge [sflag:s18], $0x500  }
0x24c: {  	[sflag:s18] =	ssyncset.done $0x0  }
0x24d: {  	[sflag:s18] =	ssyncadd.s32 $0xFFFFFB00  }
0x24e: {  	_ =	swait.ge [sflag:s19], $0x500  }
0x24f: {  	[sflag:s19] =	ssyncset.done $0x0  }
0x250: {  	s21 =	simm.s32 $0x79F0;
	[sflag:s19] =	ssyncadd.s32 $0xFFFFFB00  }
0x251: {  	s4 =	simm.s32 $0x88F0;
	v9 =	vld [tilespmem:s21+$0x0]  }
0x252: {  	v10 =	vld [tilespmem:s4+$0x0];
	_ =	sdelay $0x4  }
0x253: {  	v9 =	vadd.f32 v10, v9  }
0x254: {  	v12 =	vld [tilespmem:s21+$0xFFFFFFF0]  }
0x255: {  	v10 =	vld [tilespmem:s4+$0xFFFFFFF0];
	v11 =	vmin.f32 v9, $0.0e+00  }
0x256: {  	v11 =	vmul.f32 $2.000000030e-01, v11  }
0x257: {  	v9 =	vmax.f32 v9, $0.0e+00  }
0x258: {  	v9 =	vadd.f32 v11, v9;
	_ =	sdelay $0x1  }
0x259: {  	v10 =	vadd.f32 v10, v12;
	v9 =	vmul.f32 $1.442695020e+00, v9;
	_ =	sdelay $0x1  }
0x25a: {  	(erf) = vpow2.f32 v9;
	v9 =	vmin.f32 v10, $0.0e+00  }
0x25b: {  	v9 =	vmul.f32 $2.000000030e-01, v9  }
0x25c: {  	s23 =	simm.s32 $0x8910;
	v10 =	vmax.f32 v10, $0.0e+00  }
0x25d: {  	s14 =	simm.s32 $0x7A10;
	v11 =	vld [tilespmem:s23+$0x0];
	v9 =	vadd.f32 v9, v10  }
0x25e: {  	v10 =	vld [tilespmem:s14+$0x0]  }
0x25f: {  	v9 =	vmul.f32 $1.442695020e+00, v9  }
0x260: {  	v12 =	vld [tilespmem:s23+$0xFFFFFFF0]  }
0x261: {  	s1 =	simm.s32 $0x8930;
	(erf) = vpow2.f32 v9;
	v9 =	vld [tilespmem:s14+$0xFFFFFFF0]  }
0x262: {  	s3 =	simm.s32 $0x7A30;
	v25 =	vld [tilespmem:s1+$0xFFFFFFF0]  }
0x263: {  	v27 =	vld [tilespmem:s3+$0x0];
	v10 =	vadd.f32 v11, v10;
	v13 =	vpop (erf)  }
0x264: {  	s15 =	simm.s32 $0x260;
	v29 =	vld [tilespmem:s1+$0x0];
	[tilespmem:s21+$0x0] =	vst v13  }
0x265: {  	v15 =	vmin.f32 v10, $0.0e+00;
	v11 =	vld [tilespmem:s15+$0x0]  }
0x266: {  	v14 =	vld [tilespmem:s15+$0x10];
	v9 =	vadd.f32 v12, v9;
	v12 =	vmul.f32 $2.000000030e-01, v15  }
0x267: {  	v10 =	vmax.f32 v10, $0.0e+00;
	v18 =	vperm.xlane v13, v2;
	v16 =	vld [tilespmem:s15+$0x40]  }
0x268: {  	v21 =	vperm.xlane v13, v1;
	v23 =	vperm.xlane v13, v5;
	v17 =	vld [tilespmem:s15+$0x70];
	v10 =	vadd.f32 v12, v10  }
0x269: {  	v26 =	vperm.xlane v13, v7;
	v28 =	vperm.xlane v13, v4;
	v22 =	vld [tilespmem:s15+$0x50];
	v19 =	vmin.f32 v9, $0.0e+00  }
0x26a: {  	v24 =	vld [tilespmem:s15+$0x30];
	v19 =	vmul.f32 $2.000000030e-01, v19;
	v20 =	vpop (erf);
	v10 =	vmul.f32 $1.442695020e+00, v10  }
0x26b: {  	v12 =	vld [tilespmem:s15+$0x60];
	v9 =	vmax.f32 v9, $0.0e+00;
	v14 =	vmul.f32 v14, v18;
	v18 =	vperm.xlane v13, v8;
	[tilespmem:s21+$0xFFFFFFF0] =	vst v20  }
0x26c: {  	v11 =	vmul.f32 v11, v21;
	v9 =	vadd.f32 v19, v9;
	v19 =	vld [tilespmem:s15+$0xFFFFFFF0];
	(erf) = vpow2.f32 v10  }
0x26d: {  	v15 =	vld [tilespmem:s15+$0x20];
	v16 =	vmul.f32 v16, v23;
	v10 =	vperm.xlane v13, v6  }
0x26e: {  	v30 =	vld [tilespmem:s15+$0xFFFFFFA0];
	v13 =	vperm.xlane v13, v3;
	v9 =	vmul.f32 $1.442695020e+00, v9  }
0x26f: {  	[tilespmem:s15+$0x10] =	vst v14;
	v14 =	vld [tilespmem:s15+$0xFFFFFFB0];
	v10 =	vmul.f32 v22, v10;
	v22 =	vperm.xlane v20, v8  }
0x270: {  	v21 =	vld [tilespmem:s15+$0xFFFFFFD0];
	[tilespmem:s15+$0x40] =	vst v16;
	v12 =	vmul.f32 v12, v26;
	(erf) = vpow2.f32 v9  }
0x271: {  	v60 =	vld [tilespmem:s15+$0xFFFFFFC0];
	v9 =	vmul.f32 v24, v28;
	[tilespmem:s15+$0x50] =	vst v10;
	v10 =	vmul.f32 v19, v22  }
0x272: {  	v26 =	vld [tilespmem:s15+$0xFFFFFF80];
	v13 =	vmul.f32 v15, v13;
	[tilespmem:s15+$0x60] =	vst v12  }
0x273: {  	v23 =	vperm.xlane v20, v1;
	v16 =	vperm.xlane v20, v4;
	[tilespmem:s15+$0x30] =	vst v9;
	v9 =	vld [tilespmem:s3+$0xFFFFFFF0]  }
0x274: {  	v15 =	vmul.f32 v17, v18;
	v17 =	vperm.xlane v20, v2;
	v12 =	vld [tilespmem:s15+$0xFFFFFF90];
	[tilespmem:s15+$0x20] =	vst v13  }
0x275: {  	v18 =	vperm.xlane v20, v6;
	v24 =	vld [tilespmem:s15+$0xFFFFFFE0];
	v13 =	vperm.xlane v20, v7;
	[tilespmem:s15+$0xFFFFFFF0] =	vst v10;
	v10 =	vpop (erf)  }
0x276: {  	s21 =	simm.s32 $0x360;
	v19 =	vperm.xlane v20, v3;
	v22 =	vperm.xlane v20, v5;
	[tilespmem:s14+$0x0] =	vst v10  }
0x277: {  	v27 =	vadd.f32 v29, v27;
	[tilespmem:s15+$0x0] =	vst v11;
	v16 =	vmul.f32 v14, v16;
	v18 =	vmul.f32 v21, v18;
	v11 =	vld [tilespmem:s21+$0x0]  }
0x278: {  	[tilespmem:s15+$0x70] =	vst v15;
	v23 =	vmul.f32 v26, v23;
	v19 =	vmul.f32 v30, v19;
	v20 =	vadd.f32 v25, v9;
	v25 =	vld [tilespmem:s21+$0x10]  }
0x279: {  	[tilespmem:s15+$0xFFFFFFB0] =	vst v16;
	v28 =	vmul.f32 v60, v22;
	v61 =	vmul.f32 v12, v17;
	v12 =	vmin.f32 v27, $0.0e+00;
	v14 =	vld [tilespmem:s21+$0x40]  }
0x27a: {  	v24 =	vmul.f32 v24, v13;
	[tilespmem:s15+$0xFFFFFFA0] =	vst v19;
	v19 =	vmul.f32 $2.000000030e-01, v12;
	v13 =	vld [tilespmem:s21+$0x20];
	v17 =	vmin.f32 v20, $0.0e+00  }
0x27b: {  	v27 =	vmax.f32 v27, $0.0e+00;
	[tilespmem:s15+$0xFFFFFFC0] =	vst v28;
	v21 =	vperm.xlane v10, v2;
	v12 =	vld [tilespmem:s21+$0x70];
	v62 =	vmul.f32 $2.000000030e-01, v17  }
0x27c: {  	v16 =	vperm.xlane v10, v1;
	[tilespmem:s15+$0xFFFFFFE0] =	vst v24;
	v27 =	vadd.f32 v19, v27;
	v19 =	vld [tilespmem:s21+$0x60];
	v22 =	vmax.f32 v20, $0.0e+00  }
0x27d: {  	v15 =	vperm.xlane v10, v8;
	[tilespmem:s15+$0xFFFFFF90] =	vst v61;
	v9 =	vpop (erf);
	v24 =	vadd.f32 v62, v22;
	v20 =	vmul.f32 v25, v21;
	v21 =	vld [tilespmem:s21+$0x50]  }
0x27e: {  	s4 =	simm.s32 $0x7A30;
	s23 =	simm.s32 $0x4;
	[tilespmem:s14+$0xFFFFFFF0] =	vst v9;
	v17 =	vperm.xlane v10, v5;
	s14 =	simm.s32 $0x460;
	v22 =	vld [tilespmem:s21+$0x30];
	v25 =	vmul.f32 $1.442695020e+00, v27  }
.LBB2_11:
0x27f: {  	s23 =	sadd.s32 $0x2, s23;
	v24 =	vmul.f32 $1.442695020e+00, v24;
	s1 =	sadd.s32 $0x20, s1;
	s3 =	sadd.s32 $0x20, s3;
	v26 =	vld [tilespmem:s21+$0xFFFFFFF0];
	v27 =	vperm.xlane v10, v7;
	[tilespmem:s15+$0xFFFFFFD0] =	vst v18  }
0x280: {  	v18 =	vld [tilespmem:s1+$0xFFFFFFF0];
	p0 =	slt.u32 s23, $0x4E;
	(erf) = vpow2.f32 v25;
	v25 =	vperm.xlane v10, v6;
	[tilespmem:s15+$0xFFFFFF80] =	vst v23;
	s15 =	smov.u32 s21;
	s21 =	smov.u32 s14  }
0x281: {  	v23 =	vld [tilespmem:s3+$0x0];
	(erf) = vpow2.f32 v24;
	v24 =	vperm.xlane v10, v4  }
0x282: {  	v29 =	vperm.xlane v9, v8;
	v28 =	vld [tilespmem:s1+$0x0];
	v21 =	vmul.f32 v21, v25  }
0x283: {  	v19 =	vmul.f32 v19, v27;
	v25 =	vld [tilespmem:s15+$0xFFFFFFA0];
	[tilespmem:s15+$0x10] =	vst v20;
	v20 =	vmul.f32 v22, v24  }
0x284: {  	v11 =	vmul.f32 v11, v16;
	v22 =	vld [tilespmem:s3+$0xFFFFFFF0];
	v24 =	vmul.f32 v26, v29;
	[tilespmem:s15+$0x50] =	vst v21  }
0x285: {  	v16 =	vperm.xlane v9, v3;
	v14 =	vmul.f32 v14, v17;
	v21 =	vld [tilespmem:s15+$0xFFFFFFB0];
	[tilespmem:s15+$0x60] =	vst v19  }
0x286: {  	v26 =	vperm.xlane v9, v1;
	v17 =	vld [tilespmem:s15+$0xFFFFFF90];
	[tilespmem:s15+$0x30] =	vst v20  }
0x287: {  	v20 =	vperm.xlane v9, v5;
	v19 =	vld [tilespmem:s15+$0xFFFFFFD0];
	[tilespmem:s15+$0xFFFFFFF0] =	vst v24;
	v24 =	vperm.xlane v10, v3  }
0x288: {  	v16 =	vmul.f32 v25, v16;
	v25 =	vperm.xlane v9, v4;
	v27 =	vld [tilespmem:s15+$0xFFFFFFE0];
	[tilespmem:s15+$0x40] =	vst v14  }
0x289: {  	v15 =	vmul.f32 v12, v15;
	v10 =	vpop (erf);
	v29 =	vld [tilespmem:s15+$0xFFFFFF80];
	[tilespmem:s15+$0x0] =	vst v11;
	v13 =	vmul.f32 v13, v24  }
0x28a: {  	v30 =	vperm.xlane v9, v6;
	v14 =	vperm.xlane v9, v2;
	[tilespmem:s4+$0x0] =	vst v10;
	v12 =	vpop (erf);
	v24 =	vld [tilespmem:s15+$0xFFFFFFC0]  }
0x28b: {  	v31 =	vperm.xlane v9, v7;
	v23 =	vadd.f32 v28, v23;
	v21 =	vmul.f32 v21, v25;
	v11 =	vld [tilespmem:s14+$0x0];
	[tilespmem:s15+$0x20] =	vst v13  }
0x28c: {  	v22 =	vadd.f32 v18, v22;
	v28 =	vmul.f32 v17, v14;
	v25 =	vld [tilespmem:s14+$0x10];
	[tilespmem:s15+$0xFFFFFFA0] =	vst v16;
	v18 =	vmul.f32 v19, v30  }
0x28d: {  	v13 =	vmin.f32 v23, $0.0e+00;
	v9 =	vmovc v12;
	v30 =	vperm.xlane v10, v2;
	v14 =	vld [tilespmem:s14+$0x40];
	[tilespmem:s15+$0xFFFFFFB0] =	vst v21;
	v21 =	vmul.f32 v27, v31  }
.Ltmp4:
0x28e: {  	v12 =	vmin.f32 v22, $0.0e+00;
	v19 =	vmul.f32 $2.000000030e-01, v13;
	v16 =	vperm.xlane v10, v1;
	[tilespmem:s4+$0xFFFFFFF0] =	vst v9;
	v13 =	vld [tilespmem:s14+$0x20];
	s4 =	smov.u32 s3;
	(pc) =	sbr.rel @p0 .LBB2_11-.Ltmp4, $4  }
0x28f: {  	v23 =	vmax.f32 v23, $0.0e+00;
	v17 =	vperm.xlane v10, v5;
	v27 =	vmul.f32 $2.000000030e-01, v12;
	v12 =	vld [tilespmem:s14+$0x70];
	[tilespmem:s15+$0x70] =	vst v15  }
0x290: {  	v15 =	vmax.f32 v22, $0.0e+00;
	v22 =	vadd.f32 v19, v23;
	v31 =	vmul.f32 v24, v20;
	v19 =	vld [tilespmem:s14+$0x60];
	[tilespmem:s15+$0xFFFFFFE0] =	vst v21  }
0x291: {  	v24 =	vadd.f32 v27, v15;
	v15 =	vperm.xlane v10, v8;
	v20 =	vmul.f32 v25, v30;
	v21 =	vld [tilespmem:s14+$0x50];
	[tilespmem:s15+$0xFFFFFF90] =	vst v28  }
0x292: {  	v23 =	vmul.f32 v29, v26;
	v25 =	vmul.f32 $1.442695020e+00, v22;
	s14 =	sadd.s32 $0x100, s14;
	v22 =	vld [tilespmem:s21+$0x30];
	[tilespmem:s15+$0xFFFFFFC0] =	vst v31  }
0x293: {  	v51 =	vperm.xlane v10, v6  }
0x294: {  	v27 =	vperm.xlane v10, v7;
	[tilespmem:s15+$0xFFFFFFD0] =	vst v18;
	v52 =	vperm.xlane v10, v4  }
0x295: {  	[tilespmem:s21+$0x10] =	vst v20;
	v14 =	vmul.f32 v14, v17;
	v11 =	vmul.f32 v11, v16  }
0x296: {  	v26 =	vld [tilespmem:s21+$0xFFFFFFF0];
	v10 =	vperm.xlane v10, v3;
	(erf) = vpow2.f32 v25;
	[tilespmem:s15+$0xFFFFFF80] =	vst v23  }
0x297: {  	v24 =	vmul.f32 $1.442695020e+00, v24;
	v54 =	vld [tilespmem:s21+$0xFFFFFFA0];
	v19 =	vmul.f32 v19, v27;
	[tilespmem:s21+$0x40] =	vst v14  }
0x298: {  	v53 =	vperm.xlane v9, v8;
	v55 =	vld [tilespmem:s21+$0xFFFFFFB0];
	[tilespmem:s21+$0x0] =	vst v11;
	v10 =	vmul.f32 v13, v10  }
0x299: {  	v59 =	vperm.xlane v9, v3;
	v21 =	vmul.f32 v21, v51;
	[tilespmem:s21+$0x60] =	vst v19  }
0x29a: {  	v61 =	vperm.xlane v9, v4;
	v29 =	vld [tilespmem:s21+$0xFFFFFFC0];
	v18 =	vmul.f32 v22, v52;
	[tilespmem:s21+$0x20] =	vst v10  }
0x29b: {  	(erf) = vpow2.f32 v24;
	[tilespmem:s21+$0x50] =	vst v21;
	v56 =	vmul.f32 v26, v53  }
0x29c: {  	v60 =	vld [tilespmem:s21+$0xFFFFFFE0];
	v11 =	vmul.f32 v54, v59;
	[tilespmem:s21+$0x30] =	vst v18  }
0x29d: {  	v28 =	vld [tilespmem:s21+$0xFFFFFF80];
	v35 =	vperm.xlane v9, v5;
	v14 =	vmul.f32 v55, v61;
	[tilespmem:s21+$0xFFFFFFF0] =	vst v56  }
0x29e: {  	v33 =	vperm.xlane v9, v2;
	v37 =	vperm.xlane v9, v6;
	[tilespmem:s21+$0xFFFFFFA0] =	vst v11  }
0x29f: {  	v57 =	vld [tilespmem:s21+$0xFFFFFF90];
	v10 =	vperm.xlane v9, v7;
	v13 =	vmul.f32 v29, v35;
	[tilespmem:s21+$0xFFFFFFB0] =	vst v14;
	v62 =	vpop (erf)  }
0x2a0: {  	v58 =	vld [tilespmem:s21+$0xFFFFFFD0];
	v9 =	vperm.xlane v9, v1;
	v11 =	vmul.f32 v12, v15;
	[tilespmem:s4+$0x0] =	vst v62  }
0x2a1: {  	v10 =	vmul.f32 v60, v10;
	[tilespmem:s21+$0xFFFFFFC0] =	vst v13;
	v31 =	vld [tilespmem:s14+$0x10]  }
0x2a2: {  	v9 =	vmul.f32 v28, v9;
	[tilespmem:s21+$0x70] =	vst v11;
	v11 =	vld [tilespmem:s14+$0x50]  }
0x2a3: {  	[tilespmem:s21+$0xFFFFFFE0] =	vst v10;
	v38 =	vld [tilespmem:s14+$0x60]  }
0x2a4: {  	v15 =	vmul.f32 v57, v33;
	[tilespmem:s21+$0xFFFFFF80] =	vst v9;
	v32 =	vpop (erf);
	v39 =	vperm.xlane v62, v2;
	v41 =	vld [tilespmem:s14+$0x30]  }
0x2a5: {  	v10 =	vmul.f32 v58, v37;
	v42 =	vperm.xlane v62, v6;
	v34 =	vld [tilespmem:s14+$0x40];
	[tilespmem:s4+$0xFFFFFFF0] =	vst v32  }
0x2a6: {  	[tilespmem:s21+$0xFFFFFF90] =	vst v15;
	v44 =	vperm.xlane v62, v7;
	v40 =	vld [tilespmem:s14+$0xFFFFFFF0];
	v14 =	vmul.f32 v31, v39  }
0x2a7: {  	[tilespmem:s21+$0xFFFFFFD0] =	vst v10;
	v45 =	vperm.xlane v62, v4;
	v30 =	vld [tilespmem:s14+$0x0];
	v10 =	vmul.f32 v11, v42  }
0x2a8: {  	v48 =	vperm.xlane v62, v5;
	v47 =	vld [tilespmem:s14+$0xFFFFFFB0];
	v46 =	vmul.f32 v38, v44;
	[tilespmem:s14+$0x10] =	vst v14  }
0x2a9: {  	v9 =	vperm.xlane v32, v8;
	v53 =	vld [tilespmem:s14+$0xFFFFFFE0];
	v13 =	vmul.f32 v41, v45;
	[tilespmem:s14+$0x50] =	vst v10  }
0x2aa: {  	v49 =	vperm.xlane v62, v1;
	v36 =	vld [tilespmem:s14+$0x20];
	v51 =	vmul.f32 v34, v48;
	[tilespmem:s14+$0x60] =	vst v46  }
0x2ab: {  	v54 =	vperm.xlane v32, v4;
	v11 =	vld [tilespmem:s14+$0xFFFFFFA0];
	v9 =	vmul.f32 v40, v9;
	[tilespmem:s14+$0x30] =	vst v13  }
0x2ac: {  	v43 =	vld [tilespmem:s14+$0x70];
	v59 =	vperm.xlane v32, v7;
	v15 =	vmul.f32 v30, v49;
	[tilespmem:s14+$0x40] =	vst v51  }
0x2ad: {  	v50 =	vld [tilespmem:s14+$0xFFFFFFD0];
	v58 =	vmul.f32 v47, v54;
	[tilespmem:s14+$0xFFFFFFF0] =	vst v9;
	v9 =	vperm.xlane v62, v3  }
0x2ae: {  	v52 =	vperm.xlane v32, v3;
	v10 =	vld [tilespmem:s14+$0xFFFFFF90];
	[tilespmem:s14+$0x0] =	vst v15;
	v13 =	vmul.f32 v53, v59  }
0x2af: {  	v55 =	vperm.xlane v62, v8;
	v56 =	vld [tilespmem:s14+$0xFFFFFFC0];
	[tilespmem:s14+$0xFFFFFFB0] =	vst v58;
	v9 =	vmul.f32 v36, v9  }
0x2b0: {  	v61 =	vperm.xlane v32, v6;
	v57 =	vld [tilespmem:s14+$0xFFFFFF80];
	[tilespmem:s14+$0xFFFFFFE0] =	vst v13;
	v11 =	vmul.f32 v11, v52  }
0x2b1: {  	v60 =	vperm.xlane v32, v2;
	[tilespmem:s14+$0x20] =	vst v9;
	v9 =	vmul.f32 v43, v55  }
0x2b2: {  	v62 =	vmul.f32 v50, v61;
	[tilespmem:s14+$0xFFFFFFA0] =	vst v11;
	v11 =	vperm.xlane v32, v5  }
0x2b3: {  	v10 =	vmul.f32 v10, v60;
	[tilespmem:s14+$0x70] =	vst v9;
	v9 =	vperm.xlane v32, v1  }
0x2b4: {  	[tilespmem:s14+$0xFFFFFFD0] =	vst v62;
	v11 =	vmul.f32 v56, v11  }
0x2b5: {  	[tilespmem:s14+$0xFFFFFF90] =	vst v10;
	v9 =	vmul.f32 v57, v9  }
0x2b6: {  	[tilespmem:s14+$0xFFFFFFC0] =	vst v11  }
0x2b7: {  	s1 =	simm.s32 $0x1E0;
	[tilespmem:s14+$0xFFFFFF80] =	vst v9  }
0x2b8: {  	[spmem:s2] =	stream.indirect.scatter.add.f32 [tilespmem:s1], [sflag:$0xD], $0x80, s24, s25, $0xb8;
	v63 =	vld [tilespmem:$0x0]  }
0x2b9: {  	s11 =	sadd.s32 $0x1, s11;
	_ =	swait.ge [sflag:s22], $0x2800  }
0x2ba: {  	p0 =	sne.s32 s11, $0x28;
	[sflag:s22] =	ssyncset.done $0x0  }
.Ltmp5:
0x2bb: {  	s23 =	simm.s32 $0x79E0;
	[sflag:s22] =	ssyncadd.s32 $0xFFFFD800;
	(pc) =	sbr.rel @p0 .LBB2_6-.Ltmp5, $4  }
0x2bc: {  	[spmem:s0] =	stream.indirect.scatter.add.f32 [tilespmem:s23], [sflag:$0xD], $0x10, s24, s25, $0xb8;
	v63 =	vld [tilespmem:$0x0]  }
0x2bd: {  	_ =	swait.ge [sflag:s22], $0x500  }
0x2be: {  	[sflag:s22] =	ssyncset.done $0x0  }
0x2bf: {  	[sflag:s22] =	ssyncadd.s32 $0xFFFFFB00  }
0x2c0: {  	s1 =	rddreg [dreg:$0x1c]  }
0x2c1: {  	[tilespmem:s5], [sflag:$0x1] =	stream.linear.gather [hbm4b:s1+s5], $0x50, $0x38;
	v63 =	vld [tilespmem:$0x0]  }
0x2c2: {  	s3 =	rddreg [dreg:$0x1d]  }
0x2c3: {  	[tilespmem:s24], [sflag:$0x1] =	stream.linear.gather [hbm4b:s3+s5], $0x50, $0x38;
	v63 =	vld [tilespmem:$0x0]  }
0x2c4: {  	_ =	swait.ge [sflag:s20], $0x50  }
0x2c5: {  	[sflag:s20] =	ssyncset.done $0x0  }
0x2c6: {  	[sflag:s20] =	ssyncadd.s32 $0xFFFFFFB0  }
0x2c7: {  	_ =	swait.ge [sflag:s20], $0x50  }
0x2c8: {  	[sflag:s20] =	ssyncset.done $0x0  }
0x2c9: {  	[sflag:s20] =	ssyncadd.s32 $0xFFFFFFB0  }
0x2ca: {  	s3 =	simm.s32 $0x51E0;
	s4 =	rddreg [dreg:$0x1]  }
0x2cb: {  	[tilespmem:s3], [sflag:$0x6] =	stream.indirect.gather [hbm4b:s4+s25], $0x80, s30, s25, $0xb8;
	v63 =	vld [tilespmem:$0x0]  }
0x2cc: {  	s11 =	simm.s32 $0x83E0  }
0x2cd: {  	[tilespmem:s11], [sflag:$0x9] =	stream.indirect.gather [hbm4b:s8+s25], $0x10, s30, s25, $0xb8;
	v63 =	vld [tilespmem:$0x0]  }
0x2ce: {  	s14 =	simm.s32 $0x92E0  }
0x2cf: {  	[tilespmem:s14], [sflag:$0xC] =	stream.indirect.gather [hbm4b:s9+s25], $0x10, s12, s25, $0xb8;
	v63 =	vld [tilespmem:$0x0]  }
0x2d0: {  	_ =	swait.ge [sflag:s29], $0x2800  }
0x2d1: {  	[sflag:s29] =	ssyncset.done $0x0  }
0x2d2: {  	[sflag:s29] =	ssyncadd.s32 $0xFFFFD800  }
0x2d3: {  	_ =	swait.ge [sflag:s16], $0x500  }
0x2d4: {  	[sflag:s16] =	ssyncset.done $0x0  }
0x2d5: {  	[sflag:s16] =	ssyncadd.s32 $0xFFFFFB00  }
0x2d6: {  	_ =	swait.ge [sflag:s31], $0x500  }
0x2d7: {  	[sflag:s31] =	ssyncset.done $0x0  }
0x2d8: {  	s15 =	simm.s32 $0x7EF0;
	[sflag:s31] =	ssyncadd.s32 $0xFFFFFB00  }
0x2d9: {  	s21 =	simm.s32 $0x8DF0;
	v9 =	vld [tilespmem:s15+$0x0]  }
0x2da: {  	v10 =	vld [tilespmem:s21+$0x0];
	_ =	sdelay $0x4  }
0x2db: {  	v9 =	vadd.f32 v10, v9  }
0x2dc: {  	v12 =	vld [tilespmem:s15+$0xFFFFFFF0]  }
0x2dd: {  	v10 =	vld [tilespmem:s21+$0xFFFFFFF0];
	v11 =	vmin.f32 v9, $0.0e+00  }
0x2de: {  	v11 =	vmul.f32 $2.000000030e-01, v11  }
0x2df: {  	v9 =	vmax.f32 v9, $0.0e+00  }
0x2e0: {  	v9 =	vadd.f32 v11, v9;
	_ =	sdelay $0x1  }
0x2e1: {  	v10 =	vadd.f32 v10, v12;
	v9 =	vmul.f32 $1.442695020e+00, v9;
	_ =	sdelay $0x1  }
0x2e2: {  	(erf) = vpow2.f32 v9;
	v9 =	vmin.f32 v10, $0.0e+00  }
0x2e3: {  	v9 =	vmul.f32 $2.000000030e-01, v9  }
0x2e4: {  	s23 =	simm.s32 $0x8E10;
	v10 =	vmax.f32 v10, $0.0e+00  }
0x2e5: {  	s4 =	simm.s32 $0x7F10;
	v11 =	vld [tilespmem:s23+$0x0];
	v9 =	vadd.f32 v9, v10  }
0x2e6: {  	v10 =	vld [tilespmem:s4+$0x0]  }
0x2e7: {  	v9 =	vmul.f32 $1.442695020e+00, v9  }
0x2e8: {  	v12 =	vld [tilespmem:s23+$0xFFFFFFF0]  }
0x2e9: {  	s1 =	simm.s32 $0x8E30;
	(erf) = vpow2.f32 v9;
	v9 =	vld [tilespmem:s4+$0xFFFFFFF0]  }
0x2ea: {  	s3 =	simm.s32 $0x7F30;
	v25 =	vld [tilespmem:s1+$0xFFFFFFF0]  }
0x2eb: {  	v27 =	vld [tilespmem:s3+$0x0];
	v10 =	vadd.f32 v11, v10;
	v13 =	vpop (erf)  }
0x2ec: {  	s14 =	simm.s32 $0x2A60;
	v29 =	vld [tilespmem:s1+$0x0];
	[tilespmem:s15+$0x0] =	vst v13  }
0x2ed: {  	v15 =	vmin.f32 v10, $0.0e+00;
	v11 =	vld [tilespmem:s14+$0x0]  }
0x2ee: {  	v14 =	vld [tilespmem:s14+$0x10];
	v9 =	vadd.f32 v12, v9;
	v12 =	vmul.f32 $2.000000030e-01, v15  }
0x2ef: {  	v10 =	vmax.f32 v10, $0.0e+00;
	v18 =	vperm.xlane v13, v2;
	v16 =	vld [tilespmem:s14+$0x40]  }
0x2f0: {  	v21 =	vperm.xlane v13, v1;
	v23 =	vperm.xlane v13, v5;
	v17 =	vld [tilespmem:s14+$0x70];
	v10 =	vadd.f32 v12, v10  }
0x2f1: {  	v26 =	vperm.xlane v13, v7;
	v28 =	vperm.xlane v13, v4;
	v22 =	vld [tilespmem:s14+$0x50];
	v19 =	vmin.f32 v9, $0.0e+00  }
0x2f2: {  	v24 =	vld [tilespmem:s14+$0x30];
	v19 =	vmul.f32 $2.000000030e-01, v19;
	v20 =	vpop (erf);
	v10 =	vmul.f32 $1.442695020e+00, v10  }
0x2f3: {  	v12 =	vld [tilespmem:s14+$0x60];
	v9 =	vmax.f32 v9, $0.0e+00;
	v14 =	vmul.f32 v14, v18;
	v18 =	vperm.xlane v13, v8;
	[tilespmem:s15+$0xFFFFFFF0] =	vst v20  }
0x2f4: {  	v11 =	vmul.f32 v11, v21;
	v9 =	vadd.f32 v19, v9;
	v19 =	vld [tilespmem:s14+$0xFFFFFFF0];
	(erf) = vpow2.f32 v10  }
0x2f5: {  	v15 =	vld [tilespmem:s14+$0x20];
	v16 =	vmul.f32 v16, v23;
	v10 =	vperm.xlane v13, v6  }
0x2f6: {  	v30 =	vld [tilespmem:s14+$0xFFFFFFA0];
	v13 =	vperm.xlane v13, v3;
	v9 =	vmul.f32 $1.442695020e+00, v9  }
0x2f7: {  	[tilespmem:s14+$0x10] =	vst v14;
	v14 =	vld [tilespmem:s14+$0xFFFFFFB0];
	v10 =	vmul.f32 v22, v10;
	v22 =	vperm.xlane v20, v8  }
0x2f8: {  	v21 =	vld [tilespmem:s14+$0xFFFFFFD0];
	[tilespmem:s14+$0x40] =	vst v16;
	v12 =	vmul.f32 v12, v26;
	(erf) = vpow2.f32 v9  }
0x2f9: {  	v60 =	vld [tilespmem:s14+$0xFFFFFFC0];
	v9 =	vmul.f32 v24, v28;
	[tilespmem:s14+$0x50] =	vst v10;
	v10 =	vmul.f32 v19, v22  }
0x2fa: {  	v26 =	vld [tilespmem:s14+$0xFFFFFF80];
	v13 =	vmul.f32 v15, v13;
	[tilespmem:s14+$0x60] =	vst v12  }
0x2fb: {  	v23 =	vperm.xlane v20, v1;
	v16 =	vperm.xlane v20, v4;
	[tilespmem:s14+$0x30] =	vst v9;
	v9 =	vld [tilespmem:s3+$0xFFFFFFF0]  }
0x2fc: {  	v15 =	vmul.f32 v17, v18;
	v17 =	vperm.xlane v20, v2;
	v12 =	vld [tilespmem:s14+$0xFFFFFF90];
	[tilespmem:s14+$0x20] =	vst v13  }
0x2fd: {  	v18 =	vperm.xlane v20, v6;
	v24 =	vld [tilespmem:s14+$0xFFFFFFE0];
	v13 =	vperm.xlane v20, v7;
	[tilespmem:s14+$0xFFFFFFF0] =	vst v10;
	v10 =	vpop (erf)  }
0x2fe: {  	s15 =	simm.s32 $0x2B60;
	v19 =	vperm.xlane v20, v3;
	v22 =	vperm.xlane v20, v5;
	[tilespmem:s4+$0x0] =	vst v10  }
0x2ff: {  	v27 =	vadd.f32 v29, v27;
	[tilespmem:s14+$0x0] =	vst v11;
	v16 =	vmul.f32 v14, v16;
	v18 =	vmul.f32 v21, v18;
	v11 =	vld [tilespmem:s15+$0x0]  }
0x300: {  	[tilespmem:s14+$0x70] =	vst v15;
	v23 =	vmul.f32 v26, v23;
	v19 =	vmul.f32 v30, v19;
	v20 =	vadd.f32 v25, v9;
	v25 =	vld [tilespmem:s15+$0x10]  }
0x301: {  	[tilespmem:s14+$0xFFFFFFB0] =	vst v16;
	v28 =	vmul.f32 v60, v22;
	v61 =	vmul.f32 v12, v17;
	v12 =	vmin.f32 v27, $0.0e+00;
	v14 =	vld [tilespmem:s15+$0x40]  }
0x302: {  	v24 =	vmul.f32 v24, v13;
	[tilespmem:s14+$0xFFFFFFA0] =	vst v19;
	v19 =	vmul.f32 $2.000000030e-01, v12;
	v13 =	vld [tilespmem:s15+$0x20];
	v17 =	vmin.f32 v20, $0.0e+00  }
0x303: {  	v27 =	vmax.f32 v27, $0.0e+00;
	[tilespmem:s14+$0xFFFFFFC0] =	vst v28;
	v21 =	vperm.xlane v10, v2;
	v12 =	vld [tilespmem:s15+$0x70];
	v62 =	vmul.f32 $2.000000030e-01, v17  }
0x304: {  	v16 =	vperm.xlane v10, v1;
	[tilespmem:s14+$0xFFFFFFE0] =	vst v24;
	v27 =	vadd.f32 v19, v27;
	v19 =	vld [tilespmem:s15+$0x60];
	v22 =	vmax.f32 v20, $0.0e+00  }
0x305: {  	v15 =	vperm.xlane v10, v8;
	[tilespmem:s14+$0xFFFFFF90] =	vst v61;
	v9 =	vpop (erf);
	v24 =	vadd.f32 v62, v22;
	v20 =	vmul.f32 v25, v21;
	v21 =	vld [tilespmem:s15+$0x50]  }
0x306: {  	s11 =	simm.s32 $0x2C60;
	s21 =	simm.s32 $0x4;
	[tilespmem:s4+$0xFFFFFFF0] =	vst v9;
	v17 =	vperm.xlane v10, v5;
	s4 =	simm.s32 $0x7F30;
	v22 =	vld [tilespmem:s15+$0x30];
	v25 =	vmul.f32 $1.442695020e+00, v27  }
.LBB2_14:
0x307: {  	s21 =	sadd.s32 $0x2, s21;
	v24 =	vmul.f32 $1.442695020e+00, v24;
	s1 =	sadd.s32 $0x20, s1;
	s3 =	sadd.s32 $0x20, s3;
	v26 =	vld [tilespmem:s15+$0xFFFFFFF0];
	v27 =	vperm.xlane v10, v7;
	[tilespmem:s14+$0xFFFFFFD0] =	vst v18  }
0x308: {  	v18 =	vld [tilespmem:s1+$0xFFFFFFF0];
	p0 =	slt.u32 s21, $0x4E;
	(erf) = vpow2.f32 v25;
	v25 =	vperm.xlane v10, v6;
	[tilespmem:s14+$0xFFFFFF80] =	vst v23;
	s14 =	smov.u32 s15;
	s15 =	smov.u32 s11  }
0x309: {  	v23 =	vld [tilespmem:s3+$0x0];
	(erf) = vpow2.f32 v24;
	v24 =	vperm.xlane v10, v4  }
0x30a: {  	v29 =	vperm.xlane v9, v8;
	v28 =	vld [tilespmem:s1+$0x0];
	v21 =	vmul.f32 v21, v25  }
0x30b: {  	v19 =	vmul.f32 v19, v27;
	v25 =	vld [tilespmem:s14+$0xFFFFFFA0];
	[tilespmem:s14+$0x10] =	vst v20;
	v20 =	vmul.f32 v22, v24  }
0x30c: {  	v11 =	vmul.f32 v11, v16;
	v22 =	vld [tilespmem:s3+$0xFFFFFFF0];
	v24 =	vmul.f32 v26, v29;
	[tilespmem:s14+$0x50] =	vst v21  }
0x30d: {  	v16 =	vperm.xlane v9, v3;
	v14 =	vmul.f32 v14, v17;
	v21 =	vld [tilespmem:s14+$0xFFFFFFB0];
	[tilespmem:s14+$0x60] =	vst v19  }
0x30e: {  	v26 =	vperm.xlane v9, v1;
	v17 =	vld [tilespmem:s14+$0xFFFFFF90];
	[tilespmem:s14+$0x30] =	vst v20  }
0x30f: {  	v20 =	vperm.xlane v9, v5;
	v19 =	vld [tilespmem:s14+$0xFFFFFFD0];
	[tilespmem:s14+$0xFFFFFFF0] =	vst v24;
	v24 =	vperm.xlane v10, v3  }
0x310: {  	v16 =	vmul.f32 v25, v16;
	v25 =	vperm.xlane v9, v4;
	v27 =	vld [tilespmem:s14+$0xFFFFFFE0];
	[tilespmem:s14+$0x40] =	vst v14  }
0x311: {  	v15 =	vmul.f32 v12, v15;
	v10 =	vpop (erf);
	v29 =	vld [tilespmem:s14+$0xFFFFFF80];
	[tilespmem:s14+$0x0] =	vst v11;
	v13 =	vmul.f32 v13, v24  }
0x312: {  	v30 =	vperm.xlane v9, v6;
	v14 =	vperm.xlane v9, v2;
	[tilespmem:s4+$0x0] =	vst v10;
	v12 =	vpop (erf);
	v24 =	vld [tilespmem:s14+$0xFFFFFFC0]  }
0x313: {  	v31 =	vperm.xlane v9, v7;
	v23 =	vadd.f32 v28, v23;
	v21 =	vmul.f32 v21, v25;
	v11 =	vld [tilespmem:s11+$0x0];
	[tilespmem:s14+$0x20] =	vst v13  }
0x314: {  	v22 =	vadd.f32 v18, v22;
	v28 =	vmul.f32 v17, v14;
	v25 =	vld [tilespmem:s11+$0x10];
	[tilespmem:s14+$0xFFFFFFA0] =	vst v16;
	v18 =	vmul.f32 v19, v30  }
0x315: {  	v13 =	vmin.f32 v23, $0.0e+00;
	v9 =	vmovc v12;
	v30 =	vperm.xlane v10, v2;
	v14 =	vld [tilespmem:s11+$0x40];
	[tilespmem:s14+$0xFFFFFFB0] =	vst v21;
	v21 =	vmul.f32 v27, v31  }
.Ltmp6:
0x316: {  	v12 =	vmin.f32 v22, $0.0e+00;
	v19 =	vmul.f32 $2.000000030e-01, v13;
	v16 =	vperm.xlane v10, v1;
	[tilespmem:s4+$0xFFFFFFF0] =	vst v9;
	v13 =	vld [tilespmem:s11+$0x20];
	s4 =	smov.u32 s3;
	(pc) =	sbr.rel @p0 .LBB2_14-.Ltmp6, $4  }
0x317: {  	v23 =	vmax.f32 v23, $0.0e+00;
	v17 =	vperm.xlane v10, v5;
	v27 =	vmul.f32 $2.000000030e-01, v12;
	v12 =	vld [tilespmem:s11+$0x70];
	[tilespmem:s14+$0x70] =	vst v15  }
0x318: {  	v15 =	vmax.f32 v22, $0.0e+00;
	v22 =	vadd.f32 v19, v23;
	v31 =	vmul.f32 v24, v20;
	v19 =	vld [tilespmem:s11+$0x60];
	[tilespmem:s14+$0xFFFFFFE0] =	vst v21  }
0x319: {  	v24 =	vadd.f32 v27, v15;
	v15 =	vperm.xlane v10, v8;
	v20 =	vmul.f32 v25, v30;
	v21 =	vld [tilespmem:s11+$0x50];
	[tilespmem:s14+$0xFFFFFF90] =	vst v28  }
0x31a: {  	v23 =	vmul.f32 v29, v26;
	v25 =	vmul.f32 $1.442695020e+00, v22;
	s11 =	sadd.s32 $0x100, s11;
	v22 =	vld [tilespmem:s15+$0x30];
	[tilespmem:s14+$0xFFFFFFC0] =	vst v31  }
0x31b: {  	v24 =	vmul.f32 $1.442695020e+00, v24;
	v27 =	vperm.xlane v10, v7  }
0x31c: {  	[tilespmem:s14+$0xFFFFFFD0] =	vst v18;
	v18 =	vperm.xlane v10, v4;
	v14 =	vmul.f32 v14, v17  }
0x31d: {  	v26 =	vld [tilespmem:s15+$0xFFFFFFF0];
	[tilespmem:s15+$0x10] =	vst v20;
	v11 =	vmul.f32 v11, v16;
	(erf) = vpow2.f32 v25  }
0x31e: {  	v20 =	vld [tilespmem:s15+$0xFFFFFFB0];
	v25 =	vperm.xlane v10, v6;
	[tilespmem:s14+$0xFFFFFF80] =	vst v23;
	v23 =	vperm.xlane v9, v8  }
0x31f: {  	v10 =	vperm.xlane v10, v3;
	v19 =	vmul.f32 v19, v27;
	[tilespmem:s15+$0x40] =	vst v14  }
0x320: {  	(erf) = vpow2.f32 v24;
	[tilespmem:s15+$0x0] =	vst v11;
	v21 =	vmul.f32 v21, v25;
	v25 =	vld [tilespmem:s15+$0xFFFFFFA0]  }
0x321: {  	v14 =	vperm.xlane v9, v4;
	v10 =	vmul.f32 v13, v10;
	[tilespmem:s15+$0x60] =	vst v19  }
0x322: {  	v16 =	vperm.xlane v9, v3;
	v13 =	vld [tilespmem:s15+$0xFFFFFFC0];
	v18 =	vmul.f32 v22, v18;
	[tilespmem:s15+$0x50] =	vst v21  }
0x323: {  	v21 =	vmul.f32 v26, v23;
	v14 =	vmul.f32 v20, v14;
	[tilespmem:s15+$0x20] =	vst v10  }
0x324: {  	[tilespmem:s15+$0x30] =	vst v18  }
0x325: {  	v19 =	vld [tilespmem:s15+$0xFFFFFF90];
	[tilespmem:s15+$0xFFFFFFB0] =	vst v14;
	v14 =	vperm.xlane v9, v5;
	v11 =	vmul.f32 v25, v16  }
0x326: {  	v18 =	vld [tilespmem:s15+$0xFFFFFFE0];
	[tilespmem:s15+$0xFFFFFFF0] =	vst v21  }
0x327: {  	v22 =	vld [tilespmem:s15+$0xFFFFFF80];
	v13 =	vmul.f32 v13, v14;
	v21 =	vpop (erf);
	[tilespmem:s15+$0xFFFFFFA0] =	vst v11  }
0x328: {  	v17 =	vld [tilespmem:s15+$0xFFFFFFD0];
	v11 =	vmul.f32 v12, v15;
	v15 =	vperm.xlane v9, v2;
	[tilespmem:s4+$0x0] =	vst v21  }
0x329: {  	v24 =	vperm.xlane v9, v6;
	v10 =	vperm.xlane v9, v7;
	[tilespmem:s15+$0xFFFFFFC0] =	vst v13;
	v20 =	vld [tilespmem:s11+$0x10]  }
0x32a: {  	v9 =	vperm.xlane v9, v1;
	v12 =	vpop (erf);
	v15 =	vmul.f32 v19, v15;
	[tilespmem:s15+$0x70] =	vst v11;
	v11 =	vld [tilespmem:s11+$0x50]  }
0x32b: {  	v10 =	vmul.f32 v18, v10;
	[tilespmem:s4+$0xFFFFFFF0] =	vst v12;
	v19 =	vld [tilespmem:s11+$0x60]  }
0x32c: {  	v14 =	vperm.xlane v21, v2;
	v9 =	vmul.f32 v22, v9;
	[tilespmem:s15+$0xFFFFFF90] =	vst v15;
	v15 =	vld [tilespmem:s11+$0xFFFFFFF0]  }
0x32d: {  	v13 =	vperm.xlane v21, v6;
	[tilespmem:s15+$0xFFFFFFE0] =	vst v10;
	v10 =	vmul.f32 v17, v24;
	v17 =	vld [tilespmem:s11+$0x30]  }
0x32e: {  	v23 =	vld [tilespmem:s11+$0x40];
	[tilespmem:s15+$0xFFFFFF80] =	vst v9;
	v14 =	vmul.f32 v20, v14;
	v20 =	vperm.xlane v21, v7  }
0x32f: {  	v16 =	vld [tilespmem:s11+$0x0];
	v9 =	vperm.xlane v12, v8;
	[tilespmem:s15+$0xFFFFFFD0] =	vst v10;
	v10 =	vmul.f32 v11, v13  }
0x330: {  	v18 =	vld [tilespmem:s11+$0x20];
	v13 =	vperm.xlane v21, v4;
	[tilespmem:s11+$0x10] =	vst v14;
	v14 =	vmul.f32 v19, v20  }
0x331: {  	v11 =	vld [tilespmem:s11+$0xFFFFFFA0];
	v20 =	vperm.xlane v21, v5;
	v9 =	vmul.f32 v15, v9;
	[tilespmem:s11+$0x50] =	vst v10  }
0x332: {  	v19 =	vld [tilespmem:s11+$0xFFFFFFB0];
	v15 =	vperm.xlane v21, v1;
	v13 =	vmul.f32 v17, v13;
	[tilespmem:s11+$0x60] =	vst v14  }
0x333: {  	v22 =	vld [tilespmem:s11+$0x70];
	v17 =	vmul.f32 v23, v20;
	[tilespmem:s11+$0xFFFFFFF0] =	vst v9;
	v9 =	vperm.xlane v21, v3  }
0x334: {  	v15 =	vmul.f32 v16, v15;
	v16 =	vperm.xlane v12, v3;
	[tilespmem:s11+$0x30] =	vst v13;
	v13 =	vld [tilespmem:s11+$0xFFFFFFE0]  }
0x335: {  	v10 =	vld [tilespmem:s11+$0xFFFFFF90];
	v20 =	vperm.xlane v12, v4;
	[tilespmem:s11+$0x40] =	vst v17;
	v9 =	vmul.f32 v18, v9  }
0x336: {  	v17 =	vperm.xlane v21, v8;
	v11 =	vmul.f32 v11, v16;
	[tilespmem:s11+$0x0] =	vst v15;
	v15 =	vld [tilespmem:s11+$0xFFFFFFC0]  }
0x337: {  	v14 =	vld [tilespmem:s11+$0xFFFFFFD0];
	v18 =	vmul.f32 v19, v20;
	v19 =	vperm.xlane v12, v7;
	[tilespmem:s11+$0x20] =	vst v9  }
0x338: {  	v16 =	vld [tilespmem:s11+$0xFFFFFF80];
	v9 =	vmul.f32 v22, v17;
	v17 =	vperm.xlane v12, v2;
	[tilespmem:s11+$0xFFFFFFA0] =	vst v11  }
0x339: {  	v11 =	vperm.xlane v12, v5;
	[tilespmem:s11+$0xFFFFFFB0] =	vst v18;
	v13 =	vmul.f32 v13, v19  }
0x33a: {  	v18 =	vperm.xlane v12, v6;
	v10 =	vmul.f32 v10, v17;
	[tilespmem:s11+$0x70] =	vst v9  }
0x33b: {  	v9 =	vperm.xlane v12, v1;
	v11 =	vmul.f32 v15, v11;
	[tilespmem:s11+$0xFFFFFFE0] =	vst v13  }
0x33c: {  	v12 =	vmul.f32 v14, v18;
	[tilespmem:s11+$0xFFFFFF90] =	vst v10  }
0x33d: {  	v9 =	vmul.f32 v16, v9;
	[tilespmem:s11+$0xFFFFFFC0] =	vst v11  }
0x33e: {  	[tilespmem:s11+$0xFFFFFFD0] =	vst v12  }
0x33f: {  	s1 =	simm.s32 $0x29E0;
	[tilespmem:s11+$0xFFFFFF80] =	vst v9  }
0x340: {  	[spmem:s2] =	stream.indirect.scatter.add.f32 [tilespmem:s1], [sflag:$0xD], $0x80, s26, s25, $0xb8;
	v63 =	vld [tilespmem:$0x0]  }
0x341: {  	_ =	swait.ge [sflag:s22], $0x2800  }
0x342: {  	[sflag:s22] =	ssyncset.done $0x0  }
0x343: {  	s4 =	simm.s32 $0x7EE0;
	[sflag:s22] =	ssyncadd.s32 $0xFFFFD800  }
0x344: {  	[spmem:s0] =	stream.indirect.scatter.add.f32 [tilespmem:s4], [sflag:$0xD], $0x10, s26, s25, $0xb8;
	v63 =	vld [tilespmem:$0x0]  }
0x345: {  	_ =	swait.ge [sflag:s22], $0x500  }
0x346: {  	s11 =	sld [smem:$0x7F9]  }
0x347: {  	[sflag:s22] =	ssyncset.done $0x0  }
0x348: {  	s14 =	sld [smem:$0x7FA];
	[sflag:s22] =	ssyncadd.s32 $0xFFFFFB00  }
0x349: {  	[tilespmem:s25], [sflag:$0x2] =	stream.linear.gather [hbm4b:s11+s5], $0x50, $0x38;
	v63 =	vld [tilespmem:$0x0]  }
0x34a: {  	_ = 	snop  }
0x34b: {  	[tilespmem:s26], [sflag:$0x2] =	stream.linear.gather [hbm4b:s14+s5], $0x50, $0x38;
	v63 =	vld [tilespmem:$0x0]  }
0x34c: {  	_ =	swait.ge [sflag:s28], $0x50  }
0x34d: {  	[sflag:s28] =	ssyncset.done $0x0  }
0x34e: {  	[sflag:s28] =	ssyncadd.s32 $0xFFFFFFB0  }
0x34f: {  	_ =	swait.ge [sflag:s28], $0x50  }
0x350: {  	[sflag:s28] =	ssyncset.done $0x0  }
0x351: {  	[sflag:s28] =	ssyncadd.s32 $0xFFFFFFB0  }
0x352: {  	s3 =	simm.s32 $0x1E0;
	s15 =	rddreg [dreg:$0x1]  }
0x353: {  	[tilespmem:s3], [sflag:$0x4] =	stream.indirect.gather [hbm4b:s15+s25], $0x80, s5, s25, $0xb8;
	v63 =	vld [tilespmem:$0x0]  }
0x354: {  	s21 =	simm.s32 $0x79E0  }
0x355: {  	[tilespmem:s21], [sflag:$0x7] =	stream.indirect.gather [hbm4b:s8+s25], $0x10, s5, s25, $0xb8;
	v63 =	vld [tilespmem:$0x0]  }
0x356: {  	s23 =	simm.s32 $0x88E0;
	s3 =	simm.s32 $0x6  }
0x357: {  	[tilespmem:s23], [sflag:$0xA] =	stream.indirect.gather [hbm4b:s9+s25], $0x10, s24, s25, $0xb8;
	v63 =	vld [tilespmem:$0x0]  }
0x358: {  	_ =	swait.ge [sflag:s3], $0x2800  }
0x359: {  	[sflag:s3] =	ssyncset.done $0x0  }
0x35a: {  	s4 =	simm.s32 $0x9;
	[sflag:s3] =	ssyncadd.s32 $0xFFFFD800  }
0x35b: {  	_ =	swait.ge [sflag:s4], $0x500  }
0x35c: {  	[sflag:s4] =	ssyncset.done $0x0  }
0x35d: {  	[sflag:s4] =	ssyncadd.s32 $0xFFFFFB00  }
0x35e: {  	_ =	swait.ge [sflag:s10], $0x500  }
0x35f: {  	[sflag:s10] =	ssyncset.done $0x0  }
0x360: {  	s11 =	simm.s32 $0x83F0;
	[sflag:s10] =	ssyncadd.s32 $0xFFFFFB00  }
0x361: {  	s15 =	simm.s32 $0x92F0;
	v9 =	vld [tilespmem:s11+$0x0]  }
0x362: {  	v10 =	vld [tilespmem:s15+$0x0];
	_ =	sdelay $0x4  }
0x363: {  	v9 =	vadd.f32 v10, v9  }
0x364: {  	v12 =	vld [tilespmem:s11+$0xFFFFFFF0]  }
0x365: {  	v10 =	vld [tilespmem:s15+$0xFFFFFFF0];
	v11 =	vmin.f32 v9, $0.0e+00  }
0x366: {  	v11 =	vmul.f32 $2.000000030e-01, v11  }
0x367: {  	v9 =	vmax.f32 v9, $0.0e+00  }
0x368: {  	v9 =	vadd.f32 v11, v9;
	_ =	sdelay $0x1  }
0x369: {  	v10 =	vadd.f32 v10, v12;
	v9 =	vmul.f32 $1.442695020e+00, v9;
	_ =	sdelay $0x1  }
0x36a: {  	(erf) = vpow2.f32 v9;
	v9 =	vmin.f32 v10, $0.0e+00  }
0x36b: {  	v9 =	vmul.f32 $2.000000030e-01, v9  }
0x36c: {  	s23 =	simm.s32 $0x9310;
	v10 =	vmax.f32 v10, $0.0e+00  }
0x36d: {  	s21 =	simm.s32 $0x8410;
	v11 =	vld [tilespmem:s23+$0x0];
	v9 =	vadd.f32 v9, v10  }
0x36e: {  	v10 =	vld [tilespmem:s21+$0x0]  }
0x36f: {  	v9 =	vmul.f32 $1.442695020e+00, v9  }
0x370: {  	v12 =	vld [tilespmem:s23+$0xFFFFFFF0]  }
0x371: {  	s1 =	simm.s32 $0x9330;
	(erf) = vpow2.f32 v9;
	v9 =	vld [tilespmem:s21+$0xFFFFFFF0]  }
0x372: {  	s3 =	simm.s32 $0x8430;
	v25 =	vld [tilespmem:s1+$0xFFFFFFF0]  }
0x373: {  	v27 =	vld [tilespmem:s3+$0x0];
	v10 =	vadd.f32 v11, v10;
	v13 =	vpop (erf)  }
0x374: {  	s14 =	simm.s32 $0x5260;
	v29 =	vld [tilespmem:s1+$0x0];
	[tilespmem:s11+$0x0] =	vst v13  }
0x375: {  	v15 =	vmin.f32 v10, $0.0e+00;
	v11 =	vld [tilespmem:s14+$0x0]  }
0x376: {  	v14 =	vld [tilespmem:s14+$0x10];
	v9 =	vadd.f32 v12, v9;
	v12 =	vmul.f32 $2.000000030e-01, v15  }
0x377: {  	v10 =	vmax.f32 v10, $0.0e+00;
	v18 =	vperm.xlane v13, v2;
	v16 =	vld [tilespmem:s14+$0x40]  }
0x378: {  	v21 =	vperm.xlane v13, v1;
	v23 =	vperm.xlane v13, v5;
	v17 =	vld [tilespmem:s14+$0x70];
	v10 =	vadd.f32 v12, v10  }
0x379: {  	v26 =	vperm.xlane v13, v7;
	v28 =	vperm.xlane v13, v4;
	v22 =	vld [tilespmem:s14+$0x50];
	v19 =	vmin.f32 v9, $0.0e+00  }
0x37a: {  	v24 =	vld [tilespmem:s14+$0x30];
	v19 =	vmul.f32 $2.000000030e-01, v19;
	v20 =	vpop (erf);
	v10 =	vmul.f32 $1.442695020e+00, v10  }
0x37b: {  	v12 =	vld [tilespmem:s14+$0x60];
	v9 =	vmax.f32 v9, $0.0e+00;
	v14 =	vmul.f32 v14, v18;
	v18 =	vperm.xlane v13, v8;
	[tilespmem:s11+$0xFFFFFFF0] =	vst v20  }
0x37c: {  	v11 =	vmul.f32 v11, v21;
	v9 =	vadd.f32 v19, v9;
	v19 =	vld [tilespmem:s14+$0xFFFFFFF0];
	(erf) = vpow2.f32 v10  }
0x37d: {  	v15 =	vld [tilespmem:s14+$0x20];
	v16 =	vmul.f32 v16, v23;
	v10 =	vperm.xlane v13, v6  }
0x37e: {  	v30 =	vld [tilespmem:s14+$0xFFFFFFA0];
	[tilespmem:s14+$0x10] =	vst v14;
	v13 =	vperm.xlane v13, v3;
	v9 =	vmul.f32 $1.442695020e+00, v9  }
0x37f: {  	v14 =	vld [tilespmem:s14+$0xFFFFFFB0];
	[tilespmem:s14+$0x40] =	vst v16;
	v10 =	vmul.f32 v22, v10;
	v22 =	vperm.xlane v20, v8  }
0x380: {  	v21 =	vld [tilespmem:s14+$0xFFFFFFD0];
	[tilespmem:s14+$0x0] =	vst v11;
	v12 =	vmul.f32 v12, v26;
	(erf) = vpow2.f32 v9  }
0x381: {  	v60 =	vld [tilespmem:s14+$0xFFFFFFC0];
	v9 =	vmul.f32 v24, v28;
	[tilespmem:s14+$0x50] =	vst v10;
	v10 =	vmul.f32 v19, v22  }
0x382: {  	v13 =	vmul.f32 v15, v13;
	[tilespmem:s14+$0x60] =	vst v12;
	v12 =	vld [tilespmem:s14+$0xFFFFFF90]  }
0x383: {  	v23 =	vperm.xlane v20, v1;
	v16 =	vperm.xlane v20, v4;
	[tilespmem:s14+$0x30] =	vst v9;
	v9 =	vld [tilespmem:s3+$0xFFFFFFF0]  }
0x384: {  	v15 =	vmul.f32 v17, v18;
	v17 =	vperm.xlane v20, v2;
	v24 =	vld [tilespmem:s14+$0xFFFFFFE0];
	[tilespmem:s14+$0x20] =	vst v13  }
0x385: {  	v26 =	vld [tilespmem:s14+$0xFFFFFF80];
	v18 =	vperm.xlane v20, v6;
	v19 =	vperm.xlane v20, v3;
	[tilespmem:s14+$0xFFFFFFF0] =	vst v10;
	v10 =	vpop (erf)  }
0x386: {  	s15 =	simm.s32 $0x5360;
	v22 =	vperm.xlane v20, v5;
	v16 =	vmul.f32 v14, v16;
	[tilespmem:s21+$0x0] =	vst v10  }
0x387: {  	v27 =	vadd.f32 v29, v27;
	v13 =	vperm.xlane v20, v7;
	[tilespmem:s14+$0x70] =	vst v15;
	v19 =	vmul.f32 v30, v19;
	v11 =	vld [tilespmem:s15+$0x0]  }
0x388: {  	v18 =	vmul.f32 v21, v18;
	[tilespmem:s14+$0xFFFFFFB0] =	vst v16;
	v28 =	vmul.f32 v60, v22;
	v20 =	vadd.f32 v25, v9;
	v25 =	vld [tilespmem:s15+$0x10]  }
0x389: {  	v61 =	vmul.f32 v12, v17;
	v12 =	vmin.f32 v27, $0.0e+00;
	v24 =	vmul.f32 v24, v13;
	[tilespmem:s14+$0xFFFFFFA0] =	vst v19;
	v14 =	vld [tilespmem:s15+$0x40]  }
0x38a: {  	v23 =	vmul.f32 v26, v23;
	v19 =	vmul.f32 $2.000000030e-01, v12;
	[tilespmem:s14+$0xFFFFFFC0] =	vst v28;
	v13 =	vld [tilespmem:s15+$0x20];
	v17 =	vmin.f32 v20, $0.0e+00  }
0x38b: {  	v27 =	vmax.f32 v27, $0.0e+00;
	v21 =	vperm.xlane v10, v2;
	[tilespmem:s14+$0xFFFFFFE0] =	vst v24;
	v12 =	vld [tilespmem:s15+$0x70];
	v62 =	vmul.f32 $2.000000030e-01, v17  }
0x38c: {  	v16 =	vperm.xlane v10, v1;
	[tilespmem:s14+$0xFFFFFF90] =	vst v61;
	v27 =	vadd.f32 v19, v27;
	v19 =	vld [tilespmem:s15+$0x60];
	v9 =	vpop (erf);
	v22 =	vmax.f32 v20, $0.0e+00  }
0x38d: {  	s4 =	simm.s32 $0x8430;
	v15 =	vperm.xlane v10, v8;
	[tilespmem:s21+$0xFFFFFFF0] =	vst v9;
	v24 =	vadd.f32 v62, v22;
	v20 =	vmul.f32 v25, v21;
	v21 =	vld [tilespmem:s15+$0x50]  }
0x38e: {  	s11 =	simm.s32 $0x5460;
	v17 =	vperm.xlane v10, v5;
	s21 =	simm.s32 $0x4;
	s23 =	rddreg [dreg:$0x6];
	v22 =	vld [tilespmem:s15+$0x30];
	v25 =	vmul.f32 $1.442695020e+00, v27  }
.LBB2_16:
0x38f: {  	s21 =	sadd.s32 $0x2, s21;
	v24 =	vmul.f32 $1.442695020e+00, v24;
	s1 =	sadd.s32 $0x20, s1;
	s3 =	sadd.s32 $0x20, s3;
	v26 =	vld [tilespmem:s15+$0xFFFFFFF0];
	v27 =	vperm.xlane v10, v7;
	[tilespmem:s14+$0xFFFFFFD0] =	vst v18  }
0x390: {  	v18 =	vld [tilespmem:s1+$0xFFFFFFF0];
	p0 =	slt.u32 s21, $0x4E;
	(erf) = vpow2.f32 v25;
	v25 =	vperm.xlane v10, v6;
	[tilespmem:s14+$0xFFFFFF80] =	vst v23;
	s14 =	smov.u32 s15;
	s15 =	smov.u32 s11  }
0x391: {  	v23 =	vld [tilespmem:s3+$0x0];
	(erf) = vpow2.f32 v24;
	v24 =	vperm.xlane v10, v4  }
0x392: {  	v29 =	vperm.xlane v9, v8;
	v28 =	vld [tilespmem:s1+$0x0];
	v21 =	vmul.f32 v21, v25  }
0x393: {  	v19 =	vmul.f32 v19, v27;
	v25 =	vld [tilespmem:s14+$0xFFFFFFA0];
	[tilespmem:s14+$0x10] =	vst v20;
	v20 =	vmul.f32 v22, v24  }
0x394: {  	v11 =	vmul.f32 v11, v16;
	v22 =	vld [tilespmem:s3+$0xFFFFFFF0];
	v24 =	vmul.f32 v26, v29;
	[tilespmem:s14+$0x50] =	vst v21  }
0x395: {  	v16 =	vperm.xlane v9, v3;
	v14 =	vmul.f32 v14, v17;
	v21 =	vld [tilespmem:s14+$0xFFFFFFB0];
	[tilespmem:s14+$0x60] =	vst v19  }
0x396: {  	v26 =	vperm.xlane v9, v1;
	v17 =	vld [tilespmem:s14+$0xFFFFFF90];
	[tilespmem:s14+$0x30] =	vst v20  }
0x397: {  	v20 =	vperm.xlane v9, v5;
	v19 =	vld [tilespmem:s14+$0xFFFFFFD0];
	[tilespmem:s14+$0xFFFFFFF0] =	vst v24;
	v24 =	vperm.xlane v10, v3  }
0x398: {  	v16 =	vmul.f32 v25, v16;
	v25 =	vperm.xlane v9, v4;
	v27 =	vld [tilespmem:s14+$0xFFFFFFE0];
	[tilespmem:s14+$0x40] =	vst v14  }
0x399: {  	v15 =	vmul.f32 v12, v15;
	v10 =	vpop (erf);
	v29 =	vld [tilespmem:s14+$0xFFFFFF80];
	[tilespmem:s14+$0x0] =	vst v11;
	v13 =	vmul.f32 v13, v24  }
0x39a: {  	v30 =	vperm.xlane v9, v6;
	v14 =	vperm.xlane v9, v2;
	[tilespmem:s4+$0x0] =	vst v10;
	v12 =	vpop (erf);
	v24 =	vld [tilespmem:s14+$0xFFFFFFC0]  }
0x39b: {  	v31 =	vperm.xlane v9, v7;
	v23 =	vadd.f32 v28, v23;
	v21 =	vmul.f32 v21, v25;
	v11 =	vld [tilespmem:s11+$0x0];
	[tilespmem:s14+$0x20] =	vst v13  }
0x39c: {  	v22 =	vadd.f32 v18, v22;
	v28 =	vmul.f32 v17, v14;
	v25 =	vld [tilespmem:s11+$0x10];
	[tilespmem:s14+$0xFFFFFFA0] =	vst v16;
	v18 =	vmul.f32 v19, v30  }
0x39d: {  	v13 =	vmin.f32 v23, $0.0e+00;
	v9 =	vmovc v12;
	v30 =	vperm.xlane v10, v2;
	v14 =	vld [tilespmem:s11+$0x40];
	[tilespmem:s14+$0xFFFFFFB0] =	vst v21;
	v21 =	vmul.f32 v27, v31  }
.Ltmp7:
0x39e: {  	v12 =	vmin.f32 v22, $0.0e+00;
	v19 =	vmul.f32 $2.000000030e-01, v13;
	v16 =	vperm.xlane v10, v1;
	[tilespmem:s4+$0xFFFFFFF0] =	vst v9;
	v13 =	vld [tilespmem:s11+$0x20];
	s4 =	smov.u32 s3;
	(pc) =	sbr.rel @p0 .LBB2_16-.Ltmp7, $4  }
0x39f: {  	v23 =	vmax.f32 v23, $0.0e+00;
	v17 =	vperm.xlane v10, v5;
	v27 =	vmul.f32 $2.000000030e-01, v12;
	v12 =	vld [tilespmem:s11+$0x70];
	[tilespmem:s14+$0x70] =	vst v15  }
0x3a0: {  	v15 =	vmax.f32 v22, $0.0e+00;
	v22 =	vadd.f32 v19, v23;
	v31 =	vmul.f32 v24, v20;
	v19 =	vld [tilespmem:s11+$0x60];
	[tilespmem:s14+$0xFFFFFFE0] =	vst v21  }
0x3a1: {  	v24 =	vadd.f32 v27, v15;
	v15 =	vperm.xlane v10, v8;
	v20 =	vmul.f32 v25, v30;
	v21 =	vld [tilespmem:s11+$0x50];
	[tilespmem:s14+$0xFFFFFF90] =	vst v28  }
0x3a2: {  	v23 =	vmul.f32 v29, v26;
	v25 =	vmul.f32 $1.442695020e+00, v22;
	s11 =	sadd.s32 $0x100, s11;
	v22 =	vld [tilespmem:s15+$0x30];
	[tilespmem:s14+$0xFFFFFFC0] =	vst v31  }
0x3a3: {  	v24 =	vmul.f32 $1.442695020e+00, v24;
	v27 =	vperm.xlane v10, v7  }
0x3a4: {  	[tilespmem:s14+$0xFFFFFFD0] =	vst v18;
	v18 =	vperm.xlane v10, v4;
	v14 =	vmul.f32 v14, v17  }
0x3a5: {  	v26 =	vld [tilespmem:s15+$0xFFFFFFF0];
	[tilespmem:s15+$0x10] =	vst v20;
	v11 =	vmul.f32 v11, v16;
	(erf) = vpow2.f32 v25  }
0x3a6: {  	v20 =	vld [tilespmem:s15+$0xFFFFFFB0];
	v25 =	vperm.xlane v10, v6;
	[tilespmem:s14+$0xFFFFFF80] =	vst v23;
	v23 =	vperm.xlane v9, v8  }
0x3a7: {  	v10 =	vperm.xlane v10, v3;
	v19 =	vmul.f32 v19, v27;
	[tilespmem:s15+$0x40] =	vst v14  }
0x3a8: {  	(erf) = vpow2.f32 v24;
	[tilespmem:s15+$0x0] =	vst v11;
	v21 =	vmul.f32 v21, v25;
	v25 =	vld [tilespmem:s15+$0xFFFFFFA0]  }
0x3a9: {  	v14 =	vperm.xlane v9, v4;
	v10 =	vmul.f32 v13, v10;
	[tilespmem:s15+$0x60] =	vst v19  }
0x3aa: {  	v16 =	vperm.xlane v9, v3;
	v13 =	vld [tilespmem:s15+$0xFFFFFFC0];
	v18 =	vmul.f32 v22, v18;
	[tilespmem:s15+$0x50] =	vst v21  }
0x3ab: {  	v21 =	vmul.f32 v26, v23;
	v14 =	vmul.f32 v20, v14;
	[tilespmem:s15+$0x20] =	vst v10  }
0x3ac: {  	[tilespmem:s15+$0x30] =	vst v18  }
0x3ad: {  	v19 =	vld [tilespmem:s15+$0xFFFFFF90];
	[tilespmem:s15+$0xFFFFFFB0] =	vst v14;
	v14 =	vperm.xlane v9, v5;
	v11 =	vmul.f32 v25, v16  }
0x3ae: {  	v18 =	vld [tilespmem:s15+$0xFFFFFFE0];
	[tilespmem:s15+$0xFFFFFFF0] =	vst v21  }
0x3af: {  	v22 =	vld [tilespmem:s15+$0xFFFFFF80];
	v13 =	vmul.f32 v13, v14;
	v21 =	vpop (erf);
	[tilespmem:s15+$0xFFFFFFA0] =	vst v11  }
0x3b0: {  	v17 =	vld [tilespmem:s15+$0xFFFFFFD0];
	v11 =	vmul.f32 v12, v15;
	v15 =	vperm.xlane v9, v2;
	[tilespmem:s4+$0x0] =	vst v21  }
0x3b1: {  	v24 =	vperm.xlane v9, v6;
	v10 =	vperm.xlane v9, v7;
	[tilespmem:s15+$0xFFFFFFC0] =	vst v13;
	v20 =	vld [tilespmem:s11+$0x10]  }
0x3b2: {  	v9 =	vperm.xlane v9, v1;
	v12 =	vpop (erf);
	v15 =	vmul.f32 v19, v15;
	[tilespmem:s15+$0x70] =	vst v11;
	v11 =	vld [tilespmem:s11+$0x50]  }
0x3b3: {  	v10 =	vmul.f32 v18, v10;
	[tilespmem:s4+$0xFFFFFFF0] =	vst v12;
	v19 =	vld [tilespmem:s11+$0x60]  }
0x3b4: {  	v14 =	vperm.xlane v21, v2;
	v9 =	vmul.f32 v22, v9;
	[tilespmem:s15+$0xFFFFFF90] =	vst v15;
	v15 =	vld [tilespmem:s11+$0xFFFFFFF0]  }
0x3b5: {  	v13 =	vperm.xlane v21, v6;
	[tilespmem:s15+$0xFFFFFFE0] =	vst v10;
	v10 =	vmul.f32 v17, v24;
	v17 =	vld [tilespmem:s11+$0x30]  }
0x3b6: {  	v23 =	vld [tilespmem:s11+$0x40];
	[tilespmem:s15+$0xFFFFFF80] =	vst v9;
	v14 =	vmul.f32 v20, v14;
	v20 =	vperm.xlane v21, v7  }
0x3b7: {  	v16 =	vld [tilespmem:s11+$0x0];
	v9 =	vperm.xlane v12, v8;
	[tilespmem:s15+$0xFFFFFFD0] =	vst v10;
	v10 =	vmul.f32 v11, v13  }
0x3b8: {  	v18 =	vld [tilespmem:s11+$0x20];
	v13 =	vperm.xlane v21, v4;
	[tilespmem:s11+$0x10] =	vst v14;
	v14 =	vmul.f32 v19, v20  }
0x3b9: {  	v11 =	vld [tilespmem:s11+$0xFFFFFFA0];
	v20 =	vperm.xlane v21, v5;
	v9 =	vmul.f32 v15, v9;
	[tilespmem:s11+$0x50] =	vst v10  }
0x3ba: {  	v19 =	vld [tilespmem:s11+$0xFFFFFFB0];
	v15 =	vperm.xlane v21, v1;
	v13 =	vmul.f32 v17, v13;
	[tilespmem:s11+$0x60] =	vst v14  }
0x3bb: {  	v22 =	vld [tilespmem:s11+$0x70];
	v17 =	vmul.f32 v23, v20;
	[tilespmem:s11+$0xFFFFFFF0] =	vst v9;
	v9 =	vperm.xlane v21, v3  }
0x3bc: {  	v15 =	vmul.f32 v16, v15;
	v16 =	vperm.xlane v12, v3;
	[tilespmem:s11+$0x30] =	vst v13;
	v13 =	vld [tilespmem:s11+$0xFFFFFFE0]  }
0x3bd: {  	v10 =	vld [tilespmem:s11+$0xFFFFFF90];
	v20 =	vperm.xlane v12, v4;
	[tilespmem:s11+$0x40] =	vst v17;
	v9 =	vmul.f32 v18, v9  }
0x3be: {  	v17 =	vperm.xlane v21, v8;
	v11 =	vmul.f32 v11, v16;
	[tilespmem:s11+$0x0] =	vst v15;
	v15 =	vld [tilespmem:s11+$0xFFFFFFC0]  }
0x3bf: {  	v14 =	vld [tilespmem:s11+$0xFFFFFFD0];
	v18 =	vmul.f32 v19, v20;
	v19 =	vperm.xlane v12, v7;
	[tilespmem:s11+$0x20] =	vst v9  }
0x3c0: {  	v16 =	vld [tilespmem:s11+$0xFFFFFF80];
	v9 =	vmul.f32 v22, v17;
	v17 =	vperm.xlane v12, v2;
	[tilespmem:s11+$0xFFFFFFA0] =	vst v11  }
0x3c1: {  	v11 =	vperm.xlane v12, v5;
	[tilespmem:s11+$0xFFFFFFB0] =	vst v18;
	v13 =	vmul.f32 v13, v19  }
0x3c2: {  	v18 =	vperm.xlane v12, v6;
	v10 =	vmul.f32 v10, v17;
	[tilespmem:s11+$0x70] =	vst v9  }
0x3c3: {  	v9 =	vperm.xlane v12, v1;
	v11 =	vmul.f32 v15, v11;
	[tilespmem:s11+$0xFFFFFFE0] =	vst v13  }
0x3c4: {  	v12 =	vmul.f32 v14, v18;
	[tilespmem:s11+$0xFFFFFF90] =	vst v10  }
0x3c5: {  	v9 =	vmul.f32 v16, v9;
	[tilespmem:s11+$0xFFFFFFC0] =	vst v11  }
0x3c6: {  	[tilespmem:s11+$0xFFFFFFD0] =	vst v12  }
0x3c7: {  	s1 =	simm.s32 $0x51E0;
	[tilespmem:s11+$0xFFFFFF80] =	vst v9  }
0x3c8: {  	[spmem:s2] =	stream.indirect.scatter.add.f32 [tilespmem:s1], [sflag:$0xD], $0x80, s12, s25, $0xb8;
	v63 =	vld [tilespmem:$0x0]  }
0x3c9: {  	_ =	swait.ge [sflag:s22], $0x2800  }
0x3ca: {  	[sflag:s22] =	ssyncset.done $0x0  }
0x3cb: {  	s3 =	simm.s32 $0x83E0;
	[sflag:s22] =	ssyncadd.s32 $0xFFFFD800  }
0x3cc: {  	[spmem:s0] =	stream.indirect.scatter.add.f32 [tilespmem:s3], [sflag:$0xD], $0x10, s12, s25, $0xb8;
	v63 =	vld [tilespmem:$0x0]  }
0x3cd: {  	_ =	swait.ge [sflag:s22], $0x500  }
0x3ce: {  	[sflag:s22] =	ssyncset.done $0x0  }
0x3cf: {  	[sflag:s22] =	ssyncadd.s32 $0xFFFFFB00  }
0x3d0: {  	_ =	swait.ge [sflag:s13], $0x50  }
0x3d1: {  	[sflag:s13] =	ssyncset.done $0x0  }
0x3d2: {  	[sflag:s13] =	ssyncadd.s32 $0xFFFFFFB0  }
0x3d3: {  	_ =	swait.ge [sflag:s13], $0x50  }
0x3d4: {  	[sflag:s13] =	ssyncset.done $0x0  }
0x3d5: {  	[sflag:s13] =	ssyncadd.s32 $0xFFFFFFB0  }
0x3d6: {  	s3 =	simm.s32 $0x29E0;
	s4 =	rddreg [dreg:$0x1]  }
0x3d7: {  	[tilespmem:s3], [sflag:$0x5] =	stream.indirect.gather [hbm4b:s4+s25], $0x80, s25, s25, $0xb8;
	v63 =	vld [tilespmem:$0x0]  }
0x3d8: {  	s11 =	simm.s32 $0x7EE0  }
0x3d9: {  	[tilespmem:s11], [sflag:$0x8] =	stream.indirect.gather [hbm4b:s8+s25], $0x10, s25, s25, $0xb8;
	v63 =	vld [tilespmem:$0x0]  }
0x3da: {  	s14 =	simm.s32 $0x8DE0  }
0x3db: {  	[tilespmem:s14], [sflag:$0xB] =	stream.indirect.gather [hbm4b:s9+s25], $0x10, s26, s25, $0xb8;
	v63 =	vld [tilespmem:$0x0]  }
0x3dc: {  	_ =	swait.ge [sflag:s17], $0x2800  }
0x3dd: {  	[sflag:s17] =	ssyncset.done $0x0  }
0x3de: {  	[sflag:s17] =	ssyncadd.s32 $0xFFFFD800  }
0x3df: {  	_ =	swait.ge [sflag:s18], $0x500  }
0x3e0: {  	[sflag:s18] =	ssyncset.done $0x0  }
0x3e1: {  	[sflag:s18] =	ssyncadd.s32 $0xFFFFFB00  }
0x3e2: {  	_ =	swait.ge [sflag:s19], $0x500  }
0x3e3: {  	[sflag:s19] =	ssyncset.done $0x0  }
0x3e4: {  	s15 =	simm.s32 $0x79F0;
	[sflag:s19] =	ssyncadd.s32 $0xFFFFFB00  }
0x3e5: {  	s4 =	simm.s32 $0x88F0;
	v9 =	vld [tilespmem:s15+$0x0]  }
0x3e6: {  	v10 =	vld [tilespmem:s4+$0x0];
	_ =	sdelay $0x4  }
0x3e7: {  	v9 =	vadd.f32 v10, v9  }
0x3e8: {  	v12 =	vld [tilespmem:s15+$0xFFFFFFF0]  }
0x3e9: {  	v10 =	vld [tilespmem:s4+$0xFFFFFFF0];
	v11 =	vmin.f32 v9, $0.0e+00  }
0x3ea: {  	v11 =	vmul.f32 $2.000000030e-01, v11  }
0x3eb: {  	v9 =	vmax.f32 v9, $0.0e+00  }
0x3ec: {  	v9 =	vadd.f32 v11, v9;
	_ =	sdelay $0x1  }
0x3ed: {  	v10 =	vadd.f32 v10, v12;
	v9 =	vmul.f32 $1.442695020e+00, v9;
	_ =	sdelay $0x1  }
0x3ee: {  	(erf) = vpow2.f32 v9;
	v9 =	vmin.f32 v10, $0.0e+00  }
0x3ef: {  	v9 =	vmul.f32 $2.000000030e-01, v9  }
0x3f0: {  	s21 =	simm.s32 $0x8910;
	v10 =	vmax.f32 v10, $0.0e+00  }
0x3f1: {  	s11 =	simm.s32 $0x7A10;
	v11 =	vld [tilespmem:s21+$0x0];
	v9 =	vadd.f32 v9, v10  }
0x3f2: {  	v10 =	vld [tilespmem:s11+$0x0]  }
0x3f3: {  	v9 =	vmul.f32 $1.442695020e+00, v9  }
0x3f4: {  	v12 =	vld [tilespmem:s21+$0xFFFFFFF0]  }
0x3f5: {  	s1 =	simm.s32 $0x8930;
	(erf) = vpow2.f32 v9;
	v9 =	vld [tilespmem:s11+$0xFFFFFFF0]  }
0x3f6: {  	s3 =	simm.s32 $0x7A30;
	v25 =	vld [tilespmem:s1+$0xFFFFFFF0]  }
0x3f7: {  	v27 =	vld [tilespmem:s3+$0x0];
	v10 =	vadd.f32 v11, v10;
	v13 =	vpop (erf)  }
0x3f8: {  	s14 =	simm.s32 $0x260;
	v29 =	vld [tilespmem:s1+$0x0];
	[tilespmem:s15+$0x0] =	vst v13  }
0x3f9: {  	v15 =	vmin.f32 v10, $0.0e+00;
	v11 =	vld [tilespmem:s14+$0x0]  }
0x3fa: {  	v14 =	vld [tilespmem:s14+$0x10];
	v9 =	vadd.f32 v12, v9;
	v12 =	vmul.f32 $2.000000030e-01, v15  }
0x3fb: {  	v10 =	vmax.f32 v10, $0.0e+00;
	v18 =	vperm.xlane v13, v2;
	v16 =	vld [tilespmem:s14+$0x40]  }
0x3fc: {  	v21 =	vperm.xlane v13, v1;
	v23 =	vperm.xlane v13, v5;
	v17 =	vld [tilespmem:s14+$0x70];
	v10 =	vadd.f32 v12, v10  }
0x3fd: {  	v26 =	vperm.xlane v13, v7;
	v28 =	vperm.xlane v13, v4;
	v22 =	vld [tilespmem:s14+$0x50];
	v19 =	vmin.f32 v9, $0.0e+00  }
0x3fe: {  	v24 =	vld [tilespmem:s14+$0x30];
	v19 =	vmul.f32 $2.000000030e-01, v19;
	v20 =	vpop (erf);
	v10 =	vmul.f32 $1.442695020e+00, v10  }
0x3ff: {  	v12 =	vld [tilespmem:s14+$0x60];
	v9 =	vmax.f32 v9, $0.0e+00;
	v14 =	vmul.f32 v14, v18;
	v18 =	vperm.xlane v13, v8;
	[tilespmem:s15+$0xFFFFFFF0] =	vst v20  }
0x400: {  	v11 =	vmul.f32 v11, v21;
	v9 =	vadd.f32 v19, v9;
	v19 =	vld [tilespmem:s14+$0xFFFFFFF0];
	(erf) = vpow2.f32 v10  }
0x401: {  	v15 =	vld [tilespmem:s14+$0x20];
	v16 =	vmul.f32 v16, v23;
	v10 =	vperm.xlane v13, v6  }
0x402: {  	v30 =	vld [tilespmem:s14+$0xFFFFFFA0];
	v13 =	vperm.xlane v13, v3;
	v9 =	vmul.f32 $1.442695020e+00, v9  }
0x403: {  	[tilespmem:s14+$0x10] =	vst v14;
	v14 =	vld [tilespmem:s14+$0xFFFFFFB0];
	v10 =	vmul.f32 v22, v10;
	v22 =	vperm.xlane v20, v8  }
0x404: {  	v21 =	vld [tilespmem:s14+$0xFFFFFFD0];
	[tilespmem:s14+$0x40] =	vst v16;
	v12 =	vmul.f32 v12, v26;
	(erf) = vpow2.f32 v9  }
0x405: {  	v60 =	vld [tilespmem:s14+$0xFFFFFFC0];
	v9 =	vmul.f32 v24, v28;
	[tilespmem:s14+$0x50] =	vst v10;
	v10 =	vmul.f32 v19, v22  }
0x406: {  	v26 =	vld [tilespmem:s14+$0xFFFFFF80];
	v13 =	vmul.f32 v15, v13;
	[tilespmem:s14+$0x60] =	vst v12  }
0x407: {  	v23 =	vperm.xlane v20, v1;
	v16 =	vperm.xlane v20, v4;
	[tilespmem:s14+$0x30] =	vst v9;
	v9 =	vld [tilespmem:s3+$0xFFFFFFF0]  }
0x408: {  	v15 =	vmul.f32 v17, v18;
	v17 =	vperm.xlane v20, v2;
	v12 =	vld [tilespmem:s14+$0xFFFFFF90];
	[tilespmem:s14+$0x20] =	vst v13  }
0x409: {  	v18 =	vperm.xlane v20, v6;
	v24 =	vld [tilespmem:s14+$0xFFFFFFE0];
	v13 =	vperm.xlane v20, v7;
	[tilespmem:s14+$0xFFFFFFF0] =	vst v10;
	v10 =	vpop (erf)  }
0x40a: {  	s15 =	simm.s32 $0x360;
	v19 =	vperm.xlane v20, v3;
	v22 =	vperm.xlane v20, v5;
	[tilespmem:s11+$0x0] =	vst v10  }
0x40b: {  	v27 =	vadd.f32 v29, v27;
	[tilespmem:s14+$0x0] =	vst v11;
	v16 =	vmul.f32 v14, v16;
	v18 =	vmul.f32 v21, v18;
	v11 =	vld [tilespmem:s15+$0x0]  }
0x40c: {  	[tilespmem:s14+$0x70] =	vst v15;
	v23 =	vmul.f32 v26, v23;
	v19 =	vmul.f32 v30, v19;
	v20 =	vadd.f32 v25, v9;
	v25 =	vld [tilespmem:s15+$0x10]  }
0x40d: {  	[tilespmem:s14+$0xFFFFFFB0] =	vst v16;
	v28 =	vmul.f32 v60, v22;
	v61 =	vmul.f32 v12, v17;
	v12 =	vmin.f32 v27, $0.0e+00;
	v14 =	vld [tilespmem:s15+$0x40]  }
0x40e: {  	v24 =	vmul.f32 v24, v13;
	[tilespmem:s14+$0xFFFFFFA0] =	vst v19;
	v19 =	vmul.f32 $2.000000030e-01, v12;
	v13 =	vld [tilespmem:s15+$0x20];
	v17 =	vmin.f32 v20, $0.0e+00  }
0x40f: {  	v27 =	vmax.f32 v27, $0.0e+00;
	[tilespmem:s14+$0xFFFFFFC0] =	vst v28;
	v21 =	vperm.xlane v10, v2;
	v12 =	vld [tilespmem:s15+$0x70];
	v62 =	vmul.f32 $2.000000030e-01, v17  }
0x410: {  	v16 =	vperm.xlane v10, v1;
	[tilespmem:s14+$0xFFFFFFE0] =	vst v24;
	v27 =	vadd.f32 v19, v27;
	v19 =	vld [tilespmem:s15+$0x60];
	v22 =	vmax.f32 v20, $0.0e+00  }
0x411: {  	v15 =	vperm.xlane v10, v8;
	[tilespmem:s14+$0xFFFFFF90] =	vst v61;
	v9 =	vpop (erf);
	v24 =	vadd.f32 v62, v22;
	v20 =	vmul.f32 v25, v21;
	v21 =	vld [tilespmem:s15+$0x50]  }
0x412: {  	s4 =	simm.s32 $0x7A30;
	s21 =	simm.s32 $0x4;
	[tilespmem:s11+$0xFFFFFFF0] =	vst v9;
	v17 =	vperm.xlane v10, v5;
	s11 =	simm.s32 $0x460;
	v22 =	vld [tilespmem:s15+$0x30];
	v25 =	vmul.f32 $1.442695020e+00, v27  }
.LBB2_18:
0x413: {  	s21 =	sadd.s32 $0x2, s21;
	v24 =	vmul.f32 $1.442695020e+00, v24;
	s1 =	sadd.s32 $0x20, s1;
	s3 =	sadd.s32 $0x20, s3;
	v26 =	vld [tilespmem:s15+$0xFFFFFFF0];
	v27 =	vperm.xlane v10, v7;
	[tilespmem:s14+$0xFFFFFFD0] =	vst v18  }
0x414: {  	v18 =	vld [tilespmem:s1+$0xFFFFFFF0];
	p0 =	slt.u32 s21, $0x4E;
	(erf) = vpow2.f32 v25;
	v25 =	vperm.xlane v10, v6;
	[tilespmem:s14+$0xFFFFFF80] =	vst v23;
	s14 =	smov.u32 s15;
	s15 =	smov.u32 s11  }
0x415: {  	v23 =	vld [tilespmem:s3+$0x0];
	(erf) = vpow2.f32 v24;
	v24 =	vperm.xlane v10, v4  }
0x416: {  	v29 =	vperm.xlane v9, v8;
	v28 =	vld [tilespmem:s1+$0x0];
	v21 =	vmul.f32 v21, v25  }
0x417: {  	v19 =	vmul.f32 v19, v27;
	v25 =	vld [tilespmem:s14+$0xFFFFFFA0];
	[tilespmem:s14+$0x10] =	vst v20;
	v20 =	vmul.f32 v22, v24  }
0x418: {  	v11 =	vmul.f32 v11, v16;
	v22 =	vld [tilespmem:s3+$0xFFFFFFF0];
	v24 =	vmul.f32 v26, v29;
	[tilespmem:s14+$0x50] =	vst v21  }
0x419: {  	v16 =	vperm.xlane v9, v3;
	v14 =	vmul.f32 v14, v17;
	v21 =	vld [tilespmem:s14+$0xFFFFFFB0];
	[tilespmem:s14+$0x60] =	vst v19  }
0x41a: {  	v26 =	vperm.xlane v9, v1;
	v17 =	vld [tilespmem:s14+$0xFFFFFF90];
	[tilespmem:s14+$0x30] =	vst v20  }
0x41b: {  	v20 =	vperm.xlane v9, v5;
	v19 =	vld [tilespmem:s14+$0xFFFFFFD0];
	[tilespmem:s14+$0xFFFFFFF0] =	vst v24;
	v24 =	vperm.xlane v10, v3  }
0x41c: {  	v16 =	vmul.f32 v25, v16;
	v25 =	vperm.xlane v9, v4;
	v27 =	vld [tilespmem:s14+$0xFFFFFFE0];
	[tilespmem:s14+$0x40] =	vst v14  }
0x41d: {  	v15 =	vmul.f32 v12, v15;
	v10 =	vpop (erf);
	v29 =	vld [tilespmem:s14+$0xFFFFFF80];
	[tilespmem:s14+$0x0] =	vst v11;
	v13 =	vmul.f32 v13, v24  }
0x41e: {  	v30 =	vperm.xlane v9, v6;
	v14 =	vperm.xlane v9, v2;
	[tilespmem:s4+$0x0] =	vst v10;
	v12 =	vpop (erf);
	v24 =	vld [tilespmem:s14+$0xFFFFFFC0]  }
0x41f: {  	v31 =	vperm.xlane v9, v7;
	v23 =	vadd.f32 v28, v23;
	v21 =	vmul.f32 v21, v25;
	v11 =	vld [tilespmem:s11+$0x0];
	[tilespmem:s14+$0x20] =	vst v13  }
0x420: {  	v22 =	vadd.f32 v18, v22;
	v28 =	vmul.f32 v17, v14;
	v25 =	vld [tilespmem:s11+$0x10];
	[tilespmem:s14+$0xFFFFFFA0] =	vst v16;
	v18 =	vmul.f32 v19, v30  }
0x421: {  	v13 =	vmin.f32 v23, $0.0e+00;
	v9 =	vmovc v12;
	v30 =	vperm.xlane v10, v2;
	v14 =	vld [tilespmem:s11+$0x40];
	[tilespmem:s14+$0xFFFFFFB0] =	vst v21;
	v21 =	vmul.f32 v27, v31  }
.Ltmp8:
0x422: {  	v12 =	vmin.f32 v22, $0.0e+00;
	v19 =	vmul.f32 $2.000000030e-01, v13;
	v16 =	vperm.xlane v10, v1;
	[tilespmem:s4+$0xFFFFFFF0] =	vst v9;
	v13 =	vld [tilespmem:s11+$0x20];
	s4 =	smov.u32 s3;
	(pc) =	sbr.rel @p0 .LBB2_18-.Ltmp8, $4  }
0x423: {  	v23 =	vmax.f32 v23, $0.0e+00;
	v17 =	vperm.xlane v10, v5;
	v27 =	vmul.f32 $2.000000030e-01, v12;
	v12 =	vld [tilespmem:s11+$0x70];
	[tilespmem:s14+$0x70] =	vst v15  }
0x424: {  	v15 =	vmax.f32 v22, $0.0e+00;
	v22 =	vadd.f32 v19, v23;
	v31 =	vmul.f32 v24, v20;
	v19 =	vld [tilespmem:s11+$0x60];
	[tilespmem:s14+$0xFFFFFFE0] =	vst v21  }
0x425: {  	v24 =	vadd.f32 v27, v15;
	v15 =	vperm.xlane v10, v8;
	v20 =	vmul.f32 v25, v30;
	v21 =	vld [tilespmem:s11+$0x50];
	[tilespmem:s14+$0xFFFFFF90] =	vst v28  }
0x426: {  	v23 =	vmul.f32 v29, v26;
	v25 =	vmul.f32 $1.442695020e+00, v22;
	s11 =	sadd.s32 $0x100, s11;
	v22 =	vld [tilespmem:s15+$0x30];
	[tilespmem:s14+$0xFFFFFFC0] =	vst v31  }
0x427: {  	v24 =	vmul.f32 $1.442695020e+00, v24;
	v27 =	vperm.xlane v10, v7  }
0x428: {  	[tilespmem:s14+$0xFFFFFFD0] =	vst v18;
	v18 =	vperm.xlane v10, v4;
	v14 =	vmul.f32 v14, v17  }
0x429: {  	v26 =	vld [tilespmem:s15+$0xFFFFFFF0];
	[tilespmem:s15+$0x10] =	vst v20;
	v11 =	vmul.f32 v11, v16;
	(erf) = vpow2.f32 v25  }
0x42a: {  	v20 =	vld [tilespmem:s15+$0xFFFFFFB0];
	v25 =	vperm.xlane v10, v6;
	[tilespmem:s14+$0xFFFFFF80] =	vst v23;
	v23 =	vperm.xlane v9, v8  }
0x42b: {  	v10 =	vperm.xlane v10, v3;
	v19 =	vmul.f32 v19, v27;
	[tilespmem:s15+$0x40] =	vst v14  }
0x42c: {  	(erf) = vpow2.f32 v24;
	[tilespmem:s15+$0x0] =	vst v11;
	v21 =	vmul.f32 v21, v25;
	v25 =	vld [tilespmem:s15+$0xFFFFFFA0]  }
0x42d: {  	v14 =	vperm.xlane v9, v4;
	v10 =	vmul.f32 v13, v10;
	[tilespmem:s15+$0x60] =	vst v19  }
0x42e: {  	v16 =	vperm.xlane v9, v3;
	v13 =	vld [tilespmem:s15+$0xFFFFFFC0];
	v18 =	vmul.f32 v22, v18;
	[tilespmem:s15+$0x50] =	vst v21  }
0x42f: {  	v21 =	vmul.f32 v26, v23;
	v14 =	vmul.f32 v20, v14;
	[tilespmem:s15+$0x20] =	vst v10  }
0x430: {  	[tilespmem:s15+$0x30] =	vst v18  }
0x431: {  	v19 =	vld [tilespmem:s15+$0xFFFFFF90];
	[tilespmem:s15+$0xFFFFFFB0] =	vst v14;
	v14 =	vperm.xlane v9, v5;
	v11 =	vmul.f32 v25, v16  }
0x432: {  	v18 =	vld [tilespmem:s15+$0xFFFFFFE0];
	[tilespmem:s15+$0xFFFFFFF0] =	vst v21  }
0x433: {  	v22 =	vld [tilespmem:s15+$0xFFFFFF80];
	v13 =	vmul.f32 v13, v14;
	v21 =	vpop (erf);
	[tilespmem:s15+$0xFFFFFFA0] =	vst v11  }
0x434: {  	v17 =	vld [tilespmem:s15+$0xFFFFFFD0];
	v11 =	vmul.f32 v12, v15;
	v15 =	vperm.xlane v9, v2;
	[tilespmem:s4+$0x0] =	vst v21  }
0x435: {  	v24 =	vperm.xlane v9, v6;
	v10 =	vperm.xlane v9, v7;
	[tilespmem:s15+$0xFFFFFFC0] =	vst v13;
	v20 =	vld [tilespmem:s11+$0x10]  }
0x436: {  	v9 =	vperm.xlane v9, v1;
	v12 =	vpop (erf);
	v15 =	vmul.f32 v19, v15;
	[tilespmem:s15+$0x70] =	vst v11;
	v11 =	vld [tilespmem:s11+$0x50]  }
0x437: {  	v10 =	vmul.f32 v18, v10;
	[tilespmem:s4+$0xFFFFFFF0] =	vst v12;
	v19 =	vld [tilespmem:s11+$0x60]  }
0x438: {  	v14 =	vperm.xlane v21, v2;
	v9 =	vmul.f32 v22, v9;
	[tilespmem:s15+$0xFFFFFF90] =	vst v15;
	v15 =	vld [tilespmem:s11+$0xFFFFFFF0]  }
0x439: {  	v13 =	vperm.xlane v21, v6;
	[tilespmem:s15+$0xFFFFFFE0] =	vst v10;
	v10 =	vmul.f32 v17, v24;
	v17 =	vld [tilespmem:s11+$0x30]  }
0x43a: {  	v23 =	vld [tilespmem:s11+$0x40];
	[tilespmem:s15+$0xFFFFFF80] =	vst v9;
	v14 =	vmul.f32 v20, v14;
	v20 =	vperm.xlane v21, v7  }
0x43b: {  	v16 =	vld [tilespmem:s11+$0x0];
	v9 =	vperm.xlane v12, v8;
	[tilespmem:s15+$0xFFFFFFD0] =	vst v10;
	v10 =	vmul.f32 v11, v13  }
0x43c: {  	v18 =	vld [tilespmem:s11+$0x20];
	v13 =	vperm.xlane v21, v4;
	[tilespmem:s11+$0x10] =	vst v14;
	v14 =	vmul.f32 v19, v20  }
0x43d: {  	v11 =	vld [tilespmem:s11+$0xFFFFFFA0];
	v20 =	vperm.xlane v21, v5;
	v9 =	vmul.f32 v15, v9;
	[tilespmem:s11+$0x50] =	vst v10  }
0x43e: {  	v19 =	vld [tilespmem:s11+$0xFFFFFFB0];
	v15 =	vperm.xlane v21, v1;
	v13 =	vmul.f32 v17, v13;
	[tilespmem:s11+$0x60] =	vst v14  }
0x43f: {  	v22 =	vld [tilespmem:s11+$0x70];
	v17 =	vmul.f32 v23, v20;
	[tilespmem:s11+$0xFFFFFFF0] =	vst v9;
	v9 =	vperm.xlane v21, v3  }
0x440: {  	v15 =	vmul.f32 v16, v15;
	v16 =	vperm.xlane v12, v3;
	[tilespmem:s11+$0x30] =	vst v13;
	v13 =	vld [tilespmem:s11+$0xFFFFFFE0]  }
0x441: {  	v10 =	vld [tilespmem:s11+$0xFFFFFF90];
	v20 =	vperm.xlane v12, v4;
	[tilespmem:s11+$0x40] =	vst v17;
	v9 =	vmul.f32 v18, v9  }
0x442: {  	v17 =	vperm.xlane v21, v8;
	v11 =	vmul.f32 v11, v16;
	[tilespmem:s11+$0x0] =	vst v15;
	v15 =	vld [tilespmem:s11+$0xFFFFFFC0]  }
0x443: {  	v14 =	vld [tilespmem:s11+$0xFFFFFFD0];
	v18 =	vmul.f32 v19, v20;
	v19 =	vperm.xlane v12, v7;
	[tilespmem:s11+$0x20] =	vst v9  }
0x444: {  	v16 =	vld [tilespmem:s11+$0xFFFFFF80];
	v9 =	vmul.f32 v22, v17;
	v17 =	vperm.xlane v12, v2;
	[tilespmem:s11+$0xFFFFFFA0] =	vst v11  }
0x445: {  	v11 =	vperm.xlane v12, v5;
	[tilespmem:s11+$0xFFFFFFB0] =	vst v18;
	v13 =	vmul.f32 v13, v19  }
0x446: {  	v18 =	vperm.xlane v12, v6;
	v10 =	vmul.f32 v10, v17;
	[tilespmem:s11+$0x70] =	vst v9  }
0x447: {  	v9 =	vperm.xlane v12, v1;
	v11 =	vmul.f32 v15, v11;
	[tilespmem:s11+$0xFFFFFFE0] =	vst v13  }
0x448: {  	v12 =	vmul.f32 v14, v18;
	[tilespmem:s11+$0xFFFFFF90] =	vst v10  }
0x449: {  	v9 =	vmul.f32 v16, v9;
	[tilespmem:s11+$0xFFFFFFC0] =	vst v11  }
0x44a: {  	[tilespmem:s11+$0xFFFFFFD0] =	vst v12  }
0x44b: {  	s1 =	simm.s32 $0x1E0;
	[tilespmem:s11+$0xFFFFFF80] =	vst v9  }
0x44c: {  	[spmem:s2] =	stream.indirect.scatter.add.f32 [tilespmem:s1], [sflag:$0xD], $0x80, s24, s25, $0xb8;
	v63 =	vld [tilespmem:$0x0]  }
0x44d: {  	_ =	swait.ge [sflag:s22], $0x2800  }
0x44e: {  	[sflag:s22] =	ssyncset.done $0x0  }
0x44f: {  	s3 =	simm.s32 $0x79E0;
	[sflag:s22] =	ssyncadd.s32 $0xFFFFD800  }
0x450: {  	[spmem:s0] =	stream.indirect.scatter.add.f32 [tilespmem:s3], [sflag:$0xD], $0x10, s24, s25, $0xb8;
	v63 =	vld [tilespmem:$0x0]  }
0x451: {  	_ =	swait.ge [sflag:s22], $0x500  }
0x452: {  	[sflag:s22] =	ssyncset.done $0x0  }
0x453: {  	[sflag:s22] =	ssyncadd.s32 $0xFFFFFB00  }
0x454: {  	_ =	swait.ge [sflag:s29], $0x2800  }
0x455: {  	[sflag:s29] =	ssyncset.done $0x0  }
0x456: {  	[sflag:s29] =	ssyncadd.s32 $0xFFFFD800  }
0x457: {  	_ =	swait.ge [sflag:s16], $0x500  }
0x458: {  	[sflag:s16] =	ssyncset.done $0x0  }
0x459: {  	[sflag:s16] =	ssyncadd.s32 $0xFFFFFB00  }
0x45a: {  	_ =	swait.ge [sflag:s31], $0x500  }
0x45b: {  	[sflag:s31] =	ssyncset.done $0x0  }
0x45c: {  	s4 =	simm.s32 $0x7EF0;
	[sflag:s31] =	ssyncadd.s32 $0xFFFFFB00  }
0x45d: {  	s3 =	simm.s32 $0x8DF0;
	v9 =	vld [tilespmem:s4+$0x0]  }
0x45e: {  	v10 =	vld [tilespmem:s3+$0x0];
	_ =	sdelay $0x4  }
0x45f: {  	v9 =	vadd.f32 v10, v9  }
0x460: {  	v12 =	vld [tilespmem:s4+$0xFFFFFFF0]  }
0x461: {  	v10 =	vld [tilespmem:s3+$0xFFFFFFF0];
	v11 =	vmin.f32 v9, $0.0e+00  }
0x462: {  	v11 =	vmul.f32 $2.000000030e-01, v11  }
0x463: {  	v9 =	vmax.f32 v9, $0.0e+00  }
0x464: {  	v9 =	vadd.f32 v11, v9;
	_ =	sdelay $0x1  }
0x465: {  	v10 =	vadd.f32 v10, v12;
	v9 =	vmul.f32 $1.442695020e+00, v9;
	_ =	sdelay $0x1  }
0x466: {  	(erf) = vpow2.f32 v9;
	v9 =	vmin.f32 v10, $0.0e+00  }
0x467: {  	v9 =	vmul.f32 $2.000000030e-01, v9  }
0x468: {  	s21 =	simm.s32 $0x8E10;
	v10 =	vmax.f32 v10, $0.0e+00  }
0x469: {  	s11 =	simm.s32 $0x7F10;
	v11 =	vld [tilespmem:s21+$0x0];
	v9 =	vadd.f32 v9, v10  }
0x46a: {  	v10 =	vld [tilespmem:s11+$0x0]  }
0x46b: {  	v9 =	vmul.f32 $1.442695020e+00, v9  }
0x46c: {  	v12 =	vld [tilespmem:s21+$0xFFFFFFF0]  }
0x46d: {  	s1 =	simm.s32 $0x8E30;
	(erf) = vpow2.f32 v9;
	v9 =	vld [tilespmem:s11+$0xFFFFFFF0]  }
0x46e: {  	v25 =	vld [tilespmem:s1+$0xFFFFFFF0]  }
0x46f: {  	v29 =	vld [tilespmem:s1+$0x0];
	s3 =	simm.s32 $0x7F30;
	v10 =	vadd.f32 v11, v10;
	v13 =	vpop (erf)  }
0x470: {  	s14 =	simm.s32 $0x2A60;
	v27 =	vld [tilespmem:s3+$0x0];
	[tilespmem:s4+$0x0] =	vst v13  }
0x471: {  	v15 =	vmin.f32 v10, $0.0e+00;
	v11 =	vld [tilespmem:s14+$0x0]  }
0x472: {  	v14 =	vld [tilespmem:s14+$0x10];
	v9 =	vadd.f32 v12, v9;
	v12 =	vmul.f32 $2.000000030e-01, v15  }
0x473: {  	v10 =	vmax.f32 v10, $0.0e+00;
	v18 =	vperm.xlane v13, v2;
	v16 =	vld [tilespmem:s14+$0x40]  }
0x474: {  	v21 =	vperm.xlane v13, v1;
	v23 =	vperm.xlane v13, v5;
	v17 =	vld [tilespmem:s14+$0x70];
	v10 =	vadd.f32 v12, v10  }
0x475: {  	v26 =	vperm.xlane v13, v7;
	v28 =	vperm.xlane v13, v4;
	v22 =	vld [tilespmem:s14+$0x50];
	v19 =	vmin.f32 v9, $0.0e+00  }
0x476: {  	v24 =	vld [tilespmem:s14+$0x30];
	v19 =	vmul.f32 $2.000000030e-01, v19;
	v20 =	vpop (erf);
	v10 =	vmul.f32 $1.442695020e+00, v10  }
0x477: {  	v12 =	vld [tilespmem:s14+$0x60];
	v9 =	vmax.f32 v9, $0.0e+00;
	v14 =	vmul.f32 v14, v18;
	v18 =	vperm.xlane v13, v8;
	[tilespmem:s4+$0xFFFFFFF0] =	vst v20  }
0x478: {  	v11 =	vmul.f32 v11, v21;
	v9 =	vadd.f32 v19, v9;
	v19 =	vld [tilespmem:s14+$0xFFFFFFF0];
	(erf) = vpow2.f32 v10  }
0x479: {  	v15 =	vld [tilespmem:s14+$0x20];
	v16 =	vmul.f32 v16, v23;
	v10 =	vperm.xlane v13, v6  }
0x47a: {  	v30 =	vld [tilespmem:s14+$0xFFFFFFA0];
	v13 =	vperm.xlane v13, v3;
	v9 =	vmul.f32 $1.442695020e+00, v9  }
0x47b: {  	[tilespmem:s14+$0x10] =	vst v14;
	v14 =	vld [tilespmem:s14+$0xFFFFFFB0];
	v10 =	vmul.f32 v22, v10;
	v22 =	vperm.xlane v20, v8  }
0x47c: {  	v21 =	vld [tilespmem:s14+$0xFFFFFFD0];
	[tilespmem:s14+$0x40] =	vst v16;
	v12 =	vmul.f32 v12, v26;
	(erf) = vpow2.f32 v9  }
0x47d: {  	v60 =	vld [tilespmem:s14+$0xFFFFFFC0];
	v9 =	vmul.f32 v24, v28;
	[tilespmem:s14+$0x50] =	vst v10;
	v10 =	vmul.f32 v19, v22  }
0x47e: {  	v26 =	vld [tilespmem:s14+$0xFFFFFF80];
	v13 =	vmul.f32 v15, v13;
	[tilespmem:s14+$0x60] =	vst v12  }
0x47f: {  	v23 =	vperm.xlane v20, v1;
	v16 =	vperm.xlane v20, v4;
	[tilespmem:s14+$0x30] =	vst v9;
	v9 =	vld [tilespmem:s3+$0xFFFFFFF0]  }
0x480: {  	v15 =	vmul.f32 v17, v18;
	v17 =	vperm.xlane v20, v2;
	v12 =	vld [tilespmem:s14+$0xFFFFFF90];
	[tilespmem:s14+$0x20] =	vst v13  }
0x481: {  	v18 =	vperm.xlane v20, v6;
	v24 =	vld [tilespmem:s14+$0xFFFFFFE0];
	v13 =	vperm.xlane v20, v7;
	[tilespmem:s14+$0xFFFFFFF0] =	vst v10;
	v10 =	vpop (erf)  }
0x482: {  	s15 =	simm.s32 $0x2B60;
	v19 =	vperm.xlane v20, v3;
	v22 =	vperm.xlane v20, v5;
	[tilespmem:s11+$0x0] =	vst v10  }
0x483: {  	v27 =	vadd.f32 v29, v27;
	[tilespmem:s14+$0x0] =	vst v11;
	v16 =	vmul.f32 v14, v16;
	v18 =	vmul.f32 v21, v18;
	v11 =	vld [tilespmem:s15+$0x0]  }
0x484: {  	[tilespmem:s14+$0x70] =	vst v15;
	v23 =	vmul.f32 v26, v23;
	v19 =	vmul.f32 v30, v19;
	v20 =	vadd.f32 v25, v9;
	v25 =	vld [tilespmem:s15+$0x10]  }
0x485: {  	[tilespmem:s14+$0xFFFFFFB0] =	vst v16;
	v28 =	vmul.f32 v60, v22;
	v61 =	vmul.f32 v12, v17;
	v12 =	vmin.f32 v27, $0.0e+00;
	v14 =	vld [tilespmem:s15+$0x40]  }
0x486: {  	v24 =	vmul.f32 v24, v13;
	[tilespmem:s14+$0xFFFFFFA0] =	vst v19;
	v19 =	vmul.f32 $2.000000030e-01, v12;
	v13 =	vld [tilespmem:s15+$0x20];
	v17 =	vmin.f32 v20, $0.0e+00  }
0x487: {  	v27 =	vmax.f32 v27, $0.0e+00;
	[tilespmem:s14+$0xFFFFFFC0] =	vst v28;
	v21 =	vperm.xlane v10, v2;
	v12 =	vld [tilespmem:s15+$0x70];
	v62 =	vmul.f32 $2.000000030e-01, v17  }
0x488: {  	v16 =	vperm.xlane v10, v1;
	[tilespmem:s14+$0xFFFFFFE0] =	vst v24;
	v27 =	vadd.f32 v19, v27;
	v19 =	vld [tilespmem:s15+$0x60];
	v22 =	vmax.f32 v20, $0.0e+00  }
0x489: {  	v15 =	vperm.xlane v10, v8;
	[tilespmem:s14+$0xFFFFFF90] =	vst v61;
	v9 =	vpop (erf);
	v24 =	vadd.f32 v62, v22;
	v20 =	vmul.f32 v25, v21;
	v21 =	vld [tilespmem:s15+$0x50]  }
0x48a: {  	s21 =	simm.s32 $0x4;
	s4 =	simm.s32 $0x7F30;
	[tilespmem:s11+$0xFFFFFFF0] =	vst v9;
	v17 =	vperm.xlane v10, v5;
	s11 =	simm.s32 $0x2C60;
	v22 =	vld [tilespmem:s15+$0x30];
	v25 =	vmul.f32 $1.442695020e+00, v27  }
.LBB2_20:
0x48b: {  	s21 =	sadd.s32 $0x2, s21;
	v24 =	vmul.f32 $1.442695020e+00, v24;
	s1 =	sadd.s32 $0x20, s1;
	s3 =	sadd.s32 $0x20, s3;
	v26 =	vld [tilespmem:s15+$0xFFFFFFF0];
	v27 =	vperm.xlane v10, v7;
	[tilespmem:s14+$0xFFFFFFD0] =	vst v18  }
0x48c: {  	v18 =	vld [tilespmem:s1+$0xFFFFFFF0];
	p0 =	slt.u32 s21, $0x4E;
	(erf) = vpow2.f32 v25;
	v25 =	vperm.xlane v10, v6;
	[tilespmem:s14+$0xFFFFFF80] =	vst v23;
	s14 =	smov.u32 s15;
	s15 =	smov.u32 s11  }
0x48d: {  	v23 =	vld [tilespmem:s3+$0x0];
	(erf) = vpow2.f32 v24;
	v24 =	vperm.xlane v10, v4  }
0x48e: {  	v29 =	vperm.xlane v9, v8;
	v28 =	vld [tilespmem:s1+$0x0];
	v21 =	vmul.f32 v21, v25  }
0x48f: {  	v19 =	vmul.f32 v19, v27;
	v25 =	vld [tilespmem:s14+$0xFFFFFFA0];
	[tilespmem:s14+$0x10] =	vst v20;
	v20 =	vmul.f32 v22, v24  }
0x490: {  	v11 =	vmul.f32 v11, v16;
	v22 =	vld [tilespmem:s3+$0xFFFFFFF0];
	v24 =	vmul.f32 v26, v29;
	[tilespmem:s14+$0x50] =	vst v21  }
0x491: {  	v16 =	vperm.xlane v9, v3;
	v14 =	vmul.f32 v14, v17;
	v21 =	vld [tilespmem:s14+$0xFFFFFFB0];
	[tilespmem:s14+$0x60] =	vst v19  }
0x492: {  	v26 =	vperm.xlane v9, v1;
	v17 =	vld [tilespmem:s14+$0xFFFFFF90];
	[tilespmem:s14+$0x30] =	vst v20  }
0x493: {  	v20 =	vperm.xlane v9, v5;
	v19 =	vld [tilespmem:s14+$0xFFFFFFD0];
	[tilespmem:s14+$0xFFFFFFF0] =	vst v24;
	v24 =	vperm.xlane v10, v3  }
0x494: {  	v16 =	vmul.f32 v25, v16;
	v25 =	vperm.xlane v9, v4;
	v27 =	vld [tilespmem:s14+$0xFFFFFFE0];
	[tilespmem:s14+$0x40] =	vst v14  }
0x495: {  	v15 =	vmul.f32 v12, v15;
	v10 =	vpop (erf);
	v29 =	vld [tilespmem:s14+$0xFFFFFF80];
	[tilespmem:s14+$0x0] =	vst v11;
	v13 =	vmul.f32 v13, v24  }
0x496: {  	v30 =	vperm.xlane v9, v6;
	v14 =	vperm.xlane v9, v2;
	[tilespmem:s4+$0x0] =	vst v10;
	v12 =	vpop (erf);
	v24 =	vld [tilespmem:s14+$0xFFFFFFC0]  }
0x497: {  	v31 =	vperm.xlane v9, v7;
	v23 =	vadd.f32 v28, v23;
	v21 =	vmul.f32 v21, v25;
	v11 =	vld [tilespmem:s11+$0x0];
	[tilespmem:s14+$0x20] =	vst v13  }
0x498: {  	v22 =	vadd.f32 v18, v22;
	v28 =	vmul.f32 v17, v14;
	v25 =	vld [tilespmem:s11+$0x10];
	[tilespmem:s14+$0xFFFFFFA0] =	vst v16;
	v18 =	vmul.f32 v19, v30  }
0x499: {  	v13 =	vmin.f32 v23, $0.0e+00;
	v9 =	vmovc v12;
	v30 =	vperm.xlane v10, v2;
	v14 =	vld [tilespmem:s11+$0x40];
	[tilespmem:s14+$0xFFFFFFB0] =	vst v21;
	v21 =	vmul.f32 v27, v31  }
.Ltmp9:
0x49a: {  	v12 =	vmin.f32 v22, $0.0e+00;
	v19 =	vmul.f32 $2.000000030e-01, v13;
	v16 =	vperm.xlane v10, v1;
	[tilespmem:s4+$0xFFFFFFF0] =	vst v9;
	v13 =	vld [tilespmem:s11+$0x20];
	s4 =	smov.u32 s3;
	(pc) =	sbr.rel @p0 .LBB2_20-.Ltmp9, $4  }
0x49b: {  	v23 =	vmax.f32 v23, $0.0e+00;
	v17 =	vperm.xlane v10, v5;
	v27 =	vmul.f32 $2.000000030e-01, v12;
	v12 =	vld [tilespmem:s11+$0x70];
	[tilespmem:s14+$0x70] =	vst v15  }
0x49c: {  	v15 =	vmax.f32 v22, $0.0e+00;
	v22 =	vadd.f32 v19, v23;
	v31 =	vmul.f32 v24, v20;
	v19 =	vld [tilespmem:s11+$0x60];
	[tilespmem:s14+$0xFFFFFFE0] =	vst v21  }
0x49d: {  	v24 =	vadd.f32 v27, v15;
	v15 =	vperm.xlane v10, v8;
	v20 =	vmul.f32 v25, v30;
	v21 =	vld [tilespmem:s11+$0x50];
	[tilespmem:s14+$0xFFFFFF90] =	vst v28  }
0x49e: {  	v23 =	vmul.f32 v29, v26;
	v25 =	vmul.f32 $1.442695020e+00, v22;
	s11 =	sadd.s32 $0x100, s11;
	v22 =	vld [tilespmem:s15+$0x30];
	[tilespmem:s14+$0xFFFFFFC0] =	vst v31  }
0x49f: {  	v51 =	vperm.xlane v10, v6  }
0x4a0: {  	v27 =	vperm.xlane v10, v7;
	[tilespmem:s14+$0xFFFFFFD0] =	vst v18;
	v52 =	vperm.xlane v10, v4  }
0x4a1: {  	[tilespmem:s15+$0x10] =	vst v20;
	v14 =	vmul.f32 v14, v17;
	v11 =	vmul.f32 v11, v16  }
0x4a2: {  	v26 =	vld [tilespmem:s15+$0xFFFFFFF0];
	v10 =	vperm.xlane v10, v3;
	(erf) = vpow2.f32 v25;
	[tilespmem:s14+$0xFFFFFF80] =	vst v23  }
0x4a3: {  	v24 =	vmul.f32 $1.442695020e+00, v24;
	v54 =	vld [tilespmem:s15+$0xFFFFFFA0];
	v19 =	vmul.f32 v19, v27;
	[tilespmem:s15+$0x40] =	vst v14  }
0x4a4: {  	v53 =	vperm.xlane v9, v8;
	v55 =	vld [tilespmem:s15+$0xFFFFFFB0];
	[tilespmem:s15+$0x0] =	vst v11;
	v10 =	vmul.f32 v13, v10  }
0x4a5: {  	v59 =	vperm.xlane v9, v3;
	v21 =	vmul.f32 v21, v51;
	[tilespmem:s15+$0x60] =	vst v19  }
0x4a6: {  	v61 =	vperm.xlane v9, v4;
	v29 =	vld [tilespmem:s15+$0xFFFFFFC0];
	v18 =	vmul.f32 v22, v52;
	[tilespmem:s15+$0x20] =	vst v10  }
0x4a7: {  	(erf) = vpow2.f32 v24;
	[tilespmem:s15+$0x50] =	vst v21;
	v56 =	vmul.f32 v26, v53  }
0x4a8: {  	v60 =	vld [tilespmem:s15+$0xFFFFFFE0];
	v11 =	vmul.f32 v54, v59;
	[tilespmem:s15+$0x30] =	vst v18  }
0x4a9: {  	v28 =	vld [tilespmem:s15+$0xFFFFFF80];
	v35 =	vperm.xlane v9, v5;
	v14 =	vmul.f32 v55, v61;
	[tilespmem:s15+$0xFFFFFFF0] =	vst v56  }
0x4aa: {  	v33 =	vperm.xlane v9, v2;
	v37 =	vperm.xlane v9, v6;
	[tilespmem:s15+$0xFFFFFFA0] =	vst v11  }
0x4ab: {  	v57 =	vld [tilespmem:s15+$0xFFFFFF90];
	v10 =	vperm.xlane v9, v7;
	v13 =	vmul.f32 v29, v35;
	[tilespmem:s15+$0xFFFFFFB0] =	vst v14;
	v62 =	vpop (erf)  }
0x4ac: {  	v58 =	vld [tilespmem:s15+$0xFFFFFFD0];
	v9 =	vperm.xlane v9, v1;
	v11 =	vmul.f32 v12, v15;
	[tilespmem:s4+$0x0] =	vst v62  }
0x4ad: {  	v10 =	vmul.f32 v60, v10;
	[tilespmem:s15+$0xFFFFFFC0] =	vst v13;
	v31 =	vld [tilespmem:s11+$0x10]  }
0x4ae: {  	v9 =	vmul.f32 v28, v9;
	[tilespmem:s15+$0x70] =	vst v11;
	v11 =	vld [tilespmem:s11+$0x50]  }
0x4af: {  	[tilespmem:s15+$0xFFFFFFE0] =	vst v10;
	v38 =	vld [tilespmem:s11+$0x60]  }
0x4b0: {  	v15 =	vmul.f32 v57, v33;
	[tilespmem:s15+$0xFFFFFF80] =	vst v9;
	v32 =	vpop (erf);
	v39 =	vperm.xlane v62, v2;
	v41 =	vld [tilespmem:s11+$0x30]  }
0x4b1: {  	v10 =	vmul.f32 v58, v37;
	v42 =	vperm.xlane v62, v6;
	v34 =	vld [tilespmem:s11+$0x40];
	[tilespmem:s4+$0xFFFFFFF0] =	vst v32  }
0x4b2: {  	[tilespmem:s15+$0xFFFFFF90] =	vst v15;
	v44 =	vperm.xlane v62, v7;
	v40 =	vld [tilespmem:s11+$0xFFFFFFF0];
	v14 =	vmul.f32 v31, v39  }
0x4b3: {  	[tilespmem:s15+$0xFFFFFFD0] =	vst v10;
	v45 =	vperm.xlane v62, v4;
	v30 =	vld [tilespmem:s11+$0x0];
	v10 =	vmul.f32 v11, v42  }
0x4b4: {  	v48 =	vperm.xlane v62, v5;
	v47 =	vld [tilespmem:s11+$0xFFFFFFB0];
	v46 =	vmul.f32 v38, v44;
	[tilespmem:s11+$0x10] =	vst v14  }
0x4b5: {  	v9 =	vperm.xlane v32, v8;
	v53 =	vld [tilespmem:s11+$0xFFFFFFE0];
	v13 =	vmul.f32 v41, v45;
	[tilespmem:s11+$0x50] =	vst v10  }
0x4b6: {  	v49 =	vperm.xlane v62, v1;
	v36 =	vld [tilespmem:s11+$0x20];
	v51 =	vmul.f32 v34, v48;
	[tilespmem:s11+$0x60] =	vst v46  }
0x4b7: {  	v54 =	vperm.xlane v32, v4;
	v11 =	vld [tilespmem:s11+$0xFFFFFFA0];
	v9 =	vmul.f32 v40, v9;
	[tilespmem:s11+$0x30] =	vst v13  }
0x4b8: {  	v43 =	vld [tilespmem:s11+$0x70];
	v59 =	vperm.xlane v32, v7;
	v15 =	vmul.f32 v30, v49;
	[tilespmem:s11+$0x40] =	vst v51  }
0x4b9: {  	v50 =	vld [tilespmem:s11+$0xFFFFFFD0];
	v58 =	vmul.f32 v47, v54;
	[tilespmem:s11+$0xFFFFFFF0] =	vst v9;
	v9 =	vperm.xlane v62, v3  }
0x4ba: {  	v52 =	vperm.xlane v32, v3;
	v10 =	vld [tilespmem:s11+$0xFFFFFF90];
	[tilespmem:s11+$0x0] =	vst v15;
	v13 =	vmul.f32 v53, v59  }
0x4bb: {  	v55 =	vperm.xlane v62, v8;
	v56 =	vld [tilespmem:s11+$0xFFFFFFC0];
	[tilespmem:s11+$0xFFFFFFB0] =	vst v58;
	v9 =	vmul.f32 v36, v9  }
0x4bc: {  	v61 =	vperm.xlane v32, v6;
	v57 =	vld [tilespmem:s11+$0xFFFFFF80];
	[tilespmem:s11+$0xFFFFFFE0] =	vst v13;
	v11 =	vmul.f32 v11, v52  }
0x4bd: {  	v60 =	vperm.xlane v32, v2;
	[tilespmem:s11+$0x20] =	vst v9;
	v9 =	vmul.f32 v43, v55  }
0x4be: {  	v62 =	vmul.f32 v50, v61;
	[tilespmem:s11+$0xFFFFFFA0] =	vst v11;
	v11 =	vperm.xlane v32, v5  }
0x4bf: {  	v10 =	vmul.f32 v10, v60;
	[tilespmem:s11+$0x70] =	vst v9;
	v9 =	vperm.xlane v32, v1  }
0x4c0: {  	[tilespmem:s11+$0xFFFFFFD0] =	vst v62;
	v11 =	vmul.f32 v56, v11  }
0x4c1: {  	[tilespmem:s11+$0xFFFFFF90] =	vst v10;
	v9 =	vmul.f32 v57, v9  }
0x4c2: {  	[tilespmem:s11+$0xFFFFFFC0] =	vst v11  }
0x4c3: {  	s1 =	simm.s32 $0x29E0;
	[tilespmem:s11+$0xFFFFFF80] =	vst v9  }
0x4c4: {  	[spmem:s2] =	stream.indirect.scatter.add.f32 [tilespmem:s1], [sflag:$0xD], $0x80, s26, s25, $0xb8;
	v63 =	vld [tilespmem:$0x0]  }
0x4c5: {  	_ =	swait.ge [sflag:s22], $0x2800  }
0x4c6: {  	[sflag:s22] =	ssyncset.done $0x0  }
0x4c7: {  	s11 =	simm.s32 $0x7EE0;
	[sflag:s22] =	ssyncadd.s32 $0xFFFFD800  }
0x4c8: {  	[spmem:s0] =	stream.indirect.scatter.add.f32 [tilespmem:s11], [sflag:$0xD], $0x10, s26, s25, $0xb8;
	v63 =	vld [tilespmem:$0x0]  }
0x4c9: {  	_ =	swait.ge [sflag:s22], $0x500  }
0x4ca: {  	[sflag:s22] =	ssyncset.done $0x0  }
0x4cb: {  	[sflag:s22] =	ssyncadd.s32 $0xFFFFFB00  }
0x4cc: {  	[bflag:$0x0] =	sbarrier.arrive $0xFFFF  }
0x4cd: {  	s14 =	stileid.u32;
	s15 =	sld [smem:$0x7FB]  }
0x4ce: {  	s1 =	sshll.u32 s14, $0x6;
	s21 =	rddreg [dreg:$0x5]  }
0x4cf: {  	s1 =	sor.u32 $0x1C0D, s1;
	s3 =	sshrl.u32 s21, $0x3  }
0x4d0: {  	[hbm:s15], [sflag:s1] =	dma.local [spmem:s3], $0x2800  }
0x4d1: {  	_ =	swait.ge [sflag:s22], $0x2800  }
0x4d2: {  	s11 =	sld [smem:$0x7FC]  }
0x4d3: {  	[sflag:s22] =	ssyncset.done $0x0  }
0x4d4: {  	s4 =	sshrl.u32 s23, $0x3;
	[sflag:s22] =	ssyncadd.s32 $0xFFFFD800  }
0x4d5: {  	[hbm:s11], [sflag:s1] =	dma.local [spmem:s4], $0x500  }
0x4d6: {  	_ =	swait.ge [sflag:s22], $0x500  }
0x4d7: {  	s14 =	sld [smem:$0x7F8]  }
0x4d8: {  	s15 =	sld [smem:$0x7FD];
	_ =	sdelay $0x1  }
0x4d9: {  	s3 =	sadd.s32 $0x1, s14  }
0x4da: {  	p0 =	sne.s32 s3, s15  }
.Ltmp10:
0x4db: {  	_ = 	snop;
	(pc) =	sbr.rel @p0 .LBB2_1-.Ltmp10, $3  }
0x4dc: {  	_ =	sdelay $0x1  }
0x4dd: {  	[sflag:s22] =	ssyncset.done $0x0  }
0x4de: {  	[sflag:s22] =	ssyncadd.s32 $0xFFFFFB00  }
0x4df: {  	_ =	sfence.sel $0x180000  }
0x4e0: {  	[bflag:$0x0] =	sbarrier.arrive $0xFFFF  }
0x4e1: {  	_ =	strace $0x90000047  }
0x4e2: {  	s0 =	stileid.u32;
	[bflag:$0x2] =	sbarrier.arrive $0xFFFF  }
0x4e3: {  	p0 =	sne.s32 s0, $0x0;
	s0 =	rddreg [dreg:$0x4]  }
0x4e4: {  	s0 =	sadd.s32 @!p0 $0x100000, s0  }
0x4e5: {  	[sflag:s0] =	ssyncadd.tile.s32 @!p0 $0x1;
	_ =	shalt  }
.Lfunc_end2:
_tile_overlayer_lowered:
.L_overlay_start_2:
0x4e6: {  	(tag) =	ssettag $0x2  }
0x4e7: {  	s0 =	rddreg [dreg:$0x0];
	s2 =	stileid.u32  }
0x4e8: {  	s1 =	rddreg [dreg:$0x1];
	p0 =	sne.s32 s2, $0x0  }
0x4e9: {  	s3 =	rddreg [dreg:$0x2];
	[bflag:$0x3] =	sbarrier.arrive $0xFFFF;
	s2 =	simm.s32 @!p0 $0x1C0D  }
0x4ea: {  	[timem:s3], [sflag:s2] =	dma.local @!p0 [hbm:s0], s1  }
0x4eb: {  	s0 =	simm.s32 @!p0 $0xD  }
0x4ec: {  	_ =	swait.ge @!p0 [sflag:s0], s1  }
0x4ed: {  	s1 =	ssub.s32 @!p0 $0x0, s1;
	[sflag:s0] =	ssyncset.done @!p0 $0x0  }
0x4ee: {  	[sflag:s0] =	ssyncadd.s32 @!p0 s1  }
0x4ef: {  	[bflag:$0x3] =	sbarrier.arrive $0xFFFF  }
0x4f0: {  	_ =	shalt  }

</sc_bundles>
